<compile_context>
chip_gen: v7x
topology: tpu7x:2x2x1
jax: 0.10.2.dev20260603
libtpu: 0.0.44.dev20260713+nightly
codegen_flags: <defaults>
</compile_context>

<pallas_src>
import functools

import jax
import jax.numpy as jnp
from jax import lax
from jax.experimental import pallas as pl
from jax.experimental.pallas import tpu as pltpu
from jax.experimental.pallas import tpu_sc as plsc

B = 16384
L = 20
NUM_CAST = 1000
NUM_CREW = 1000
EMB = 32
HID = 128

NC = 2
NS = 16
LANES = 16
NW = NC * NS
NSPLIT = 2
BC = B // NSPLIT
BPW = BC // NW

MW = 4


@functools.cache
def _make_pool_kernel(interpret=False):
    mesh = plsc.VectorSubcoreMesh(
        core_axis_name="c", subcore_axis_name="s",
        num_cores=NC, num_subcores=NS)

    @functools.partial(
        pl.kernel,
        out_type=jax.ShapeDtypeStruct((NW, BPW, 2 * EMB), jnp.float32),
        mesh=mesh,
        scratch_types=[
            pltpu.VMEM((NUM_CAST * EMB // 2,), jnp.int32),
            pltpu.VMEM((NUM_CREW * EMB // 2,), jnp.int32),
            pltpu.VMEM((BPW * L,), jnp.int32),
            pltpu.VMEM((BPW * L,), jnp.int32),
            pltpu.VMEM((BPW, 2 * EMB), jnp.float32),
        ],
        compiler_params=pltpu.CompilerParams(needs_layout_passes=False),
        interpret=interpret,
    )
    def pool(cast_tab_hbm, crew_tab_hbm, cidx_hbm, kidx_hbm, out_hbm,
             cast_v, crew_v, cidx_v, kidx_v, out_v):
        wid = lax.axis_index("s") * NC + lax.axis_index("c")
        pltpu.sync_copy(cast_tab_hbm, cast_v)
        pltpu.sync_copy(crew_tab_hbm, crew_v)
        pltpu.sync_copy(cidx_hbm.at[wid], cidx_v)
        pltpu.sync_copy(kidx_hbm.at[wid], kidx_v)

        @plsc.parallel_loop(0, BPW, unroll=8)
        def row(b):
            ib = b * L
            for idx_v, tab_v, off in ((cidx_v, cast_v, 0),
                                      (kidx_v, crew_v, EMB)):
                iv0 = idx_v[pl.ds(ib, LANES)] * (EMB // 2)
                iv1 = idx_v[pl.ds(ib + L - LANES, LANES)] * (EMB // 2)
                pa = [None, None, None, None]
                pb = [None, None, None, None]
                for l in range(L):
                    if l == 0:
                        r = iv0[0]
                    elif l < LANES:
                        r = iv0[l]
                    else:
                        r = iv1[l - (L - LANES)]
                    rw = plsc.bitcast(tab_v[pl.ds(r, LANES)], jnp.bfloat16)
                    a, c = plsc.unpack(rw, format=plsc.PackFormat.INTERLEAVED,
                                       preferred_element_type=jnp.float32)
                    k = l % 4
                    pa[k] = a if pa[k] is None else pa[k] + a
                    pb[k] = c if pb[k] is None else pb[k] + c
                ea = (pa[0] + pa[1]) + (pa[2] + pa[3])
                eb = (pb[0] + pb[1]) + (pb[2] + pb[3])
                out_v[b, pl.ds(off, LANES)] = ea
                out_v[b, pl.ds(off + LANES, LANES)] = eb

        pltpu.sync_copy(out_v, out_hbm.at[wid])

    return pool


def _mlp_body(x_ref, w1_ref, b1_ref, w2_ref, b2_ref, o_ref):
    for w in range(MW):
        x = x_ref[w]
        h = lax.dot_general(x, w1_ref[...], (((1,), (0,)), ((), ())),
                            preferred_element_type=jnp.float32)
        h = jnp.maximum(h + b1_ref[...][None, :], 0.0)
        o = lax.dot_general(h, w2_ref[...], (((1,), (0,)), ((), ())),
                            preferred_element_type=jnp.float32)
        o_ref[pl.ds(w * BPW, BPW), :] = o + b2_ref[...][None, :]


@functools.cache
def _make_mlp_call(interpret=False):
    return pl.pallas_call(
        _mlp_body,
        grid=(NW // MW,),
        in_specs=[
            pl.BlockSpec((MW, BPW, 2 * EMB), lambda i: (i, 0, 0)),
            pl.BlockSpec((2 * EMB, HID), lambda i: (0, 0)),
            pl.BlockSpec((HID,), lambda i: (0,)),
            pl.BlockSpec((HID, 1), lambda i: (0, 0)),
            pl.BlockSpec((1,), lambda i: (0,)),
        ],
        out_specs=pl.BlockSpec((MW * BPW, 1), lambda i: (i, 0)),
        out_shape=jax.ShapeDtypeStruct((BC, 1), jnp.float32),
        interpret=interpret,
    )


def kernel(cast_idx, crew_idx, cast_table, crew_table, W1, b1, W2, b2):
    def _pack(tab, n):
        s = tab * (1.0 / L)
        lo = lax.bitcast_convert_type(
            s[:, :EMB // 2].astype(jnp.bfloat16), jnp.uint16)
        hi = lax.bitcast_convert_type(
            s[:, EMB // 2:].astype(jnp.bfloat16), jnp.uint16)
        w = lo.astype(jnp.uint32) | (hi.astype(jnp.uint32) << 16)
        return lax.bitcast_convert_type(w, jnp.int32).reshape(-1)

    ct = _pack(cast_table, NUM_CAST)
    kt = _pack(crew_table, NUM_CREW)
    outs = []
    for g in range(NSPLIT):
        ci = lax.slice_in_dim(cast_idx, g * BC, (g + 1) * BC, axis=0)
        ki = lax.slice_in_dim(crew_idx, g * BC, (g + 1) * BC, axis=0)
        cidx = ci.astype(jnp.int32).reshape(NW, BPW * L)
        kidx = ki.astype(jnp.int32).reshape(NW, BPW * L)
        pooled = _make_pool_kernel()(ct, kt, cidx, kidx)
        outs.append(_make_mlp_call()(pooled, W1, b1, W2, b2))
    return jnp.concatenate(outs, axis=0)

# --- scband reference (transcript-rebuilt; emitter-appended) ---
"""Pipeline reference for scband-overall-revenue-predictor-model-28003186770534 (READ-ONLY COPY).

The authoritative reference and input builder live on the scoring server;
editing this copy changes nothing except your own understanding.
"""

import jax, jax.numpy as jnp
import numpy as np

B = 16384
L = 20
NUM_CAST = 1000
NUM_CREW = 1000
EMB = 32
HID = 128

def setup_inputs(seed: int = 0) -> dict:
    key = jax.random.key(seed)
    k1, k2, k3, k4, k5, k6 = jax.random.split(key, 6)
    cast_idx = jax.random.randint(k1, (B, L), 0, NUM_CAST, dtype=jnp.int64 if jax.config.jax_enable_x64 else jnp.int32)
    crew_idx = jax.random.randint(k2, (B, L), 0, NUM_CREW, dtype=jnp.int64 if jax.config.jax_enable_x64 else jnp.int32)
    cast_table = jax.random.normal(k3, (NUM_CAST, EMB), dtype=jnp.float32) * 0.02
    crew_table = jax.random.normal(k4, (NUM_CREW, EMB), dtype=jnp.float32) * 0.02
    W1 = jax.random.normal(k5, (2 * EMB, HID), dtype=jnp.float32) * 0.05
    b1 = jnp.zeros((HID,), dtype=jnp.float32)
    W2 = jax.random.normal(k6, (HID, 1), dtype=jnp.float32) * 0.05
    b2 = jnp.zeros((1,), dtype=jnp.float32)
    return {"cast_idx": cast_idx, "crew_idx": crew_idx, "cast_table": cast_table, "crew_table": crew_table, "W1": W1, "b1": b1, "W2": W2, "b2": b2}

def reference(cast_idx, crew_idx, cast_table, crew_table, W1, b1, W2, b2):
    # embedding gathers (SparseCore-mappable): table[idx]
    cast_emb = jnp.take(cast_table, cast_idx, axis=0)  # [B, L, EMB]
    crew_emb = jnp.take(crew_table, crew_idx, axis=0)  # [B, L, EMB]
    # mean-pool over the multi-hot cast/crew members (EmbeddingBag-mean semantics)
    cast_pooled = jnp.mean(cast_emb, axis=1)  # [B, EMB]
    crew_pooled = jnp.mean(crew_emb, axis=1)  # [B, EMB]
    h = jnp.concatenate([cast_pooled, crew_pooled], axis=-1)  # [B, 2*EMB]
    h = jax.nn.relu(h @ W1 + b1)
    out = h @ W2 + b2  # [B, 1] predicted revenue
    return out

if __name__ == "__main__":
    import jax
    _d = setup_inputs()
    print(jax.jit(kernel)(*tuple(_d.values())))

</pallas_src>

<mosaic_0001>
#map = affine_map<(d0, d1) -> (0)>
#map1 = affine_map<(d0, d1) -> (0, 0)>
#map2 = affine_map<(d0, d1) -> (0, 0, 0)>
module attributes {stable_mosaic.version = 14 : i64} {
  func.func @pool(%arg0: i32, %arg1: i32, %arg2: memref<16000xi32, #tpu.memory_space<hbm>>, %arg3: memref<16000xi32, #tpu.memory_space<hbm>>, %arg4: memref<32x5120xi32, #tpu.memory_space<hbm>>, %arg5: memref<32x5120xi32, #tpu.memory_space<hbm>>, %arg6: memref<32x256x64xf32, #tpu.memory_space<hbm>>, %arg7: memref<16000xi32, #tpu.memory_space<vmem>>, %arg8: memref<16000xi32, #tpu.memory_space<vmem>>, %arg9: memref<5120xi32, #tpu.memory_space<vmem>>, %arg10: memref<5120xi32, #tpu.memory_space<vmem>>, %arg11: memref<256x64xf32, #tpu.memory_space<vmem>>) attributes {dimension_semantics = [#tpu.dimension_semantics<core_parallel>, #tpu.dimension_semantics<subcore_parallel>], iteration_bounds = array<i64: 2, 16>, scalar_prefetch = 0 : i64, scratch_operands = 5 : i64, tpu.core_type = #tpu.core_type<sc_vector_subcore>, window_params = [{transform_indices = #map}, {transform_indices = #map}, {transform_indices = #map1}, {transform_indices = #map1}, {transform_indices = #map2}]} {
    %mul3A = arith.constant 2 : i32
    %mul3A_0 = arith.muli %arg1, %mul3A : i32
    %add3A = arith.addi %mul3A_0, %arg0 : i32
    "tpu.region"() ({
      %run_scoped3A = tpu.sem_alloc : memref<!tpu.dma_semaphore, #tpu.memory_space<semaphore_mem>>
      tpu.enqueue_dma source(%arg2 : memref<16000xi32, #tpu.memory_space<hbm>>) target(%arg7 : memref<16000xi32, #tpu.memory_space<vmem>>) target_semaphore(%run_scoped3A : memref<!tpu.dma_semaphore, #tpu.memory_space<semaphore_mem>>)
      tpu.wait_dma2 semaphore(%run_scoped3A : memref<!tpu.dma_semaphore, #tpu.memory_space<semaphore_mem>>) src(%arg2 : memref<16000xi32, #tpu.memory_space<hbm>>) dst(%arg7 : memref<16000xi32, #tpu.memory_space<vmem>>)
      tpu.yield
    }) : () -> ()
    "tpu.region"() ({
      %run_scoped3A = tpu.sem_alloc : memref<!tpu.dma_semaphore, #tpu.memory_space<semaphore_mem>>
      tpu.enqueue_dma source(%arg3 : memref<16000xi32, #tpu.memory_space<hbm>>) target(%arg8 : memref<16000xi32, #tpu.memory_space<vmem>>) target_semaphore(%run_scoped3A : memref<!tpu.dma_semaphore, #tpu.memory_space<semaphore_mem>>)
      tpu.wait_dma2 semaphore(%run_scoped3A : memref<!tpu.dma_semaphore, #tpu.memory_space<semaphore_mem>>) src(%arg3 : memref<16000xi32, #tpu.memory_space<hbm>>) dst(%arg8 : memref<16000xi32, #tpu.memory_space<vmem>>)
      tpu.yield
    }) : () -> ()
    "tpu.region"() ({
      %run_scoped3A = tpu.sem_alloc : memref<!tpu.dma_semaphore, #tpu.memory_space<semaphore_mem>>
      %dma_start3A = arith.constant 0 : i32
      %dma_start3A_3 = tpu.memref_slice %arg4[%add3A, %dma_start3A] : memref<32x5120xi32, #tpu.memory_space<hbm>> -> memref<1x5120xi32, #tpu.memory_space<hbm>>
      %dma_start3A_4 = tpu.memref_squeeze %dma_start3A_3 : memref<1x5120xi32, #tpu.memory_space<hbm>> -> memref<5120xi32, #tpu.memory_space<hbm>>
      %dma_start3A_5 = arith.constant 0 : i32
      %dma_start3A_6 = tpu.memref_slice %arg4[%add3A, %dma_start3A_5] : memref<32x5120xi32, #tpu.memory_space<hbm>> -> memref<1x5120xi32, #tpu.memory_space<hbm>>
      %dma_start3A_7 = tpu.memref_squeeze %dma_start3A_6 : memref<1x5120xi32, #tpu.memory_space<hbm>> -> memref<5120xi32, #tpu.memory_space<hbm>>
      tpu.enqueue_dma source(%dma_start3A_7 : memref<5120xi32, #tpu.memory_space<hbm>>) target(%arg9 : memref<5120xi32, #tpu.memory_space<vmem>>) target_semaphore(%run_scoped3A : memref<!tpu.dma_semaphore, #tpu.memory_space<semaphore_mem>>)
      %dma_wait3A = arith.constant 0 : i32
      %dma_wait3A_8 = tpu.memref_slice %arg4[%add3A, %dma_wait3A] : memref<32x5120xi32, #tpu.memory_space<hbm>> -> memref<1x5120xi32, #tpu.memory_space<hbm>>
      %dma_wait3A_9 = tpu.memref_squeeze %dma_wait3A_8 : memref<1x5120xi32, #tpu.memory_space<hbm>> -> memref<5120xi32, #tpu.memory_space<hbm>>
      %dma_wait3A_10 = arith.constant 0 : i32
      %dma_wait3A_11 = tpu.memref_slice %arg4[%add3A, %dma_wait3A_10] : memref<32x5120xi32, #tpu.memory_space<hbm>> -> memref<1x5120xi32, #tpu.memory_space<hbm>>
      %dma_wait3A_12 = tpu.memref_squeeze %dma_wait3A_11 : memref<1x5120xi32, #tpu.memory_space<hbm>> -> memref<5120xi32, #tpu.memory_space<hbm>>
      tpu.wait_dma2 semaphore(%run_scoped3A : memref<!tpu.dma_semaphore, #tpu.memory_space<semaphore_mem>>) src(%dma_wait3A_12 : memref<5120xi32, #tpu.memory_space<hbm>>) dst(%arg9 : memref<5120xi32, #tpu.memory_space<vmem>>)
      tpu.yield
    }) : () -> ()
    "tpu.region"() ({
      %run_scoped3A = tpu.sem_alloc : memref<!tpu.dma_semaphore, #tpu.memory_space<semaphore_mem>>
      %dma_start3A = arith.constant 0 : i32
      %dma_start3A_3 = tpu.memref_slice %arg5[%add3A, %dma_start3A] : memref<32x5120xi32, #tpu.memory_space<hbm>> -> memref<1x5120xi32, #tpu.memory_space<hbm>>
      %dma_start3A_4 = tpu.memref_squeeze %dma_start3A_3 : memref<1x5120xi32, #tpu.memory_space<hbm>> -> memref<5120xi32, #tpu.memory_space<hbm>>
      %dma_start3A_5 = arith.constant 0 : i32
      %dma_start3A_6 = tpu.memref_slice %arg5[%add3A, %dma_start3A_5] : memref<32x5120xi32, #tpu.memory_space<hbm>> -> memref<1x5120xi32, #tpu.memory_space<hbm>>
      %dma_start3A_7 = tpu.memref_squeeze %dma_start3A_6 : memref<1x5120xi32, #tpu.memory_space<hbm>> -> memref<5120xi32, #tpu.memory_space<hbm>>
      tpu.enqueue_dma source(%dma_start3A_7 : memref<5120xi32, #tpu.memory_space<hbm>>) target(%arg10 : memref<5120xi32, #tpu.memory_space<vmem>>) target_semaphore(%run_scoped3A : memref<!tpu.dma_semaphore, #tpu.memory_space<semaphore_mem>>)
      %dma_wait3A = arith.constant 0 : i32
      %dma_wait3A_8 = tpu.memref_slice %arg5[%add3A, %dma_wait3A] : memref<32x5120xi32, #tpu.memory_space<hbm>> -> memref<1x5120xi32, #tpu.memory_space<hbm>>
      %dma_wait3A_9 = tpu.memref_squeeze %dma_wait3A_8 : memref<1x5120xi32, #tpu.memory_space<hbm>> -> memref<5120xi32, #tpu.memory_space<hbm>>
      %dma_wait3A_10 = arith.constant 0 : i32
      %dma_wait3A_11 = tpu.memref_slice %arg5[%add3A, %dma_wait3A_10] : memref<32x5120xi32, #tpu.memory_space<hbm>> -> memref<1x5120xi32, #tpu.memory_space<hbm>>
      %dma_wait3A_12 = tpu.memref_squeeze %dma_wait3A_11 : memref<1x5120xi32, #tpu.memory_space<hbm>> -> memref<5120xi32, #tpu.memory_space<hbm>>
      tpu.wait_dma2 semaphore(%run_scoped3A : memref<!tpu.dma_semaphore, #tpu.memory_space<semaphore_mem>>) src(%dma_wait3A_12 : memref<5120xi32, #tpu.memory_space<hbm>>) dst(%arg10 : memref<5120xi32, #tpu.memory_space<vmem>>)
      tpu.yield
    }) : () -> ()
    %parallel_loop3A = arith.constant 0 : i32
    %parallel_loop3A_1 = arith.constant 256 : i32
    %parallel_loop3A_2 = arith.constant 1 : i32
    scf.for %parallel_loop3A_3 = %parallel_loop3A to %parallel_loop3A_1 step %parallel_loop3A_2  : i32 {
      %parallel_loop3A_4 = arith.constant 20 : i32
      %parallel_loop3A_5 = arith.muli %parallel_loop3A_3, %parallel_loop3A_4 : i32
      %parallel_loop3A_6 = arith.index_cast %parallel_loop3A_5 : i32 to index
      %parallel_loop3A_7 = tpu.vector_load %arg9[%parallel_loop3A_6] {strides = array<i32>} : memref<5120xi32, #tpu.memory_space<vmem>>, vector<16xi32>,
      %parallel_loop3A_8 = arith.constant 16 : i32
      %parallel_loop3A_9 = vector.broadcast %parallel_loop3A_8 : i32 to vector<16xi32>
      %parallel_loop3A_10 = arith.muli %parallel_loop3A_7, %parallel_loop3A_9 : vector<16xi32>
      %parallel_loop3A_11 = arith.constant 20 : i32
      %parallel_loop3A_12 = arith.addi %parallel_loop3A_5, %parallel_loop3A_11 : i32
      %parallel_loop3A_13 = arith.constant 16 : i32
      %parallel_loop3A_14 = arith.subi %parallel_loop3A_12, %parallel_loop3A_13 : i32
      %parallel_loop3A_15 = arith.index_cast %parallel_loop3A_14 : i32 to index
      %parallel_loop3A_16 = tpu.vector_load %arg9[%parallel_loop3A_15] {strides = array<i32>} : memref<5120xi32, #tpu.memory_space<vmem>>, vector<16xi32>,
      %parallel_loop3A_17 = arith.constant 16 : i32
      %parallel_loop3A_18 = vector.broadcast %parallel_loop3A_17 : i32 to vector<16xi32>
      %parallel_loop3A_19 = arith.muli %parallel_loop3A_16, %parallel_loop3A_18 : vector<16xi32>
      %parallel_loop3A_20 = vector.extract_strided_slice %parallel_loop3A_10 {offsets = [0], sizes = [1], strides = [1]} : vector<16xi32> to vector<1xi32>
      %parallel_loop3A_21 = vector.extract %parallel_loop3A_20[0] : i32 from vector<1xi32>
      %parallel_loop3A_22 = arith.index_cast %parallel_loop3A_21 : i32 to index
      %parallel_loop3A_23 = tpu.vector_load %arg7[%parallel_loop3A_22] {strides = array<i32>} : memref<16000xi32, #tpu.memory_space<vmem>>, vector<16xi32>,
      %parallel_loop3A_24 = vector.bitcast %parallel_loop3A_23 : vector<16xi32> to vector<32xbf16>
      %parallel_loop3A_25 = tpu.unpack_subelements %parallel_loop3A_24, 0 {pack_format = #tpu.pack_format<interleaved>} : vector<32xbf16> -> vector<16xf32>
      %parallel_loop3A_26 = tpu.unpack_subelements %parallel_loop3A_24, 1 {pack_format = #tpu.pack_format<interleaved>} : vector<32xbf16> -> vector<16xf32>
      %parallel_loop3A_27 = vector.extract_strided_slice %parallel_loop3A_10 {offsets = [1], sizes = [1], strides = [1]} : vector<16xi32> to vector<1xi32>
      %parallel_loop3A_28 = vector.extract %parallel_loop3A_27[0] : i32 from vector<1xi32>
      %parallel_loop3A_29 = arith.index_cast %parallel_loop3A_28 : i32 to index
      %parallel_loop3A_30 = tpu.vector_load %arg7[%parallel_loop3A_29] {strides = array<i32>} : memref<16000xi32, #tpu.memory_space<vmem>>, vector<16xi32>,
      %parallel_loop3A_31 = vector.bitcast %parallel_loop3A_30 : vector<16xi32> to vector<32xbf16>
      %parallel_loop3A_32 = tpu.unpack_subelements %parallel_loop3A_31, 0 {pack_format = #tpu.pack_format<interleaved>} : vector<32xbf16> -> vector<16xf32>
      %parallel_loop3A_33 = tpu.unpack_subelements %parallel_loop3A_31, 1 {pack_format = #tpu.pack_format<interleaved>} : vector<32xbf16> -> vector<16xf32>
      %parallel_loop3A_34 = vector.extract_strided_slice %parallel_loop3A_10 {offsets = [2], sizes = [1], strides = [1]} : vector<16xi32> to vector<1xi32>
      %parallel_loop3A_35 = vector.extract %parallel_loop3A_34[0] : i32 from vector<1xi32>
      %parallel_loop3A_36 = arith.index_cast %parallel_loop3A_35 : i32 to index
      %parallel_loop3A_37 = tpu.vector_load %arg7[%parallel_loop3A_36] {strides = array<i32>} : memref<16000xi32, #tpu.memory_space<vmem>>, vector<16xi32>,
      %parallel_loop3A_38 = vector.bitcast %parallel_loop3A_37 : vector<16xi32> to vector<32xbf16>
      %parallel_loop3A_39 = tpu.unpack_subelements %parallel_loop3A_38, 0 {pack_format = #tpu.pack_format<interleaved>} : vector<32xbf16> -> vector<16xf32>
      %parallel_loop3A_40 = tpu.unpack_subelements %parallel_loop3A_38, 1 {pack_format = #tpu.pack_format<interleaved>} : vector<32xbf16> -> vector<16xf32>
      %parallel_loop3A_41 = vector.extract_strided_slice %parallel_loop3A_10 {offsets = [3], sizes = [1], strides = [1]} : vector<16xi32> to vector<1xi32>
      %parallel_loop3A_42 = vector.extract %parallel_loop3A_41[0] : i32 from vector<1xi32>
      %parallel_loop3A_43 = arith.index_cast %parallel_loop3A_42 : i32 to index
      %parallel_loop3A_44 = tpu.vector_load %arg7[%parallel_loop3A_43] {strides = array<i32>} : memref<16000xi32, #tpu.memory_space<vmem>>, vector<16xi32>,
      %parallel_loop3A_45 = vector.bitcast %parallel_loop3A_44 : vector<16xi32> to vector<32xbf16>
      %parallel_loop3A_46 = tpu.unpack_subelements %parallel_loop3A_45, 0 {pack_format = #tpu.pack_format<interleaved>} : vector<32xbf16> -> vector<16xf32>
      %parallel_loop3A_47 = tpu.unpack_subelements %parallel_loop3A_45, 1 {pack_format = #tpu.pack_format<interleaved>} : vector<32xbf16> -> vector<16xf32>
      %parallel_loop3A_48 = vector.extract_strided_slice %parallel_loop3A_10 {offsets = [4], sizes = [1], strides = [1]} : vector<16xi32> to vector<1xi32>
      %parallel_loop3A_49 = vector.extract %parallel_loop3A_48[0] : i32 from vector<1xi32>
      %parallel_loop3A_50 = arith.index_cast %parallel_loop3A_49 : i32 to index
      %parallel_loop3A_51 = tpu.vector_load %arg7[%parallel_loop3A_50] {strides = array<i32>} : memref<16000xi32, #tpu.memory_space<vmem>>, vector<16xi32>,
      %parallel_loop3A_52 = vector.bitcast %parallel_loop3A_51 : vector<16xi32> to vector<32xbf16>
      %parallel_loop3A_53 = tpu.unpack_subelements %parallel_loop3A_52, 0 {pack_format = #tpu.pack_format<interleaved>} : vector<32xbf16> -> vector<16xf32>
      %parallel_loop3A_54 = tpu.unpack_subelements %parallel_loop3A_52, 1 {pack_format = #tpu.pack_format<interleaved>} : vector<32xbf16> -> vector<16xf32>
      %parallel_loop3A_55 = arith.addf %parallel_loop3A_25, %parallel_loop3A_53 : vector<16xf32>
      %parallel_loop3A_56 = arith.addf %parallel_loop3A_26, %parallel_loop3A_54 : vector<16xf32>
      %parallel_loop3A_57 = vector.extract_strided_slice %parallel_loop3A_10 {offsets = [5], sizes = [1], strides = [1]} : vector<16xi32> to vector<1xi32>
      %parallel_loop3A_58 = vector.extract %parallel_loop3A_57[0] : i32 from vector<1xi32>
      %parallel_loop3A_59 = arith.index_cast %parallel_loop3A_58 : i32 to index
      %parallel_loop3A_60 = tpu.vector_load %arg7[%parallel_loop3A_59] {strides = array<i32>} : memref<16000xi32, #tpu.memory_space<vmem>>, vector<16xi32>,
      %parallel_loop3A_61 = vector.bitcast %parallel_loop3A_60 : vector<16xi32> to vector<32xbf16>
      %parallel_loop3A_62 = tpu.unpack_subelements %parallel_loop3A_61, 0 {pack_format = #tpu.pack_format<interleaved>} : vector<32xbf16> -> vector<16xf32>
      %parallel_loop3A_63 = tpu.unpack_subelements %parallel_loop3A_61, 1 {pack_format = #tpu.pack_format<interleaved>} : vector<32xbf16> -> vector<16xf32>
      %parallel_loop3A_64 = arith.addf %parallel_loop3A_32, %parallel_loop3A_62 : vector<16xf32>
      %parallel_loop3A_65 = arith.addf %parallel_loop3A_33, %parallel_loop3A_63 : vector<16xf32>
      %parallel_loop3A_66 = vector.extract_strided_slice %parallel_loop3A_10 {offsets = [6], sizes = [1], strides = [1]} : vector<16xi32> to vector<1xi32>
      %parallel_loop3A_67 = vector.extract %parallel_loop3A_66[0] : i32 from vector<1xi32>
      %parallel_loop3A_68 = arith.index_cast %parallel_loop3A_67 : i32 to index
      %parallel_loop3A_69 = tpu.vector_load %arg7[%parallel_loop3A_68] {strides = array<i32>} : memref<16000xi32, #tpu.memory_space<vmem>>, vector<16xi32>,
      %parallel_loop3A_70 = vector.bitcast %parallel_loop3A_69 : vector<16xi32> to vector<32xbf16>
      %parallel_loop3A_71 = tpu.unpack_subelements %parallel_loop3A_70, 0 {pack_format = #tpu.pack_format<interleaved>} : vector<32xbf16> -> vector<16xf32>
      %parallel_loop3A_72 = tpu.unpack_subelements %parallel_loop3A_70, 1 {pack_format = #tpu.pack_format<interleaved>} : vector<32xbf16> -> vector<16xf32>
      %parallel_loop3A_73 = arith.addf %parallel_loop3A_39, %parallel_loop3A_71 : vector<16xf32>
      %parallel_loop3A_74 = arith.addf %parallel_loop3A_40, %parallel_loop3A_72 : vector<16xf32>
      %parallel_loop3A_75 = vector.extract_strided_slice %parallel_loop3A_10 {offsets = [7], sizes = [1], strides = [1]} : vector<16xi32> to vector<1xi32>
      %parallel_loop3A_76 = vector.extract %parallel_loop3A_75[0] : i32 from vector<1xi32>
      %parallel_loop3A_77 = arith.index_cast %parallel_loop3A_76 : i32 to index
      %parallel_loop3A_78 = tpu.vector_load %arg7[%parallel_loop3A_77] {strides = array<i32>} : memref<16000xi32, #tpu.memory_space<vmem>>, vector<16xi32>,
      %parallel_loop3A_79 = vector.bitcast %parallel_loop3A_78 : vector<16xi32> to vector<32xbf16>
      %parallel_loop3A_80 = tpu.unpack_subelements %parallel_loop3A_79, 0 {pack_format = #tpu.pack_format<interleaved>} : vector<32xbf16> -> vector<16xf32>
      %parallel_loop3A_81 = tpu.unpack_subelements %parallel_loop3A_79, 1 {pack_format = #tpu.pack_format<interleaved>} : vector<32xbf16> -> vector<16xf32>
      %parallel_loop3A_82 = arith.addf %parallel_loop3A_46, %parallel_loop3A_80 : vector<16xf32>
      %parallel_loop3A_83 = arith.addf %parallel_loop3A_47, %parallel_loop3A_81 : vector<16xf32>
      %parallel_loop3A_84 = vector.extract_strided_slice %parallel_loop3A_10 {offsets = [8], sizes = [1], strides = [1]} : vector<16xi32> to vector<1xi32>
      %parallel_loop3A_85 = vector.extract %parallel_loop3A_84[0] : i32 from vector<1xi32>
      %parallel_loop3A_86 = arith.index_cast %parallel_loop3A_85 : i32 to index
      %parallel_loop3A_87 = tpu.vector_load %arg7[%parallel_loop3A_86] {strides = array<i32>} : memref<16000xi32, #tpu.memory_space<vmem>>, vector<16xi32>,
      %parallel_loop3A_88 = vector.bitcast %parallel_loop3A_87 : vector<16xi32> to vector<32xbf16>
      %parallel_loop3A_89 = tpu.unpack_subelements %parallel_loop3A_88, 0 {pack_format = #tpu.pack_format<interleaved>} : vector<32xbf16> -> vector<16xf32>
      %parallel_loop3A_90 = tpu.unpack_subelements %parallel_loop3A_88, 1 {pack_format = #tpu.pack_format<interleaved>} : vector<32xbf16> -> vector<16xf32>
      %parallel_loop3A_91 = arith.addf %parallel_loop3A_55, %parallel_loop3A_89 : vector<16xf32>
      %parallel_loop3A_92 = arith.addf %parallel_loop3A_56, %parallel_loop3A_90 : vector<16xf32>
      %parallel_loop3A_93 = vector.extract_strided_slice %parallel_loop3A_10 {offsets = [9], sizes = [1], strides = [1]} : vector<16xi32> to vector<1xi32>
      %parallel_loop3A_94 = vector.extract %parallel_loop3A_93[0] : i32 from vector<1xi32>
      %parallel_loop3A_95 = arith.index_cast %parallel_loop3A_94 : i32 to index
      %parallel_loop3A_96 = tpu.vector_load %arg7[%parallel_loop3A_95] {strides = array<i32>} : memref<16000xi32, #tpu.memory_space<vmem>>, vector<16xi32>,
      %parallel_loop3A_97 = vector.bitcast %parallel_loop3A_96 : vector<16xi32> to vector<32xbf16>
      %parallel_loop3A_98 = tpu.unpack_subelements %parallel_loop3A_97, 0 {pack_format = #tpu.pack_format<interleaved>} : vector<32xbf16> -> vector<16xf32>
      %parallel_loop3A_99 = tpu.unpack_subelements %parallel_loop3A_97, 1 {pack_format = #tpu.pack_format<interleaved>} : vector<32xbf16> -> vector<16xf32>
      %parallel_loop3A_100 = arith.addf %parallel_loop3A_64, %parallel_loop3A_98 : vector<16xf32>
      %parallel_loop3A_101 = arith.addf %parallel_loop3A_65, %parallel_loop3A_99 : vector<16xf32>
      %parallel_loop3A_102 = vector.extract_strided_slice %parallel_loop3A_10 {offsets = [10], sizes = [1], strides = [1]} : vector<16xi32> to vector<1xi32>
      %parallel_loop3A_103 = vector.extract %parallel_loop3A_102[0] : i32 from vector<1xi32>
      %parallel_loop3A_104 = arith.index_cast %parallel_loop3A_103 : i32 to index
      %parallel_loop3A_105 = tpu.vector_load %arg7[%parallel_loop3A_104] {strides = array<i32>} : memref<16000xi32, #tpu.memory_space<vmem>>, vector<16xi32>,
      %parallel_loop3A_106 = vector.bitcast %parallel_loop3A_105 : vector<16xi32> to vector<32xbf16>
      %parallel_loop3A_107 = tpu.unpack_subelements %parallel_loop3A_106, 0 {pack_format = #tpu.pack_format<interleaved>} : vector<32xbf16> -> vector<16xf32>
      %parallel_loop3A_108 = tpu.unpack_subelements %parallel_loop3A_106, 1 {pack_format = #tpu.pack_format<interleaved>} : vector<32xbf16> -> vector<16xf32>
      %parallel_loop3A_109 = arith.addf %parallel_loop3A_73, %parallel_loop3A_107 : vector<16xf32>
      %parallel_loop3A_110 = arith.addf %parallel_loop3A_74, %parallel_loop3A_108 : vector<16xf32>
      %parallel_loop3A_111 = vector.extract_strided_slice %parallel_loop3A_10 {offsets = [11], sizes = [1], strides = [1]} : vector<16xi32> to vector<1xi32>
      %parallel_loop3A_112 = vector.extract %parallel_loop3A_111[0] : i32 from vector<1xi32>
      %parallel_loop3A_113 = arith.index_cast %parallel_loop3A_112 : i32 to index
      %parallel_loop3A_114 = tpu.vector_load %arg7[%parallel_loop3A_113] {strides = array<i32>} : memref<16000xi32, #tpu.memory_space<vmem>>, vector<16xi32>,
      %parallel_loop3A_115 = vector.bitcast %parallel_loop3A_114 : vector<16xi32> to vector<32xbf16>
      %parallel_loop3A_116 = tpu.unpack_subelements %parallel_loop3A_115, 0 {pack_format = #tpu.pack_format<interleaved>} : vector<32xbf16> -> vector<16xf32>
      %parallel_loop3A_117 = tpu.unpack_subelements %parallel_loop3A_115, 1 {pack_format = #tpu.pack_format<interleaved>} : vector<32xbf16> -> vector<16xf32>
      %parallel_loop3A_118 = arith.addf %parallel_loop3A_82, %parallel_loop3A_116 : vector<16xf32>
      %parallel_loop3A_119 = arith.addf %parallel_loop3A_83, %parallel_loop3A_117 : vector<16xf32>
      %parallel_loop3A_120 = vector.extract_strided_slice %parallel_loop3A_10 {offsets = [12], sizes = [1], strides = [1]} : vector<16xi32> to vector<1xi32>
      %parallel_loop3A_121 = vector.extract %parallel_loop3A_120[0] : i32 from vector<1xi32>
      %parallel_loop3A_122 = arith.index_cast %parallel_loop3A_121 : i32 to index
      %parallel_loop3A_123 = tpu.vector_load %arg7[%parallel_loop3A_122] {strides = array<i32>} : memref<16000xi32, #tpu.memory_space<vmem>>, vector<16xi32>,
      %parallel_loop3A_124 = vector.bitcast %parallel_loop3A_123 : vector<16xi32> to vector<32xbf16>
      %parallel_loop3A_125 = tpu.unpack_subelements %parallel_loop3A_124, 0 {pack_format = #tpu.pack_format<interleaved>} : vector<32xbf16> -> vector<16xf32>
      %parallel_loop3A_126 = tpu.unpack_subelements %parallel_loop3A_124, 1 {pack_format = #tpu.pack_format<interleaved>} : vector<32xbf16> -> vector<16xf32>
      %parallel_loop3A_127 = arith.addf %parallel_loop3A_91, %parallel_loop3A_125 : vector<16xf32>
      %parallel_loop3A_128 = arith.addf %parallel_loop3A_92, %parallel_loop3A_126 : vector<16xf32>
      %parallel_loop3A_129 = vector.extract_strided_slice %parallel_loop3A_10 {offsets = [13], sizes = [1], strides = [1]} : vector<16xi32> to vector<1xi32>
      %parallel_loop3A_130 = vector.extract %parallel_loop3A_129[0] : i32 from vector<1xi32>
      %parallel_loop3A_131 = arith.index_cast %parallel_loop3A_130 : i32 to index
      %parallel_loop3A_132 = tpu.vector_load %arg7[%parallel_loop3A_131] {strides = array<i32>} : memref<16000xi32, #tpu.memory_space<vmem>>, vector<16xi32>,
      %parallel_loop3A_133 = vector.bitcast %parallel_loop3A_132 : vector<16xi32> to vector<32xbf16>
      %parallel_loop3A_134 = tpu.unpack_subelements %parallel_loop3A_133, 0 {pack_format = #tpu.pack_format<interleaved>} : vector<32xbf16> -> vector<16xf32>
      %parallel_loop3A_135 = tpu.unpack_subelements %parallel_loop3A_133, 1 {pack_format = #tpu.pack_format<interleaved>} : vector<32xbf16> -> vector<16xf32>
      %parallel_loop3A_136 = arith.addf %parallel_loop3A_100, %parallel_loop3A_134 : vector<16xf32>
      %parallel_loop3A_137 = arith.addf %parallel_loop3A_101, %parallel_loop3A_135 : vector<16xf32>
      %parallel_loop3A_138 = vector.extract_strided_slice %parallel_loop3A_10 {offsets = [14], sizes = [1], strides = [1]} : vector<16xi32> to vector<1xi32>
      %parallel_loop3A_139 = vector.extract %parallel_loop3A_138[0] : i32 from vector<1xi32>
      %parallel_loop3A_140 = arith.index_cast %parallel_loop3A_139 : i32 to index
      %parallel_loop3A_141 = tpu.vector_load %arg7[%parallel_loop3A_140] {strides = array<i32>} : memref<16000xi32, #tpu.memory_space<vmem>>, vector<16xi32>,
      %parallel_loop3A_142 = vector.bitcast %parallel_loop3A_141 : vector<16xi32> to vector<32xbf16>
      %parallel_loop3A_143 = tpu.unpack_subelements %parallel_loop3A_142, 0 {pack_format = #tpu.pack_format<interleaved>} : vector<32xbf16> -> vector<16xf32>
      %parallel_loop3A_144 = tpu.unpack_subelements %parallel_loop3A_142, 1 {pack_format = #tpu.pack_format<interleaved>} : vector<32xbf16> -> vector<16xf32>
      %parallel_loop3A_145 = arith.addf %parallel_loop3A_109, %parallel_loop3A_143 : vector<16xf32>
      %parallel_loop3A_146 = arith.addf %parallel_loop3A_110, %parallel_loop3A_144 : vector<16xf32>
      %parallel_loop3A_147 = vector.extract_strided_slice %parallel_loop3A_10 {offsets = [15], sizes = [1], strides = [1]} : vector<16xi32> to vector<1xi32>
      %parallel_loop3A_148 = vector.extract %parallel_loop3A_147[0] : i32 from vector<1xi32>
      %parallel_loop3A_149 = arith.index_cast %parallel_loop3A_148 : i32 to index
      %parallel_loop3A_150 = tpu.vector_load %arg7[%parallel_loop3A_149] {strides = array<i32>} : memref<16000xi32, #tpu.memory_space<vmem>>, vector<16xi32>,
      %parallel_loop3A_151 = vector.bitcast %parallel_loop3A_150 : vector<16xi32> to vector<32xbf16>
      %parallel_loop3A_152 = tpu.unpack_subelements %parallel_loop3A_151, 0 {pack_format = #tpu.pack_format<interleaved>} : vector<32xbf16> -> vector<16xf32>
      %parallel_loop3A_153 = tpu.unpack_subelements %parallel_loop3A_151, 1 {pack_format = #tpu.pack_format<interleaved>} : vector<32xbf16> -> vector<16xf32>
      %parallel_loop3A_154 = arith.addf %parallel_loop3A_118, %parallel_loop3A_152 : vector<16xf32>
      %parallel_loop3A_155 = arith.addf %parallel_loop3A_119, %parallel_loop3A_153 : vector<16xf32>
      %parallel_loop3A_156 = vector.extract_strided_slice %parallel_loop3A_19 {offsets = [12], sizes = [1], strides = [1]} : vector<16xi32> to vector<1xi32>
      %parallel_loop3A_157 = vector.extract %parallel_loop3A_156[0] : i32 from vector<1xi32>
      %parallel_loop3A_158 = arith.index_cast %parallel_loop3A_157 : i32 to index
      %parallel_loop3A_159 = tpu.vector_load %arg7[%parallel_loop3A_158] {strides = array<i32>} : memref<16000xi32, #tpu.memory_space<vmem>>, vector<16xi32>,
      %parallel_loop3A_160 = vector.bitcast %parallel_loop3A_159 : vector<16xi32> to vector<32xbf16>
      %parallel_loop3A_161 = tpu.unpack_subelements %parallel_loop3A_160, 0 {pack_format = #tpu.pack_format<interleaved>} : vector<32xbf16> -> vector<16xf32>
      %parallel_loop3A_162 = tpu.unpack_subelements %parallel_loop3A_160, 1 {pack_format = #tpu.pack_format<interleaved>} : vector<32xbf16> -> vector<16xf32>
      %parallel_loop3A_163 = arith.addf %parallel_loop3A_127, %parallel_loop3A_161 : vector<16xf32>
      %parallel_loop3A_164 = arith.addf %parallel_loop3A_128, %parallel_loop3A_162 : vector<16xf32>
      %parallel_loop3A_165 = vector.extract_strided_slice %parallel_loop3A_19 {offsets = [13], sizes = [1], strides = [1]} : vector<16xi32> to vector<1xi32>
      %parallel_loop3A_166 = vector.extract %parallel_loop3A_165[0] : i32 from vector<1xi32>
      %parallel_loop3A_167 = arith.index_cast %parallel_loop3A_166 : i32 to index
      %parallel_loop3A_168 = tpu.vector_load %arg7[%parallel_loop3A_167] {strides = array<i32>} : memref<16000xi32, #tpu.memory_space<vmem>>, vector<16xi32>,
      %parallel_loop3A_169 = vector.bitcast %parallel_loop3A_168 : vector<16xi32> to vector<32xbf16>
      %parallel_loop3A_170 = tpu.unpack_subelements %parallel_loop3A_169, 0 {pack_format = #tpu.pack_format<interleaved>} : vector<32xbf16> -> vector<16xf32>
      %parallel_loop3A_171 = tpu.unpack_subelements %parallel_loop3A_169, 1 {pack_format = #tpu.pack_format<interleaved>} : vector<32xbf16> -> vector<16xf32>
      %parallel_loop3A_172 = arith.addf %parallel_loop3A_136, %parallel_loop3A_170 : vector<16xf32>
      %parallel_loop3A_173 = arith.addf %parallel_loop3A_137, %parallel_loop3A_171 : vector<16xf32>
      %parallel_loop3A_174 = vector.extract_strided_slice %parallel_loop3A_19 {offsets = [14], sizes = [1], strides = [1]} : vector<16xi32> to vector<1xi32>
      %parallel_loop3A_175 = vector.extract %parallel_loop3A_174[0] : i32 from vector<1xi32>
      %parallel_loop3A_176 = arith.index_cast %parallel_loop3A_175 : i32 to index
      %parallel_loop3A_177 = tpu.vector_load %arg7[%parallel_loop3A_176] {strides = array<i32>} : memref<16000xi32, #tpu.memory_space<vmem>>, vector<16xi32>,
      %parallel_loop3A_178 = vector.bitcast %parallel_loop3A_177 : vector<16xi32> to vector<32xbf16>
      %parallel_loop3A_179 = tpu.unpack_subelements %parallel_loop3A_178, 0 {pack_format = #tpu.pack_format<interleaved>} : vector<32xbf16> -> vector<16xf32>
      %parallel_loop3A_180 = tpu.unpack_subelements %parallel_loop3A_178, 1 {pack_format = #tpu.pack_format<interleaved>} : vector<32xbf16> -> vector<16xf32>
      %parallel_loop3A_181 = arith.addf %parallel_loop3A_145, %parallel_loop3A_179 : vector<16xf32>
      %parallel_loop3A_182 = arith.addf %parallel_loop3A_146, %parallel_loop3A_180 : vector<16xf32>
      %parallel_loop3A_183 = vector.extract_strided_slice %parallel_loop3A_19 {offsets = [15], sizes = [1], strides = [1]} : vector<16xi32> to vector<1xi32>
      %parallel_loop3A_184 = vector.extract %parallel_loop3A_183[0] : i32 from vector<1xi32>
      %parallel_loop3A_185 = arith.index_cast %parallel_loop3A_184 : i32 to index
      %parallel_loop3A_186 = tpu.vector_load %arg7[%parallel_loop3A_185] {strides = array<i32>} : memref<16000xi32, #tpu.memory_space<vmem>>, vector<16xi32>,
      %parallel_loop3A_187 = vector.bitcast %parallel_loop3A_186 : vector<16xi32> to vector<32xbf16>
      %parallel_loop3A_188 = tpu.unpack_subelements %parallel_loop3A_187, 0 {pack_format = #tpu.pack_format<interleaved>} : vector<32xbf16> -> vector<16xf32>
      %parallel_loop3A_189 = tpu.unpack_subelements %parallel_loop3A_187, 1 {pack_format = #tpu.pack_format<interleaved>} : vector<32xbf16> -> vector<16xf32>
      %parallel_loop3A_190 = arith.addf %parallel_loop3A_154, %parallel_loop3A_188 : vector<16xf32>
      %parallel_loop3A_191 = arith.addf %parallel_loop3A_155, %parallel_loop3A_189 : vector<16xf32>
      %parallel_loop3A_192 = arith.addf %parallel_loop3A_163, %parallel_loop3A_172 : vector<16xf32>
      %parallel_loop3A_193 = arith.addf %parallel_loop3A_181, %parallel_loop3A_190 : vector<16xf32>
      %parallel_loop3A_194 = arith.addf %parallel_loop3A_192, %parallel_loop3A_193 : vector<16xf32>
      %parallel_loop3A_195 = arith.addf %parallel_loop3A_164, %parallel_loop3A_173 : vector<16xf32>
      %parallel_loop3A_196 = arith.addf %parallel_loop3A_182, %parallel_loop3A_191 : vector<16xf32>
      %parallel_loop3A_197 = arith.addf %parallel_loop3A_195, %parallel_loop3A_196 : vector<16xf32>
      %parallel_loop3A_198 = arith.index_cast %parallel_loop3A_3 : i32 to index
      %parallel_loop3A_199 = arith.constant 0 : index
      %parallel_loop3A_200 = tpu.vector_load %arg11[%parallel_loop3A_198, %parallel_loop3A_199] {strides = array<i32>} : memref<256x64xf32, #tpu.memory_space<vmem>>, vector<16xf32>,
      tpu.vector_store %arg11[%parallel_loop3A_198, %parallel_loop3A_199], %parallel_loop3A_194 {strides = array<i32>} : memref<256x64xf32, #tpu.memory_space<vmem>>, vector<16xf32>,
      %parallel_loop3A_201 = arith.index_cast %parallel_loop3A_3 : i32 to index
      %parallel_loop3A_202 = arith.constant 16 : index
      %parallel_loop3A_203 = tpu.vector_load %arg11[%parallel_loop3A_201, %parallel_loop3A_202] {strides = array<i32>} : memref<256x64xf32, #tpu.memory_space<vmem>>, vector<16xf32>,
      tpu.vector_store %arg11[%parallel_loop3A_201, %parallel_loop3A_202], %parallel_loop3A_197 {strides = array<i32>} : memref<256x64xf32, #tpu.memory_space<vmem>>, vector<16xf32>,
      %parallel_loop3A_204 = arith.index_cast %parallel_loop3A_5 : i32 to index
      %parallel_loop3A_205 = tpu.vector_load %arg10[%parallel_loop3A_204] {strides = array<i32>} : memref<5120xi32, #tpu.memory_space<vmem>>, vector<16xi32>,
      %parallel_loop3A_206 = arith.constant 16 : i32
      %parallel_loop3A_207 = vector.broadcast %parallel_loop3A_206 : i32 to vector<16xi32>
      %parallel_loop3A_208 = arith.muli %parallel_loop3A_205, %parallel_loop3A_207 : vector<16xi32>
      %parallel_loop3A_209 = arith.constant 20 : i32
      %parallel_loop3A_210 = arith.addi %parallel_loop3A_5, %parallel_loop3A_209 : i32
      %parallel_loop3A_211 = arith.constant 16 : i32
      %parallel_loop3A_212 = arith.subi %parallel_loop3A_210, %parallel_loop3A_211 : i32
      %parallel_loop3A_213 = arith.index_cast %parallel_loop3A_212 : i32 to index
      %parallel_loop3A_214 = tpu.vector_load %arg10[%parallel_loop3A_213] {strides = array<i32>} : memref<5120xi32, #tpu.memory_space<vmem>>, vector<16xi32>,
      %parallel_loop3A_215 = arith.constant 16 : i32
      %parallel_loop3A_216 = vector.broadcast %parallel_loop3A_215 : i32 to vector<16xi32>
      %parallel_loop3A_217 = arith.muli %parallel_loop3A_214, %parallel_loop3A_216 : vector<16xi32>
      %parallel_loop3A_218 = vector.extract_strided_slice %parallel_loop3A_208 {offsets = [0], sizes = [1], strides = [1]} : vector<16xi32> to vector<1xi32>
      %parallel_loop3A_219 = vector.extract %parallel_loop3A_218[0] : i32 from vector<1xi32>
      %parallel_loop3A_220 = arith.index_cast %parallel_loop3A_219 : i32 to index
      %parallel_loop3A_221 = tpu.vector_load %arg8[%parallel_loop3A_220] {strides = array<i32>} : memref<16000xi32, #tpu.memory_space<vmem>>, vector<16xi32>,
      %parallel_loop3A_222 = vector.bitcast %parallel_loop3A_221 : vector<16xi32> to vector<32xbf16>
      %parallel_loop3A_223 = tpu.unpack_subelements %parallel_loop3A_222, 0 {pack_format = #tpu.pack_format<interleaved>} : vector<32xbf16> -> vector<16xf32>
      %parallel_loop3A_224 = tpu.unpack_subelements %parallel_loop3A_222, 1 {pack_format = #tpu.pack_format<interleaved>} : vector<32xbf16> -> vector<16xf32>
      %parallel_loop3A_225 = vector.extract_strided_slice %parallel_loop3A_208 {offsets = [1], sizes = [1], strides = [1]} : vector<16xi32> to vector<1xi32>
      %parallel_loop3A_226 = vector.extract %parallel_loop3A_225[0] : i32 from vector<1xi32>
      %parallel_loop3A_227 = arith.index_cast %parallel_loop3A_226 : i32 to index
      %parallel_loop3A_228 = tpu.vector_load %arg8[%parallel_loop3A_227] {strides = array<i32>} : memref<16000xi32, #tpu.memory_space<vmem>>, vector<16xi32>,
      %parallel_loop3A_229 = vector.bitcast %parallel_loop3A_228 : vector<16xi32> to vector<32xbf16>
      %parallel_loop3A_230 = tpu.unpack_subelements %parallel_loop3A_229, 0 {pack_format = #tpu.pack_format<interleaved>} : vector<32xbf16> -> vector<16xf32>
      %parallel_loop3A_231 = tpu.unpack_subelements %parallel_loop3A_229, 1 {pack_format = #tpu.pack_format<interleaved>} : vector<32xbf16> -> vector<16xf32>
      %parallel_loop3A_232 = vector.extract_strided_slice %parallel_loop3A_208 {offsets = [2], sizes = [1], strides = [1]} : vector<16xi32> to vector<1xi32>
      %parallel_loop3A_233 = vector.extract %parallel_loop3A_232[0] : i32 from vector<1xi32>
      %parallel_loop3A_234 = arith.index_cast %parallel_loop3A_233 : i32 to index
      %parallel_loop3A_235 = tpu.vector_load %arg8[%parallel_loop3A_234] {strides = array<i32>} : memref<16000xi32, #tpu.memory_space<vmem>>, vector<16xi32>,
      %parallel_loop3A_236 = vector.bitcast %parallel_loop3A_235 : vector<16xi32> to vector<32xbf16>
      %parallel_loop3A_237 = tpu.unpack_subelements %parallel_loop3A_236, 0 {pack_format = #tpu.pack_format<interleaved>} : vector<32xbf16> -> vector<16xf32>
      %parallel_loop3A_238 = tpu.unpack_subelements %parallel_loop3A_236, 1 {pack_format = #tpu.pack_format<interleaved>} : vector<32xbf16> -> vector<16xf32>
      %parallel_loop3A_239 = vector.extract_strided_slice %parallel_loop3A_208 {offsets = [3], sizes = [1], strides = [1]} : vector<16xi32> to vector<1xi32>
      %parallel_loop3A_240 = vector.extract %parallel_loop3A_239[0] : i32 from vector<1xi32>
      %parallel_loop3A_241 = arith.index_cast %parallel_loop3A_240 : i32 to index
      %parallel_loop3A_242 = tpu.vector_load %arg8[%parallel_loop3A_241] {strides = array<i32>} : memref<16000xi32, #tpu.memory_space<vmem>>, vector<16xi32>,
      %parallel_loop3A_243 = vector.bitcast %parallel_loop3A_242 : vector<16xi32> to vector<32xbf16>
      %parallel_loop3A_244 = tpu.unpack_subelements %parallel_loop3A_243, 0 {pack_format = #tpu.pack_format<interleaved>} : vector<32xbf16> -> vector<16xf32>
      %parallel_loop3A_245 = tpu.unpack_subelements %parallel_loop3A_243, 1 {pack_format = #tpu.pack_format<interleaved>} : vector<32xbf16> -> vector<16xf32>
      %parallel_loop3A_246 = vector.extract_strided_slice %parallel_loop3A_208 {offsets = [4], sizes = [1], strides = [1]} : vector<16xi32> to vector<1xi32>
      %parallel_loop3A_247 = vector.extract %parallel_loop3A_246[0] : i32 from vector<1xi32>
      %parallel_loop3A_248 = arith.index_cast %parallel_loop3A_247 : i32 to index
      %parallel_loop3A_249 = tpu.vector_load %arg8[%parallel_loop3A_248] {strides = array<i32>} : memref<16000xi32, #tpu.memory_space<vmem>>, vector<16xi32>,
      %parallel_loop3A_250 = vector.bitcast %parallel_loop3A_249 : vector<16xi32> to vector<32xbf16>
      %parallel_loop3A_251 = tpu.unpack_subelements %parallel_loop3A_250, 0 {pack_format = #tpu.pack_format<interleaved>} : vector<32xbf16> -> vector<16xf32>
      %parallel_loop3A_252 = tpu.unpack_subelements %parallel_loop3A_250, 1 {pack_format = #tpu.pack_format<interleaved>} : vector<32xbf16> -> vector<16xf32>
      %parallel_loop3A_253 = arith.addf %parallel_loop3A_223, %parallel_loop3A_251 : vector<16xf32>
      %parallel_loop3A_254 = arith.addf %parallel_loop3A_224, %parallel_loop3A_252 : vector<16xf32>
      %parallel_loop3A_255 = vector.extract_strided_slice %parallel_loop3A_208 {offsets = [5], sizes = [1], strides = [1]} : vector<16xi32> to vector<1xi32>
      %parallel_loop3A_256 = vector.extract %parallel_loop3A_255[0] : i32 from vector<1xi32>
      %parallel_loop3A_257 = arith.index_cast %parallel_loop3A_256 : i32 to index
      %parallel_loop3A_258 = tpu.vector_load %arg8[%parallel_loop3A_257] {strides = array<i32>} : memref<16000xi32, #tpu.memory_space<vmem>>, vector<16xi32>,
      %parallel_loop3A_259 = vector.bitcast %parallel_loop3A_258 : vector<16xi32> to vector<32xbf16>
      %parallel_loop3A_260 = tpu.unpack_subelements %parallel_loop3A_259, 0 {pack_format = #tpu.pack_format<interleaved>} : vector<32xbf16> -> vector<16xf32>
      %parallel_loop3A_261 = tpu.unpack_subelements %parallel_loop3A_259, 1 {pack_format = #tpu.pack_format<interleaved>} : vector<32xbf16> -> vector<16xf32>
      %parallel_loop3A_262 = arith.addf %parallel_loop3A_230, %parallel_loop3A_260 : vector<16xf32>
      %parallel_loop3A_263 = arith.addf %parallel_loop3A_231, %parallel_loop3A_261 : vector<16xf32>
      %parallel_loop3A_264 = vector.extract_strided_slice %parallel_loop3A_208 {offsets = [6], sizes = [1], strides = [1]} : vector<16xi32> to vector<1xi32>
      %parallel_loop3A_265 = vector.extract %parallel_loop3A_264[0] : i32 from vector<1xi32>
      %parallel_loop3A_266 = arith.index_cast %parallel_loop3A_265 : i32 to index
      %parallel_loop3A_267 = tpu.vector_load %arg8[%parallel_loop3A_266] {strides = array<i32>} : memref<16000xi32, #tpu.memory_space<vmem>>, vector<16xi32>,
      %parallel_loop3A_268 = vector.bitcast %parallel_loop3A_267 : vector<16xi32> to vector<32xbf16>
      %parallel_loop3A_269 = tpu.unpack_subelements %parallel_loop3A_268, 0 {pack_format = #tpu.pack_format<interleaved>} : vector<32xbf16> -> vector<16xf32>
      %parallel_loop3A_270 = tpu.unpack_subelements %parallel_loop3A_268, 1 {pack_format = #tpu.pack_format<interleaved>} : vector<32xbf16> -> vector<16xf32>
      %parallel_loop3A_271 = arith.addf %parallel_loop3A_237, %parallel_loop3A_269 : vector<16xf32>
      %parallel_loop3A_272 = arith.addf %parallel_loop3A_238, %parallel_loop3A_270 : vector<16xf32>
      %parallel_loop3A_273 = vector.extract_strided_slice %parallel_loop3A_208 {offsets = [7], sizes = [1], strides = [1]} : vector<16xi32> to vector<1xi32>
      %parallel_loop3A_274 = vector.extract %parallel_loop3A_273[0] : i32 from vector<1xi32>
      %parallel_loop3A_275 = arith.index_cast %parallel_loop3A_274 : i32 to index
      %parallel_loop3A_276 = tpu.vector_load %arg8[%parallel_loop3A_275] {strides = array<i32>} : memref<16000xi32, #tpu.memory_space<vmem>>, vector<16xi32>,
      %parallel_loop3A_277 = vector.bitcast %parallel_loop3A_276 : vector<16xi32> to vector<32xbf16>
      %parallel_loop3A_278 = tpu.unpack_subelements %parallel_loop3A_277, 0 {pack_format = #tpu.pack_format<interleaved>} : vector<32xbf16> -> vector<16xf32>
      %parallel_loop3A_279 = tpu.unpack_subelements %parallel_loop3A_277, 1 {pack_format = #tpu.pack_format<interleaved>} : vector<32xbf16> -> vector<16xf32>
      %parallel_loop3A_280 = arith.addf %parallel_loop3A_244, %parallel_loop3A_278 : vector<16xf32>
      %parallel_loop3A_281 = arith.addf %parallel_loop3A_245, %parallel_loop3A_279 : vector<16xf32>
      %parallel_loop3A_282 = vector.extract_strided_slice %parallel_loop3A_208 {offsets = [8], sizes = [1], strides = [1]} : vector<16xi32> to vector<1xi32>
      %parallel_loop3A_283 = vector.extract %parallel_loop3A_282[0] : i32 from vector<1xi32>
      %parallel_loop3A_284 = arith.index_cast %parallel_loop3A_283 : i32 to index
      %parallel_loop3A_285 = tpu.vector_load %arg8[%parallel_loop3A_284] {strides = array<i32>} : memref<16000xi32, #tpu.memory_space<vmem>>, vector<16xi32>,
      %parallel_loop3A_286 = vector.bitcast %parallel_loop3A_285 : vector<16xi32> to vector<32xbf16>
      %parallel_loop3A_287 = tpu.unpack_subelements %parallel_loop3A_286, 0 {pack_format = #tpu.pack_format<interleaved>} : vector<32xbf16> -> vector<16xf32>
      %parallel_loop3A_288 = tpu.unpack_subelements %parallel_loop3A_286, 1 {pack_format = #tpu.pack_format<interleaved>} : vector<32xbf16> -> vector<16xf32>
      %parallel_loop3A_289 = arith.addf %parallel_loop3A_253, %parallel_loop3A_287 : vector<16xf32>
      %parallel_loop3A_290 = arith.addf %parallel_loop3A_254, %parallel_loop3A_288 : vector<16xf32>
      %parallel_loop3A_291 = vector.extract_strided_slice %parallel_loop3A_208 {offsets = [9], sizes = [1], strides = [1]} : vector<16xi32> to vector<1xi32>
      %parallel_loop3A_292 = vector.extract %parallel_loop3A_291[0] : i32 from vector<1xi32>
      %parallel_loop3A_293 = arith.index_cast %parallel_loop3A_292 : i32 to index
      %parallel_loop3A_294 = tpu.vector_load %arg8[%parallel_loop3A_293] {strides = array<i32>} : memref<16000xi32, #tpu.memory_space<vmem>>, vector<16xi32>,
      %parallel_loop3A_295 = vector.bitcast %parallel_loop3A_294 : vector<16xi32> to vector<32xbf16>
      %parallel_loop3A_296 = tpu.unpack_subelements %parallel_loop3A_295, 0 {pack_format = #tpu.pack_format<interleaved>} : vector<32xbf16> -> vector<16xf32>
      %parallel_loop3A_297 = tpu.unpack_subelements %parallel_loop3A_295, 1 {pack_format = #tpu.pack_format<interleaved>} : vector<32xbf16> -> vector<16xf32>
      %parallel_loop3A_298 = arith.addf %parallel_loop3A_262, %parallel_loop3A_296 : vector<16xf32>
      %parallel_loop3A_299 = arith.addf %parallel_loop3A_263, %parallel_loop3A_297 : vector<16xf32>
      %parallel_loop3A_300 = vector.extract_strided_slice %parallel_loop3A_208 {offsets = [10], sizes = [1], strides = [1]} : vector<16xi32> to vector<1xi32>
      %parallel_loop3A_301 = vector.extract %parallel_loop3A_300[0] : i32 from vector<1xi32>
      %parallel_loop3A_302 = arith.index_cast %parallel_loop3A_301 : i32 to index
      %parallel_loop3A_303 = tpu.vector_load %arg8[%parallel_loop3A_302] {strides = array<i32>} : memref<16000xi32, #tpu.memory_space<vmem>>, vector<16xi32>,
      %parallel_loop3A_304 = vector.bitcast %parallel_loop3A_303 : vector<16xi32> to vector<32xbf16>
      %parallel_loop3A_305 = tpu.unpack_subelements %parallel_loop3A_304, 0 {pack_format = #tpu.pack_format<interleaved>} : vector<32xbf16> -> vector<16xf32>
      %parallel_loop3A_306 = tpu.unpack_subelements %parallel_loop3A_304, 1 {pack_format = #tpu.pack_format<interleaved>} : vector<32xbf16> -> vector<16xf32>
      %parallel_loop3A_307 = arith.addf %parallel_loop3A_271, %parallel_loop3A_305 : vector<16xf32>
      %parallel_loop3A_308 = arith.addf %parallel_loop3A_272, %parallel_loop3A_306 : vector<16xf32>
      %parallel_loop3A_309 = vector.extract_strided_slice %parallel_loop3A_208 {offsets = [11], sizes = [1], strides = [1]} : vector<16xi32> to vector<1xi32>
      %parallel_loop3A_310 = vector.extract %parallel_loop3A_309[0] : i32 from vector<1xi32>
      %parallel_loop3A_311 = arith.index_cast %parallel_loop3A_310 : i32 to index
      %parallel_loop3A_312 = tpu.vector_load %arg8[%parallel_loop3A_311] {strides = array<i32>} : memref<16000xi32, #tpu.memory_space<vmem>>, vector<16xi32>,
      %parallel_loop3A_313 = vector.bitcast %parallel_loop3A_312 : vector<16xi32> to vector<32xbf16>
      %parallel_loop3A_314 = tpu.unpack_subelements %parallel_loop3A_313, 0 {pack_format = #tpu.pack_format<interleaved>} : vector<32xbf16> -> vector<16xf32>
      %parallel_loop3A_315 = tpu.unpack_subelements %parallel_loop3A_313, 1 {pack_format = #tpu.pack_format<interleaved>} : vector<32xbf16> -> vector<16xf32>
      %parallel_loop3A_316 = arith.addf %parallel_loop3A_280, %parallel_loop3A_314 : vector<16xf32>
      %parallel_loop3A_317 = arith.addf %parallel_loop3A_281, %parallel_loop3A_315 : vector<16xf32>
      %parallel_loop3A_318 = vector.extract_strided_slice %parallel_loop3A_208 {offsets = [12], sizes = [1], strides = [1]} : vector<16xi32> to vector<1xi32>
      %parallel_loop3A_319 = vector.extract %parallel_loop3A_318[0] : i32 from vector<1xi32>
      %parallel_loop3A_320 = arith.index_cast %parallel_loop3A_319 : i32 to index
      %parallel_loop3A_321 = tpu.vector_load %arg8[%parallel_loop3A_320] {strides = array<i32>} : memref<16000xi32, #tpu.memory_space<vmem>>, vector<16xi32>,
      %parallel_loop3A_322 = vector.bitcast %parallel_loop3A_321 : vector<16xi32> to vector<32xbf16>
      %parallel_loop3A_323 = tpu.unpack_subelements %parallel_loop3A_322, 0 {pack_format = #tpu.pack_format<interleaved>} : vector<32xbf16> -> vector<16xf32>
      %parallel_loop3A_324 = tpu.unpack_subelements %parallel_loop3A_322, 1 {pack_format = #tpu.pack_format<interleaved>} : vector<32xbf16> -> vector<16xf32>
      %parallel_loop3A_325 = arith.addf %parallel_loop3A_289, %parallel_loop3A_323 : vector<16xf32>
      %parallel_loop3A_326 = arith.addf %parallel_loop3A_290, %parallel_loop3A_324 : vector<16xf32>
      %parallel_loop3A_327 = vector.extract_strided_slice %parallel_loop3A_208 {offsets = [13], sizes = [1], strides = [1]} : vector<16xi32> to vector<1xi32>
      %parallel_loop3A_328 = vector.extract %parallel_loop3A_327[0] : i32 from vector<1xi32>
      %parallel_loop3A_329 = arith.index_cast %parallel_loop3A_328 : i32 to index
      %parallel_loop3A_330 = tpu.vector_load %arg8[%parallel_loop3A_329] {strides = array<i32>} : memref<16000xi32, #tpu.memory_space<vmem>>, vector<16xi32>,
      %parallel_loop3A_331 = vector.bitcast %parallel_loop3A_330 : vector<16xi32> to vector<32xbf16>
      %parallel_loop3A_332 = tpu.unpack_subelements %parallel_loop3A_331, 0 {pack_format = #tpu.pack_format<interleaved>} : vector<32xbf16> -> vector<16xf32>
      %parallel_loop3A_333 = tpu.unpack_subelements %parallel_loop3A_331, 1 {pack_format = #tpu.pack_format<interleaved>} : vector<32xbf16> -> vector<16xf32>
      %parallel_loop3A_334 = arith.addf %parallel_loop3A_298, %parallel_loop3A_332 : vector<16xf32>
      %parallel_loop3A_335 = arith.addf %parallel_loop3A_299, %parallel_loop3A_333 : vector<16xf32>
      %parallel_loop3A_336 = vector.extract_strided_slice %parallel_loop3A_208 {offsets = [14], sizes = [1], strides = [1]} : vector<16xi32> to vector<1xi32>
      %parallel_loop3A_337 = vector.extract %parallel_loop3A_336[0] : i32 from vector<1xi32>
      %parallel_loop3A_338 = arith.index_cast %parallel_loop3A_337 : i32 to index
      %parallel_loop3A_339 = tpu.vector_load %arg8[%parallel_loop3A_338] {strides = array<i32>} : memref<16000xi32, #tpu.memory_space<vmem>>, vector<16xi32>,
      %parallel_loop3A_340 = vector.bitcast %parallel_loop3A_339 : vector<16xi32> to vector<32xbf16>
      %parallel_loop3A_341 = tpu.unpack_subelements %parallel_loop3A_340, 0 {pack_format = #tpu.pack_format<interleaved>} : vector<32xbf16> -> vector<16xf32>
      %parallel_loop3A_342 = tpu.unpack_subelements %parallel_loop3A_340, 1 {pack_format = #tpu.pack_format<interleaved>} : vector<32xbf16> -> vector<16xf32>
      %parallel_loop3A_343 = arith.addf %parallel_loop3A_307, %parallel_loop3A_341 : vector<16xf32>
      %parallel_loop3A_344 = arith.addf %parallel_loop3A_308, %parallel_loop3A_342 : vector<16xf32>
      %parallel_loop3A_345 = vector.extract_strided_slice %parallel_loop3A_208 {offsets = [15], sizes = [1], strides = [1]} : vector<16xi32> to vector<1xi32>
      %parallel_loop3A_346 = vector.extract %parallel_loop3A_345[0] : i32 from vector<1xi32>
      %parallel_loop3A_347 = arith.index_cast %parallel_loop3A_346 : i32 to index
      %parallel_loop3A_348 = tpu.vector_load %arg8[%parallel_loop3A_347] {strides = array<i32>} : memref<16000xi32, #tpu.memory_space<vmem>>, vector<16xi32>,
      %parallel_loop3A_349 = vector.bitcast %parallel_loop3A_348 : vector<16xi32> to vector<32xbf16>
      %parallel_loop3A_350 = tpu.unpack_subelements %parallel_loop3A_349, 0 {pack_format = #tpu.pack_format<interleaved>} : vector<32xbf16> -> vector<16xf32>
      %parallel_loop3A_351 = tpu.unpack_subelements %parallel_loop3A_349, 1 {pack_format = #tpu.pack_format<interleaved>} : vector<32xbf16> -> vector<16xf32>
      %parallel_loop3A_352 = arith.addf %parallel_loop3A_316, %parallel_loop3A_350 : vector<16xf32>
      %parallel_loop3A_353 = arith.addf %parallel_loop3A_317, %parallel_loop3A_351 : vector<16xf32>
      %parallel_loop3A_354 = vector.extract_strided_slice %parallel_loop3A_217 {offsets = [12], sizes = [1], strides = [1]} : vector<16xi32> to vector<1xi32>
      %parallel_loop3A_355 = vector.extract %parallel_loop3A_354[0] : i32 from vector<1xi32>
      %parallel_loop3A_356 = arith.index_cast %parallel_loop3A_355 : i32 to index
      %parallel_loop3A_357 = tpu.vector_load %arg8[%parallel_loop3A_356] {strides = array<i32>} : memref<16000xi32, #tpu.memory_space<vmem>>, vector<16xi32>,
      %parallel_loop3A_358 = vector.bitcast %parallel_loop3A_357 : vector<16xi32> to vector<32xbf16>
      %parallel_loop3A_359 = tpu.unpack_subelements %parallel_loop3A_358, 0 {pack_format = #tpu.pack_format<interleaved>} : vector<32xbf16> -> vector<16xf32>
      %parallel_loop3A_360 = tpu.unpack_subelements %parallel_loop3A_358, 1 {pack_format = #tpu.pack_format<interleaved>} : vector<32xbf16> -> vector<16xf32>
      %parallel_loop3A_361 = arith.addf %parallel_loop3A_325, %parallel_loop3A_359 : vector<16xf32>
      %parallel_loop3A_362 = arith.addf %parallel_loop3A_326, %parallel_loop3A_360 : vector<16xf32>
      %parallel_loop3A_363 = vector.extract_strided_slice %parallel_loop3A_217 {offsets = [13], sizes = [1], strides = [1]} : vector<16xi32> to vector<1xi32>
      %parallel_loop3A_364 = vector.extract %parallel_loop3A_363[0] : i32 from vector<1xi32>
      %parallel_loop3A_365 = arith.index_cast %parallel_loop3A_364 : i32 to index
      %parallel_loop3A_366 = tpu.vector_load %arg8[%parallel_loop3A_365] {strides = array<i32>} : memref<16000xi32, #tpu.memory_space<vmem>>, vector<16xi32>,
      %parallel_loop3A_367 = vector.bitcast %parallel_loop3A_366 : vector<16xi32> to vector<32xbf16>
      %parallel_loop3A_368 = tpu.unpack_subelements %parallel_loop3A_367, 0 {pack_format = #tpu.pack_format<interleaved>} : vector<32xbf16> -> vector<16xf32>
      %parallel_loop3A_369 = tpu.unpack_subelements %parallel_loop3A_367, 1 {pack_format = #tpu.pack_format<interleaved>} : vector<32xbf16> -> vector<16xf32>
      %parallel_loop3A_370 = arith.addf %parallel_loop3A_334, %parallel_loop3A_368 : vector<16xf32>
      %parallel_loop3A_371 = arith.addf %parallel_loop3A_335, %parallel_loop3A_369 : vector<16xf32>
      %parallel_loop3A_372 = vector.extract_strided_slice %parallel_loop3A_217 {offsets = [14], sizes = [1], strides = [1]} : vector<16xi32> to vector<1xi32>
      %parallel_loop3A_373 = vector.extract %parallel_loop3A_372[0] : i32 from vector<1xi32>
      %parallel_loop3A_374 = arith.index_cast %parallel_loop3A_373 : i32 to index
      %parallel_loop3A_375 = tpu.vector_load %arg8[%parallel_loop3A_374] {strides = array<i32>} : memref<16000xi32, #tpu.memory_space<vmem>>, vector<16xi32>,
      %parallel_loop3A_376 = vector.bitcast %parallel_loop3A_375 : vector<16xi32> to vector<32xbf16>
      %parallel_loop3A_377 = tpu.unpack_subelements %parallel_loop3A_376, 0 {pack_format = #tpu.pack_format<interleaved>} : vector<32xbf16> -> vector<16xf32>
      %parallel_loop3A_378 = tpu.unpack_subelements %parallel_loop3A_376, 1 {pack_format = #tpu.pack_format<interleaved>} : vector<32xbf16> -> vector<16xf32>
      %parallel_loop3A_379 = arith.addf %parallel_loop3A_343, %parallel_loop3A_377 : vector<16xf32>
      %parallel_loop3A_380 = arith.addf %parallel_loop3A_344, %parallel_loop3A_378 : vector<16xf32>
      %parallel_loop3A_381 = vector.extract_strided_slice %parallel_loop3A_217 {offsets = [15], sizes = [1], strides = [1]} : vector<16xi32> to vector<1xi32>
      %parallel_loop3A_382 = vector.extract %parallel_loop3A_381[0] : i32 from vector<1xi32>
      %parallel_loop3A_383 = arith.index_cast %parallel_loop3A_382 : i32 to index
      %parallel_loop3A_384 = tpu.vector_load %arg8[%parallel_loop3A_383] {strides = array<i32>} : memref<16000xi32, #tpu.memory_space<vmem>>, vector<16xi32>,
      %parallel_loop3A_385 = vector.bitcast %parallel_loop3A_384 : vector<16xi32> to vector<32xbf16>
      %parallel_loop3A_386 = tpu.unpack_subelements %parallel_loop3A_385, 0 {pack_format = #tpu.pack_format<interleaved>} : vector<32xbf16> -> vector<16xf32>
      %parallel_loop3A_387 = tpu.unpack_subelements %parallel_loop3A_385, 1 {pack_format = #tpu.pack_format<interleaved>} : vector<32xbf16> -> vector<16xf32>
      %parallel_loop3A_388 = arith.addf %parallel_loop3A_352, %parallel_loop3A_386 : vector<16xf32>
      %parallel_loop3A_389 = arith.addf %parallel_loop3A_353, %parallel_loop3A_387 : vector<16xf32>
      %parallel_loop3A_390 = arith.addf %parallel_loop3A_361, %parallel_loop3A_370 : vector<16xf32>
      %parallel_loop3A_391 = arith.addf %parallel_loop3A_379, %parallel_loop3A_388 : vector<16xf32>
      %parallel_loop3A_392 = arith.addf %parallel_loop3A_390, %parallel_loop3A_391 : vector<16xf32>
      %parallel_loop3A_393 = arith.addf %parallel_loop3A_362, %parallel_loop3A_371 : vector<16xf32>
      %parallel_loop3A_394 = arith.addf %parallel_loop3A_380, %parallel_loop3A_389 : vector<16xf32>
      %parallel_loop3A_395 = arith.addf %parallel_loop3A_393, %parallel_loop3A_394 : vector<16xf32>
      %parallel_loop3A_396 = arith.index_cast %parallel_loop3A_3 : i32 to index
      %parallel_loop3A_397 = arith.constant 32 : index
      %parallel_loop3A_398 = tpu.vector_load %arg11[%parallel_loop3A_396, %parallel_loop3A_397] {strides = array<i32>} : memref<256x64xf32, #tpu.memory_space<vmem>>, vector<16xf32>,
      tpu.vector_store %arg11[%parallel_loop3A_396, %parallel_loop3A_397], %parallel_loop3A_392 {strides = array<i32>} : memref<256x64xf32, #tpu.memory_space<vmem>>, vector<16xf32>,
      %parallel_loop3A_399 = arith.index_cast %parallel_loop3A_3 : i32 to index
      %parallel_loop3A_400 = arith.constant 48 : index
      %parallel_loop3A_401 = tpu.vector_load %arg11[%parallel_loop3A_399, %parallel_loop3A_400] {strides = array<i32>} : memref<256x64xf32, #tpu.memory_space<vmem>>, vector<16xf32>,
      tpu.vector_store %arg11[%parallel_loop3A_399, %parallel_loop3A_400], %parallel_loop3A_395 {strides = array<i32>} : memref<256x64xf32, #tpu.memory_space<vmem>>, vector<16xf32>,
    } {sc.loop_unroll_factor = 8 : i64, sc.parallel_access}
    "tpu.region"() ({
      %run_scoped3A = tpu.sem_alloc : memref<!tpu.dma_semaphore, #tpu.memory_space<semaphore_mem>>
      %dma_start3A = arith.constant 0 : i32
      %dma_start3A_3 = arith.constant 0 : i32
      %dma_start3A_4 = tpu.memref_slice %arg6[%add3A, %dma_start3A, %dma_start3A_3] : memref<32x256x64xf32, #tpu.memory_space<hbm>> -> memref<1x256x64xf32, #tpu.memory_space<hbm>>
      %dma_start3A_5 = tpu.memref_squeeze %dma_start3A_4 : memref<1x256x64xf32, #tpu.memory_space<hbm>> -> memref<256x64xf32, #tpu.memory_space<hbm>>
      %dma_start3A_6 = arith.constant 0 : i32
      %dma_start3A_7 = arith.constant 0 : i32
      %dma_start3A_8 = tpu.memref_slice %arg6[%add3A, %dma_start3A_6, %dma_start3A_7] : memref<32x256x64xf32, #tpu.memory_space<hbm>> -> memref<1x256x64xf32, #tpu.memory_space<hbm>>
      %dma_start3A_9 = tpu.memref_squeeze %dma_start3A_8 : memref<1x256x64xf32, #tpu.memory_space<hbm>> -> memref<256x64xf32, #tpu.memory_space<hbm>>
      tpu.enqueue_dma source(%arg11 : memref<256x64xf32, #tpu.memory_space<vmem>>) target(%dma_start3A_9 : memref<256x64xf32, #tpu.memory_space<hbm>>) target_semaphore(%run_scoped3A : memref<!tpu.dma_semaphore, #tpu.memory_space<semaphore_mem>>)
      %dma_wait3A = arith.constant 0 : i32
      %dma_wait3A_10 = arith.constant 0 : i32
      %dma_wait3A_11 = tpu.memref_slice %arg6[%add3A, %dma_wait3A, %dma_wait3A_10] : memref<32x256x64xf32, #tpu.memory_space<hbm>> -> memref<1x256x64xf32, #tpu.memory_space<hbm>>
      %dma_wait3A_12 = tpu.memref_squeeze %dma_wait3A_11 : memref<1x256x64xf32, #tpu.memory_space<hbm>> -> memref<256x64xf32, #tpu.memory_space<hbm>>
      %dma_wait3A_13 = arith.constant 0 : i32
      %dma_wait3A_14 = arith.constant 0 : i32
      %dma_wait3A_15 = tpu.memref_slice %arg6[%add3A, %dma_wait3A_13, %dma_wait3A_14] : memref<32x256x64xf32, #tpu.memory_space<hbm>> -> memref<1x256x64xf32, #tpu.memory_space<hbm>>
      %dma_wait3A_16 = tpu.memref_squeeze %dma_wait3A_15 : memref<1x256x64xf32, #tpu.memory_space<hbm>> -> memref<256x64xf32, #tpu.memory_space<hbm>>
      tpu.wait_dma2 semaphore(%run_scoped3A : memref<!tpu.dma_semaphore, #tpu.memory_space<semaphore_mem>>) src(%arg11 : memref<256x64xf32, #tpu.memory_space<vmem>>) dst(%dma_wait3A_16 : memref<256x64xf32, #tpu.memory_space<hbm>>)
      tpu.yield
    }) : () -> ()
    return
  }
}

#map = affine_map<(d0, d1) -> (0)>
#map1 = affine_map<(d0, d1) -> (0, 0)>
#map2 = affine_map<(d0, d1) -> (0, 0, 0)>
module attributes {stable_mosaic.version = 14 : i64} {
  func.func @pool(%arg0: i32, %arg1: i32, %arg2: memref<16000xi32, #tpu.memory_space<hbm>>, %arg3: memref<16000xi32, #tpu.memory_space<hbm>>, %arg4: memref<32x5120xi32, #tpu.memory_space<hbm>>, %arg5: memref<32x5120xi32, #tpu.memory_space<hbm>>, %arg6: memref<32x256x64xf32, #tpu.memory_space<hbm>>, %arg7: memref<16000xi32, #tpu.memory_space<vmem>>, %arg8: memref<16000xi32, #tpu.memory_space<vmem>>, %arg9: memref<5120xi32, #tpu.memory_space<vmem>>, %arg10: memref<5120xi32, #tpu.memory_space<vmem>>, %arg11: memref<256x64xf32, #tpu.memory_space<vmem>>) attributes {dimension_semantics = [#tpu.dimension_semantics<core_parallel>, #tpu.dimension_semantics<subcore_parallel>], iteration_bounds = array<i64: 2, 16>, scalar_prefetch = 0 : i64, scratch_operands = 5 : i64, tpu.core_type = #tpu.core_type<sc_vector_subcore>, window_params = [{transform_indices = #map}, {transform_indices = #map}, {transform_indices = #map1}, {transform_indices = #map1}, {transform_indices = #map2}]} {
    %mul3A = arith.constant 2 : i32
    %mul3A_0 = arith.muli %arg1, %mul3A : i32
    %add3A = arith.addi %mul3A_0, %arg0 : i32
    "tpu.region"() ({
      %run_scoped3A = tpu.sem_alloc : memref<!tpu.dma_semaphore, #tpu.memory_space<semaphore_mem>>
      tpu.enqueue_dma source(%arg2 : memref<16000xi32, #tpu.memory_space<hbm>>) target(%arg7 : memref<16000xi32, #tpu.memory_space<vmem>>) target_semaphore(%run_scoped3A : memref<!tpu.dma_semaphore, #tpu.memory_space<semaphore_mem>>)
      tpu.wait_dma2 semaphore(%run_scoped3A : memref<!tpu.dma_semaphore, #tpu.memory_space<semaphore_mem>>) src(%arg2 : memref<16000xi32, #tpu.memory_space<hbm>>) dst(%arg7 : memref<16000xi32, #tpu.memory_space<vmem>>)
      tpu.yield
    }) : () -> ()
    "tpu.region"() ({
      %run_scoped3A = tpu.sem_alloc : memref<!tpu.dma_semaphore, #tpu.memory_space<semaphore_mem>>
      tpu.enqueue_dma source(%arg3 : memref<16000xi32, #tpu.memory_space<hbm>>) target(%arg8 : memref<16000xi32, #tpu.memory_space<vmem>>) target_semaphore(%run_scoped3A : memref<!tpu.dma_semaphore, #tpu.memory_space<semaphore_mem>>)
      tpu.wait_dma2 semaphore(%run_scoped3A : memref<!tpu.dma_semaphore, #tpu.memory_space<semaphore_mem>>) src(%arg3 : memref<16000xi32, #tpu.memory_space<hbm>>) dst(%arg8 : memref<16000xi32, #tpu.memory_space<vmem>>)
      tpu.yield
    }) : () -> ()
    "tpu.region"() ({
      %run_scoped3A = tpu.sem_alloc : memref<!tpu.dma_semaphore, #tpu.memory_space<semaphore_mem>>
      %dma_start3A = arith.constant 0 : i32
      %dma_start3A_3 = tpu.memref_slice %arg4[%add3A, %dma_start3A] : memref<32x5120xi32, #tpu.memory_space<hbm>> -> memref<1x5120xi32, #tpu.memory_space<hbm>>
      %dma_start3A_4 = tpu.memref_squeeze %dma_start3A_3 : memref<1x5120xi32, #tpu.memory_space<hbm>> -> memref<5120xi32, #tpu.memory_space<hbm>>
      %dma_start3A_5 = arith.constant 0 : i32
      %dma_start3A_6 = tpu.memref_slice %arg4[%add3A, %dma_start3A_5] : memref<32x5120xi32, #tpu.memory_space<hbm>> -> memref<1x5120xi32, #tpu.memory_space<hbm>>
      %dma_start3A_7 = tpu.memref_squeeze %dma_start3A_6 : memref<1x5120xi32, #tpu.memory_space<hbm>> -> memref<5120xi32, #tpu.memory_space<hbm>>
      tpu.enqueue_dma source(%dma_start3A_7 : memref<5120xi32, #tpu.memory_space<hbm>>) target(%arg9 : memref<5120xi32, #tpu.memory_space<vmem>>) target_semaphore(%run_scoped3A : memref<!tpu.dma_semaphore, #tpu.memory_space<semaphore_mem>>)
      %dma_wait3A = arith.constant 0 : i32
      %dma_wait3A_8 = tpu.memref_slice %arg4[%add3A, %dma_wait3A] : memref<32x5120xi32, #tpu.memory_space<hbm>> -> memref<1x5120xi32, #tpu.memory_space<hbm>>
      %dma_wait3A_9 = tpu.memref_squeeze %dma_wait3A_8 : memref<1x5120xi32, #tpu.memory_space<hbm>> -> memref<5120xi32, #tpu.memory_space<hbm>>
      %dma_wait3A_10 = arith.constant 0 : i32
      %dma_wait3A_11 = tpu.memref_slice %arg4[%add3A, %dma_wait3A_10] : memref<32x5120xi32, #tpu.memory_space<hbm>> -> memref<1x5120xi32, #tpu.memory_space<hbm>>
      %dma_wait3A_12 = tpu.memref_squeeze %dma_wait3A_11 : memref<1x5120xi32, #tpu.memory_space<hbm>> -> memref<5120xi32, #tpu.memory_space<hbm>>
      tpu.wait_dma2 semaphore(%run_scoped3A : memref<!tpu.dma_semaphore, #tpu.memory_space<semaphore_mem>>) src(%dma_wait3A_12 : memref<5120xi32, #tpu.memory_space<hbm>>) dst(%arg9 : memref<5120xi32, #tpu.memory_space<vmem>>)
      tpu.yield
    }) : () -> ()
    "tpu.region"() ({
      %run_scoped3A = tpu.sem_alloc : memref<!tpu.dma_semaphore, #tpu.memory_space<semaphore_mem>>
      %dma_start3A = arith.constant 0 : i32
      %dma_start3A_3 = tpu.memref_slice %arg5[%add3A, %dma_start3A] : memref<32x5120xi32, #tpu.memory_space<hbm>> -> memref<1x5120xi32, #tpu.memory_space<hbm>>
      %dma_start3A_4 = tpu.memref_squeeze %dma_start3A_3 : memref<1x5120xi32, #tpu.memory_space<hbm>> -> memref<5120xi32, #tpu.memory_space<hbm>>
      %dma_start3A_5 = arith.constant 0 : i32
      %dma_start3A_6 = tpu.memref_slice %arg5[%add3A, %dma_start3A_5] : memref<32x5120xi32, #tpu.memory_space<hbm>> -> memref<1x5120xi32, #tpu.memory_space<hbm>>
      %dma_start3A_7 = tpu.memref_squeeze %dma_start3A_6 : memref<1x5120xi32, #tpu.memory_space<hbm>> -> memref<5120xi32, #tpu.memory_space<hbm>>
      tpu.enqueue_dma source(%dma_start3A_7 : memref<5120xi32, #tpu.memory_space<hbm>>) target(%arg10 : memref<5120xi32, #tpu.memory_space<vmem>>) target_semaphore(%run_scoped3A : memref<!tpu.dma_semaphore, #tpu.memory_space<semaphore_mem>>)
      %dma_wait3A = arith.constant 0 : i32
      %dma_wait3A_8 = tpu.memref_slice %arg5[%add3A, %dma_wait3A] : memref<32x5120xi32, #tpu.memory_space<hbm>> -> memref<1x5120xi32, #tpu.memory_space<hbm>>
      %dma_wait3A_9 = tpu.memref_squeeze %dma_wait3A_8 : memref<1x5120xi32, #tpu.memory_space<hbm>> -> memref<5120xi32, #tpu.memory_space<hbm>>
      %dma_wait3A_10 = arith.constant 0 : i32
      %dma_wait3A_11 = tpu.memref_slice %arg5[%add3A, %dma_wait3A_10] : memref<32x5120xi32, #tpu.memory_space<hbm>> -> memref<1x5120xi32, #tpu.memory_space<hbm>>
      %dma_wait3A_12 = tpu.memref_squeeze %dma_wait3A_11 : memref<1x5120xi32, #tpu.memory_space<hbm>> -> memref<5120xi32, #tpu.memory_space<hbm>>
      tpu.wait_dma2 semaphore(%run_scoped3A : memref<!tpu.dma_semaphore, #tpu.memory_space<semaphore_mem>>) src(%dma_wait3A_12 : memref<5120xi32, #tpu.memory_space<hbm>>) dst(%arg10 : memref<5120xi32, #tpu.memory_space<vmem>>)
      tpu.yield
    }) : () -> ()
    %parallel_loop3A = arith.constant 0 : i32
    %parallel_loop3A_1 = arith.constant 256 : i32
    %parallel_loop3A_2 = arith.constant 1 : i32
    scf.for %parallel_loop3A_3 = %parallel_loop3A to %parallel_loop3A_1 step %parallel_loop3A_2  : i32 {
      %parallel_loop3A_4 = arith.constant 20 : i32
      %parallel_loop3A_5 = arith.muli %parallel_loop3A_3, %parallel_loop3A_4 : i32
      %parallel_loop3A_6 = arith.index_cast %parallel_loop3A_5 : i32 to index
      %parallel_loop3A_7 = tpu.vector_load %arg9[%parallel_loop3A_6] {strides = array<i32>} : memref<5120xi32, #tpu.memory_space<vmem>>, vector<16xi32>,
      %parallel_loop3A_8 = arith.constant 16 : i32
      %parallel_loop3A_9 = vector.broadcast %parallel_loop3A_8 : i32 to vector<16xi32>
      %parallel_loop3A_10 = arith.muli %parallel_loop3A_7, %parallel_loop3A_9 : vector<16xi32>
      %parallel_loop3A_11 = arith.constant 20 : i32
      %parallel_loop3A_12 = arith.addi %parallel_loop3A_5, %parallel_loop3A_11 : i32
      %parallel_loop3A_13 = arith.constant 16 : i32
      %parallel_loop3A_14 = arith.subi %parallel_loop3A_12, %parallel_loop3A_13 : i32
      %parallel_loop3A_15 = arith.index_cast %parallel_loop3A_14 : i32 to index
      %parallel_loop3A_16 = tpu.vector_load %arg9[%parallel_loop3A_15] {strides = array<i32>} : memref<5120xi32, #tpu.memory_space<vmem>>, vector<16xi32>,
      %parallel_loop3A_17 = arith.constant 16 : i32
      %parallel_loop3A_18 = vector.broadcast %parallel_loop3A_17 : i32 to vector<16xi32>
      %parallel_loop3A_19 = arith.muli %parallel_loop3A_16, %parallel_loop3A_18 : vector<16xi32>
      %parallel_loop3A_20 = vector.extract_strided_slice %parallel_loop3A_10 {offsets = [0], sizes = [1], strides = [1]} : vector<16xi32> to vector<1xi32>
      %parallel_loop3A_21 = vector.extract %parallel_loop3A_20[0] : i32 from vector<1xi32>
      %parallel_loop3A_22 = arith.index_cast %parallel_loop3A_21 : i32 to index
      %parallel_loop3A_23 = tpu.vector_load %arg7[%parallel_loop3A_22] {strides = array<i32>} : memref<16000xi32, #tpu.memory_space<vmem>>, vector<16xi32>,
      %parallel_loop3A_24 = vector.bitcast %parallel_loop3A_23 : vector<16xi32> to vector<32xbf16>
      %parallel_loop3A_25 = tpu.unpack_subelements %parallel_loop3A_24, 0 {pack_format = #tpu.pack_format<interleaved>} : vector<32xbf16> -> vector<16xf32>
      %parallel_loop3A_26 = tpu.unpack_subelements %parallel_loop3A_24, 1 {pack_format = #tpu.pack_format<interleaved>} : vector<32xbf16> -> vector<16xf32>
      %parallel_loop3A_27 = vector.extract_strided_slice %parallel_loop3A_10 {offsets = [1], sizes = [1], strides = [1]} : vector<16xi32> to vector<1xi32>
      %parallel_loop3A_28 = vector.extract %parallel_loop3A_27[0] : i32 from vector<1xi32>
      %parallel_loop3A_29 = arith.index_cast %parallel_loop3A_28 : i32 to index
      %parallel_loop3A_30 = tpu.vector_load %arg7[%parallel_loop3A_29] {strides = array<i32>} : memref<16000xi32, #tpu.memory_space<vmem>>, vector<16xi32>,
      %parallel_loop3A_31 = vector.bitcast %parallel_loop3A_30 : vector<16xi32> to vector<32xbf16>
      %parallel_loop3A_32 = tpu.unpack_subelements %parallel_loop3A_31, 0 {pack_format = #tpu.pack_format<interleaved>} : vector<32xbf16> -> vector<16xf32>
      %parallel_loop3A_33 = tpu.unpack_subelements %parallel_loop3A_31, 1 {pack_format = #tpu.pack_format<interleaved>} : vector<32xbf16> -> vector<16xf32>
      %parallel_loop3A_34 = vector.extract_strided_slice %parallel_loop3A_10 {offsets = [2], sizes = [1], strides = [1]} : vector<16xi32> to vector<1xi32>
      %parallel_loop3A_35 = vector.extract %parallel_loop3A_34[0] : i32 from vector<1xi32>
      %parallel_loop3A_36 = arith.index_cast %parallel_loop3A_35 : i32 to index
      %parallel_loop3A_37 = tpu.vector_load %arg7[%parallel_loop3A_36] {strides = array<i32>} : memref<16000xi32, #tpu.memory_space<vmem>>, vector<16xi32>,
      %parallel_loop3A_38 = vector.bitcast %parallel_loop3A_37 : vector<16xi32> to vector<32xbf16>
      %parallel_loop3A_39 = tpu.unpack_subelements %parallel_loop3A_38, 0 {pack_format = #tpu.pack_format<interleaved>} : vector<32xbf16> -> vector<16xf32>
      %parallel_loop3A_40 = tpu.unpack_subelements %parallel_loop3A_38, 1 {pack_format = #tpu.pack_format<interleaved>} : vector<32xbf16> -> vector<16xf32>
      %parallel_loop3A_41 = vector.extract_strided_slice %parallel_loop3A_10 {offsets = [3], sizes = [1], strides = [1]} : vector<16xi32> to vector<1xi32>
      %parallel_loop3A_42 = vector.extract %parallel_loop3A_41[0] : i32 from vector<1xi32>
      %parallel_loop3A_43 = arith.index_cast %parallel_loop3A_42 : i32 to index
      %parallel_loop3A_44 = tpu.vector_load %arg7[%parallel_loop3A_43] {strides = array<i32>} : memref<16000xi32, #tpu.memory_space<vmem>>, vector<16xi32>,
      %parallel_loop3A_45 = vector.bitcast %parallel_loop3A_44 : vector<16xi32> to vector<32xbf16>
      %parallel_loop3A_46 = tpu.unpack_subelements %parallel_loop3A_45, 0 {pack_format = #tpu.pack_format<interleaved>} : vector<32xbf16> -> vector<16xf32>
      %parallel_loop3A_47 = tpu.unpack_subelements %parallel_loop3A_45, 1 {pack_format = #tpu.pack_format<interleaved>} : vector<32xbf16> -> vector<16xf32>
      %parallel_loop3A_48 = vector.extract_strided_slice %parallel_loop3A_10 {offsets = [4], sizes = [1], strides = [1]} : vector<16xi32> to vector<1xi32>
      %parallel_loop3A_49 = vector.extract %parallel_loop3A_48[0] : i32 from vector<1xi32>
      %parallel_loop3A_50 = arith.index_cast %parallel_loop3A_49 : i32 to index
      %parallel_loop3A_51 = tpu.vector_load %arg7[%parallel_loop3A_50] {strides = array<i32>} : memref<16000xi32, #tpu.memory_space<vmem>>, vector<16xi32>,
      %parallel_loop3A_52 = vector.bitcast %parallel_loop3A_51 : vector<16xi32> to vector<32xbf16>
      %parallel_loop3A_53 = tpu.unpack_subelements %parallel_loop3A_52, 0 {pack_format = #tpu.pack_format<interleaved>} : vector<32xbf16> -> vector<16xf32>
      %parallel_loop3A_54 = tpu.unpack_subelements %parallel_loop3A_52, 1 {pack_format = #tpu.pack_format<interleaved>} : vector<32xbf16> -> vector<16xf32>
      %parallel_loop3A_55 = arith.addf %parallel_loop3A_25, %parallel_loop3A_53 : vector<16xf32>
      %parallel_loop3A_56 = arith.addf %parallel_loop3A_26, %parallel_loop3A_54 : vector<16xf32>
      %parallel_loop3A_57 = vector.extract_strided_slice %parallel_loop3A_10 {offsets = [5], sizes = [1], strides = [1]} : vector<16xi32> to vector<1xi32>
      %parallel_loop3A_58 = vector.extract %parallel_loop3A_57[0] : i32 from vector<1xi32>
      %parallel_loop3A_59 = arith.index_cast %parallel_loop3A_58 : i32 to index
      %parallel_loop3A_60 = tpu.vector_load %arg7[%parallel_loop3A_59] {strides = array<i32>} : memref<16000xi32, #tpu.memory_space<vmem>>, vector<16xi32>,
      %parallel_loop3A_61 = vector.bitcast %parallel_loop3A_60 : vector<16xi32> to vector<32xbf16>
      %parallel_loop3A_62 = tpu.unpack_subelements %parallel_loop3A_61, 0 {pack_format = #tpu.pack_format<interleaved>} : vector<32xbf16> -> vector<16xf32>
      %parallel_loop3A_63 = tpu.unpack_subelements %parallel_loop3A_61, 1 {pack_format = #tpu.pack_format<interleaved>} : vector<32xbf16> -> vector<16xf32>
      %parallel_loop3A_64 = arith.addf %parallel_loop3A_32, %parallel_loop3A_62 : vector<16xf32>
      %parallel_loop3A_65 = arith.addf %parallel_loop3A_33, %parallel_loop3A_63 : vector<16xf32>
      %parallel_loop3A_66 = vector.extract_strided_slice %parallel_loop3A_10 {offsets = [6], sizes = [1], strides = [1]} : vector<16xi32> to vector<1xi32>
      %parallel_loop3A_67 = vector.extract %parallel_loop3A_66[0] : i32 from vector<1xi32>
      %parallel_loop3A_68 = arith.index_cast %parallel_loop3A_67 : i32 to index
      %parallel_loop3A_69 = tpu.vector_load %arg7[%parallel_loop3A_68] {strides = array<i32>} : memref<16000xi32, #tpu.memory_space<vmem>>, vector<16xi32>,
      %parallel_loop3A_70 = vector.bitcast %parallel_loop3A_69 : vector<16xi32> to vector<32xbf16>
      %parallel_loop3A_71 = tpu.unpack_subelements %parallel_loop3A_70, 0 {pack_format = #tpu.pack_format<interleaved>} : vector<32xbf16> -> vector<16xf32>
      %parallel_loop3A_72 = tpu.unpack_subelements %parallel_loop3A_70, 1 {pack_format = #tpu.pack_format<interleaved>} : vector<32xbf16> -> vector<16xf32>
      %parallel_loop3A_73 = arith.addf %parallel_loop3A_39, %parallel_loop3A_71 : vector<16xf32>
      %parallel_loop3A_74 = arith.addf %parallel_loop3A_40, %parallel_loop3A_72 : vector<16xf32>
      %parallel_loop3A_75 = vector.extract_strided_slice %parallel_loop3A_10 {offsets = [7], sizes = [1], strides = [1]} : vector<16xi32> to vector<1xi32>
      %parallel_loop3A_76 = vector.extract %parallel_loop3A_75[0] : i32 from vector<1xi32>
      %parallel_loop3A_77 = arith.index_cast %parallel_loop3A_76 : i32 to index
      %parallel_loop3A_78 = tpu.vector_load %arg7[%parallel_loop3A_77] {strides = array<i32>} : memref<16000xi32, #tpu.memory_space<vmem>>, vector<16xi32>,
      %parallel_loop3A_79 = vector.bitcast %parallel_loop3A_78 : vector<16xi32> to vector<32xbf16>
      %parallel_loop3A_80 = tpu.unpack_subelements %parallel_loop3A_79, 0 {pack_format = #tpu.pack_format<interleaved>} : vector<32xbf16> -> vector<16xf32>
      %parallel_loop3A_81 = tpu.unpack_subelements %parallel_loop3A_79, 1 {pack_format = #tpu.pack_format<interleaved>} : vector<32xbf16> -> vector<16xf32>
      %parallel_loop3A_82 = arith.addf %parallel_loop3A_46, %parallel_loop3A_80 : vector<16xf32>
      %parallel_loop3A_83 = arith.addf %parallel_loop3A_47, %parallel_loop3A_81 : vector<16xf32>
      %parallel_loop3A_84 = vector.extract_strided_slice %parallel_loop3A_10 {offsets = [8], sizes = [1], strides = [1]} : vector<16xi32> to vector<1xi32>
      %parallel_loop3A_85 = vector.extract %parallel_loop3A_84[0] : i32 from vector<1xi32>
      %parallel_loop3A_86 = arith.index_cast %parallel_loop3A_85 : i32 to index
      %parallel_loop3A_87 = tpu.vector_load %arg7[%parallel_loop3A_86] {strides = array<i32>} : memref<16000xi32, #tpu.memory_space<vmem>>, vector<16xi32>,
      %parallel_loop3A_88 = vector.bitcast %parallel_loop3A_87 : vector<16xi32> to vector<32xbf16>
      %parallel_loop3A_89 = tpu.unpack_subelements %parallel_loop3A_88, 0 {pack_format = #tpu.pack_format<interleaved>} : vector<32xbf16> -> vector<16xf32>
      %parallel_loop3A_90 = tpu.unpack_subelements %parallel_loop3A_88, 1 {pack_format = #tpu.pack_format<interleaved>} : vector<32xbf16> -> vector<16xf32>
      %parallel_loop3A_91 = arith.addf %parallel_loop3A_55, %parallel_loop3A_89 : vector<16xf32>
      %parallel_loop3A_92 = arith.addf %parallel_loop3A_56, %parallel_loop3A_90 : vector<16xf32>
      %parallel_loop3A_93 = vector.extract_strided_slice %parallel_loop3A_10 {offsets = [9], sizes = [1], strides = [1]} : vector<16xi32> to vector<1xi32>
      %parallel_loop3A_94 = vector.extract %parallel_loop3A_93[0] : i32 from vector<1xi32>
      %parallel_loop3A_95 = arith.index_cast %parallel_loop3A_94 : i32 to index
      %parallel_loop3A_96 = tpu.vector_load %arg7[%parallel_loop3A_95] {strides = array<i32>} : memref<16000xi32, #tpu.memory_space<vmem>>, vector<16xi32>,
      %parallel_loop3A_97 = vector.bitcast %parallel_loop3A_96 : vector<16xi32> to vector<32xbf16>
      %parallel_loop3A_98 = tpu.unpack_subelements %parallel_loop3A_97, 0 {pack_format = #tpu.pack_format<interleaved>} : vector<32xbf16> -> vector<16xf32>
      %parallel_loop3A_99 = tpu.unpack_subelements %parallel_loop3A_97, 1 {pack_format = #tpu.pack_format<interleaved>} : vector<32xbf16> -> vector<16xf32>
      %parallel_loop3A_100 = arith.addf %parallel_loop3A_64, %parallel_loop3A_98 : vector<16xf32>
      %parallel_loop3A_101 = arith.addf %parallel_loop3A_65, %parallel_loop3A_99 : vector<16xf32>
      %parallel_loop3A_102 = vector.extract_strided_slice %parallel_loop3A_10 {offsets = [10], sizes = [1], strides = [1]} : vector<16xi32> to vector<1xi32>
      %parallel_loop3A_103 = vector.extract %parallel_loop3A_102[0] : i32 from vector<1xi32>
      %parallel_loop3A_104 = arith.index_cast %parallel_loop3A_103 : i32 to index
      %parallel_loop3A_105 = tpu.vector_load %arg7[%parallel_loop3A_104] {strides = array<i32>} : memref<16000xi32, #tpu.memory_space<vmem>>, vector<16xi32>,
      %parallel_loop3A_106 = vector.bitcast %parallel_loop3A_105 : vector<16xi32> to vector<32xbf16>
      %parallel_loop3A_107 = tpu.unpack_subelements %parallel_loop3A_106, 0 {pack_format = #tpu.pack_format<interleaved>} : vector<32xbf16> -> vector<16xf32>
      %parallel_loop3A_108 = tpu.unpack_subelements %parallel_loop3A_106, 1 {pack_format = #tpu.pack_format<interleaved>} : vector<32xbf16> -> vector<16xf32>
      %parallel_loop3A_109 = arith.addf %parallel_loop3A_73, %parallel_loop3A_107 : vector<16xf32>
      %parallel_loop3A_110 = arith.addf %parallel_loop3A_74, %parallel_loop3A_108 : vector<16xf32>
      %parallel_loop3A_111 = vector.extract_strided_slice %parallel_loop3A_10 {offsets = [11], sizes = [1], strides = [1]} : vector<16xi32> to vector<1xi32>
      %parallel_loop3A_112 = vector.extract %parallel_loop3A_111[0] : i32 from vector<1xi32>
      %parallel_loop3A_113 = arith.index_cast %parallel_loop3A_112 : i32 to index
      %parallel_loop3A_114 = tpu.vector_load %arg7[%parallel_loop3A_113] {strides = array<i32>} : memref<16000xi32, #tpu.memory_space<vmem>>, vector<16xi32>,
      %parallel_loop3A_115 = vector.bitcast %parallel_loop3A_114 : vector<16xi32> to vector<32xbf16>
      %parallel_loop3A_116 = tpu.unpack_subelements %parallel_loop3A_115, 0 {pack_format = #tpu.pack_format<interleaved>} : vector<32xbf16> -> vector<16xf32>
      %parallel_loop3A_117 = tpu.unpack_subelements %parallel_loop3A_115, 1 {pack_format = #tpu.pack_format<interleaved>} : vector<32xbf16> -> vector<16xf32>
      %parallel_loop3A_118 = arith.addf %parallel_loop3A_82, %parallel_loop3A_116 : vector<16xf32>
      %parallel_loop3A_119 = arith.addf %parallel_loop3A_83, %parallel_loop3A_117 : vector<16xf32>
      %parallel_loop3A_120 = vector.extract_strided_slice %parallel_loop3A_10 {offsets = [12], sizes = [1], strides = [1]} : vector<16xi32> to vector<1xi32>
      %parallel_loop3A_121 = vector.extract %parallel_loop3A_120[0] : i32 from vector<1xi32>
      %parallel_loop3A_122 = arith.index_cast %parallel_loop3A_121 : i32 to index
      %parallel_loop3A_123 = tpu.vector_load %arg7[%parallel_loop3A_122] {strides = array<i32>} : memref<16000xi32, #tpu.memory_space<vmem>>, vector<16xi32>,
      %parallel_loop3A_124 = vector.bitcast %parallel_loop3A_123 : vector<16xi32> to vector<32xbf16>
      %parallel_loop3A_125 = tpu.unpack_subelements %parallel_loop3A_124, 0 {pack_format = #tpu.pack_format<interleaved>} : vector<32xbf16> -> vector<16xf32>
      %parallel_loop3A_126 = tpu.unpack_subelements %parallel_loop3A_124, 1 {pack_format = #tpu.pack_format<interleaved>} : vector<32xbf16> -> vector<16xf32>
      %parallel_loop3A_127 = arith.addf %parallel_loop3A_91, %parallel_loop3A_125 : vector<16xf32>
      %parallel_loop3A_128 = arith.addf %parallel_loop3A_92, %parallel_loop3A_126 : vector<16xf32>
      %parallel_loop3A_129 = vector.extract_strided_slice %parallel_loop3A_10 {offsets = [13], sizes = [1], strides = [1]} : vector<16xi32> to vector<1xi32>
      %parallel_loop3A_130 = vector.extract %parallel_loop3A_129[0] : i32 from vector<1xi32>
      %parallel_loop3A_131 = arith.index_cast %parallel_loop3A_130 : i32 to index
      %parallel_loop3A_132 = tpu.vector_load %arg7[%parallel_loop3A_131] {strides = array<i32>} : memref<16000xi32, #tpu.memory_space<vmem>>, vector<16xi32>,
      %parallel_loop3A_133 = vector.bitcast %parallel_loop3A_132 : vector<16xi32> to vector<32xbf16>
      %parallel_loop3A_134 = tpu.unpack_subelements %parallel_loop3A_133, 0 {pack_format = #tpu.pack_format<interleaved>} : vector<32xbf16> -> vector<16xf32>
      %parallel_loop3A_135 = tpu.unpack_subelements %parallel_loop3A_133, 1 {pack_format = #tpu.pack_format<interleaved>} : vector<32xbf16> -> vector<16xf32>
      %parallel_loop3A_136 = arith.addf %parallel_loop3A_100, %parallel_loop3A_134 : vector<16xf32>
      %parallel_loop3A_137 = arith.addf %parallel_loop3A_101, %parallel_loop3A_135 : vector<16xf32>
      %parallel_loop3A_138 = vector.extract_strided_slice %parallel_loop3A_10 {offsets = [14], sizes = [1], strides = [1]} : vector<16xi32> to vector<1xi32>
      %parallel_loop3A_139 = vector.extract %parallel_loop3A_138[0] : i32 from vector<1xi32>
      %parallel_loop3A_140 = arith.index_cast %parallel_loop3A_139 : i32 to index
      %parallel_loop3A_141 = tpu.vector_load %arg7[%parallel_loop3A_140] {strides = array<i32>} : memref<16000xi32, #tpu.memory_space<vmem>>, vector<16xi32>,
      %parallel_loop3A_142 = vector.bitcast %parallel_loop3A_141 : vector<16xi32> to vector<32xbf16>
      %parallel_loop3A_143 = tpu.unpack_subelements %parallel_loop3A_142, 0 {pack_format = #tpu.pack_format<interleaved>} : vector<32xbf16> -> vector<16xf32>
      %parallel_loop3A_144 = tpu.unpack_subelements %parallel_loop3A_142, 1 {pack_format = #tpu.pack_format<interleaved>} : vector<32xbf16> -> vector<16xf32>
      %parallel_loop3A_145 = arith.addf %parallel_loop3A_109, %parallel_loop3A_143 : vector<16xf32>
      %parallel_loop3A_146 = arith.addf %parallel_loop3A_110, %parallel_loop3A_144 : vector<16xf32>
      %parallel_loop3A_147 = vector.extract_strided_slice %parallel_loop3A_10 {offsets = [15], sizes = [1], strides = [1]} : vector<16xi32> to vector<1xi32>
      %parallel_loop3A_148 = vector.extract %parallel_loop3A_147[0] : i32 from vector<1xi32>
      %parallel_loop3A_149 = arith.index_cast %parallel_loop3A_148 : i32 to index
      %parallel_loop3A_150 = tpu.vector_load %arg7[%parallel_loop3A_149] {strides = array<i32>} : memref<16000xi32, #tpu.memory_space<vmem>>, vector<16xi32>,
      %parallel_loop3A_151 = vector.bitcast %parallel_loop3A_150 : vector<16xi32> to vector<32xbf16>
      %parallel_loop3A_152 = tpu.unpack_subelements %parallel_loop3A_151, 0 {pack_format = #tpu.pack_format<interleaved>} : vector<32xbf16> -> vector<16xf32>
      %parallel_loop3A_153 = tpu.unpack_subelements %parallel_loop3A_151, 1 {pack_format = #tpu.pack_format<interleaved>} : vector<32xbf16> -> vector<16xf32>
      %parallel_loop3A_154 = arith.addf %parallel_loop3A_118, %parallel_loop3A_152 : vector<16xf32>
      %parallel_loop3A_155 = arith.addf %parallel_loop3A_119, %parallel_loop3A_153 : vector<16xf32>
      %parallel_loop3A_156 = vector.extract_strided_slice %parallel_loop3A_19 {offsets = [12], sizes = [1], strides = [1]} : vector<16xi32> to vector<1xi32>
      %parallel_loop3A_157 = vector.extract %parallel_loop3A_156[0] : i32 from vector<1xi32>
      %parallel_loop3A_158 = arith.index_cast %parallel_loop3A_157 : i32 to index
      %parallel_loop3A_159 = tpu.vector_load %arg7[%parallel_loop3A_158] {strides = array<i32>} : memref<16000xi32, #tpu.memory_space<vmem>>, vector<16xi32>,
      %parallel_loop3A_160 = vector.bitcast %parallel_loop3A_159 : vector<16xi32> to vector<32xbf16>
      %parallel_loop3A_161 = tpu.unpack_subelements %parallel_loop3A_160, 0 {pack_format = #tpu.pack_format<interleaved>} : vector<32xbf16> -> vector<16xf32>
      %parallel_loop3A_162 = tpu.unpack_subelements %parallel_loop3A_160, 1 {pack_format = #tpu.pack_format<interleaved>} : vector<32xbf16> -> vector<16xf32>
      %parallel_loop3A_163 = arith.addf %parallel_loop3A_127, %parallel_loop3A_161 : vector<16xf32>
      %parallel_loop3A_164 = arith.addf %parallel_loop3A_128, %parallel_loop3A_162 : vector<16xf32>
      %parallel_loop3A_165 = vector.extract_strided_slice %parallel_loop3A_19 {offsets = [13], sizes = [1], strides = [1]} : vector<16xi32> to vector<1xi32>
      %parallel_loop3A_166 = vector.extract %parallel_loop3A_165[0] : i32 from vector<1xi32>
      %parallel_loop3A_167 = arith.index_cast %parallel_loop3A_166 : i32 to index
      %parallel_loop3A_168 = tpu.vector_load %arg7[%parallel_loop3A_167] {strides = array<i32>} : memref<16000xi32, #tpu.memory_space<vmem>>, vector<16xi32>,
      %parallel_loop3A_169 = vector.bitcast %parallel_loop3A_168 : vector<16xi32> to vector<32xbf16>
      %parallel_loop3A_170 = tpu.unpack_subelements %parallel_loop3A_169, 0 {pack_format = #tpu.pack_format<interleaved>} : vector<32xbf16> -> vector<16xf32>
      %parallel_loop3A_171 = tpu.unpack_subelements %parallel_loop3A_169, 1 {pack_format = #tpu.pack_format<interleaved>} : vector<32xbf16> -> vector<16xf32>
      %parallel_loop3A_172 = arith.addf %parallel_loop3A_136, %parallel_loop3A_170 : vector<16xf32>
      %parallel_loop3A_173 = arith.addf %parallel_loop3A_137, %parallel_loop3A_171 : vector<16xf32>
      %parallel_loop3A_174 = vector.extract_strided_slice %parallel_loop3A_19 {offsets = [14], sizes = [1], strides = [1]} : vector<16xi32> to vector<1xi32>
      %parallel_loop3A_175 = vector.extract %parallel_loop3A_174[0] : i32 from vector<1xi32>
      %parallel_loop3A_176 = arith.index_cast %parallel_loop3A_175 : i32 to index
      %parallel_loop3A_177 = tpu.vector_load %arg7[%parallel_loop3A_176] {strides = array<i32>} : memref<16000xi32, #tpu.memory_space<vmem>>, vector<16xi32>,
      %parallel_loop3A_178 = vector.bitcast %parallel_loop3A_177 : vector<16xi32> to vector<32xbf16>
      %parallel_loop3A_179 = tpu.unpack_subelements %parallel_loop3A_178, 0 {pack_format = #tpu.pack_format<interleaved>} : vector<32xbf16> -> vector<16xf32>
      %parallel_loop3A_180 = tpu.unpack_subelements %parallel_loop3A_178, 1 {pack_format = #tpu.pack_format<interleaved>} : vector<32xbf16> -> vector<16xf32>
      %parallel_loop3A_181 = arith.addf %parallel_loop3A_145, %parallel_loop3A_179 : vector<16xf32>
      %parallel_loop3A_182 = arith.addf %parallel_loop3A_146, %parallel_loop3A_180 : vector<16xf32>
      %parallel_loop3A_183 = vector.extract_strided_slice %parallel_loop3A_19 {offsets = [15], sizes = [1], strides = [1]} : vector<16xi32> to vector<1xi32>
      %parallel_loop3A_184 = vector.extract %parallel_loop3A_183[0] : i32 from vector<1xi32>
      %parallel_loop3A_185 = arith.index_cast %parallel_loop3A_184 : i32 to index
      %parallel_loop3A_186 = tpu.vector_load %arg7[%parallel_loop3A_185] {strides = array<i32>} : memref<16000xi32, #tpu.memory_space<vmem>>, vector<16xi32>,
      %parallel_loop3A_187 = vector.bitcast %parallel_loop3A_186 : vector<16xi32> to vector<32xbf16>
      %parallel_loop3A_188 = tpu.unpack_subelements %parallel_loop3A_187, 0 {pack_format = #tpu.pack_format<interleaved>} : vector<32xbf16> -> vector<16xf32>
      %parallel_loop3A_189 = tpu.unpack_subelements %parallel_loop3A_187, 1 {pack_format = #tpu.pack_format<interleaved>} : vector<32xbf16> -> vector<16xf32>
      %parallel_loop3A_190 = arith.addf %parallel_loop3A_154, %parallel_loop3A_188 : vector<16xf32>
      %parallel_loop3A_191 = arith.addf %parallel_loop3A_155, %parallel_loop3A_189 : vector<16xf32>
      %parallel_loop3A_192 = arith.addf %parallel_loop3A_163, %parallel_loop3A_172 : vector<16xf32>
      %parallel_loop3A_193 = arith.addf %parallel_loop3A_181, %parallel_loop3A_190 : vector<16xf32>
      %parallel_loop3A_194 = arith.addf %parallel_loop3A_192, %parallel_loop3A_193 : vector<16xf32>
      %parallel_loop3A_195 = arith.addf %parallel_loop3A_164, %parallel_loop3A_173 : vector<16xf32>
      %parallel_loop3A_196 = arith.addf %parallel_loop3A_182, %parallel_loop3A_191 : vector<16xf32>
      %parallel_loop3A_197 = arith.addf %parallel_loop3A_195, %parallel_loop3A_196 : vector<16xf32>
      %parallel_loop3A_198 = arith.index_cast %parallel_loop3A_3 : i32 to index
      %parallel_loop3A_199 = arith.constant 0 : index
      %parallel_loop3A_200 = tpu.vector_load %arg11[%parallel_loop3A_198, %parallel_loop3A_199] {strides = array<i32>} : memref<256x64xf32, #tpu.memory_space<vmem>>, vector<16xf32>,
      tpu.vector_store %arg11[%parallel_loop3A_198, %parallel_loop3A_199], %parallel_loop3A_194 {strides = array<i32>} : memref<256x64xf32, #tpu.memory_space<vmem>>, vector<16xf32>,
      %parallel_loop3A_201 = arith.index_cast %parallel_loop3A_3 : i32 to index
      %parallel_loop3A_202 = arith.constant 16 : index
      %parallel_loop3A_203 = tpu.vector_load %arg11[%parallel_loop3A_201, %parallel_loop3A_202] {strides = array<i32>} : memref<256x64xf32, #tpu.memory_space<vmem>>, vector<16xf32>,
      tpu.vector_store %arg11[%parallel_loop3A_201, %parallel_loop3A_202], %parallel_loop3A_197 {strides = array<i32>} : memref<256x64xf32, #tpu.memory_space<vmem>>, vector<16xf32>,
      %parallel_loop3A_204 = arith.index_cast %parallel_loop3A_5 : i32 to index
      %parallel_loop3A_205 = tpu.vector_load %arg10[%parallel_loop3A_204] {strides = array<i32>} : memref<5120xi32, #tpu.memory_space<vmem>>, vector<16xi32>,
      %parallel_loop3A_206 = arith.constant 16 : i32
      %parallel_loop3A_207 = vector.broadcast %parallel_loop3A_206 : i32 to vector<16xi32>
      %parallel_loop3A_208 = arith.muli %parallel_loop3A_205, %parallel_loop3A_207 : vector<16xi32>
      %parallel_loop3A_209 = arith.constant 20 : i32
      %parallel_loop3A_210 = arith.addi %parallel_loop3A_5, %parallel_loop3A_209 : i32
      %parallel_loop3A_211 = arith.constant 16 : i32
      %parallel_loop3A_212 = arith.subi %parallel_loop3A_210, %parallel_loop3A_211 : i32
      %parallel_loop3A_213 = arith.index_cast %parallel_loop3A_212 : i32 to index
      %parallel_loop3A_214 = tpu.vector_load %arg10[%parallel_loop3A_213] {strides = array<i32>} : memref<5120xi32, #tpu.memory_space<vmem>>, vector<16xi32>,
      %parallel_loop3A_215 = arith.constant 16 : i32
      %parallel_loop3A_216 = vector.broadcast %parallel_loop3A_215 : i32 to vector<16xi32>
      %parallel_loop3A_217 = arith.muli %parallel_loop3A_214, %parallel_loop3A_216 : vector<16xi32>
      %parallel_loop3A_218 = vector.extract_strided_slice %parallel_loop3A_208 {offsets = [0], sizes = [1], strides = [1]} : vector<16xi32> to vector<1xi32>
      %parallel_loop3A_219 = vector.extract %parallel_loop3A_218[0] : i32 from vector<1xi32>
      %parallel_loop3A_220 = arith.index_cast %parallel_loop3A_219 : i32 to index
      %parallel_loop3A_221 = tpu.vector_load %arg8[%parallel_loop3A_220] {strides = array<i32>} : memref<16000xi32, #tpu.memory_space<vmem>>, vector<16xi32>,
      %parallel_loop3A_222 = vector.bitcast %parallel_loop3A_221 : vector<16xi32> to vector<32xbf16>
      %parallel_loop3A_223 = tpu.unpack_subelements %parallel_loop3A_222, 0 {pack_format = #tpu.pack_format<interleaved>} : vector<32xbf16> -> vector<16xf32>
      %parallel_loop3A_224 = tpu.unpack_subelements %parallel_loop3A_222, 1 {pack_format = #tpu.pack_format<interleaved>} : vector<32xbf16> -> vector<16xf32>
      %parallel_loop3A_225 = vector.extract_strided_slice %parallel_loop3A_208 {offsets = [1], sizes = [1], strides = [1]} : vector<16xi32> to vector<1xi32>
      %parallel_loop3A_226 = vector.extract %parallel_loop3A_225[0] : i32 from vector<1xi32>
      %parallel_loop3A_227 = arith.index_cast %parallel_loop3A_226 : i32 to index
      %parallel_loop3A_228 = tpu.vector_load %arg8[%parallel_loop3A_227] {strides = array<i32>} : memref<16000xi32, #tpu.memory_space<vmem>>, vector<16xi32>,
      %parallel_loop3A_229 = vector.bitcast %parallel_loop3A_228 : vector<16xi32> to vector<32xbf16>
      %parallel_loop3A_230 = tpu.unpack_subelements %parallel_loop3A_229, 0 {pack_format = #tpu.pack_format<interleaved>} : vector<32xbf16> -> vector<16xf32>
      %parallel_loop3A_231 = tpu.unpack_subelements %parallel_loop3A_229, 1 {pack_format = #tpu.pack_format<interleaved>} : vector<32xbf16> -> vector<16xf32>
      %parallel_loop3A_232 = vector.extract_strided_slice %parallel_loop3A_208 {offsets = [2], sizes = [1], strides = [1]} : vector<16xi32> to vector<1xi32>
      %parallel_loop3A_233 = vector.extract %parallel_loop3A_232[0] : i32 from vector<1xi32>
      %parallel_loop3A_234 = arith.index_cast %parallel_loop3A_233 : i32 to index
      %parallel_loop3A_235 = tpu.vector_load %arg8[%parallel_loop3A_234] {strides = array<i32>} : memref<16000xi32, #tpu.memory_space<vmem>>, vector<16xi32>,
      %parallel_loop3A_236 = vector.bitcast %parallel_loop3A_235 : vector<16xi32> to vector<32xbf16>
      %parallel_loop3A_237 = tpu.unpack_subelements %parallel_loop3A_236, 0 {pack_format = #tpu.pack_format<interleaved>} : vector<32xbf16> -> vector<16xf32>
      %parallel_loop3A_238 = tpu.unpack_subelements %parallel_loop3A_236, 1 {pack_format = #tpu.pack_format<interleaved>} : vector<32xbf16> -> vector<16xf32>
      %parallel_loop3A_239 = vector.extract_strided_slice %parallel_loop3A_208 {offsets = [3], sizes = [1], strides = [1]} : vector<16xi32> to vector<1xi32>
      %parallel_loop3A_240 = vector.extract %parallel_loop3A_239[0] : i32 from vector<1xi32>
      %parallel_loop3A_241 = arith.index_cast %parallel_loop3A_240 : i32 to index
      %parallel_loop3A_242 = tpu.vector_load %arg8[%parallel_loop3A_241] {strides = array<i32>} : memref<16000xi32, #tpu.memory_space<vmem>>, vector<16xi32>,
      %parallel_loop3A_243 = vector.bitcast %parallel_loop3A_242 : vector<16xi32> to vector<32xbf16>
      %parallel_loop3A_244 = tpu.unpack_subelements %parallel_loop3A_243, 0 {pack_format = #tpu.pack_format<interleaved>} : vector<32xbf16> -> vector<16xf32>
      %parallel_loop3A_245 = tpu.unpack_subelements %parallel_loop3A_243, 1 {pack_format = #tpu.pack_format<interleaved>} : vector<32xbf16> -> vector<16xf32>
      %parallel_loop3A_246 = vector.extract_strided_slice %parallel_loop3A_208 {offsets = [4], sizes = [1], strides = [1]} : vector<16xi32> to vector<1xi32>
      %parallel_loop3A_247 = vector.extract %parallel_loop3A_246[0] : i32 from vector<1xi32>
      %parallel_loop3A_248 = arith.index_cast %parallel_loop3A_247 : i32 to index
      %parallel_loop3A_249 = tpu.vector_load %arg8[%parallel_loop3A_248] {strides = array<i32>} : memref<16000xi32, #tpu.memory_space<vmem>>, vector<16xi32>,
      %parallel_loop3A_250 = vector.bitcast %parallel_loop3A_249 : vector<16xi32> to vector<32xbf16>
      %parallel_loop3A_251 = tpu.unpack_subelements %parallel_loop3A_250, 0 {pack_format = #tpu.pack_format<interleaved>} : vector<32xbf16> -> vector<16xf32>
      %parallel_loop3A_252 = tpu.unpack_subelements %parallel_loop3A_250, 1 {pack_format = #tpu.pack_format<interleaved>} : vector<32xbf16> -> vector<16xf32>
      %parallel_loop3A_253 = arith.addf %parallel_loop3A_223, %parallel_loop3A_251 : vector<16xf32>
      %parallel_loop3A_254 = arith.addf %parallel_loop3A_224, %parallel_loop3A_252 : vector<16xf32>
      %parallel_loop3A_255 = vector.extract_strided_slice %parallel_loop3A_208 {offsets = [5], sizes = [1], strides = [1]} : vector<16xi32> to vector<1xi32>
      %parallel_loop3A_256 = vector.extract %parallel_loop3A_255[0] : i32 from vector<1xi32>
      %parallel_loop3A_257 = arith.index_cast %parallel_loop3A_256 : i32 to index
      %parallel_loop3A_258 = tpu.vector_load %arg8[%parallel_loop3A_257] {strides = array<i32>} : memref<16000xi32, #tpu.memory_space<vmem>>, vector<16xi32>,
      %parallel_loop3A_259 = vector.bitcast %parallel_loop3A_258 : vector<16xi32> to vector<32xbf16>
      %parallel_loop3A_260 = tpu.unpack_subelements %parallel_loop3A_259, 0 {pack_format = #tpu.pack_format<interleaved>} : vector<32xbf16> -> vector<16xf32>
      %parallel_loop3A_261 = tpu.unpack_subelements %parallel_loop3A_259, 1 {pack_format = #tpu.pack_format<interleaved>} : vector<32xbf16> -> vector<16xf32>
      %parallel_loop3A_262 = arith.addf %parallel_loop3A_230, %parallel_loop3A_260 : vector<16xf32>
      %parallel_loop3A_263 = arith.addf %parallel_loop3A_231, %parallel_loop3A_261 : vector<16xf32>
      %parallel_loop3A_264 = vector.extract_strided_slice %parallel_loop3A_208 {offsets = [6], sizes = [1], strides = [1]} : vector<16xi32> to vector<1xi32>
      %parallel_loop3A_265 = vector.extract %parallel_loop3A_264[0] : i32 from vector<1xi32>
      %parallel_loop3A_266 = arith.index_cast %parallel_loop3A_265 : i32 to index
      %parallel_loop3A_267 = tpu.vector_load %arg8[%parallel_loop3A_266] {strides = array<i32>} : memref<16000xi32, #tpu.memory_space<vmem>>, vector<16xi32>,
      %parallel_loop3A_268 = vector.bitcast %parallel_loop3A_267 : vector<16xi32> to vector<32xbf16>
      %parallel_loop3A_269 = tpu.unpack_subelements %parallel_loop3A_268, 0 {pack_format = #tpu.pack_format<interleaved>} : vector<32xbf16> -> vector<16xf32>
      %parallel_loop3A_270 = tpu.unpack_subelements %parallel_loop3A_268, 1 {pack_format = #tpu.pack_format<interleaved>} : vector<32xbf16> -> vector<16xf32>
      %parallel_loop3A_271 = arith.addf %parallel_loop3A_237, %parallel_loop3A_269 : vector<16xf32>
      %parallel_loop3A_272 = arith.addf %parallel_loop3A_238, %parallel_loop3A_270 : vector<16xf32>
      %parallel_loop3A_273 = vector.extract_strided_slice %parallel_loop3A_208 {offsets = [7], sizes = [1], strides = [1]} : vector<16xi32> to vector<1xi32>
      %parallel_loop3A_274 = vector.extract %parallel_loop3A_273[0] : i32 from vector<1xi32>
      %parallel_loop3A_275 = arith.index_cast %parallel_loop3A_274 : i32 to index
      %parallel_loop3A_276 = tpu.vector_load %arg8[%parallel_loop3A_275] {strides = array<i32>} : memref<16000xi32, #tpu.memory_space<vmem>>, vector<16xi32>,
      %parallel_loop3A_277 = vector.bitcast %parallel_loop3A_276 : vector<16xi32> to vector<32xbf16>
      %parallel_loop3A_278 = tpu.unpack_subelements %parallel_loop3A_277, 0 {pack_format = #tpu.pack_format<interleaved>} : vector<32xbf16> -> vector<16xf32>
      %parallel_loop3A_279 = tpu.unpack_subelements %parallel_loop3A_277, 1 {pack_format = #tpu.pack_format<interleaved>} : vector<32xbf16> -> vector<16xf32>
      %parallel_loop3A_280 = arith.addf %parallel_loop3A_244, %parallel_loop3A_278 : vector<16xf32>
      %parallel_loop3A_281 = arith.addf %parallel_loop3A_245, %parallel_loop3A_279 : vector<16xf32>
      %parallel_loop3A_282 = vector.extract_strided_slice %parallel_loop3A_208 {offsets = [8], sizes = [1], strides = [1]} : vector<16xi32> to vector<1xi32>
      %parallel_loop3A_283 = vector.extract %parallel_loop3A_282[0] : i32 from vector<1xi32>
      %parallel_loop3A_284 = arith.index_cast %parallel_loop3A_283 : i32 to index
      %parallel_loop3A_285 = tpu.vector_load %arg8[%parallel_loop3A_284] {strides = array<i32>} : memref<16000xi32, #tpu.memory_space<vmem>>, vector<16xi32>,
      %parallel_loop3A_286 = vector.bitcast %parallel_loop3A_285 : vector<16xi32> to vector<32xbf16>
      %parallel_loop3A_287 = tpu.unpack_subelements %parallel_loop3A_286, 0 {pack_format = #tpu.pack_format<interleaved>} : vector<32xbf16> -> vector<16xf32>
      %parallel_loop3A_288 = tpu.unpack_subelements %parallel_loop3A_286, 1 {pack_format = #tpu.pack_format<interleaved>} : vector<32xbf16> -> vector<16xf32>
      %parallel_loop3A_289 = arith.addf %parallel_loop3A_253, %parallel_loop3A_287 : vector<16xf32>
      %parallel_loop3A_290 = arith.addf %parallel_loop3A_254, %parallel_loop3A_288 : vector<16xf32>
      %parallel_loop3A_291 = vector.extract_strided_slice %parallel_loop3A_208 {offsets = [9], sizes = [1], strides = [1]} : vector<16xi32> to vector<1xi32>
      %parallel_loop3A_292 = vector.extract %parallel_loop3A_291[0] : i32 from vector<1xi32>
      %parallel_loop3A_293 = arith.index_cast %parallel_loop3A_292 : i32 to index
      %parallel_loop3A_294 = tpu.vector_load %arg8[%parallel_loop3A_293] {strides = array<i32>} : memref<16000xi32, #tpu.memory_space<vmem>>, vector<16xi32>,
      %parallel_loop3A_295 = vector.bitcast %parallel_loop3A_294 : vector<16xi32> to vector<32xbf16>
      %parallel_loop3A_296 = tpu.unpack_subelements %parallel_loop3A_295, 0 {pack_format = #tpu.pack_format<interleaved>} : vector<32xbf16> -> vector<16xf32>
      %parallel_loop3A_297 = tpu.unpack_subelements %parallel_loop3A_295, 1 {pack_format = #tpu.pack_format<interleaved>} : vector<32xbf16> -> vector<16xf32>
      %parallel_loop3A_298 = arith.addf %parallel_loop3A_262, %parallel_loop3A_296 : vector<16xf32>
      %parallel_loop3A_299 = arith.addf %parallel_loop3A_263, %parallel_loop3A_297 : vector<16xf32>
      %parallel_loop3A_300 = vector.extract_strided_slice %parallel_loop3A_208 {offsets = [10], sizes = [1], strides = [1]} : vector<16xi32> to vector<1xi32>
      %parallel_loop3A_301 = vector.extract %parallel_loop3A_300[0] : i32 from vector<1xi32>
      %parallel_loop3A_302 = arith.index_cast %parallel_loop3A_301 : i32 to index
      %parallel_loop3A_303 = tpu.vector_load %arg8[%parallel_loop3A_302] {strides = array<i32>} : memref<16000xi32, #tpu.memory_space<vmem>>, vector<16xi32>,
      %parallel_loop3A_304 = vector.bitcast %parallel_loop3A_303 : vector<16xi32> to vector<32xbf16>
      %parallel_loop3A_305 = tpu.unpack_subelements %parallel_loop3A_304, 0 {pack_format = #tpu.pack_format<interleaved>} : vector<32xbf16> -> vector<16xf32>
      %parallel_loop3A_306 = tpu.unpack_subelements %parallel_loop3A_304, 1 {pack_format = #tpu.pack_format<interleaved>} : vector<32xbf16> -> vector<16xf32>
      %parallel_loop3A_307 = arith.addf %parallel_loop3A_271, %parallel_loop3A_305 : vector<16xf32>
      %parallel_loop3A_308 = arith.addf %parallel_loop3A_272, %parallel_loop3A_306 : vector<16xf32>
      %parallel_loop3A_309 = vector.extract_strided_slice %parallel_loop3A_208 {offsets = [11], sizes = [1], strides = [1]} : vector<16xi32> to vector<1xi32>
      %parallel_loop3A_310 = vector.extract %parallel_loop3A_309[0] : i32 from vector<1xi32>
      %parallel_loop3A_311 = arith.index_cast %parallel_loop3A_310 : i32 to index
      %parallel_loop3A_312 = tpu.vector_load %arg8[%parallel_loop3A_311] {strides = array<i32>} : memref<16000xi32, #tpu.memory_space<vmem>>, vector<16xi32>,
      %parallel_loop3A_313 = vector.bitcast %parallel_loop3A_312 : vector<16xi32> to vector<32xbf16>
      %parallel_loop3A_314 = tpu.unpack_subelements %parallel_loop3A_313, 0 {pack_format = #tpu.pack_format<interleaved>} : vector<32xbf16> -> vector<16xf32>
      %parallel_loop3A_315 = tpu.unpack_subelements %parallel_loop3A_313, 1 {pack_format = #tpu.pack_format<interleaved>} : vector<32xbf16> -> vector<16xf32>
      %parallel_loop3A_316 = arith.addf %parallel_loop3A_280, %parallel_loop3A_314 : vector<16xf32>
      %parallel_loop3A_317 = arith.addf %parallel_loop3A_281, %parallel_loop3A_315 : vector<16xf32>
      %parallel_loop3A_318 = vector.extract_strided_slice %parallel_loop3A_208 {offsets = [12], sizes = [1], strides = [1]} : vector<16xi32> to vector<1xi32>
      %parallel_loop3A_319 = vector.extract %parallel_loop3A_318[0] : i32 from vector<1xi32>
      %parallel_loop3A_320 = arith.index_cast %parallel_loop3A_319 : i32 to index
      %parallel_loop3A_321 = tpu.vector_load %arg8[%parallel_loop3A_320] {strides = array<i32>} : memref<16000xi32, #tpu.memory_space<vmem>>, vector<16xi32>,
      %parallel_loop3A_322 = vector.bitcast %parallel_loop3A_321 : vector<16xi32> to vector<32xbf16>
      %parallel_loop3A_323 = tpu.unpack_subelements %parallel_loop3A_322, 0 {pack_format = #tpu.pack_format<interleaved>} : vector<32xbf16> -> vector<16xf32>
      %parallel_loop3A_324 = tpu.unpack_subelements %parallel_loop3A_322, 1 {pack_format = #tpu.pack_format<interleaved>} : vector<32xbf16> -> vector<16xf32>
      %parallel_loop3A_325 = arith.addf %parallel_loop3A_289, %parallel_loop3A_323 : vector<16xf32>
      %parallel_loop3A_326 = arith.addf %parallel_loop3A_290, %parallel_loop3A_324 : vector<16xf32>
      %parallel_loop3A_327 = vector.extract_strided_slice %parallel_loop3A_208 {offsets = [13], sizes = [1], strides = [1]} : vector<16xi32> to vector<1xi32>
      %parallel_loop3A_328 = vector.extract %parallel_loop3A_327[0] : i32 from vector<1xi32>
      %parallel_loop3A_329 = arith.index_cast %parallel_loop3A_328 : i32 to index
      %parallel_loop3A_330 = tpu.vector_load %arg8[%parallel_loop3A_329] {strides = array<i32>} : memref<16000xi32, #tpu.memory_space<vmem>>, vector<16xi32>,
      %parallel_loop3A_331 = vector.bitcast %parallel_loop3A_330 : vector<16xi32> to vector<32xbf16>
      %parallel_loop3A_332 = tpu.unpack_subelements %parallel_loop3A_331, 0 {pack_format = #tpu.pack_format<interleaved>} : vector<32xbf16> -> vector<16xf32>
      %parallel_loop3A_333 = tpu.unpack_subelements %parallel_loop3A_331, 1 {pack_format = #tpu.pack_format<interleaved>} : vector<32xbf16> -> vector<16xf32>
      %parallel_loop3A_334 = arith.addf %parallel_loop3A_298, %parallel_loop3A_332 : vector<16xf32>
      %parallel_loop3A_335 = arith.addf %parallel_loop3A_299, %parallel_loop3A_333 : vector<16xf32>
      %parallel_loop3A_336 = vector.extract_strided_slice %parallel_loop3A_208 {offsets = [14], sizes = [1], strides = [1]} : vector<16xi32> to vector<1xi32>
      %parallel_loop3A_337 = vector.extract %parallel_loop3A_336[0] : i32 from vector<1xi32>
      %parallel_loop3A_338 = arith.index_cast %parallel_loop3A_337 : i32 to index
      %parallel_loop3A_339 = tpu.vector_load %arg8[%parallel_loop3A_338] {strides = array<i32>} : memref<16000xi32, #tpu.memory_space<vmem>>, vector<16xi32>,
      %parallel_loop3A_340 = vector.bitcast %parallel_loop3A_339 : vector<16xi32> to vector<32xbf16>
      %parallel_loop3A_341 = tpu.unpack_subelements %parallel_loop3A_340, 0 {pack_format = #tpu.pack_format<interleaved>} : vector<32xbf16> -> vector<16xf32>
      %parallel_loop3A_342 = tpu.unpack_subelements %parallel_loop3A_340, 1 {pack_format = #tpu.pack_format<interleaved>} : vector<32xbf16> -> vector<16xf32>
      %parallel_loop3A_343 = arith.addf %parallel_loop3A_307, %parallel_loop3A_341 : vector<16xf32>
      %parallel_loop3A_344 = arith.addf %parallel_loop3A_308, %parallel_loop3A_342 : vector<16xf32>
      %parallel_loop3A_345 = vector.extract_strided_slice %parallel_loop3A_208 {offsets = [15], sizes = [1], strides = [1]} : vector<16xi32> to vector<1xi32>
      %parallel_loop3A_346 = vector.extract %parallel_loop3A_345[0] : i32 from vector<1xi32>
      %parallel_loop3A_347 = arith.index_cast %parallel_loop3A_346 : i32 to index
      %parallel_loop3A_348 = tpu.vector_load %arg8[%parallel_loop3A_347] {strides = array<i32>} : memref<16000xi32, #tpu.memory_space<vmem>>, vector<16xi32>,
      %parallel_loop3A_349 = vector.bitcast %parallel_loop3A_348 : vector<16xi32> to vector<32xbf16>
      %parallel_loop3A_350 = tpu.unpack_subelements %parallel_loop3A_349, 0 {pack_format = #tpu.pack_format<interleaved>} : vector<32xbf16> -> vector<16xf32>
      %parallel_loop3A_351 = tpu.unpack_subelements %parallel_loop3A_349, 1 {pack_format = #tpu.pack_format<interleaved>} : vector<32xbf16> -> vector<16xf32>
      %parallel_loop3A_352 = arith.addf %parallel_loop3A_316, %parallel_loop3A_350 : vector<16xf32>
      %parallel_loop3A_353 = arith.addf %parallel_loop3A_317, %parallel_loop3A_351 : vector<16xf32>
      %parallel_loop3A_354 = vector.extract_strided_slice %parallel_loop3A_217 {offsets = [12], sizes = [1], strides = [1]} : vector<16xi32> to vector<1xi32>
      %parallel_loop3A_355 = vector.extract %parallel_loop3A_354[0] : i32 from vector<1xi32>
      %parallel_loop3A_356 = arith.index_cast %parallel_loop3A_355 : i32 to index
      %parallel_loop3A_357 = tpu.vector_load %arg8[%parallel_loop3A_356] {strides = array<i32>} : memref<16000xi32, #tpu.memory_space<vmem>>, vector<16xi32>,
      %parallel_loop3A_358 = vector.bitcast %parallel_loop3A_357 : vector<16xi32> to vector<32xbf16>
      %parallel_loop3A_359 = tpu.unpack_subelements %parallel_loop3A_358, 0 {pack_format = #tpu.pack_format<interleaved>} : vector<32xbf16> -> vector<16xf32>
      %parallel_loop3A_360 = tpu.unpack_subelements %parallel_loop3A_358, 1 {pack_format = #tpu.pack_format<interleaved>} : vector<32xbf16> -> vector<16xf32>
      %parallel_loop3A_361 = arith.addf %parallel_loop3A_325, %parallel_loop3A_359 : vector<16xf32>
      %parallel_loop3A_362 = arith.addf %parallel_loop3A_326, %parallel_loop3A_360 : vector<16xf32>
      %parallel_loop3A_363 = vector.extract_strided_slice %parallel_loop3A_217 {offsets = [13], sizes = [1], strides = [1]} : vector<16xi32> to vector<1xi32>
      %parallel_loop3A_364 = vector.extract %parallel_loop3A_363[0] : i32 from vector<1xi32>
      %parallel_loop3A_365 = arith.index_cast %parallel_loop3A_364 : i32 to index
      %parallel_loop3A_366 = tpu.vector_load %arg8[%parallel_loop3A_365] {strides = array<i32>} : memref<16000xi32, #tpu.memory_space<vmem>>, vector<16xi32>,
      %parallel_loop3A_367 = vector.bitcast %parallel_loop3A_366 : vector<16xi32> to vector<32xbf16>
      %parallel_loop3A_368 = tpu.unpack_subelements %parallel_loop3A_367, 0 {pack_format = #tpu.pack_format<interleaved>} : vector<32xbf16> -> vector<16xf32>
      %parallel_loop3A_369 = tpu.unpack_subelements %parallel_loop3A_367, 1 {pack_format = #tpu.pack_format<interleaved>} : vector<32xbf16> -> vector<16xf32>
      %parallel_loop3A_370 = arith.addf %parallel_loop3A_334, %parallel_loop3A_368 : vector<16xf32>
      %parallel_loop3A_371 = arith.addf %parallel_loop3A_335, %parallel_loop3A_369 : vector<16xf32>
      %parallel_loop3A_372 = vector.extract_strided_slice %parallel_loop3A_217 {offsets = [14], sizes = [1], strides = [1]} : vector<16xi32> to vector<1xi32>
      %parallel_loop3A_373 = vector.extract %parallel_loop3A_372[0] : i32 from vector<1xi32>
      %parallel_loop3A_374 = arith.index_cast %parallel_loop3A_373 : i32 to index
      %parallel_loop3A_375 = tpu.vector_load %arg8[%parallel_loop3A_374] {strides = array<i32>} : memref<16000xi32, #tpu.memory_space<vmem>>, vector<16xi32>,
      %parallel_loop3A_376 = vector.bitcast %parallel_loop3A_375 : vector<16xi32> to vector<32xbf16>
      %parallel_loop3A_377 = tpu.unpack_subelements %parallel_loop3A_376, 0 {pack_format = #tpu.pack_format<interleaved>} : vector<32xbf16> -> vector<16xf32>
      %parallel_loop3A_378 = tpu.unpack_subelements %parallel_loop3A_376, 1 {pack_format = #tpu.pack_format<interleaved>} : vector<32xbf16> -> vector<16xf32>
      %parallel_loop3A_379 = arith.addf %parallel_loop3A_343, %parallel_loop3A_377 : vector<16xf32>
      %parallel_loop3A_380 = arith.addf %parallel_loop3A_344, %parallel_loop3A_378 : vector<16xf32>
      %parallel_loop3A_381 = vector.extract_strided_slice %parallel_loop3A_217 {offsets = [15], sizes = [1], strides = [1]} : vector<16xi32> to vector<1xi32>
      %parallel_loop3A_382 = vector.extract %parallel_loop3A_381[0] : i32 from vector<1xi32>
      %parallel_loop3A_383 = arith.index_cast %parallel_loop3A_382 : i32 to index
      %parallel_loop3A_384 = tpu.vector_load %arg8[%parallel_loop3A_383] {strides = array<i32>} : memref<16000xi32, #tpu.memory_space<vmem>>, vector<16xi32>,
      %parallel_loop3A_385 = vector.bitcast %parallel_loop3A_384 : vector<16xi32> to vector<32xbf16>
      %parallel_loop3A_386 = tpu.unpack_subelements %parallel_loop3A_385, 0 {pack_format = #tpu.pack_format<interleaved>} : vector<32xbf16> -> vector<16xf32>
      %parallel_loop3A_387 = tpu.unpack_subelements %parallel_loop3A_385, 1 {pack_format = #tpu.pack_format<interleaved>} : vector<32xbf16> -> vector<16xf32>
      %parallel_loop3A_388 = arith.addf %parallel_loop3A_352, %parallel_loop3A_386 : vector<16xf32>
      %parallel_loop3A_389 = arith.addf %parallel_loop3A_353, %parallel_loop3A_387 : vector<16xf32>
      %parallel_loop3A_390 = arith.addf %parallel_loop3A_361, %parallel_loop3A_370 : vector<16xf32>
      %parallel_loop3A_391 = arith.addf %parallel_loop3A_379, %parallel_loop3A_388 : vector<16xf32>
      %parallel_loop3A_392 = arith.addf %parallel_loop3A_390, %parallel_loop3A_391 : vector<16xf32>
      %parallel_loop3A_393 = arith.addf %parallel_loop3A_362, %parallel_loop3A_371 : vector<16xf32>
      %parallel_loop3A_394 = arith.addf %parallel_loop3A_380, %parallel_loop3A_389 : vector<16xf32>
      %parallel_loop3A_395 = arith.addf %parallel_loop3A_393, %parallel_loop3A_394 : vector<16xf32>
      %parallel_loop3A_396 = arith.index_cast %parallel_loop3A_3 : i32 to index
      %parallel_loop3A_397 = arith.constant 32 : index
      %parallel_loop3A_398 = tpu.vector_load %arg11[%parallel_loop3A_396, %parallel_loop3A_397] {strides = array<i32>} : memref<256x64xf32, #tpu.memory_space<vmem>>, vector<16xf32>,
      tpu.vector_store %arg11[%parallel_loop3A_396, %parallel_loop3A_397], %parallel_loop3A_392 {strides = array<i32>} : memref<256x64xf32, #tpu.memory_space<vmem>>, vector<16xf32>,
      %parallel_loop3A_399 = arith.index_cast %parallel_loop3A_3 : i32 to index
      %parallel_loop3A_400 = arith.constant 48 : index
      %parallel_loop3A_401 = tpu.vector_load %arg11[%parallel_loop3A_399, %parallel_loop3A_400] {strides = array<i32>} : memref<256x64xf32, #tpu.memory_space<vmem>>, vector<16xf32>,
      tpu.vector_store %arg11[%parallel_loop3A_399, %parallel_loop3A_400], %parallel_loop3A_395 {strides = array<i32>} : memref<256x64xf32, #tpu.memory_space<vmem>>, vector<16xf32>,
    } {sc.loop_unroll_factor = 8 : i64, sc.parallel_access}
    "tpu.region"() ({
      %run_scoped3A = tpu.sem_alloc : memref<!tpu.dma_semaphore, #tpu.memory_space<semaphore_mem>>
      %dma_start3A = arith.constant 0 : i32
      %dma_start3A_3 = arith.constant 0 : i32
      %dma_start3A_4 = tpu.memref_slice %arg6[%add3A, %dma_start3A, %dma_start3A_3] : memref<32x256x64xf32, #tpu.memory_space<hbm>> -> memref<1x256x64xf32, #tpu.memory_space<hbm>>
      %dma_start3A_5 = tpu.memref_squeeze %dma_start3A_4 : memref<1x256x64xf32, #tpu.memory_space<hbm>> -> memref<256x64xf32, #tpu.memory_space<hbm>>
      %dma_start3A_6 = arith.constant 0 : i32
      %dma_start3A_7 = arith.constant 0 : i32
      %dma_start3A_8 = tpu.memref_slice %arg6[%add3A, %dma_start3A_6, %dma_start3A_7] : memref<32x256x64xf32, #tpu.memory_space<hbm>> -> memref<1x256x64xf32, #tpu.memory_space<hbm>>
      %dma_start3A_9 = tpu.memref_squeeze %dma_start3A_8 : memref<1x256x64xf32, #tpu.memory_space<hbm>> -> memref<256x64xf32, #tpu.memory_space<hbm>>
      tpu.enqueue_dma source(%arg11 : memref<256x64xf32, #tpu.memory_space<vmem>>) target(%dma_start3A_9 : memref<256x64xf32, #tpu.memory_space<hbm>>) target_semaphore(%run_scoped3A : memref<!tpu.dma_semaphore, #tpu.memory_space<semaphore_mem>>)
      %dma_wait3A = arith.constant 0 : i32
      %dma_wait3A_10 = arith.constant 0 : i32
      %dma_wait3A_11 = tpu.memref_slice %arg6[%add3A, %dma_wait3A, %dma_wait3A_10] : memref<32x256x64xf32, #tpu.memory_space<hbm>> -> memref<1x256x64xf32, #tpu.memory_space<hbm>>
      %dma_wait3A_12 = tpu.memref_squeeze %dma_wait3A_11 : memref<1x256x64xf32, #tpu.memory_space<hbm>> -> memref<256x64xf32, #tpu.memory_space<hbm>>
      %dma_wait3A_13 = arith.constant 0 : i32
      %dma_wait3A_14 = arith.constant 0 : i32
      %dma_wait3A_15 = tpu.memref_slice %arg6[%add3A, %dma_wait3A_13, %dma_wait3A_14] : memref<32x256x64xf32, #tpu.memory_space<hbm>> -> memref<1x256x64xf32, #tpu.memory_space<hbm>>
      %dma_wait3A_16 = tpu.memref_squeeze %dma_wait3A_15 : memref<1x256x64xf32, #tpu.memory_space<hbm>> -> memref<256x64xf32, #tpu.memory_space<hbm>>
      tpu.wait_dma2 semaphore(%run_scoped3A : memref<!tpu.dma_semaphore, #tpu.memory_space<semaphore_mem>>) src(%arg11 : memref<256x64xf32, #tpu.memory_space<vmem>>) dst(%dma_wait3A_16 : memref<256x64xf32, #tpu.memory_space<hbm>>)
      tpu.yield
    }) : () -> ()
    return
  }
}

module attributes {stable_mosaic.version = 14 : i64} {
  func.func @_mlp_body(%arg0: i32, %arg1: memref<4x256x64xf32, #tpu.memory_space<vmem>>, %arg2: memref<64x128xf32, #tpu.memory_space<vmem>>, %arg3: memref<128xf32, #tpu.memory_space<vmem>>, %arg4: memref<128x1xf32, #tpu.memory_space<vmem>>, %arg5: memref<1xf32, #tpu.memory_space<vmem>>, %arg6: memref<1024x1xf32, #tpu.memory_space<vmem>>) attributes {dimension_semantics = [#tpu.dimension_semantics<arbitrary>], iteration_bounds = array<i64: 8>, scalar_prefetch = 0 : i64, scratch_operands = 0 : i64, tpu.core_type = #tpu.core_type<tc>, window_params = [{transform_indices = @transform_0, window_bounds = array<i64: 4, 256, 64>}, {pipeline_mode = #tpu.pipeline_mode<synchronous>, transform_indices = @transform_1, window_bounds = array<i64: 64, 128>}, {pipeline_mode = #tpu.pipeline_mode<synchronous>, transform_indices = @transform_2, window_bounds = array<i64: 128>}, {pipeline_mode = #tpu.pipeline_mode<synchronous>, transform_indices = @transform_3, window_bounds = array<i64: 128, 1>}, {pipeline_mode = #tpu.pipeline_mode<synchronous>, transform_indices = @transform_4, window_bounds = array<i64: 1>}, {transform_indices = @transform_5, window_bounds = array<i64: 1024, 1>}]} {
    %get3A = arith.constant 0 : index
    %get3A_0 = arith.constant 0 : index
    %get3A_1 = arith.constant 0 : index
    %get3A_2 = vector.load %arg1[%get3A, %get3A_0, %get3A_1] : memref<4x256x64xf32, #tpu.memory_space<vmem>>, vector<1x256x64xf32>
    %get3A_3 = vector.shape_cast %get3A_2 : vector<1x256x64xf32> to vector<256x64xf32>
    %get3A_4 = arith.constant 0 : index
    %get3A_5 = arith.constant 0 : index
    %get3A_6 = vector.load %arg2[%get3A_4, %get3A_5] : memref<64x128xf32, #tpu.memory_space<vmem>>, vector<64x128xf32>
    %dot_general3A = arith.constant dense<0.000000e+00> : vector<256x128xf32>
    %dot_general3A_7 = tpu.matmul %get3A_3, %get3A_6, %dot_general3A {dimension_numbers = #tpu.dot_dimension_numbers<[1], [0], [0], [1], [0, 0, 1, 1], [], []>, transpose_lhs_hint = false} : vector<256x64xf32>, vector<64x128xf32>, vector<256x128xf32> -> vector<256x128xf32>
    %get3A_8 = arith.constant 0 : index
    %get3A_9 = vector.load %arg3[%get3A_8] : memref<128xf32, #tpu.memory_space<vmem>>, vector<128xf32>
    %broadcast_in_dim3A = vector.shape_cast %get3A_9 : vector<128xf32> to vector<1x128xf32>
    %add3A = vector.broadcast %broadcast_in_dim3A : vector<1x128xf32> to vector<256x128xf32>
    %add3A_10 = arith.addf %dot_general3A_7, %add3A : vector<256x128xf32>
    %max3A = arith.constant 0.000000e+00 : f32
    %max3A_11 = vector.broadcast %max3A : f32 to vector<256x128xf32>
    %max3A_12 = arith.maximumf %add3A_10, %max3A_11 : vector<256x128xf32>
    %get3A_13 = arith.constant 0 : index
    %get3A_14 = arith.constant 0 : index
    %get3A_15 = vector.load %arg4[%get3A_13, %get3A_14] : memref<128x1xf32, #tpu.memory_space<vmem>>, vector<128x1xf32>
    %dot_general3A_16 = arith.constant dense<0.000000e+00> : vector<256x1xf32>
    %dot_general3A_17 = tpu.matmul %max3A_12, %get3A_15, %dot_general3A_16 {dimension_numbers = #tpu.dot_dimension_numbers<[1], [0], [0], [1], [0, 0, 1, 1], [], []>, transpose_lhs_hint = false} : vector<256x128xf32>, vector<128x1xf32>, vector<256x1xf32> -> vector<256x1xf32>
    %get3A_18 = arith.constant 0 : index
    %get3A_19 = vector.load %arg5[%get3A_18] : memref<1xf32, #tpu.memory_space<vmem>>, vector<1xf32>
    %broadcast_in_dim3A_20 = vector.shape_cast %get3A_19 : vector<1xf32> to vector<1x1xf32>
    %add3A_21 = vector.broadcast %broadcast_in_dim3A_20 : vector<1x1xf32> to vector<256x1xf32>
    %add3A_22 = arith.addf %dot_general3A_17, %add3A_21 : vector<256x1xf32>
    %swap3A = arith.constant 0 : index
    %swap3A_23 = arith.constant 0 : index
    %swap3A_24 = vector.load %arg6[%swap3A, %swap3A_23] : memref<1024x1xf32, #tpu.memory_space<vmem>>, vector<256x1xf32>
    tpu.vector_store %arg6[%swap3A, %swap3A_23], %add3A_22 {strides = array<i32>} : memref<1024x1xf32, #tpu.memory_space<vmem>>, vector<256x1xf32>,
    %get3A_25 = arith.constant 1 : index
    %get3A_26 = arith.constant 0 : index
    %get3A_27 = arith.constant 0 : index
    %get3A_28 = vector.load %arg1[%get3A_25, %get3A_26, %get3A_27] : memref<4x256x64xf32, #tpu.memory_space<vmem>>, vector<1x256x64xf32>
    %get3A_29 = vector.shape_cast %get3A_28 : vector<1x256x64xf32> to vector<256x64xf32>
    %get3A_30 = arith.constant 0 : index
    %get3A_31 = arith.constant 0 : index
    %get3A_32 = vector.load %arg2[%get3A_30, %get3A_31] : memref<64x128xf32, #tpu.memory_space<vmem>>, vector<64x128xf32>
    %dot_general3A_33 = arith.constant dense<0.000000e+00> : vector<256x128xf32>
    %dot_general3A_34 = tpu.matmul %get3A_29, %get3A_32, %dot_general3A_33 {dimension_numbers = #tpu.dot_dimension_numbers<[1], [0], [0], [1], [0, 0, 1, 1], [], []>, transpose_lhs_hint = false} : vector<256x64xf32>, vector<64x128xf32>, vector<256x128xf32> -> vector<256x128xf32>
    %get3A_35 = arith.constant 0 : index
    %get3A_36 = vector.load %arg3[%get3A_35] : memref<128xf32, #tpu.memory_space<vmem>>, vector<128xf32>
    %broadcast_in_dim3A_37 = vector.shape_cast %get3A_36 : vector<128xf32> to vector<1x128xf32>
    %add3A_38 = vector.broadcast %broadcast_in_dim3A_37 : vector<1x128xf32> to vector<256x128xf32>
    %add3A_39 = arith.addf %dot_general3A_34, %add3A_38 : vector<256x128xf32>
    %max3A_40 = arith.constant 0.000000e+00 : f32
    %max3A_41 = vector.broadcast %max3A_40 : f32 to vector<256x128xf32>
    %max3A_42 = arith.maximumf %add3A_39, %max3A_41 : vector<256x128xf32>
    %get3A_43 = arith.constant 0 : index
    %get3A_44 = arith.constant 0 : index
    %get3A_45 = vector.load %arg4[%get3A_43, %get3A_44] : memref<128x1xf32, #tpu.memory_space<vmem>>, vector<128x1xf32>
    %dot_general3A_46 = arith.constant dense<0.000000e+00> : vector<256x1xf32>
    %dot_general3A_47 = tpu.matmul %max3A_42, %get3A_45, %dot_general3A_46 {dimension_numbers = #tpu.dot_dimension_numbers<[1], [0], [0], [1], [0, 0, 1, 1], [], []>, transpose_lhs_hint = false} : vector<256x128xf32>, vector<128x1xf32>, vector<256x1xf32> -> vector<256x1xf32>
    %get3A_48 = arith.constant 0 : index
    %get3A_49 = vector.load %arg5[%get3A_48] : memref<1xf32, #tpu.memory_space<vmem>>, vector<1xf32>
    %broadcast_in_dim3A_50 = vector.shape_cast %get3A_49 : vector<1xf32> to vector<1x1xf32>
    %add3A_51 = vector.broadcast %broadcast_in_dim3A_50 : vector<1x1xf32> to vector<256x1xf32>
    %add3A_52 = arith.addf %dot_general3A_47, %add3A_51 : vector<256x1xf32>
    %swap3A_53 = arith.constant 256 : index
    %swap3A_54 = arith.constant 0 : index
    %swap3A_55 = vector.load %arg6[%swap3A_53, %swap3A_54] : memref<1024x1xf32, #tpu.memory_space<vmem>>, vector<256x1xf32>
    tpu.vector_store %arg6[%swap3A_53, %swap3A_54], %add3A_52 {strides = array<i32>} : memref<1024x1xf32, #tpu.memory_space<vmem>>, vector<256x1xf32>,
    %get3A_56 = arith.constant 2 : index
    %get3A_57 = arith.constant 0 : index
    %get3A_58 = arith.constant 0 : index
    %get3A_59 = vector.load %arg1[%get3A_56, %get3A_57, %get3A_58] : memref<4x256x64xf32, #tpu.memory_space<vmem>>, vector<1x256x64xf32>
    %get3A_60 = vector.shape_cast %get3A_59 : vector<1x256x64xf32> to vector<256x64xf32>
    %get3A_61 = arith.constant 0 : index
    %get3A_62 = arith.constant 0 : index
    %get3A_63 = vector.load %arg2[%get3A_61, %get3A_62] : memref<64x128xf32, #tpu.memory_space<vmem>>, vector<64x128xf32>
    %dot_general3A_64 = arith.constant dense<0.000000e+00> : vector<256x128xf32>
    %dot_general3A_65 = tpu.matmul %get3A_60, %get3A_63, %dot_general3A_64 {dimension_numbers = #tpu.dot_dimension_numbers<[1], [0], [0], [1], [0, 0, 1, 1], [], []>, transpose_lhs_hint = false} : vector<256x64xf32>, vector<64x128xf32>, vector<256x128xf32> -> vector<256x128xf32>
    %get3A_66 = arith.constant 0 : index
    %get3A_67 = vector.load %arg3[%get3A_66] : memref<128xf32, #tpu.memory_space<vmem>>, vector<128xf32>
    %broadcast_in_dim3A_68 = vector.shape_cast %get3A_67 : vector<128xf32> to vector<1x128xf32>
    %add3A_69 = vector.broadcast %broadcast_in_dim3A_68 : vector<1x128xf32> to vector<256x128xf32>
    %add3A_70 = arith.addf %dot_general3A_65, %add3A_69 : vector<256x128xf32>
    %max3A_71 = arith.constant 0.000000e+00 : f32
    %max3A_72 = vector.broadcast %max3A_71 : f32 to vector<256x128xf32>
    %max3A_73 = arith.maximumf %add3A_70, %max3A_72 : vector<256x128xf32>
    %get3A_74 = arith.constant 0 : index
    %get3A_75 = arith.constant 0 : index
    %get3A_76 = vector.load %arg4[%get3A_74, %get3A_75] : memref<128x1xf32, #tpu.memory_space<vmem>>, vector<128x1xf32>
    %dot_general3A_77 = arith.constant dense<0.000000e+00> : vector<256x1xf32>
    %dot_general3A_78 = tpu.matmul %max3A_73, %get3A_76, %dot_general3A_77 {dimension_numbers = #tpu.dot_dimension_numbers<[1], [0], [0], [1], [0, 0, 1, 1], [], []>, transpose_lhs_hint = false} : vector<256x128xf32>, vector<128x1xf32>, vector<256x1xf32> -> vector<256x1xf32>
    %get3A_79 = arith.constant 0 : index
    %get3A_80 = vector.load %arg5[%get3A_79] : memref<1xf32, #tpu.memory_space<vmem>>, vector<1xf32>
    %broadcast_in_dim3A_81 = vector.shape_cast %get3A_80 : vector<1xf32> to vector<1x1xf32>
    %add3A_82 = vector.broadcast %broadcast_in_dim3A_81 : vector<1x1xf32> to vector<256x1xf32>
    %add3A_83 = arith.addf %dot_general3A_78, %add3A_82 : vector<256x1xf32>
    %swap3A_84 = arith.constant 512 : index
    %swap3A_85 = arith.constant 0 : index
    %swap3A_86 = vector.load %arg6[%swap3A_84, %swap3A_85] : memref<1024x1xf32, #tpu.memory_space<vmem>>, vector<256x1xf32>
    tpu.vector_store %arg6[%swap3A_84, %swap3A_85], %add3A_83 {strides = array<i32>} : memref<1024x1xf32, #tpu.memory_space<vmem>>, vector<256x1xf32>,
    %get3A_87 = arith.constant 3 : index
    %get3A_88 = arith.constant 0 : index
    %get3A_89 = arith.constant 0 : index
    %get3A_90 = vector.load %arg1[%get3A_87, %get3A_88, %get3A_89] : memref<4x256x64xf32, #tpu.memory_space<vmem>>, vector<1x256x64xf32>
    %get3A_91 = vector.shape_cast %get3A_90 : vector<1x256x64xf32> to vector<256x64xf32>
    %get3A_92 = arith.constant 0 : index
    %get3A_93 = arith.constant 0 : index
    %get3A_94 = vector.load %arg2[%get3A_92, %get3A_93] : memref<64x128xf32, #tpu.memory_space<vmem>>, vector<64x128xf32>
    %dot_general3A_95 = arith.constant dense<0.000000e+00> : vector<256x128xf32>
    %dot_general3A_96 = tpu.matmul %get3A_91, %get3A_94, %dot_general3A_95 {dimension_numbers = #tpu.dot_dimension_numbers<[1], [0], [0], [1], [0, 0, 1, 1], [], []>, transpose_lhs_hint = false} : vector<256x64xf32>, vector<64x128xf32>, vector<256x128xf32> -> vector<256x128xf32>
    %get3A_97 = arith.constant 0 : index
    %get3A_98 = vector.load %arg3[%get3A_97] : memref<128xf32, #tpu.memory_space<vmem>>, vector<128xf32>
    %broadcast_in_dim3A_99 = vector.shape_cast %get3A_98 : vector<128xf32> to vector<1x128xf32>
    %add3A_100 = vector.broadcast %broadcast_in_dim3A_99 : vector<1x128xf32> to vector<256x128xf32>
    %add3A_101 = arith.addf %dot_general3A_96, %add3A_100 : vector<256x128xf32>
    %max3A_102 = arith.constant 0.000000e+00 : f32
    %max3A_103 = vector.broadcast %max3A_102 : f32 to vector<256x128xf32>
    %max3A_104 = arith.maximumf %add3A_101, %max3A_103 : vector<256x128xf32>
    %get3A_105 = arith.constant 0 : index
    %get3A_106 = arith.constant 0 : index
    %get3A_107 = vector.load %arg4[%get3A_105, %get3A_106] : memref<128x1xf32, #tpu.memory_space<vmem>>, vector<128x1xf32>
    %dot_general3A_108 = arith.constant dense<0.000000e+00> : vector<256x1xf32>
    %dot_general3A_109 = tpu.matmul %max3A_104, %get3A_107, %dot_general3A_108 {dimension_numbers = #tpu.dot_dimension_numbers<[1], [0], [0], [1], [0, 0, 1, 1], [], []>, transpose_lhs_hint = false} : vector<256x128xf32>, vector<128x1xf32>, vector<256x1xf32> -> vector<256x1xf32>
    %get3A_110 = arith.constant 0 : index
    %get3A_111 = vector.load %arg5[%get3A_110] : memref<1xf32, #tpu.memory_space<vmem>>, vector<1xf32>
    %broadcast_in_dim3A_112 = vector.shape_cast %get3A_111 : vector<1xf32> to vector<1x1xf32>
    %add3A_113 = vector.broadcast %broadcast_in_dim3A_112 : vector<1x1xf32> to vector<256x1xf32>
    %add3A_114 = arith.addf %dot_general3A_109, %add3A_113 : vector<256x1xf32>
    %swap3A_115 = arith.constant 768 : index
    %swap3A_116 = arith.constant 0 : index
    %swap3A_117 = vector.load %arg6[%swap3A_115, %swap3A_116] : memref<1024x1xf32, #tpu.memory_space<vmem>>, vector<256x1xf32>
    tpu.vector_store %arg6[%swap3A_115, %swap3A_116], %add3A_114 {strides = array<i32>} : memref<1024x1xf32, #tpu.memory_space<vmem>>, vector<256x1xf32>,
    return
  }
  func.func @transform_0(%arg0: i32) -> (i32, i32, i32) {
    %c0_i32 = arith.constant 0 : i32
    %c0_i32_0 = arith.constant 0 : i32
    %c0_i32_1 = arith.constant 0 : i32
    return %arg0, %c0_i32, %c0_i32_0 : i32, i32, i32
  }
  func.func @transform_1(%arg0: i32) -> (i32, i32) {
    %c0_i32 = arith.constant 0 : i32
    %c0_i32_0 = arith.constant 0 : i32
    %c0_i32_1 = arith.constant 0 : i32
    return %c0_i32, %c0_i32_0 : i32, i32
  }
  func.func @transform_2(%arg0: i32) -> i32 {
    %c0_i32 = arith.constant 0 : i32
    %c0_i32_0 = arith.constant 0 : i32
    return %c0_i32 : i32
  }
  func.func @transform_3(%arg0: i32) -> (i32, i32) {
    %c0_i32 = arith.constant 0 : i32
    %c0_i32_0 = arith.constant 0 : i32
    %c0_i32_1 = arith.constant 0 : i32
    return %c0_i32, %c0_i32_0 : i32, i32
  }
  func.func @transform_4(%arg0: i32) -> i32 {
    %c0_i32 = arith.constant 0 : i32
    %c0_i32_0 = arith.constant 0 : i32
    return %c0_i32 : i32
  }
  func.func @transform_5(%arg0: i32) -> (i32, i32) {
    %c0_i32 = arith.constant 0 : i32
    %c0_i32_0 = arith.constant 0 : i32
    return %arg0, %c0_i32 : i32, i32
  }
}

</mosaic_0001>

<sc_bundles>
// kernel: kernel.6.cloned.1.call-start
scs
__scs_entry_jumppad:
0x0: {  	(pc) =	sbr.rel $0x88, $3  }
0x1: {  	(tag) =	ssettag $0x0;
	lr =	simm.s32 $0x1  }
0x2: {  	[smem:$0x3F99] =	sst lr;
	_ =	strace $0xD0000000  }
0x3: {  	_ = 	snop  }
0x4: {  	_ = 	snop  }
0x5: {  	_ = 	snop  }
0x6: {  	_ = 	snop  }
0x7: {  	_ = 	snop  }
__scs_overlays_trampoline_lowered:
0x8: {  	[smem:$0x3FA8] =	sst s0  }
0x9: {  	[smem:$0x3FA9] =	sst s1  }
0xa: {  	[smem:$0x3FAA] =	sst s2  }
0xb: {  	[smem:$0x3FAB] =	sst s3  }
0xc: {  	[smem:$0x3FAC] =	sst s4  }
0xd: {  	[smem:$0x3FAD] =	sst s5  }
0xe: {  	[smem:$0x3FAE] =	sst s6  }
0xf: {  	[smem:$0x3FAF] =	sst s7  }
0x10: {  	[smem:$0x3FB0] =	sst s8  }
0x11: {  	[smem:$0x3FB1] =	sst s9;
	s0 =	simm.s32 @!p0 $0x0  }
0x12: {  	s1 =	sld [smem:$0x3F97];
	s0 =	simm.s32 @p0 $0x1  }
0x13: {  	[smem:$0x3FB2] =	sst s0;
	s0 =	simm.s32 @!p1 $0x0  }
0x14: {  	s2 =	sld [smem:$0x3F96];
	s0 =	simm.s32 @p1 $0x1  }
0x15: {  	[smem:$0x3FB3] =	sst s0;
	s0 =	simm.s32 @!p2 $0x0  }
0x16: {  	s3 =	sld [smem:$0x3FDB];
	s0 =	simm.s32 @p2 $0x1  }
0x17: {  	s4 =	simm.s32 $0x1BF5;
	[smem:$0x3FB5] =	sst s0  }
0x18: {  	s0 =	sld [smem:$0x3F98];
	_ =	swait.ge [sflag:s4], $0x0  }
0x19: {  	s7 =	sld [smem:$0x3F99]  }
0x1a: {  	s8 =	sadd.s32 $0xFFFFE003, lr  }
0x1b: {  	s9 =	sadd.s32 $0xFFFFFEF7, lr;
	s5 =	simm.s32 $0xFFFFFFFF;
	p2 =	slt.u32 s8, $0xFFFFF086  }
0x1c: {  	p1 =	slt.u32 s9, $0xF7A;
	s5 =	simm.s32 @!p2 $0x0  }
0x1d: {  	s5 =	simm.s32 @p1 $0x1;
	p0 =	seq.s32 s7, s2  }
0x1e: {  	s7 =	smul.u32 @!p0 $0xF7A, s2;
	p2 =	seq.s32 @!p0 s5, $0x0  }
0x1f: {  	s9 =	smul.u32 $0xF7A, s1;
	s8 =	simm.s32 @!p0 $0x1BF5;
	p2 =	por !p2, p0  }
0x20: {  	[sflag:s8] =	ssyncset.s32 @!p0 $0xFFFFF086;
	s6 =	sadd.s32 @!p0 s3, s7;
	s7 =	simm.s32 @!p0 $0x108  }
0x21: {  	s3 =	sadd.s32 s3, s9;
	s6 =	sadd.s32 @!p0 $0x88, s6;
	s7 =	simm.s32 @p2 $0x1082  }
0x22: {  	[simem:s7], [sflag:s8] =	dma.local @!p0 [hbm:s6], $0xF7A  }
0x23: {  	s9 =	sor.u32 $0xD0000000, s2;
	s6 =	simm.s32 $0x108;
	_ =	swait.ge @!p0 [sflag:s8], $0x0  }
0x24: {  	s3 =	sadd.s32 $0x88, s3;
	s6 =	simm.s32 @!p1 $0x1082;
	[sflag:s4] =	ssyncset.s32 $0xFFFFF086  }
0x25: {  	[simem:s6], [sflag:s4] =	dma.local [hbm:s3], $0xF7A  }
0x26: {  	[smem:$0x3F99] =	sst s1;
	(tag) =	ssettag s2;
	_ =	strace s9  }
0x27: {  	s1 =	sld [smem:$0x3FA9]  }
0x28: {  	s2 =	sld [smem:$0x3FAA]  }
0x29: {  	s4 =	sld [smem:$0x3FAC]  }
0x2a: {  	p0 =	seq.s32 s5, $0x0;
	s5 =	sld [smem:$0x3FAD]  }
0x2b: {  	s6 =	sld [smem:$0x3FAE]  }
0x2c: {  	s7 =	sld [smem:$0x3FAF]  }
0x2d: {  	s3 =	simm.s32 $0x108;
	s8 =	sld [smem:$0x3FB0]  }
0x2e: {  	s3 =	simm.s32 @!p0 $0x1082;
	s9 =	sld [smem:$0x3FB1]  }
0x2f: {  	lr =	sadd.s32 s0, s3;
	s0 =	sld [smem:$0x3FA8]  }
0x30: {  	s3 =	sld [smem:$0x3FAB]  }
0x31: {  	[smem:$0x3FB4] =	sst s10  }
0x32: {  	s10 =	sld [smem:$0x3FB2];
	_ =	sdelay $0x3  }
0x33: {  	p0 =	seq.s32 s10, $0x1;
	s10 =	sld [smem:$0x3FB4];
	_ =	sdelay $0x3  }
0x34: {  	[smem:$0x3FB4] =	sst s10  }
0x35: {  	s10 =	sld [smem:$0x3FB3];
	_ =	sdelay $0x3  }
0x36: {  	p1 =	seq.s32 s10, $0x1;
	s10 =	sld [smem:$0x3FB4];
	_ =	sdelay $0x3  }
0x37: {  	[smem:$0x3FB4] =	sst s10  }
0x38: {  	s10 =	sld [smem:$0x3FB5]  }
0x39: {  	_ = 	snop;
	(pc) =	sbr.ind lr, $3  }
0x3a: {  	_ = 	snop  }
0x3b: {  	_ = 	snop  }
0x3c: {  	p2 =	seq.s32 s10, $0x1;
	s10 =	sld [smem:$0x3FB4]  }
0x3d: {  	_ =	shalt  }
0x3e: {  	_ =	shalt  }
0x3f: {  	_ =	shalt  }
0x40: {  	_ =	shalt  }
0x41: {  	_ =	shalt  }
0x42: {  	_ =	shalt  }
0x43: {  	_ =	shalt  }
0x44: {  	_ =	shalt  }
0x45: {  	_ =	shalt  }
0x46: {  	_ =	shalt  }
0x47: {  	_ =	shalt  }
0x48: {  	_ =	shalt  }
0x49: {  	_ =	shalt  }
0x4a: {  	_ =	shalt  }
0x4b: {  	_ =	shalt  }
0x4c: {  	_ =	shalt  }
0x4d: {  	_ =	shalt  }
0x4e: {  	_ =	shalt  }
0x4f: {  	_ =	shalt  }
0x50: {  	_ =	shalt  }
0x51: {  	_ =	shalt  }
0x52: {  	_ =	shalt  }
0x53: {  	_ =	shalt  }
0x54: {  	_ =	shalt  }
0x55: {  	_ =	shalt  }
0x56: {  	_ =	shalt  }
0x57: {  	_ =	shalt  }
0x58: {  	_ =	shalt  }
0x59: {  	_ =	shalt  }
0x5a: {  	_ =	shalt  }
0x5b: {  	_ =	shalt  }
0x5c: {  	_ =	shalt  }
0x5d: {  	_ =	shalt  }
0x5e: {  	_ =	shalt  }
0x5f: {  	_ =	shalt  }
0x60: {  	_ =	shalt  }
0x61: {  	_ =	shalt  }
0x62: {  	_ =	shalt  }
0x63: {  	_ =	shalt  }
0x64: {  	_ =	shalt  }
0x65: {  	_ =	shalt  }
0x66: {  	_ =	shalt  }
0x67: {  	_ =	shalt  }
0x68: {  	_ =	shalt  }
0x69: {  	_ =	shalt  }
0x6a: {  	_ =	shalt  }
0x6b: {  	_ =	shalt  }
0x6c: {  	_ =	shalt  }
0x6d: {  	_ =	shalt  }
0x6e: {  	_ =	shalt  }
0x6f: {  	_ =	shalt  }
0x70: {  	_ =	shalt  }
0x71: {  	_ =	shalt  }
0x72: {  	_ =	shalt  }
0x73: {  	_ =	shalt  }
0x74: {  	_ =	shalt  }
0x75: {  	_ =	shalt  }
0x76: {  	_ =	shalt  }
0x77: {  	_ =	shalt  }
0x78: {  	_ =	shalt  }
0x79: {  	_ =	shalt  }
0x7a: {  	_ =	shalt  }
0x7b: {  	_ =	shalt  }
0x7c: {  	_ =	shalt  }
0x7d: {  	_ =	shalt  }
0x7e: {  	_ =	shalt  }
0x7f: {  	_ =	shalt  }
0x80: {  	_ =	shalt  }
0x81: {  	_ =	shalt  }
0x82: {  	_ =	shalt  }
0x83: {  	_ =	shalt  }
0x84: {  	_ =	shalt  }
0x85: {  	_ =	shalt  }
0x86: {  	_ =	shalt  }
0x87: {  	_ =	shalt  }
.Lfunc_end0:
.L_simem_size_0:
called_computation_lowered:
.L_overlay_start_0:
0x88: {  	s2 =	sld [smem:$0x3FD9]  }
0x89: {  	s3 =	sld [smem:$0x3FFE];
	_ =	sdelay $0x1  }
0x8a: {  	s1 =	srdreg.scid  }
0x8b: {  	s0 =	sand.u32 $0x1, s1  }
0x8c: {  	s17 =	sshll.u32 s0, $0xA;
	s2 =	sadd.s32 s3, s2  }
0x8d: {  	s2 =	sadd.s32 s2, s17  }
0x8e: {  	[smem:$0x3FC0] =	sst s2  }
0x8f: {  	_ = 	snop  }
0x90: {  	s18 =	sld [smem:$0x3FD0];
	(tm) =	ssettm $0x1  }
0x91: {  	s19 =	sld [smem:$0x3FFB];
	_ =	sdelay $0x3  }
0x92: {  	_ =	strace s19  }
0x93: {  	s2 =	sld [smem:$0x3FFC];
	_ =	sdelay $0x3  }
0x94: {  	_ =	strace s2  }
0x95: {  	s2 =	sld [smem:$0x3FFD];
	_ =	sdelay $0x3  }
0x96: {  	_ =	strace s2  }
0x97: {  	_ =	strace $0x8FFFFFFF  }
0x98: {  	s20 =	sld [smem:$0x3FDB];
	_ =	sdelay $0x1  }
0x99: {  	s4 =	simm.s32 $_scs_section_size  }
0x9a: {  	s5 =	simm.s32 $_size__tile_overlayer_lowered;
	s6 =	simm.s32 $_tile_overlayer_lowered  }
0x9b: {  	s7 =	simm.s32 $0x1BFF;
	s21 =	sshll.u32 s6, $0x1;
	s4 =	sadd.s32 s4, s20  }
0x9c: {  	s22 =	simm.s32 $0x0;
	s5 =	sshll.u32 s5, $0x1;
	s6 =	sadd.s32 s21, s4  }
0x9d: {  	[timem:s22], [sflag:s7] =	dma.local [hbm:s6], s5  }
0x9e: {  	_ =	swait.ge [sflag:s7], s5  }
0x9f: {  	s5 =	ssub.s32 $0x0, s5;
	[sflag:s7] =	ssyncset.done $0x0  }
0xa0: {  	[sflag:s7] =	ssyncadd.s32 s5;
	_ =	sdelay $0x1  }
0xa1: {  	s23 =	simm.s32 $0x1B8B  }
0xa2: {  	_ =	swait.ge [sflag:s23], $0x1  }
0xa3: {  	[sflag:s23] =	ssyncset.done $0x0  }
0xa4: {  	[sflag:s23] =	ssyncadd.s32 $0xFFFFFFFF  }
0xa5: {  	s5 =	sld [smem:$0x0]  }
0xa6: {  	s6 =	sand.u32 $0xFFFFFFFE, s1  }
0xa7: {  	p0 =	sne.s32 s1, s6  }
0xa8: {  	s6 =	sshll.u32 @p0 s6, $0xE  }
0xa9: {  	s6 =	sadd.s32 @p0 $0x11B8D, s6;
	s7 =	sshll.u32 @p0 s5, $0x11  }
0xaa: {  	s6 =	sor.u32 @p0 s7, s6  }
0xab: {  	[sflag:s6] =	ssyncadd.remote.s32 @p0 $0x1;
	_ =	sdelay $0x1  }
0xac: {  	s6 =	simm.s32 @p0 $0x1B8D  }
0xad: {  	_ =	swait.eq @p0 [sflag:s6], $0x1  }
0xae: {  	[sflag:s6] =	ssyncadd.s32 @p0 $0xFFFFFFFF  }
0xaf: {  	s7 =	sshll.u32 @!p0 s1, $0xE  }
0xb0: {  	s7 =	sor.u32 @!p0 $0x4000, s7;
	s6 =	simm.s32 @!p0 $0x1B8D  }
0xb1: {  	s5 =	sshll.u32 @!p0 s5, $0x11;
	s7 =	sadd.s32 @!p0 $0x11B8D, s7;
	_ =	swait.eq @!p0 [sflag:s6], $0x1  }
0xb2: {  	s5 =	sor.u32 @!p0 s5, s7;
	[sflag:s6] =	ssyncadd.s32 @!p0 $0xFFFFFFFF  }
0xb3: {  	s25 =	simm.s32 $0x1B8E;
	s24 =	sld [smem:$0x3FFE];
	[sflag:s5] =	ssyncadd.remote.s32 @!p0 $0x1  }
0xb4: {  	s26 =	simm.s32 $execute0_lowered;
	[smem:$0x3FD2] =	sst s25  }
0xb5: {  	s6 =	sshll.u32 s26, $0x1;
	_ =	strace $0x80000049;
	[dreg:$0x1] =	wrdreg $0xFFFFFFFF  }
0xb6: {  	s28 =	simm.s32 $_size_execute0_lowered;
	s4 =	sadd.s32 s4, s6;
	[dreg:$0x0] =	wrdreg $0x0  }
0xb7: {  	s6 =	sshll.u32 s28, $0x1;
	[dreg:$0x2] =	wrdreg s4  }
0xb8: {  	[dreg:$0x3] =	wrdreg s6  }
0xb9: {  	[dreg:$0x4] =	wrdreg $0xC0  }
0xba: {  	_ =	task [dreg:s22], $0x5FFFF  }
0xbb: {  	[dreg:$0x1] =	wrdreg $0xFFFFFFFF  }
0xbc: {  	[dreg:$0x0] =	wrdreg $0x60  }
0xbd: {  	[dreg:$0x2] =	wrdreg s18  }
0xbe: {  	[dreg:$0x3] =	wrdreg s24  }
0xbf: {  	[dreg:$0x4] =	wrdreg $0x9  }
0xc0: {  	_ =	task.clear_ibuf [dreg:s22], $0x5FFFF;
	_ =	strace $0x90000049  }
0xc1: {  	s29 =	simm.s32 $0x9;
	_ =	strace $0x8000004B  }
0xc2: {  	_ =	swait.ge [sflag:s29], $0x1  }
0xc3: {  	[sflag:s29] =	ssyncadd.s32 $0xFFFFFFFF  }
0xc4: {  	_ =	strace $0x9000004B  }
0xc5: {  	_ =	sfence  }
0xc6: {  	s30 =	sld [smem:$0x0];
	_ =	sdelay $0x2  }
0xc7: {  	s31 =	sshll.u32 s1, $0xD;
	s1 =	sshrl.u32 s1, $0x2  }
0xc8: {  	s4 =	sand.u32 $0x4000, s31;
	s1 =	sadd.s32 s1, s30  }
0xc9: {  	s0 =	sor.u32 s4, s0;
	s1 =	sshll.u32 s1, $0x11  }
0xca: {  	s0 =	sor.u32 s1, s0  }
0xcb: {  	s0 =	sadd.s32 $0x8F2B, s0  }
0xcc: {  	[sflag:s0] =	ssyncadd.remote.s32 $0x1  }
0xcd: {  	_ =	sfence.sel $0xFFFF  }
0xce: {  	[dreg:$0x0] =	wrdreg $0xFFFFFFFF;
	(pc) =	sbr.abs _section_cstart, $3  }
0xcf: {  	[dreg:$0x1] =	wrdreg $0xFFFFFFFF  }
0xd0: {  	_ =	task.clear_ibuf [dreg:s22], $0x2FFFF;
	_ =	strace $0x9FFFFFFF  }
0xd1: {  	(tm) =	ssettm $0x7FFFFFFF  }
tec
execute0_lowered:
.L_overlay_start_1:
0x0: {  	(tag) =	ssettag $0x1  }
0x1: {  	s1 =	srdreg.scid;
	s3 =	stileid.u32  }
0x2: {  	s1 =	sand.u32 $0x1, s1;
	s2 =	sshll.u32 s3, $0x1  }
0x3: {  	s0 =	rddreg [dreg:$0x1];
	s3 =	sshrl.u32 s3, $0x2;
	s2 =	sor.u32 s1, s2  }
0x4: {  	s5 =	simm.s32 $0x0;
	s3 =	smul.u32 $0xA000, s3;
	s4 =	sshll.u32 s2, $0x7  }
0x5: {  	[smem:$0x7FF] =	sst s5;
	s1 =	ssub.s32 $0x2, s1;
	s4 =	sand.u32 $0x380, s4  }
0x6: {  	s6 =	sadd.s32 $0x1800, s0;
	s28 =	sshrl.u32 s1, $0x1;
	s3 =	sor.u32 s3, s4  }
0x7: {  	_ =	strace $0x8000004A;
	s1 =	ssub.s32 s1, s28;
	s3 =	sshrl.u32 s3, $0x3  }
0x8: {  	[dreg:$0x3] =	wrdreg s6;
	s31 =	smax.u32 s1, $0x1;
	s3 =	sadd.s32 s3, s0  }
0x9: {  	s2 =	sshll.u32 s2, $0xC;
	[dreg:$0x7] =	wrdreg s31;
	s29 =	sadd.s32 $0x31000, s3  }
0xa: {  	s0 =	sadd.s32 s2, s0;
	s30 =	sadd.s32 $0x2C000, s3;
	[dreg:$0x4] =	wrdreg s29  }
0xb: {  	s0 =	sadd.s32 $0x36000, s0;
	[dreg:$0x5] =	wrdreg s30  }
0xc: {  	s9 =	simm.s32 $0x1;
	s1 =	simm.s32 $0x0;
	[dreg:$0x6] =	wrdreg s0  }
.LBB2_1:
0xd: {  	[dreg:$0x8] =	wrdreg s1  }
0xe: {  	s0 =	rddreg [dreg:$0x0]  }
0xf: {  	[tilespmem:s5], [sflag:$0x1] =	stream.linear.gather [hbm4b:s0+s5], $0x3E80, $0x38;
	[tilespmem:$0x12500] =	vst v63  }
0x10: {  	_ =	swait.ge [sflag:s9], $0x3E80  }
0x11: {  	[sflag:s9] =	ssyncset.done $0x0  }
0x12: {  	s26 =	simm.s32 $0x3E80;
	s25 =	rddreg [dreg:$0x3];
	[sflag:s9] =	ssyncadd.s32 $0xFFFFC180  }
0x13: {  	[tilespmem:s26], [sflag:$0x1] =	stream.linear.gather [hbm4b:s25+s5], $0x3E80, $0x38;
	[tilespmem:$0x12500] =	vst v63  }
0x14: {  	_ =	swait.ge [sflag:s9], $0x3E80  }
0x15: {  	s29 =	simm.s32 $0x80;
	s2 =	simm.s32 $0x400;
	[sflag:s9] =	ssyncset.done $0x0  }
0x16: {  	s3 =	simm.s32 $0x7D00;
	s28 =	rddreg [dreg:$0x4];
	[sflag:s9] =	ssyncadd.s32 $0xFFFFC180  }
0x17: {  	[tilespmem:s3], [sflag:$0x1] =	stream.strided.gather [hbm4b:s28+s29], $0x1400, s2, s29, $0x38;
	[tilespmem:$0x12500] =	vst v63  }
0x18: {  	_ =	swait.ge [sflag:s9], $0x1400  }
0x19: {  	[sflag:s9] =	ssyncset.done $0x0  }
0x1a: {  	s31 =	simm.s32 $0x9100;
	s30 =	rddreg [dreg:$0x5];
	[sflag:s9] =	ssyncadd.s32 $0xFFFFEC00  }
0x1b: {  	[tilespmem:s31], [sflag:$0x1] =	stream.strided.gather [hbm4b:s30+s29], $0x1400, s2, s29, $0x38;
	[tilespmem:$0x12500] =	vst v63  }
0x1c: {  	_ =	swait.ge [sflag:s9], $0x1400  }
0x1d: {  	s17 =	simm.s32 $0xFFFFFFF8;
	s18 =	simm.s32 $0x9150;
	[sflag:s9] =	ssyncset.done $0x0  }
0x1e: {  	s19 =	simm.s32 $0x7D50;
	s20 =	simm.s32 $0xA700;
	[sflag:s9] =	ssyncadd.s32 $0xFFFFEC00  }
.LBB2_2:
0x1f: {  	v0 =	vld [tilespmem:s19+$0xFFFFFFB0];
	_ =	sdelay $0x4  }
0x20: {  	v0 =	vshll.u32 v0, $0x4  }
0x21: {  	(v2sf) =	vpush v0, $0x0  }
0x22: {  	(v2sf) =	vpush v0, $0x1  }
0x23: {  	(v2sf) =	vpush v0, $0x2  }
0x24: {  	(v2sf) =	vpush v0, $0x3  }
0x25: {  	(v2sf) =	vpush v0, $0x4  }
0x26: {  	(v2sf) =	vpush v0, $0x5  }
0x27: {  	(v2sf) =	vpush v0, $0x6  }
0x28: {  	(v2sf) =	vpush v0, $0x7;
	_ =	sdelay $0x7  }
0x29: {  	v1 =	vld [tilespmem:s19+$0xFFFFFFB4];
	s0 =	spop (v2sf)  }
0x2a: {  	v2 =	vld [tilespmem:s0+$0x0];
	s7 =	spop (v2sf)  }
0x2b: {  	v3 =	vld [tilespmem:s7+$0x0];
	s8 =	spop (v2sf)  }
0x2c: {  	v4 =	vld [tilespmem:s8+$0x0];
	s10 =	spop (v2sf)  }
0x2d: {  	v5 =	vld [tilespmem:s10+$0x0];
	s11 =	spop (v2sf)  }
0x2e: {  	v6 =	vld [tilespmem:s11+$0x0];
	s12 =	spop (v2sf)  }
0x2f: {  	v7 =	vld [tilespmem:s12+$0x0];
	s13 =	spop (v2sf)  }
0x30: {  	v8 =	vld [tilespmem:s13+$0x0];
	s0 =	spop (v2sf)  }
0x31: {  	(v2sf) =	vpush v0, $0x8  }
0x32: {  	(v2sf) =	vpush v0, $0x9  }
0x33: {  	(v2sf) =	vpush v0, $0xA;
	_ =	sdelay $0x1  }
0x34: {  	(v2sf) =	vpush v0, $0xB  }
0x35: {  	(v2sf) =	vpush v0, $0xC  }
0x36: {  	(v2sf) =	vpush v0, $0xD;
	_ =	sdelay $0x1  }
0x37: {  	(v2sf) =	vpush v0, $0xE  }
0x38: {  	v1 =	vshll.u32 v1, $0x4;
	(v2sf) =	vpush v0, $0xF  }
0x39: {  	(v2sf) =	vpush v1, $0xC;
	_ =	sdelay $0x1  }
0x3a: {  	v36 =	vunpack.i.u.bf16.f32 v2;
	v2 =	vunpack.i.l.bf16.f32 v2;
	(v2sf) =	vpush v1, $0xD  }
0x3b: {  	v9 =	vunpack.i.u.bf16.f32 v3;
	v3 =	vunpack.i.l.bf16.f32 v3;
	v11 =	vld [tilespmem:s0+$0x0];
	(v2sf) =	vpush v1, $0xE  }
0x3c: {  	v10 =	vunpack.i.u.bf16.f32 v4;
	v37 =	vunpack.i.l.bf16.f32 v4;
	(v2sf) =	vpush v1, $0xF  }
0x3d: {  	v38 =	vunpack.i.u.bf16.f32 v5;
	v5 =	vunpack.i.l.bf16.f32 v5;
	v12 =	vunpack.i.l.bf16.f32 v6;
	s14 =	spop (v2sf)  }
0x3e: {  	v2 =	vadd.f32 v12, v2;
	v40 =	vunpack.i.u.bf16.f32 v7;
	v7 =	vunpack.i.l.bf16.f32 v7;
	v39 =	vld [tilespmem:s14+$0x0];
	s15 =	spop (v2sf)  }
0x3f: {  	v3 =	vadd.f32 v7, v3;
	v41 =	vunpack.i.l.bf16.f32 v8;
	v8 =	vunpack.i.u.bf16.f32 v8;
	v13 =	vld [tilespmem:s15+$0x0];
	s16 =	spop (v2sf)  }
0x40: {  	v43 =	vunpack.i.l.bf16.f32 v11;
	v8 =	vadd.f32 v8, v10;
	v44 =	vunpack.i.u.bf16.f32 v11;
	v42 =	vld [tilespmem:s16+$0x0]  }
0x41: {  	v6 =	vunpack.i.u.bf16.f32 v6;
	v5 =	vadd.f32 v43, v5;
	v4 =	vadd.f32 v44, v38;
	s21 =	spop (v2sf)  }
0x42: {  	v0 =	vadd.f32 v6, v36;
	v6 =	vadd.f32 v40, v9;
	v45 =	vld [tilespmem:s21+$0x0];
	s22 =	spop (v2sf)  }
0x43: {  	v1 =	vadd.f32 v41, v37;
	v48 =	vld [tilespmem:s22+$0x0];
	s23 =	spop (v2sf);
	v46 =	vunpack.i.u.bf16.f32 v39;
	v47 =	vunpack.i.l.bf16.f32 v39  }
0x44: {  	v50 =	vld [tilespmem:s23+$0x0];
	v2 =	vadd.f32 v47, v2;
	v0 =	vadd.f32 v46, v0;
	v49 =	vunpack.i.l.bf16.f32 v13  }
0x45: {  	s24 =	spop (v2sf);
	v13 =	vunpack.i.u.bf16.f32 v13;
	v3 =	vadd.f32 v49, v3;
	v51 =	vunpack.i.l.bf16.f32 v42  }
0x46: {  	v52 =	vld [tilespmem:s24+$0x0];
	s25 =	spop (v2sf);
	v6 =	vadd.f32 v13, v6;
	v9 =	vunpack.i.u.bf16.f32 v42;
	v1 =	vadd.f32 v51, v1  }
0x47: {  	v54 =	vld [tilespmem:s25+$0x0];
	s26 =	spop (v2sf);
	v8 =	vadd.f32 v9, v8;
	v53 =	vunpack.i.u.bf16.f32 v45;
	v7 =	vunpack.i.l.bf16.f32 v45  }
0x48: {  	v56 =	vld [tilespmem:s26+$0x0];
	v5 =	vadd.f32 v7, v5;
	v4 =	vadd.f32 v53, v4;
	v55 =	vunpack.i.l.bf16.f32 v48  }
0x49: {  	s28 =	spop (v2sf);
	v12 =	vunpack.i.u.bf16.f32 v48;
	v2 =	vadd.f32 v55, v2;
	v57 =	vunpack.i.l.bf16.f32 v50  }
0x4a: {  	v58 =	vld [tilespmem:s28+$0x0];
	s29 =	spop (v2sf);
	v0 =	vadd.f32 v12, v0;
	v11 =	vunpack.i.u.bf16.f32 v50;
	v3 =	vadd.f32 v57, v3  }
0x4b: {  	v60 =	vld [tilespmem:s29+$0x0];
	s30 =	spop (v2sf);
	v6 =	vadd.f32 v11, v6;
	v59 =	vunpack.i.u.bf16.f32 v52;
	v10 =	vunpack.i.l.bf16.f32 v52  }
0x4c: {  	v62 =	vld [tilespmem:s30+$0x0];
	v1 =	vadd.f32 v10, v1;
	v8 =	vadd.f32 v59, v8;
	v61 =	vunpack.i.l.bf16.f32 v54  }
0x4d: {  	v13 =	vunpack.i.u.bf16.f32 v54;
	v5 =	vadd.f32 v61, v5;
	v63 =	vunpack.i.l.bf16.f32 v56  }
0x4e: {  	v4 =	vadd.f32 v13, v4;
	v9 =	vunpack.i.u.bf16.f32 v56;
	v2 =	vadd.f32 v63, v2  }
0x4f: {  	v0 =	vadd.f32 v9, v0;
	v13 =	vunpack.i.u.bf16.f32 v58;
	v7 =	vunpack.i.l.bf16.f32 v58  }
0x50: {  	v3 =	vadd.f32 v7, v3;
	v6 =	vadd.f32 v13, v6  }
0x51: {  	v14 =	vunpack.i.u.bf16.f32 v60;
	v15 =	vunpack.i.l.bf16.f32 v60;
	v16 =	vunpack.i.l.bf16.f32 v62  }
0x52: {  	v1 =	vadd.f32 v15, v1;
	v17 =	vunpack.i.u.bf16.f32 v62;
	v5 =	vadd.f32 v16, v5  }
0x53: {  	v7 =	vadd.f32 v14, v8;
	v4 =	vadd.f32 v17, v4  }
0x54: {  	v2 =	vadd.f32 v3, v2;
	v1 =	vadd.f32 v5, v1  }
0x55: {  	v0 =	vadd.f32 v6, v0;
	v18 =	vadd.f32 v4, v7  }
0x56: {  	v1 =	vadd.f32 v1, v2  }
0x57: {  	v0 =	vadd.f32 v18, v0  }
0x58: {  	[tilespmem:s20+$0xFFFFFE00] =	vst v1  }
0x59: {  	[tilespmem:s20+$0xFFFFFE10] =	vst v0  }
0x5a: {  	v0 =	vld [tilespmem:s18+$0xFFFFFFB0];
	_ =	sdelay $0x4  }
0x5b: {  	v0 =	vshll.u32 v0, $0x4  }
0x5c: {  	v0 =	vadd.s32 $0x3E80, v0  }
0x5d: {  	(v2sf) =	vpush v0, $0x1  }
0x5e: {  	(v2sf) =	vpush v0, $0x0  }
0x5f: {  	(v2sf) =	vpush v0, $0x3  }
0x60: {  	(v2sf) =	vpush v0, $0x2  }
0x61: {  	(v2sf) =	vpush v0, $0x5  }
0x62: {  	(v2sf) =	vpush v0, $0x4  }
0x63: {  	(v2sf) =	vpush v0, $0x7  }
0x64: {  	(v2sf) =	vpush v0, $0x6  }
0x65: {  	(v2sf) =	vpush v0, $0x9  }
0x66: {  	v1 =	vld [tilespmem:s18+$0xFFFFFFB4];
	(v2sf) =	vpush v0, $0x8  }
0x67: {  	(v2sf) =	vpush v0, $0xB  }
0x68: {  	(v2sf) =	vpush v0, $0xA  }
0x69: {  	(v2sf) =	vpush v0, $0xD  }
0x6a: {  	(v2sf) =	vpush v0, $0xC  }
0x6b: {  	v19 =	vld [tilespmem:s19+$0xFFFFFFC4];
	v1 =	vshll.u32 v1, $0x4;
	(v2sf) =	vpush v0, $0xF  }
0x6c: {  	v20 =	vadd.s32 $0x3E80, v1;
	s3 =	spop (v2sf);
	(v2sf) =	vpush v0, $0xE  }
0x6d: {  	s11 =	spop (v2sf);
	(v2sf) =	vpush v20, $0xD  }
0x6e: {  	s6 =	spop (v2sf);
	(v2sf) =	vpush v20, $0xC  }
0x6f: {  	s4 =	spop (v2sf);
	(v2sf) =	vpush v20, $0xF  }
0x70: {  	v21 =	vshll.u32 v19, $0x4;
	s10 =	spop (v2sf);
	(v2sf) =	vpush v20, $0xE  }
0x71: {  	s8 =	spop (v2sf);
	(v2sf) =	vpush v21, $0x0  }
0x72: {  	s2 =	spop (v2sf);
	(v2sf) =	vpush v21, $0x1  }
0x73: {  	s13 =	spop (v2sf);
	(v2sf) =	vpush v21, $0x2  }
0x74: {  	s0 =	spop (v2sf);
	(v2sf) =	vpush v21, $0x3  }
0x75: {  	s5 =	spop (v2sf);
	(v2sf) =	vpush v21, $0x4  }
0x76: {  	s28 =	spop (v2sf)  }
0x77: {  	s1 =	spop (v2sf);
	(v2sf) =	vpush v21, $0x5  }
0x78: {  	s26 =	spop (v2sf);
	(v2sf) =	vpush v21, $0x6  }
0x79: {  	s29 =	spop (v2sf);
	(v2sf) =	vpush v21, $0x7  }
0x7a: {  	s24 =	spop (v2sf)  }
0x7b: {  	s7 =	spop (v2sf);
	(v2sf) =	vpush v21, $0x8  }
0x7c: {  	s22 =	spop (v2sf);
	(v2sf) =	vpush v21, $0x9  }
0x7d: {  	s25 =	spop (v2sf);
	(v2sf) =	vpush v21, $0xA  }
0x7e: {  	s21 =	spop (v2sf)  }
0x7f: {  	v22 =	vld [tilespmem:s19+$0xFFFFFFC8];
	s23 =	spop (v2sf);
	(v2sf) =	vpush v21, $0xB  }
0x80: {  	s12 =	spop (v2sf);
	(v2sf) =	vpush v21, $0xC  }
0x81: {  	v23 =	vld [tilespmem:s12+$0x0];
	s31 =	spop (v2sf);
	(v2sf) =	vpush v21, $0xD  }
0x82: {  	v24 =	vld [tilespmem:s31+$0x0];
	s14 =	spop (v2sf)  }
0x83: {  	(v2sf) =	vpush v21, $0xE;
	v25 =	vld [tilespmem:s14+$0x0];
	s15 =	spop (v2sf)  }
0x84: {  	v1 =	vshll.u32 v22, $0x4;
	(v2sf) =	vpush v21, $0xF;
	v26 =	vld [tilespmem:s15+$0x0];
	s16 =	spop (v2sf)  }
0x85: {  	(v2sf) =	vpush v1, $0xC;
	v27 =	vld [tilespmem:s16+$0x0]  }
0x86: {  	s30 =	spop (v2sf)  }
0x87: {  	v28 =	vunpack.i.u.bf16.f32 v23;
	(v2sf) =	vpush v1, $0xD;
	v29 =	vld [tilespmem:s30+$0x0];
	s31 =	spop (v2sf)  }
0x88: {  	v2 =	vunpack.i.l.bf16.f32 v23;
	v30 =	vunpack.i.u.bf16.f32 v24;
	v31 =	vld [tilespmem:s31+$0x0];
	s14 =	spop (v2sf);
	(v2sf) =	vpush v1, $0xE  }
0x89: {  	v3 =	vunpack.i.l.bf16.f32 v24;
	v32 =	vunpack.i.u.bf16.f32 v25;
	v33 =	vld [tilespmem:s14+$0x0];
	(v2sf) =	vpush v1, $0xF  }
0x8a: {  	v34 =	vunpack.i.l.bf16.f32 v25;
	v35 =	vunpack.i.u.bf16.f32 v26;
	v36 =	vunpack.i.l.bf16.f32 v27;
	s15 =	spop (v2sf)  }
0x8b: {  	v5 =	vunpack.i.l.bf16.f32 v26;
	v0 =	vunpack.i.u.bf16.f32 v27;
	v2 =	vadd.f32 v36, v2;
	v37 =	vld [tilespmem:s15+$0x0];
	s16 =	spop (v2sf)  }
0x8c: {  	v0 =	vadd.f32 v0, v28;
	v38 =	vunpack.i.u.bf16.f32 v29;
	v7 =	vunpack.i.l.bf16.f32 v29;
	v39 =	vld [tilespmem:s16+$0x0];
	s30 =	spop (v2sf)  }
0x8d: {  	v3 =	vadd.f32 v7, v3;
	v6 =	vadd.f32 v38, v30;
	v40 =	vunpack.i.l.bf16.f32 v31;
	v41 =	vld [tilespmem:s30+$0x0]  }
0x8e: {  	v9 =	vunpack.i.u.bf16.f32 v31;
	v1 =	vadd.f32 v40, v34;
	v42 =	vunpack.i.l.bf16.f32 v33;
	s31 =	spop (v2sf)  }
0x8f: {  	v9 =	vadd.f32 v9, v32;
	v43 =	vunpack.i.u.bf16.f32 v33;
	v5 =	vadd.f32 v42, v5;
	v44 =	vld [tilespmem:s31+$0x0];
	s14 =	spop (v2sf)  }
0x90: {  	v4 =	vadd.f32 v43, v35;
	v45 =	vunpack.i.u.bf16.f32 v37;
	v46 =	vunpack.i.l.bf16.f32 v37;
	v47 =	vld [tilespmem:s14+$0x0];
	s15 =	spop (v2sf)  }
0x91: {  	v2 =	vadd.f32 v46, v2;
	v0 =	vadd.f32 v45, v0;
	v48 =	vunpack.i.l.bf16.f32 v39;
	v49 =	vld [tilespmem:s15+$0x0]  }
0x92: {  	v13 =	vunpack.i.u.bf16.f32 v39;
	s16 =	spop (v2sf);
	v3 =	vadd.f32 v48, v3;
	v50 =	vunpack.i.l.bf16.f32 v41  }
0x93: {  	v6 =	vadd.f32 v13, v6;
	v8 =	vunpack.i.u.bf16.f32 v41;
	v51 =	vld [tilespmem:s16+$0x0];
	s30 =	spop (v2sf);
	v1 =	vadd.f32 v50, v1  }
0x94: {  	v8 =	vadd.f32 v8, v9;
	v53 =	vld [tilespmem:s30+$0x0];
	s31 =	spop (v2sf);
	v52 =	vunpack.i.u.bf16.f32 v44;
	v7 =	vunpack.i.l.bf16.f32 v44  }
0x95: {  	v55 =	vld [tilespmem:s31+$0x0];
	v5 =	vadd.f32 v7, v5;
	v4 =	vadd.f32 v52, v4;
	v54 =	vunpack.i.l.bf16.f32 v47  }
0x96: {  	v12 =	vunpack.i.u.bf16.f32 v47;
	s14 =	spop (v2sf);
	v2 =	vadd.f32 v54, v2;
	v56 =	vunpack.i.l.bf16.f32 v49  }
0x97: {  	v0 =	vadd.f32 v12, v0;
	v11 =	vunpack.i.u.bf16.f32 v49;
	v57 =	vld [tilespmem:s14+$0x0];
	v3 =	vadd.f32 v56, v3;
	s15 =	spop (v2sf)  }
0x98: {  	v6 =	vadd.f32 v11, v6;
	v58 =	vunpack.i.u.bf16.f32 v51;
	v10 =	vunpack.i.l.bf16.f32 v51;
	v59 =	vld [tilespmem:s15+$0x0];
	s16 =	spop (v2sf)  }
0x99: {  	v1 =	vadd.f32 v10, v1;
	v8 =	vadd.f32 v58, v8;
	v60 =	vunpack.i.l.bf16.f32 v53;
	v61 =	vld [tilespmem:s16+$0x0]  }
0x9a: {  	v13 =	vunpack.i.u.bf16.f32 v53;
	v5 =	vadd.f32 v60, v5;
	v62 =	vunpack.i.l.bf16.f32 v55  }
0x9b: {  	v4 =	vadd.f32 v13, v4;
	v9 =	vunpack.i.u.bf16.f32 v55;
	v2 =	vadd.f32 v62, v2  }
0x9c: {  	v0 =	vadd.f32 v9, v0;
	v63 =	vunpack.i.u.bf16.f32 v57;
	v7 =	vunpack.i.l.bf16.f32 v57  }
0x9d: {  	v3 =	vadd.f32 v7, v3;
	v6 =	vadd.f32 v63, v6  }
0x9e: {  	v13 =	vunpack.i.u.bf16.f32 v59;
	v14 =	vunpack.i.l.bf16.f32 v59;
	v15 =	vunpack.i.l.bf16.f32 v61  }
0x9f: {  	v1 =	vadd.f32 v14, v1;
	v16 =	vunpack.i.u.bf16.f32 v61;
	v5 =	vadd.f32 v15, v5  }
0xa0: {  	v7 =	vadd.f32 v13, v8;
	v4 =	vadd.f32 v16, v4  }
0xa1: {  	v2 =	vadd.f32 v3, v2;
	v1 =	vadd.f32 v5, v1  }
0xa2: {  	v0 =	vadd.f32 v6, v0;
	v17 =	vadd.f32 v4, v7  }
0xa3: {  	v1 =	vadd.f32 v1, v2  }
0xa4: {  	v0 =	vadd.f32 v17, v0  }
0xa5: {  	[tilespmem:s20+$0xFFFFFE80] =	vst v1  }
0xa6: {  	[tilespmem:s20+$0xFFFFFE90] =	vst v0  }
0xa7: {  	v0 =	vld [tilespmem:s18+$0xFFFFFFC4];
	_ =	sdelay $0x4  }
0xa8: {  	v0 =	vshll.u32 v0, $0x4  }
0xa9: {  	v0 =	vadd.s32 $0x3E80, v0  }
0xaa: {  	(v2sf) =	vpush v0, $0x1  }
0xab: {  	(v2sf) =	vpush v0, $0x0  }
0xac: {  	(v2sf) =	vpush v0, $0x3  }
0xad: {  	(v2sf) =	vpush v0, $0x2  }
0xae: {  	(v2sf) =	vpush v0, $0x5  }
0xaf: {  	(v2sf) =	vpush v0, $0x4  }
0xb0: {  	(v2sf) =	vpush v0, $0x7  }
0xb1: {  	(v2sf) =	vpush v0, $0x6  }
0xb2: {  	(v2sf) =	vpush v0, $0x9  }
0xb3: {  	v1 =	vld [tilespmem:s18+$0xFFFFFFC8];
	(v2sf) =	vpush v0, $0x8  }
0xb4: {  	v19 =	vld [tilespmem:s3+$0x0];
	(v2sf) =	vpush v0, $0xB  }
0xb5: {  	v18 =	vld [tilespmem:s11+$0x0];
	(v2sf) =	vpush v0, $0xA  }
0xb6: {  	v20 =	vld [tilespmem:s19+$0xFFFFFFD8];
	(v2sf) =	vpush v0, $0xD  }
0xb7: {  	v21 =	vld [tilespmem:s4+$0x0];
	(v2sf) =	vpush v0, $0xC  }
0xb8: {  	v23 =	vld [tilespmem:s8+$0x0];
	v1 =	vshll.u32 v1, $0x4;
	(v2sf) =	vpush v0, $0xF  }
0xb9: {  	v25 =	vld [tilespmem:s6+$0x0];
	v22 =	vadd.s32 $0x3E80, v1;
	s4 =	spop (v2sf);
	(v2sf) =	vpush v0, $0xE  }
0xba: {  	v27 =	vld [tilespmem:s10+$0x0];
	s3 =	spop (v2sf);
	(v2sf) =	vpush v22, $0xD  }
0xbb: {  	v36 =	vld [tilespmem:s5+$0x0];
	s12 =	spop (v2sf);
	(v2sf) =	vpush v22, $0xC  }
0xbc: {  	v31 =	vld [tilespmem:s13+$0x0];
	s8 =	spop (v2sf);
	(v2sf) =	vpush v22, $0xF  }
0xbd: {  	v24 =	vunpack.i.u.bf16.f32 v18;
	v28 =	vshll.u32 v20, $0x4;
	v34 =	vld [tilespmem:s2+$0x0];
	s11 =	spop (v2sf);
	(v2sf) =	vpush v22, $0xE  }
0xbe: {  	v26 =	vunpack.i.u.bf16.f32 v19;
	v29 =	vunpack.i.l.bf16.f32 v19;
	s16 =	spop (v2sf);
	(v2sf) =	vpush v28, $0x0  }
0xbf: {  	v30 =	vunpack.i.u.bf16.f32 v21;
	v32 =	vunpack.i.l.bf16.f32 v23;
	v40 =	vld [tilespmem:s1+$0x0];
	s15 =	spop (v2sf);
	(v2sf) =	vpush v28, $0x1  }
0xc0: {  	v38 =	vld [tilespmem:s0+$0x0];
	v33 =	vunpack.i.u.bf16.f32 v25;
	v35 =	vunpack.i.u.bf16.f32 v27;
	s6 =	spop (v2sf);
	(v2sf) =	vpush v28, $0x2  }
0xc1: {  	v42 =	vunpack.i.l.bf16.f32 v36;
	v37 =	vunpack.i.l.bf16.f32 v31;
	s13 =	spop (v2sf);
	(v2sf) =	vpush v28, $0x3  }
0xc2: {  	v39 =	vunpack.i.u.bf16.f32 v34;
	v5 =	vunpack.i.l.bf16.f32 v21;
	s5 =	spop (v2sf);
	(v2sf) =	vpush v28, $0x4  }
0xc3: {  	v43 =	vunpack.i.u.bf16.f32 v36;
	v41 =	vadd.f32 v39, v33;
	v5 =	vadd.f32 v37, v5;
	s2 =	spop (v2sf)  }
0xc4: {  	v47 =	vunpack.i.l.bf16.f32 v40;
	v8 =	vadd.f32 v35, v26;
	s14 =	spop (v2sf);
	(v2sf) =	vpush v28, $0x5  }
0xc5: {  	v45 =	vunpack.i.u.bf16.f32 v38;
	v50 =	vadd.f32 v47, v5;
	v5 =	vld [tilespmem:s7+$0x0];
	s0 =	spop (v2sf);
	(v2sf) =	vpush v28, $0x6  }
0xc6: {  	v46 =	vld [tilespmem:s29+$0x0];
	v6 =	vunpack.i.l.bf16.f32 v34;
	v4 =	vunpack.i.u.bf16.f32 v31;
	s10 =	spop (v2sf);
	(v2sf) =	vpush v28, $0x7  }
0xc7: {  	v44 =	vld [tilespmem:s28+$0x0];
	v15 =	vadd.f32 v45, v8;
	v7 =	vunpack.i.l.bf16.f32 v25;
	v3 =	vadd.f32 v4, v30;
	s30 =	spop (v2sf)  }
0xc8: {  	v49 =	vunpack.i.u.bf16.f32 v40;
	v6 =	vadd.f32 v6, v7;
	s1 =	spop (v2sf);
	(v2sf) =	vpush v28, $0x8  }
0xc9: {  	v48 =	vld [tilespmem:s26+$0x0];
	v2 =	vunpack.i.l.bf16.f32 v18;
	v1 =	vunpack.i.u.bf16.f32 v23;
	s28 =	spop (v2sf);
	(v2sf) =	vpush v28, $0x9  }
0xca: {  	v60 =	vunpack.i.l.bf16.f32 v5;
	v1 =	vadd.f32 v1, v24;
	s31 =	spop (v2sf);
	(v2sf) =	vpush v28, $0xA  }
0xcb: {  	v52 =	vunpack.i.l.bf16.f32 v46;
	v2 =	vadd.f32 v32, v2;
	v7 =	vadd.f32 v60, v50;
	s26 =	spop (v2sf)  }
0xcc: {  	v51 =	vunpack.i.u.bf16.f32 v44;
	v16 =	vld [tilespmem:s19+$0xFFFFFFDC];
	v11 =	vadd.f32 v43, v1;
	s29 =	spop (v2sf);
	(v2sf) =	vpush v28, $0xB  }
0xcd: {  	v9 =	vunpack.i.l.bf16.f32 v27;
	v1 =	vadd.f32 v49, v3;
	s7 =	spop (v2sf);
	(v2sf) =	vpush v28, $0xC  }
0xce: {  	v57 =	vunpack.i.u.bf16.f32 v48;
	v3 =	vadd.f32 v51, v41;
	v17 =	vld [tilespmem:s7+$0x0];
	s7 =	spop (v2sf);
	(v2sf) =	vpush v28, $0xD  }
0xcf: {  	v0 =	vadd.f32 v9, v29;
	v9 =	vadd.f32 v42, v2;
	v2 =	vunpack.i.l.bf16.f32 v44;
	v18 =	vld [tilespmem:s7+$0x0];
	s7 =	spop (v2sf)  }
0xd0: {  	v4 =	vunpack.i.l.bf16.f32 v38;
	v2 =	vadd.f32 v2, v6;
	(v2sf) =	vpush v28, $0xE;
	v54 =	vld [tilespmem:s7+$0x0];
	s7 =	spop (v2sf)  }
0xd1: {  	v55 =	vshll.u32 v16, $0x4;
	v6 =	vadd.f32 v57, v15;
	(v2sf) =	vpush v28, $0xF;
	v56 =	vld [tilespmem:s7+$0x0];
	s7 =	spop (v2sf)  }
0xd2: {  	v53 =	vunpack.i.u.bf16.f32 v46;
	v14 =	vadd.f32 v4, v0;
	(v2sf) =	vpush v55, $0xC;
	v59 =	vld [tilespmem:s7+$0x0]  }
0xd3: {  	v58 =	vunpack.i.l.bf16.f32 v48;
	v4 =	vadd.f32 v52, v9;
	v0 =	vadd.f32 v53, v11;
	s7 =	spop (v2sf)  }
0xd4: {  	v8 =	vadd.f32 v58, v14;
	v61 =	vunpack.i.u.bf16.f32 v17;
	(v2sf) =	vpush v55, $0xD;
	v62 =	vld [tilespmem:s7+$0x0];
	s7 =	spop (v2sf)  }
0xd5: {  	v63 =	vunpack.i.l.bf16.f32 v17;
	v24 =	vunpack.i.u.bf16.f32 v18;
	v25 =	vld [tilespmem:s7+$0x0];
	s7 =	spop (v2sf);
	(v2sf) =	vpush v55, $0xE  }
0xd6: {  	v18 =	vunpack.i.l.bf16.f32 v18;
	v19 =	vunpack.i.u.bf16.f32 v54;
	v20 =	vld [tilespmem:s7+$0x0];
	(v2sf) =	vpush v55, $0xF  }
0xd7: {  	v9 =	vunpack.i.l.bf16.f32 v54;
	v26 =	vunpack.i.u.bf16.f32 v56;
	v21 =	vunpack.i.l.bf16.f32 v59;
	s7 =	spop (v2sf)  }
0xd8: {  	v13 =	vunpack.i.l.bf16.f32 v56;
	v10 =	vunpack.i.u.bf16.f32 v59;
	v15 =	vadd.f32 v21, v63;
	v27 =	vld [tilespmem:s7+$0x0];
	s7 =	spop (v2sf)  }
0xd9: {  	v10 =	vadd.f32 v10, v61;
	v28 =	vunpack.i.u.bf16.f32 v62;
	v14 =	vunpack.i.l.bf16.f32 v62;
	v22 =	vld [tilespmem:s7+$0x0];
	s7 =	spop (v2sf)  }
0xda: {  	v14 =	vadd.f32 v14, v18;
	v12 =	vadd.f32 v28, v24;
	v29 =	vunpack.i.l.bf16.f32 v25;
	v30 =	vld [tilespmem:s7+$0x0]  }
0xdb: {  	v17 =	vunpack.i.u.bf16.f32 v25;
	v9 =	vadd.f32 v29, v9;
	v31 =	vunpack.i.l.bf16.f32 v20;
	s7 =	spop (v2sf)  }
0xdc: {  	v17 =	vadd.f32 v17, v19;
	v32 =	vunpack.i.u.bf16.f32 v20;
	v13 =	vadd.f32 v31, v13;
	v33 =	vld [tilespmem:s7+$0x0];
	s7 =	spop (v2sf)  }
0xdd: {  	v11 =	vadd.f32 v32, v26;
	v34 =	vunpack.i.u.bf16.f32 v27;
	v35 =	vunpack.i.l.bf16.f32 v27;
	v36 =	vld [tilespmem:s7+$0x0];
	s7 =	spop (v2sf)  }
0xde: {  	v15 =	vadd.f32 v35, v15;
	v10 =	vadd.f32 v34, v10;
	v37 =	vunpack.i.l.bf16.f32 v22;
	v38 =	vld [tilespmem:s7+$0x0]  }
0xdf: {  	v22 =	vunpack.i.u.bf16.f32 v22;
	s7 =	spop (v2sf);
	v14 =	vadd.f32 v37, v14;
	v39 =	vunpack.i.l.bf16.f32 v30  }
0xe0: {  	v12 =	vadd.f32 v22, v12;
	v18 =	vunpack.i.u.bf16.f32 v30;
	v40 =	vld [tilespmem:s7+$0x0];
	s7 =	spop (v2sf);
	v9 =	vadd.f32 v39, v9  }
0xe1: {  	v17 =	vadd.f32 v18, v17;
	v42 =	vld [tilespmem:s7+$0x0];
	s7 =	spop (v2sf);
	v41 =	vunpack.i.u.bf16.f32 v33;
	v16 =	vunpack.i.l.bf16.f32 v33  }
0xe2: {  	v44 =	vld [tilespmem:s7+$0x0];
	v13 =	vadd.f32 v16, v13;
	v11 =	vadd.f32 v41, v11;
	v43 =	vunpack.i.l.bf16.f32 v36  }
0xe3: {  	v21 =	vunpack.i.u.bf16.f32 v36;
	s7 =	spop (v2sf);
	v15 =	vadd.f32 v43, v15;
	v45 =	vunpack.i.l.bf16.f32 v38  }
0xe4: {  	v10 =	vadd.f32 v21, v10;
	v20 =	vunpack.i.u.bf16.f32 v38;
	v46 =	vld [tilespmem:s7+$0x0];
	v14 =	vadd.f32 v45, v14;
	s7 =	spop (v2sf)  }
0xe5: {  	v12 =	vadd.f32 v20, v12;
	v47 =	vunpack.i.u.bf16.f32 v40;
	v19 =	vunpack.i.l.bf16.f32 v40;
	v48 =	vld [tilespmem:s7+$0x0];
	s7 =	spop (v2sf)  }
0xe6: {  	v9 =	vadd.f32 v19, v9;
	v17 =	vadd.f32 v47, v17;
	v49 =	vunpack.i.l.bf16.f32 v42;
	v50 =	vld [tilespmem:s7+$0x0]  }
0xe7: {  	v22 =	vunpack.i.u.bf16.f32 v42;
	v13 =	vadd.f32 v49, v13;
	v51 =	vunpack.i.l.bf16.f32 v44  }
0xe8: {  	v11 =	vadd.f32 v22, v11;
	v18 =	vunpack.i.u.bf16.f32 v44;
	v15 =	vadd.f32 v51, v15  }
0xe9: {  	v10 =	vadd.f32 v18, v10;
	v52 =	vunpack.i.u.bf16.f32 v46;
	v16 =	vunpack.i.l.bf16.f32 v46  }
0xea: {  	v60 =	vld [tilespmem:s23+$0x0];
	v14 =	vadd.f32 v16, v14;
	v12 =	vadd.f32 v52, v12  }
0xeb: {  	v57 =	vld [tilespmem:s25+$0x0];
	v54 =	vunpack.i.u.bf16.f32 v48;
	v55 =	vunpack.i.l.bf16.f32 v48;
	v56 =	vunpack.i.l.bf16.f32 v50  }
0xec: {  	v53 =	vld [tilespmem:s24+$0x0];
	v9 =	vadd.f32 v55, v9;
	v58 =	vunpack.i.u.bf16.f32 v50;
	v13 =	vadd.f32 v56, v13  }
0xed: {  	v59 =	vld [tilespmem:s22+$0x0];
	v17 =	vadd.f32 v54, v17;
	v11 =	vadd.f32 v58, v11  }
0xee: {  	v61 =	vld [tilespmem:s21+$0x0];
	v14 =	vadd.f32 v14, v15;
	v9 =	vadd.f32 v13, v9  }
0xef: {  	v29 =	vld [tilespmem:s4+$0x0];
	v10 =	vadd.f32 v12, v10;
	v11 =	vadd.f32 v11, v17  }
0xf0: {  	v31 =	vld [tilespmem:s8+$0x0];
	v62 =	vadd.f32 v9, v14  }
0xf1: {  	v5 =	vunpack.i.u.bf16.f32 v5;
	v27 =	vld [tilespmem:s3+$0x0];
	v10 =	vadd.f32 v11, v10  }
0xf2: {  	v23 =	vunpack.i.l.bf16.f32 v60;
	v1 =	vadd.f32 v5, v1;
	v63 =	vunpack.i.u.bf16.f32 v53;
	v34 =	vld [tilespmem:s16+$0x0];
	[tilespmem:s20+$0xFFFFFF00] =	vst v62  }
0xf3: {  	v7 =	vadd.f32 v23, v7;
	v3 =	vadd.f32 v63, v3;
	v28 =	vunpack.i.u.bf16.f32 v60;
	v39 =	vld [tilespmem:s11+$0x0];
	[tilespmem:s20+$0xFFFFFF10] =	vst v10  }
0xf4: {  	v26 =	vunpack.i.u.bf16.f32 v59;
	v32 =	vadd.f32 v28, v1;
	v30 =	vunpack.i.u.bf16.f32 v61;
	v25 =	vld [tilespmem:s18+$0xFFFFFFD8]  }
0xf5: {  	v24 =	vunpack.i.l.bf16.f32 v61;
	v6 =	vadd.f32 v26, v6;
	v61 =	vld [tilespmem:s0+$0x0];
	v3 =	vadd.f32 v30, v3  }
0xf6: {  	v33 =	vld [tilespmem:s12+$0x0];
	v36 =	vunpack.i.u.bf16.f32 v27;
	v37 =	vunpack.i.l.bf16.f32 v27;
	v21 =	vunpack.i.u.bf16.f32 v57  }
0xf7: {  	v38 =	vunpack.i.u.bf16.f32 v29;
	v43 =	vunpack.i.l.bf16.f32 v34;
	v5 =	vadd.f32 v21, v0;
	v21 =	vld [tilespmem:s30+$0x0]  }
0xf8: {  	v40 =	vunpack.i.u.bf16.f32 v31;
	v19 =	vunpack.i.l.bf16.f32 v57;
	v42 =	vld [tilespmem:s6+$0x0];
	v45 =	vunpack.i.l.bf16.f32 v39  }
0xf9: {  	v4 =	vadd.f32 v19, v4;
	v22 =	vunpack.i.l.bf16.f32 v59;
	v44 =	vld [tilespmem:s15+$0x0];
	v35 =	vshll.u32 v25, $0x4  }
0xfa: {  	v1 =	vadd.f32 v6, v5;
	v8 =	vadd.f32 v22, v8;
	v5 =	vadd.s32 $0x3E80, v35  }
0xfb: {  	v41 =	vunpack.i.u.bf16.f32 v33;
	v6 =	vadd.f32 v43, v37;
	(v2sf) =	vpush v5, $0x1  }
0xfc: {  	v22 =	vunpack.i.u.bf16.f32 v61;
	v46 =	vld [tilespmem:s5+$0x0];
	v4 =	vadd.f32 v8, v4;
	(v2sf) =	vpush v5, $0x0  }
0xfd: {  	v52 =	vld [tilespmem:s14+$0x0];
	v26 =	vunpack.i.u.bf16.f32 v21;
	v47 =	vunpack.i.l.bf16.f32 v42;
	(v2sf) =	vpush v5, $0x3  }
0xfe: {  	v12 =	vunpack.i.l.bf16.f32 v33;
	v49 =	vunpack.i.l.bf16.f32 v44;
	(v2sf) =	vpush v5, $0x2  }
0xff: {  	v15 =	vunpack.i.u.bf16.f32 v44;
	v12 =	vadd.f32 v49, v12;
	(v2sf) =	vpush v5, $0x5  }
0x100: {  	v54 =	vld [tilespmem:s2+$0x0];
	v17 =	vunpack.i.l.bf16.f32 v53;
	v13 =	vadd.f32 v15, v41;
	(v2sf) =	vpush v5, $0x4  }
0x101: {  	v58 =	vld [tilespmem:s10+$0x0];
	v51 =	vunpack.i.l.bf16.f32 v46;
	v2 =	vadd.f32 v17, v2;
	(v2sf) =	vpush v5, $0x7  }
0x102: {  	v48 =	vld [tilespmem:s13+$0x0];
	v6 =	vadd.f32 v51, v6;
	v15 =	vunpack.i.u.bf16.f32 v52;
	(v2sf) =	vpush v5, $0x6  }
0x103: {  	v9 =	vunpack.i.u.bf16.f32 v39;
	v2 =	vadd.f32 v24, v2;
	(v2sf) =	vpush v5, $0x9  }
0x104: {  	v14 =	vunpack.i.u.bf16.f32 v42;
	v8 =	vadd.f32 v9, v38;
	v50 =	vld [tilespmem:s18+$0xFFFFFFDC];
	(v2sf) =	vpush v5, $0x8  }
0x105: {  	v11 =	vadd.f32 v14, v40;
	v14 =	vunpack.i.u.bf16.f32 v54;
	(v2sf) =	vpush v5, $0xB  }
0x106: {  	v20 =	vunpack.i.l.bf16.f32 v58;
	v13 =	vadd.f32 v14, v13;
	(v2sf) =	vpush v5, $0xA  }
0x107: {  	v53 =	vunpack.i.u.bf16.f32 v48;
	v6 =	vadd.f32 v20, v6;
	(v2sf) =	vpush v5, $0xD  }
0x108: {  	v23 =	vld [tilespmem:s31+$0x0];
	v60 =	vunpack.i.l.bf16.f32 v54;
	v2 =	vadd.f32 v2, v7;
	(v2sf) =	vpush v5, $0xC  }
0x109: {  	v55 =	vld [tilespmem:s19+$0xFFFFFFEC];
	v8 =	vadd.f32 v53, v8;
	v16 =	vshll.u32 v50, $0x4;
	(v2sf) =	vpush v5, $0xF  }
0x10a: {  	v27 =	vld [tilespmem:s29+$0x0];
	v59 =	vadd.f32 v15, v11;
	v56 =	vadd.s32 $0x3E80, v16;
	s14 =	spop (v2sf);
	(v2sf) =	vpush v5, $0xE  }
0x10b: {  	v7 =	vunpack.i.l.bf16.f32 v31;
	v11 =	vadd.f32 v60, v12;
	s24 =	spop (v2sf);
	(v2sf) =	vpush v56, $0xD  }
0x10c: {  	v10 =	vunpack.i.l.bf16.f32 v29;
	v7 =	vadd.f32 v47, v7;
	s15 =	spop (v2sf);
	(v2sf) =	vpush v56, $0xC  }
0x10d: {  	v29 =	vunpack.i.l.bf16.f32 v23;
	v28 =	vadd.f32 v26, v13;
	s22 =	spop (v2sf);
	(v2sf) =	vpush v56, $0xF  }
0x10e: {  	v62 =	vshll.u32 v55, $0x4;
	v6 =	vadd.f32 v29, v6;
	s11 =	spop (v2sf);
	(v2sf) =	vpush v56, $0xE  }
0x10f: {  	v63 =	vld [tilespmem:s1+$0x0];
	v33 =	vunpack.i.l.bf16.f32 v27;
	v0 =	vadd.f32 v2, v4;
	s23 =	spop (v2sf);
	(v2sf) =	vpush v62, $0x0  }
0x110: {  	v57 =	vunpack.i.l.bf16.f32 v52;
	v2 =	vadd.f32 v3, v32;
	s13 =	spop (v2sf);
	(v2sf) =	vpush v62, $0x1  }
0x111: {  	v4 =	vunpack.i.u.bf16.f32 v34;
	v8 =	vadd.f32 v22, v8;
	s21 =	spop (v2sf);
	(v2sf) =	vpush v62, $0x2  }
0x112: {  	v9 =	vunpack.i.l.bf16.f32 v48;
	v3 =	vadd.f32 v4, v36;
	s10 =	spop (v2sf);
	(v2sf) =	vpush v62, $0x3  }
0x113: {  	v4 =	vadd.f32 v45, v10;
	v10 =	vunpack.i.u.bf16.f32 v46;
	s16 =	spop (v2sf);
	(v2sf) =	vpush v62, $0x4  }
0x114: {  	v24 =	vunpack.i.l.bf16.f32 v63;
	v7 =	vadd.f32 v57, v7;
	v3 =	vadd.f32 v10, v3;
	s6 =	spop (v2sf)  }
0x115: {  	v15 =	vunpack.i.l.bf16.f32 v61;
	v31 =	vld [tilespmem:s26+$0x0];
	v4 =	vadd.f32 v9, v4;
	s12 =	spop (v2sf);
	(v2sf) =	vpush v62, $0x5  }
0x116: {  	v12 =	vunpack.i.u.bf16.f32 v63;
	v7 =	vadd.f32 v24, v7;
	s4 =	spop (v2sf);
	(v2sf) =	vpush v62, $0x6  }
0x117: {  	v10 =	vunpack.i.u.bf16.f32 v58;
	v9 =	vadd.f32 v12, v59;
	s8 =	spop (v2sf);
	(v2sf) =	vpush v62, $0x7  }
0x118: {  	v34 =	vunpack.i.u.bf16.f32 v27;
	v25 =	vld [tilespmem:s28+$0x0];
	v3 =	vadd.f32 v10, v3;
	v4 =	vadd.f32 v15, v4;
	s2 =	spop (v2sf)  }
0x119: {  	v10 =	vunpack.i.l.bf16.f32 v21;
	v7 =	vadd.f32 v33, v7;
	v9 =	vadd.f32 v34, v9;
	s7 =	spop (v2sf)  }
0x11a: {  	v13 =	vunpack.i.u.bf16.f32 v31;
	v10 =	vadd.f32 v10, v11;
	(v2sf) =	vpush v62, $0x8;
	s1 =	spop (v2sf)  }
0x11b: {  	v30 =	vunpack.i.u.bf16.f32 v23;
	v11 =	vadd.f32 v13, v28;
	(v2sf) =	vpush v62, $0x9;
	s5 =	spop (v2sf)  }
0x11c: {  	v36 =	vunpack.i.l.bf16.f32 v31;
	v3 =	vadd.f32 v30, v3;
	(v2sf) =	vpush v62, $0xA;
	s0 =	spop (v2sf)  }
0x11d: {  	v35 =	vld [tilespmem:s19+$0xFFFFFFF0];
	v12 =	vunpack.i.l.bf16.f32 v25;
	v10 =	vadd.f32 v36, v10;
	v41 =	vadd.f32 v11, v9;
	s3 =	spop (v2sf)  }
0x11e: {  	v32 =	vunpack.i.u.bf16.f32 v25;
	v4 =	vadd.f32 v12, v4;
	v28 =	vld [tilespmem:s24+$0x0];
	(v2sf) =	vpush v62, $0xB;
	s26 =	spop (v2sf)  }
0x11f: {  	v8 =	vadd.f32 v32, v8;
	(v2sf) =	vpush v62, $0xC;
	v37 =	vld [tilespmem:s26+$0x0];
	s28 =	spop (v2sf)  }
0x120: {  	v7 =	vadd.f32 v10, v7;
	(v2sf) =	vpush v62, $0xD;
	v38 =	vld [tilespmem:s28+$0x0];
	s29 =	spop (v2sf)  }
0x121: {  	v4 =	vadd.f32 v4, v6;
	v8 =	vadd.f32 v8, v3;
	v39 =	vld [tilespmem:s29+$0x0];
	s30 =	spop (v2sf)  }
0x122: {  	v3 =	vadd.f32 v2, v1;
	(v2sf) =	vpush v62, $0xE;
	v40 =	vld [tilespmem:s30+$0x0];
	s31 =	spop (v2sf)  }
0x123: {  	v12 =	vshll.u32 v35, $0x4;
	v2 =	vadd.f32 v7, v4;
	(v2sf) =	vpush v62, $0xF;
	v42 =	vld [tilespmem:s31+$0x0]  }
0x124: {  	v1 =	vadd.f32 v41, v8;
	v36 =	vld [tilespmem:s14+$0x0];
	(v2sf) =	vpush v12, $0xC;
	s26 =	spop (v2sf);
	v43 =	vunpack.i.u.bf16.f32 v37  }
0x125: {  	(v2sf) =	vpush v12, $0xD;
	v45 =	vunpack.i.l.bf16.f32 v37;
	v44 =	vld [tilespmem:s26+$0x0];
	s28 =	spop (v2sf);
	v46 =	vunpack.i.u.bf16.f32 v38  }
0x126: {  	v6 =	vunpack.i.l.bf16.f32 v38;
	v38 =	vunpack.i.u.bf16.f32 v28;
	v47 =	vld [tilespmem:s28+$0x0];
	s29 =	spop (v2sf);
	(v2sf) =	vpush v12, $0xE  }
0x127: {  	v48 =	vunpack.i.u.bf16.f32 v39;
	v10 =	vunpack.i.l.bf16.f32 v39;
	v39 =	vld [tilespmem:s22+$0x0];
	(v2sf) =	vpush v12, $0xF  }
0x128: {  	v49 =	vld [tilespmem:s29+$0x0];
	v50 =	vunpack.i.u.bf16.f32 v40;
	v51 =	vunpack.i.l.bf16.f32 v42;
	v9 =	vunpack.i.u.bf16.f32 v42  }
0x129: {  	v13 =	vunpack.i.l.bf16.f32 v40;
	s30 =	spop (v2sf);
	v7 =	vadd.f32 v51, v45;
	v4 =	vadd.f32 v9, v43  }
0x12a: {  	v52 =	vld [tilespmem:s30+$0x0];
	s31 =	spop (v2sf);
	v45 =	vunpack.i.u.bf16.f32 v36;
	v53 =	vunpack.i.u.bf16.f32 v44;
	v5 =	vunpack.i.l.bf16.f32 v44  }
0x12b: {  	v54 =	vld [tilespmem:s31+$0x0];
	s26 =	spop (v2sf);
	v44 =	vunpack.i.l.bf16.f32 v28;
	v5 =	vadd.f32 v5, v6;
	v55 =	vadd.f32 v53, v46  }
0x12c: {  	v56 =	vunpack.i.l.bf16.f32 v47;
	v57 =	vld [tilespmem:s26+$0x0];
	v11 =	vunpack.i.u.bf16.f32 v47;
	v51 =	vunpack.i.u.bf16.f32 v39  }
0x12d: {  	v8 =	vadd.f32 v56, v10;
	v58 =	vunpack.i.l.bf16.f32 v49;
	s28 =	spop (v2sf);
	v11 =	vadd.f32 v11, v48  }
0x12e: {  	v59 =	vunpack.i.u.bf16.f32 v49;
	v48 =	vunpack.i.l.bf16.f32 v36;
	v10 =	vadd.f32 v58, v13;
	v60 =	vld [tilespmem:s28+$0x0];
	s29 =	spop (v2sf)  }
0x12f: {  	v12 =	vadd.f32 v59, v50;
	v61 =	vunpack.i.u.bf16.f32 v52;
	v62 =	vunpack.i.l.bf16.f32 v52;
	v63 =	vld [tilespmem:s29+$0x0];
	s30 =	spop (v2sf)  }
0x130: {  	v7 =	vadd.f32 v62, v7;
	v4 =	vadd.f32 v61, v4;
	v20 =	vunpack.i.l.bf16.f32 v54;
	v21 =	vld [tilespmem:s30+$0x0]  }
0x131: {  	v17 =	vunpack.i.u.bf16.f32 v54;
	s31 =	spop (v2sf);
	v5 =	vadd.f32 v20, v5;
	v22 =	vunpack.i.l.bf16.f32 v57  }
0x132: {  	v6 =	vadd.f32 v17, v55;
	v9 =	vunpack.i.u.bf16.f32 v57;
	v23 =	vld [tilespmem:s31+$0x0];
	s26 =	spop (v2sf);
	v8 =	vadd.f32 v22, v8  }
0x133: {  	v9 =	vadd.f32 v9, v11;
	v25 =	vld [tilespmem:s26+$0x0];
	s28 =	spop (v2sf);
	v24 =	vunpack.i.u.bf16.f32 v60;
	v13 =	vunpack.i.l.bf16.f32 v60  }
0x134: {  	v27 =	vld [tilespmem:s28+$0x0];
	v10 =	vadd.f32 v13, v10;
	v11 =	vadd.f32 v24, v12;
	v26 =	vunpack.i.l.bf16.f32 v63  }
0x135: {  	v40 =	vld [tilespmem:s15+$0x0];
	v16 =	vunpack.i.u.bf16.f32 v63;
	s29 =	spop (v2sf);
	v7 =	vadd.f32 v26, v7;
	v29 =	vunpack.i.l.bf16.f32 v21  }
0x136: {  	v4 =	vadd.f32 v16, v4;
	v15 =	vunpack.i.u.bf16.f32 v21;
	v30 =	vld [tilespmem:s29+$0x0];
	v5 =	vadd.f32 v29, v5;
	s30 =	spop (v2sf)  }
0x137: {  	v6 =	vadd.f32 v15, v6;
	v31 =	vunpack.i.u.bf16.f32 v23;
	v14 =	vunpack.i.l.bf16.f32 v23;
	v32 =	vld [tilespmem:s30+$0x0];
	s31 =	spop (v2sf)  }
0x138: {  	v8 =	vadd.f32 v14, v8;
	v9 =	vadd.f32 v31, v9;
	v33 =	vunpack.i.l.bf16.f32 v25;
	v34 =	vld [tilespmem:s31+$0x0]  }
0x139: {  	v17 =	vunpack.i.u.bf16.f32 v25;
	v10 =	vadd.f32 v33, v10;
	v35 =	vunpack.i.l.bf16.f32 v27  }
0x13a: {  	v11 =	vadd.f32 v17, v11;
	v13 =	vunpack.i.u.bf16.f32 v27;
	v7 =	vadd.f32 v35, v7  }
0x13b: {  	v43 =	vld [tilespmem:s23+$0x0];
	v4 =	vadd.f32 v13, v4;
	v37 =	vunpack.i.u.bf16.f32 v30;
	v12 =	vunpack.i.l.bf16.f32 v30  }
0x13c: {  	v46 =	vld [tilespmem:s11+$0x0];
	v56 =	vunpack.i.l.bf16.f32 v40;
	v5 =	vadd.f32 v12, v5;
	v6 =	vadd.f32 v37, v6  }
0x13d: {  	v53 =	vld [tilespmem:s13+$0x0];
	v41 =	vunpack.i.u.bf16.f32 v32;
	v16 =	vunpack.i.l.bf16.f32 v32;
	v42 =	vunpack.i.l.bf16.f32 v34  }
0x13e: {  	v49 =	vld [tilespmem:s21+$0x0];
	v8 =	vadd.f32 v16, v8;
	v15 =	vunpack.i.u.bf16.f32 v34;
	v10 =	vadd.f32 v42, v10  }
0x13f: {  	v58 =	vld [tilespmem:s16+$0x0];
	v52 =	vunpack.i.l.bf16.f32 v39;
	v9 =	vadd.f32 v41, v9;
	v11 =	vadd.f32 v15, v11  }
0x140: {  	v54 =	vunpack.i.u.bf16.f32 v40;
	v61 =	vld [tilespmem:s10+$0x0];
	v5 =	vadd.f32 v5, v7;
	v47 =	vadd.f32 v10, v8  }
0x141: {  	v57 =	vunpack.i.u.bf16.f32 v43;
	v26 =	vld [tilespmem:s6+$0x0];
	v4 =	vadd.f32 v6, v4;
	v50 =	vadd.f32 v11, v9  }
0x142: {  	v55 =	vunpack.i.l.bf16.f32 v43;
	v59 =	vadd.f32 v57, v38;
	v5 =	vadd.f32 v47, v5  }
0x143: {  	v19 =	vunpack.i.l.bf16.f32 v49;
	v22 =	vld [tilespmem:s12+$0x0];
	v60 =	vunpack.i.u.bf16.f32 v46;
	v4 =	vadd.f32 v50, v4  }
0x144: {  	v63 =	vadd.f32 v60, v45;
	v24 =	vunpack.i.u.bf16.f32 v58;
	v21 =	vunpack.i.l.bf16.f32 v53;
	v31 =	vld [tilespmem:s8+$0x0];
	[tilespmem:s20+$0xFFFFFF80] =	vst v5  }
0x145: {  	v28 =	vunpack.i.u.bf16.f32 v61;
	v23 =	vunpack.i.u.bf16.f32 v53;
	v25 =	vunpack.i.l.bf16.f32 v58;
	v37 =	vld [tilespmem:s2+$0x0];
	[tilespmem:s20+$0xFFFFFF90] =	vst v4  }
0x146: {  	v27 =	vunpack.i.l.bf16.f32 v61;
	v33 =	vunpack.i.l.bf16.f32 v26;
	v16 =	vadd.f32 v55, v44;
	v20 =	vld [tilespmem:s18+$0xFFFFFFEC]  }
0x147: {  	v6 =	vadd.f32 v21, v56;
	v7 =	vadd.f32 v23, v54;
	v15 =	vunpack.i.l.bf16.f32 v46  }
0x148: {  	v14 =	vunpack.i.u.bf16.f32 v26;
	v62 =	vadd.f32 v15, v48;
	v12 =	vadd.f32 v25, v16  }
0x149: {  	v38 =	vld [tilespmem:s5+$0x0];
	v30 =	vunpack.i.l.bf16.f32 v22;
	v6 =	vadd.f32 v33, v6;
	v7 =	vadd.f32 v14, v7  }
0x14a: {  	v32 =	vld [tilespmem:s4+$0x0];
	v16 =	vunpack.i.l.bf16.f32 v31;
	v10 =	vunpack.i.u.bf16.f32 v49;
	v11 =	vadd.f32 v19, v52  }
0x14b: {  	v8 =	vadd.f32 v28, v63;
	v42 =	vunpack.i.l.bf16.f32 v37;
	v29 =	vshll.u32 v20, $0x4  }
0x14c: {  	v45 =	vld [tilespmem:s0+$0x0];
	v9 =	vadd.f32 v10, v51;
	v12 =	vadd.f32 v16, v12;
	v10 =	vadd.s32 $0x3E80, v29  }
0x14d: {  	v41 =	vunpack.i.u.bf16.f32 v37;
	v6 =	vadd.f32 v42, v6;
	(v2sf) =	vpush v10, $0x1  }
0x14e: {  	v44 =	vunpack.i.l.bf16.f32 v38;
	v7 =	vadd.f32 v41, v7;
	(v2sf) =	vpush v10, $0x0  }
0x14f: {  	v43 =	vld [tilespmem:s3+$0x0];
	v13 =	vunpack.i.u.bf16.f32 v32;
	v11 =	vadd.f32 v30, v11;
	(v2sf) =	vpush v10, $0x3  }
0x150: {  	v34 =	vld [tilespmem:s7+$0x0];
	v15 =	vunpack.i.u.bf16.f32 v22;
	v8 =	vadd.f32 v13, v8;
	(v2sf) =	vpush v10, $0x2  }
0x151: {  	v40 =	vld [tilespmem:s1+$0x0];
	v51 =	vunpack.i.u.bf16.f32 v45;
	v9 =	vadd.f32 v15, v9;
	(v2sf) =	vpush v10, $0x5  }
0x152: {  	v50 =	vunpack.i.l.bf16.f32 v45;
	v12 =	vadd.f32 v44, v12;
	(v2sf) =	vpush v10, $0x4  }
0x153: {  	v35 =	vunpack.i.u.bf16.f32 v31;
	v6 =	vadd.f32 v50, v6;
	v7 =	vadd.f32 v51, v7  }
0x154: {  	v49 =	vunpack.i.u.bf16.f32 v43;
	v5 =	vadd.f32 v24, v59;
	(v2sf) =	vpush v10, $0x7  }
0x155: {  	v39 =	vunpack.i.l.bf16.f32 v34;
	v4 =	vadd.f32 v27, v62;
	(v2sf) =	vpush v10, $0x6  }
0x156: {  	v13 =	vunpack.i.u.bf16.f32 v40;
	v11 =	vadd.f32 v39, v11;
	(v2sf) =	vpush v10, $0x9  }
0x157: {  	v15 =	vunpack.i.u.bf16.f32 v34;
	v8 =	vadd.f32 v13, v8;
	(v2sf) =	vpush v10, $0x8  }
0x158: {  	v36 =	vunpack.i.l.bf16.f32 v32;
	v9 =	vadd.f32 v15, v9;
	(v2sf) =	vpush v10, $0xB  }
0x159: {  	v47 =	vunpack.i.l.bf16.f32 v43;
	v48 =	vld [tilespmem:s18+$0xFFFFFFF0];
	v5 =	vadd.f32 v35, v5;
	v4 =	vadd.f32 v36, v4  }
0x15a: {  	v14 =	vunpack.i.u.bf16.f32 v38;
	v11 =	vadd.f32 v47, v11;
	v9 =	vadd.f32 v49, v9  }
0x15b: {  	v46 =	vunpack.i.l.bf16.f32 v40;
	v5 =	vadd.f32 v14, v5;
	(v2sf) =	vpush v10, $0xA  }
0x15c: {  	v39 =	vld [tilespmem:s19+$0x0];
	v4 =	vadd.f32 v46, v4;
	(v2sf) =	vpush v10, $0xD;
	s7 =	spop (v2sf)  }
0x15d: {  	v6 =	vadd.f32 v6, v11;
	(v2sf) =	vpush v10, $0xC;
	s8 =	spop (v2sf);
	v53 =	vld [tilespmem:s7+$0x0]  }
0x15e: {  	v7 =	vadd.f32 v7, v9;
	v55 =	vshll.u32 v48, $0x4;
	(v2sf) =	vpush v10, $0xF;
	v52 =	vld [tilespmem:s8+$0x0];
	s10 =	spop (v2sf)  }
0x15f: {  	v4 =	vadd.f32 v4, v12;
	v9 =	vadd.s32 $0x3E80, v55;
	(v2sf) =	vpush v10, $0xE;
	s11 =	spop (v2sf);
	v56 =	vld [tilespmem:s10+$0x0]  }
0x160: {  	v5 =	vadd.f32 v8, v5;
	(v2sf) =	vpush v9, $0xD;
	v54 =	vld [tilespmem:s11+$0x0];
	s12 =	spop (v2sf)  }
0x161: {  	v4 =	vadd.f32 v6, v4;
	(v2sf) =	vpush v9, $0xC;
	s13 =	spop (v2sf);
	v58 =	vld [tilespmem:s12+$0x0]  }
0x162: {  	v14 =	vshll.u32 v39, $0x4;
	v5 =	vadd.f32 v7, v5;
	(v2sf) =	vpush v9, $0xF;
	v57 =	vld [tilespmem:s13+$0x0]  }
0x163: {  	s14 =	spop (v2sf);
	v60 =	vunpack.i.u.bf16.f32 v53;
	v12 =	vunpack.i.l.bf16.f32 v53;
	(v2sf) =	vpush v9, $0xE  }
0x164: {  	v59 =	vunpack.i.u.bf16.f32 v52;
	v13 =	vunpack.i.l.bf16.f32 v52;
	s15 =	spop (v2sf);
	v24 =	vld [tilespmem:s14+$0x0];
	(v2sf) =	vpush v14, $0x0  }
0x165: {  	v62 =	vld [tilespmem:s15+$0x0];
	s16 =	spop (v2sf);
	v63 =	vunpack.i.u.bf16.f32 v56;
	v11 =	vunpack.i.l.bf16.f32 v56;
	(v2sf) =	vpush v14, $0x1  }
0x166: {  	v61 =	vunpack.i.u.bf16.f32 v54;
	s21 =	spop (v2sf);
	(v2sf) =	vpush v14, $0x2;
	v28 =	vunpack.i.l.bf16.f32 v58  }
0x167: {  	v30 =	vld [tilespmem:s16+$0x0];
	s22 =	spop (v2sf);
	v7 =	vunpack.i.u.bf16.f32 v58;
	(v2sf) =	vpush v14, $0x3;
	v25 =	vunpack.i.l.bf16.f32 v57  }
0x168: {  	v26 =	vld [tilespmem:s21+$0x0];
	v6 =	vunpack.i.u.bf16.f32 v57;
	v29 =	vadd.f32 v28, v12;
	v7 =	vadd.f32 v7, v60  }
0x169: {  	v8 =	vunpack.i.l.bf16.f32 v54;
	v27 =	vadd.f32 v25, v13;
	v6 =	vadd.f32 v6, v59  }
0x16a: {  	s23 =	spop (v2sf);
	v35 =	vld [tilespmem:s22+$0x0];
	v34 =	vunpack.i.l.bf16.f32 v24;
	v18 =	vunpack.i.u.bf16.f32 v24;
	v31 =	vunpack.i.u.bf16.f32 v62  }
0x16b: {  	v33 =	vld [tilespmem:s23+$0x0];
	v32 =	vunpack.i.l.bf16.f32 v62;
	v11 =	vadd.f32 v34, v11;
	v17 =	vadd.f32 v18, v63  }
0x16c: {  	s24 =	spop (v2sf);
	v8 =	vadd.f32 v32, v8;
	v13 =	vadd.f32 v31, v61  }
0x16d: {  	s25 =	spop (v2sf);
	v43 =	vld [tilespmem:s24+$0x0];
	v40 =	vunpack.i.u.bf16.f32 v30;
	v12 =	vunpack.i.l.bf16.f32 v30;
	v36 =	vunpack.i.l.bf16.f32 v26  }
0x16e: {  	v37 =	vld [tilespmem:s25+$0x0];
	v38 =	vunpack.i.u.bf16.f32 v26;
	v10 =	vadd.f32 v12, v29;
	v7 =	vadd.f32 v40, v7  }
0x16f: {  	v9 =	vadd.f32 v36, v27;
	v6 =	vadd.f32 v38, v6;
	s26 =	spop (v2sf)  }
0x170: {  	v42 =	vunpack.i.l.bf16.f32 v35;
	v15 =	vunpack.i.u.bf16.f32 v35;
	v41 =	vunpack.i.l.bf16.f32 v33;
	s28 =	spop (v2sf);
	v48 =	vld [tilespmem:s26+$0x0]  }
0x171: {  	v16 =	vunpack.i.u.bf16.f32 v33;
	v11 =	vadd.f32 v42, v11;
	v44 =	vadd.f32 v15, v17;
	v46 =	vld [tilespmem:s28+$0x0]  }
0x172: {  	v8 =	vadd.f32 v41, v8;
	v13 =	vadd.f32 v16, v13;
	s29 =	spop (v2sf)  }
0x173: {  	v50 =	vunpack.i.u.bf16.f32 v43;
	v18 =	vunpack.i.l.bf16.f32 v43;
	v45 =	vunpack.i.l.bf16.f32 v37;
	s30 =	spop (v2sf);
	v51 =	vld [tilespmem:s29+$0x0]  }
0x174: {  	v47 =	vunpack.i.u.bf16.f32 v37;
	v10 =	vadd.f32 v18, v10;
	v7 =	vadd.f32 v50, v7;
	v49 =	vld [tilespmem:s30+$0x0]  }
0x175: {  	v9 =	vadd.f32 v45, v9;
	v6 =	vadd.f32 v47, v6;
	s31 =	spop (v2sf)  }
0x176: {  	s2 =	spop (v2sf);
	v55 =	vld [tilespmem:s31+$0x0];
	v54 =	vunpack.i.l.bf16.f32 v48;
	v15 =	vunpack.i.u.bf16.f32 v48;
	v52 =	vunpack.i.u.bf16.f32 v46  }
0x177: {  	v53 =	vld [tilespmem:s2+$0x0];
	v16 =	vunpack.i.l.bf16.f32 v46;
	v11 =	vadd.f32 v54, v11;
	v12 =	vadd.f32 v15, v44  }
0x178: {  	v8 =	vadd.f32 v16, v8;
	v13 =	vadd.f32 v52, v13  }
0x179: {  	v58 =	vunpack.i.u.bf16.f32 v51;
	v59 =	vunpack.i.l.bf16.f32 v51;
	v56 =	vunpack.i.l.bf16.f32 v49  }
0x17a: {  	v57 =	vunpack.i.u.bf16.f32 v49;
	v10 =	vadd.f32 v59, v10;
	v7 =	vadd.f32 v58, v7  }
0x17b: {  	v9 =	vadd.f32 v56, v9;
	v6 =	vadd.f32 v57, v6  }
0x17c: {  	v62 =	vunpack.i.l.bf16.f32 v55;
	v16 =	vunpack.i.u.bf16.f32 v55;
	v61 =	vunpack.i.l.bf16.f32 v53  }
0x17d: {  	[tilespmem:s20+$0xFFFFFE20] =	vst v0;
	v60 =	vunpack.i.u.bf16.f32 v53;
	v11 =	vadd.f32 v62, v11;
	v63 =	vadd.f32 v61, v8  }
0x17e: {  	[tilespmem:s20+$0xFFFFFE30] =	vst v3;
	v17 =	vadd.f32 v60, v13;
	v8 =	vadd.f32 v16, v12  }
0x17f: {  	[tilespmem:s20+$0xFFFFFEA0] =	vst v2;
	v18 =	vadd.f32 v10, v9;
	v0 =	vadd.f32 v11, v63  }
0x180: {  	[tilespmem:s20+$0xFFFFFEB0] =	vst v1;
	v19 =	vadd.f32 v7, v6;
	v3 =	vadd.f32 v8, v17  }
0x181: {  	[tilespmem:s20+$0xFFFFFF20] =	vst v4;
	v0 =	vadd.f32 v0, v18  }
0x182: {  	v20 =	vld [tilespmem:s19+$0x4];
	[tilespmem:s20+$0xFFFFFF30] =	vst v5;
	s3 =	spop (v2sf);
	v1 =	vadd.f32 v3, v19  }
0x183: {  	v21 =	vld [tilespmem:s3+$0x0];
	s4 =	spop (v2sf);
	[tilespmem:s20+$0xFFFFFFA0] =	vst v0  }
0x184: {  	v22 =	vld [tilespmem:s4+$0x0];
	s5 =	spop (v2sf);
	[tilespmem:s20+$0xFFFFFFB0] =	vst v1  }
0x185: {  	v23 =	vld [tilespmem:s5+$0x0];
	s0 =	spop (v2sf)  }
0x186: {  	(v2sf) =	vpush v14, $0x4;
	_ =	sdelay $0x1  }
0x187: {  	(v2sf) =	vpush v14, $0x5  }
0x188: {  	(v2sf) =	vpush v14, $0x6  }
0x189: {  	(v2sf) =	vpush v14, $0x7;
	_ =	sdelay $0x1  }
0x18a: {  	(v2sf) =	vpush v14, $0x8  }
0x18b: {  	(v2sf) =	vpush v14, $0x9  }
0x18c: {  	(v2sf) =	vpush v14, $0xA;
	_ =	sdelay $0x1  }
0x18d: {  	(v2sf) =	vpush v14, $0xB  }
0x18e: {  	(v2sf) =	vpush v14, $0xC  }
0x18f: {  	(v2sf) =	vpush v14, $0xD;
	_ =	sdelay $0x1  }
0x190: {  	(v2sf) =	vpush v14, $0xE  }
0x191: {  	v2 =	vshll.u32 v20, $0x4;
	v24 =	vld [tilespmem:s0+$0x0];
	(v2sf) =	vpush v14, $0xF;
	s6 =	spop (v2sf)  }
0x192: {  	(v2sf) =	vpush v2, $0xC;
	v25 =	vld [tilespmem:s6+$0x0]  }
0x193: {  	s7 =	spop (v2sf)  }
0x194: {  	v26 =	vunpack.i.u.bf16.f32 v21;
	(v2sf) =	vpush v2, $0xD;
	v27 =	vld [tilespmem:s7+$0x0];
	s8 =	spop (v2sf)  }
0x195: {  	v28 =	vunpack.i.u.bf16.f32 v22;
	v30 =	vunpack.i.u.bf16.f32 v23;
	(v2sf) =	vpush v2, $0xE;
	v29 =	vld [tilespmem:s8+$0x0];
	s10 =	spop (v2sf)  }
0x196: {  	v3 =	vunpack.i.l.bf16.f32 v21;
	v0 =	vunpack.i.l.bf16.f32 v22;
	(v2sf) =	vpush v2, $0xF;
	v31 =	vld [tilespmem:s10+$0x0]  }
0x197: {  	v1 =	vunpack.i.l.bf16.f32 v23;
	v32 =	vunpack.i.u.bf16.f32 v24;
	s11 =	spop (v2sf);
	v33 =	vunpack.i.l.bf16.f32 v25  }
0x198: {  	v4 =	vunpack.i.l.bf16.f32 v24;
	v34 =	vld [tilespmem:s11+$0x0];
	s12 =	spop (v2sf);
	v5 =	vunpack.i.u.bf16.f32 v25;
	v3 =	vadd.f32 v33, v3  }
0x199: {  	v36 =	vld [tilespmem:s12+$0x0];
	s13 =	spop (v2sf);
	v5 =	vadd.f32 v5, v26;
	v35 =	vunpack.i.u.bf16.f32 v27;
	v7 =	vunpack.i.l.bf16.f32 v27  }
0x19a: {  	v38 =	vld [tilespmem:s13+$0x0];
	v0 =	vadd.f32 v7, v0;
	v6 =	vadd.f32 v35, v28;
	v37 =	vunpack.i.l.bf16.f32 v29  }
0x19b: {  	s14 =	spop (v2sf);
	v9 =	vunpack.i.u.bf16.f32 v29;
	v1 =	vadd.f32 v37, v1;
	v39 =	vunpack.i.l.bf16.f32 v31  }
0x19c: {  	v41 =	vld [tilespmem:s14+$0x0];
	s15 =	spop (v2sf);
	v9 =	vadd.f32 v9, v30;
	v40 =	vunpack.i.u.bf16.f32 v31;
	v4 =	vadd.f32 v39, v4  }
0x19d: {  	v44 =	vld [tilespmem:s15+$0x0];
	s16 =	spop (v2sf);
	v2 =	vadd.f32 v40, v32;
	v42 =	vunpack.i.u.bf16.f32 v34;
	v43 =	vunpack.i.l.bf16.f32 v34  }
0x19e: {  	v46 =	vld [tilespmem:s16+$0x0];
	v3 =	vadd.f32 v43, v3;
	v5 =	vadd.f32 v42, v5;
	v45 =	vunpack.i.l.bf16.f32 v36  }
0x19f: {  	s21 =	spop (v2sf);
	v13 =	vunpack.i.u.bf16.f32 v36;
	v0 =	vadd.f32 v45, v0;
	v47 =	vunpack.i.l.bf16.f32 v38  }
0x1a0: {  	v48 =	vld [tilespmem:s21+$0x0];
	s22 =	spop (v2sf);
	v6 =	vadd.f32 v13, v6;
	v8 =	vunpack.i.u.bf16.f32 v38;
	v1 =	vadd.f32 v47, v1  }
0x1a1: {  	v50 =	vld [tilespmem:s22+$0x0];
	s23 =	spop (v2sf);
	v8 =	vadd.f32 v8, v9;
	v49 =	vunpack.i.u.bf16.f32 v41;
	v7 =	vunpack.i.l.bf16.f32 v41  }
0x1a2: {  	v52 =	vld [tilespmem:s23+$0x0];
	v4 =	vadd.f32 v7, v4;
	v2 =	vadd.f32 v49, v2;
	v51 =	vunpack.i.l.bf16.f32 v44  }
0x1a3: {  	v12 =	vunpack.i.u.bf16.f32 v44;
	v3 =	vadd.f32 v51, v3;
	v53 =	vunpack.i.l.bf16.f32 v46;
	s24 =	spop (v2sf)  }
0x1a4: {  	v5 =	vadd.f32 v12, v5;
	v11 =	vunpack.i.u.bf16.f32 v46;
	v0 =	vadd.f32 v53, v0;
	v54 =	vld [tilespmem:s24+$0x0];
	s25 =	spop (v2sf)  }
0x1a5: {  	v6 =	vadd.f32 v11, v6;
	v55 =	vunpack.i.u.bf16.f32 v48;
	v10 =	vunpack.i.l.bf16.f32 v48;
	v56 =	vld [tilespmem:s25+$0x0];
	s26 =	spop (v2sf)  }
0x1a6: {  	v1 =	vadd.f32 v10, v1;
	v8 =	vadd.f32 v55, v8;
	v57 =	vunpack.i.l.bf16.f32 v50;
	v58 =	vld [tilespmem:s26+$0x0]  }
0x1a7: {  	v13 =	vunpack.i.u.bf16.f32 v50;
	v4 =	vadd.f32 v57, v4;
	v59 =	vunpack.i.l.bf16.f32 v52  }
0x1a8: {  	v2 =	vadd.f32 v13, v2;
	v9 =	vunpack.i.u.bf16.f32 v52;
	v3 =	vadd.f32 v59, v3  }
0x1a9: {  	v5 =	vadd.f32 v9, v5;
	v60 =	vunpack.i.u.bf16.f32 v54;
	v7 =	vunpack.i.l.bf16.f32 v54  }
0x1aa: {  	v0 =	vadd.f32 v7, v0;
	v6 =	vadd.f32 v60, v6  }
0x1ab: {  	v61 =	vunpack.i.u.bf16.f32 v56;
	v62 =	vunpack.i.l.bf16.f32 v56;
	v63 =	vunpack.i.l.bf16.f32 v58  }
0x1ac: {  	v1 =	vadd.f32 v62, v1;
	v12 =	vunpack.i.u.bf16.f32 v58;
	v4 =	vadd.f32 v63, v4  }
0x1ad: {  	v7 =	vadd.f32 v61, v8;
	v2 =	vadd.f32 v12, v2  }
0x1ae: {  	v0 =	vadd.f32 v0, v3;
	v1 =	vadd.f32 v4, v1  }
0x1af: {  	v13 =	vadd.f32 v6, v5;
	v2 =	vadd.f32 v2, v7  }
0x1b0: {  	v0 =	vadd.f32 v1, v0  }
0x1b1: {  	v14 =	vadd.f32 v2, v13  }
0x1b2: {  	[tilespmem:s20+$0x0] =	vst v0  }
0x1b3: {  	[tilespmem:s20+$0x10] =	vst v14  }
0x1b4: {  	v0 =	vld [tilespmem:s18+$0x0];
	_ =	sdelay $0x4  }
0x1b5: {  	v0 =	vshll.u32 v0, $0x4  }
0x1b6: {  	v0 =	vadd.s32 $0x3E80, v0  }
0x1b7: {  	(v2sf) =	vpush v0, $0x1  }
0x1b8: {  	(v2sf) =	vpush v0, $0x0  }
0x1b9: {  	(v2sf) =	vpush v0, $0x3  }
0x1ba: {  	(v2sf) =	vpush v0, $0x2  }
0x1bb: {  	(v2sf) =	vpush v0, $0x5  }
0x1bc: {  	(v2sf) =	vpush v0, $0x4  }
0x1bd: {  	(v2sf) =	vpush v0, $0x7  }
0x1be: {  	(v2sf) =	vpush v0, $0x6  }
0x1bf: {  	(v2sf) =	vpush v0, $0x9  }
0x1c0: {  	v1 =	vld [tilespmem:s18+$0x4];
	(v2sf) =	vpush v0, $0x8  }
0x1c1: {  	(v2sf) =	vpush v0, $0xB  }
0x1c2: {  	(v2sf) =	vpush v0, $0xA  }
0x1c3: {  	(v2sf) =	vpush v0, $0xD  }
0x1c4: {  	(v2sf) =	vpush v0, $0xC  }
0x1c5: {  	v15 =	vld [tilespmem:s19+$0x14];
	v1 =	vshll.u32 v1, $0x4;
	(v2sf) =	vpush v0, $0xF  }
0x1c6: {  	v16 =	vadd.s32 $0x3E80, v1;
	s5 =	spop (v2sf);
	(v2sf) =	vpush v0, $0xE  }
0x1c7: {  	s14 =	spop (v2sf);
	(v2sf) =	vpush v16, $0xD  }
0x1c8: {  	s10 =	spop (v2sf);
	(v2sf) =	vpush v16, $0xC  }
0x1c9: {  	s12 =	spop (v2sf);
	(v2sf) =	vpush v16, $0xF  }
0x1ca: {  	v17 =	vshll.u32 v15, $0x4;
	s8 =	spop (v2sf);
	(v2sf) =	vpush v16, $0xE  }
0x1cb: {  	s13 =	spop (v2sf);
	(v2sf) =	vpush v17, $0x0  }
0x1cc: {  	s4 =	spop (v2sf);
	(v2sf) =	vpush v17, $0x1  }
0x1cd: {  	s6 =	spop (v2sf);
	(v2sf) =	vpush v17, $0x2  }
0x1ce: {  	s1 =	spop (v2sf);
	(v2sf) =	vpush v17, $0x3  }
0x1cf: {  	s7 =	spop (v2sf);
	(v2sf) =	vpush v17, $0x4  }
0x1d0: {  	s2 =	spop (v2sf)  }
0x1d1: {  	s11 =	spop (v2sf);
	(v2sf) =	vpush v17, $0x5  }
0x1d2: {  	s0 =	spop (v2sf);
	(v2sf) =	vpush v17, $0x6  }
0x1d3: {  	s26 =	spop (v2sf);
	(v2sf) =	vpush v17, $0x7  }
0x1d4: {  	s24 =	spop (v2sf)  }
0x1d5: {  	s3 =	spop (v2sf);
	(v2sf) =	vpush v17, $0x8  }
0x1d6: {  	s22 =	spop (v2sf);
	(v2sf) =	vpush v17, $0x9  }
0x1d7: {  	s25 =	spop (v2sf);
	(v2sf) =	vpush v17, $0xA  }
0x1d8: {  	s21 =	spop (v2sf)  }
0x1d9: {  	v18 =	vld [tilespmem:s19+$0x18];
	s23 =	spop (v2sf);
	(v2sf) =	vpush v17, $0xB  }
0x1da: {  	s28 =	spop (v2sf);
	(v2sf) =	vpush v17, $0xC  }
0x1db: {  	v19 =	vld [tilespmem:s28+$0x0];
	s29 =	spop (v2sf);
	(v2sf) =	vpush v17, $0xD  }
0x1dc: {  	v20 =	vld [tilespmem:s29+$0x0];
	s30 =	spop (v2sf)  }
0x1dd: {  	(v2sf) =	vpush v17, $0xE;
	v21 =	vld [tilespmem:s30+$0x0];
	s31 =	spop (v2sf)  }
0x1de: {  	v1 =	vshll.u32 v18, $0x4;
	(v2sf) =	vpush v17, $0xF;
	v22 =	vld [tilespmem:s31+$0x0];
	s16 =	spop (v2sf)  }
0x1df: {  	(v2sf) =	vpush v1, $0xC;
	v23 =	vld [tilespmem:s16+$0x0]  }
0x1e0: {  	s28 =	spop (v2sf)  }
0x1e1: {  	v24 =	vunpack.i.u.bf16.f32 v19;
	(v2sf) =	vpush v1, $0xD;
	v25 =	vld [tilespmem:s28+$0x0];
	s29 =	spop (v2sf)  }
0x1e2: {  	v2 =	vunpack.i.l.bf16.f32 v19;
	v26 =	vunpack.i.u.bf16.f32 v20;
	v27 =	vld [tilespmem:s29+$0x0];
	s30 =	spop (v2sf);
	(v2sf) =	vpush v1, $0xE  }
0x1e3: {  	v3 =	vunpack.i.l.bf16.f32 v20;
	v28 =	vunpack.i.u.bf16.f32 v21;
	v29 =	vld [tilespmem:s30+$0x0];
	(v2sf) =	vpush v1, $0xF  }
0x1e4: {  	v30 =	vunpack.i.l.bf16.f32 v21;
	v31 =	vunpack.i.u.bf16.f32 v22;
	v32 =	vunpack.i.l.bf16.f32 v23;
	s31 =	spop (v2sf)  }
0x1e5: {  	v5 =	vunpack.i.l.bf16.f32 v22;
	v0 =	vunpack.i.u.bf16.f32 v23;
	v2 =	vadd.f32 v32, v2;
	v33 =	vld [tilespmem:s31+$0x0];
	s16 =	spop (v2sf)  }
0x1e6: {  	v0 =	vadd.f32 v0, v24;
	v34 =	vunpack.i.u.bf16.f32 v25;
	v7 =	vunpack.i.l.bf16.f32 v25;
	v35 =	vld [tilespmem:s16+$0x0];
	s28 =	spop (v2sf)  }
0x1e7: {  	v3 =	vadd.f32 v7, v3;
	v6 =	vadd.f32 v34, v26;
	v36 =	vunpack.i.l.bf16.f32 v27;
	v37 =	vld [tilespmem:s28+$0x0]  }
0x1e8: {  	v9 =	vunpack.i.u.bf16.f32 v27;
	v1 =	vadd.f32 v36, v30;
	v38 =	vunpack.i.l.bf16.f32 v29;
	s29 =	spop (v2sf)  }
0x1e9: {  	v9 =	vadd.f32 v9, v28;
	v39 =	vunpack.i.u.bf16.f32 v29;
	v5 =	vadd.f32 v38, v5;
	v40 =	vld [tilespmem:s29+$0x0];
	s30 =	spop (v2sf)  }
0x1ea: {  	v4 =	vadd.f32 v39, v31;
	v41 =	vunpack.i.u.bf16.f32 v33;
	v42 =	vunpack.i.l.bf16.f32 v33;
	v43 =	vld [tilespmem:s30+$0x0];
	s31 =	spop (v2sf)  }
0x1eb: {  	v2 =	vadd.f32 v42, v2;
	v0 =	vadd.f32 v41, v0;
	v44 =	vunpack.i.l.bf16.f32 v35;
	v45 =	vld [tilespmem:s31+$0x0]  }
0x1ec: {  	v13 =	vunpack.i.u.bf16.f32 v35;
	s16 =	spop (v2sf);
	v3 =	vadd.f32 v44, v3;
	v46 =	vunpack.i.l.bf16.f32 v37  }
0x1ed: {  	v6 =	vadd.f32 v13, v6;
	v8 =	vunpack.i.u.bf16.f32 v37;
	v47 =	vld [tilespmem:s16+$0x0];
	s28 =	spop (v2sf);
	v1 =	vadd.f32 v46, v1  }
0x1ee: {  	v8 =	vadd.f32 v8, v9;
	v49 =	vld [tilespmem:s28+$0x0];
	s29 =	spop (v2sf);
	v48 =	vunpack.i.u.bf16.f32 v40;
	v7 =	vunpack.i.l.bf16.f32 v40  }
0x1ef: {  	v51 =	vld [tilespmem:s29+$0x0];
	v5 =	vadd.f32 v7, v5;
	v4 =	vadd.f32 v48, v4;
	v50 =	vunpack.i.l.bf16.f32 v43  }
0x1f0: {  	v12 =	vunpack.i.u.bf16.f32 v43;
	s30 =	spop (v2sf);
	v2 =	vadd.f32 v50, v2;
	v52 =	vunpack.i.l.bf16.f32 v45  }
0x1f1: {  	v0 =	vadd.f32 v12, v0;
	v11 =	vunpack.i.u.bf16.f32 v45;
	v53 =	vld [tilespmem:s30+$0x0];
	v3 =	vadd.f32 v52, v3;
	s31 =	spop (v2sf)  }
0x1f2: {  	v6 =	vadd.f32 v11, v6;
	v54 =	vunpack.i.u.bf16.f32 v47;
	v10 =	vunpack.i.l.bf16.f32 v47;
	v55 =	vld [tilespmem:s31+$0x0];
	s16 =	spop (v2sf)  }
0x1f3: {  	v1 =	vadd.f32 v10, v1;
	v8 =	vadd.f32 v54, v8;
	v56 =	vunpack.i.l.bf16.f32 v49;
	v57 =	vld [tilespmem:s16+$0x0]  }
0x1f4: {  	v13 =	vunpack.i.u.bf16.f32 v49;
	v5 =	vadd.f32 v56, v5;
	v58 =	vunpack.i.l.bf16.f32 v51  }
0x1f5: {  	v4 =	vadd.f32 v13, v4;
	v9 =	vunpack.i.u.bf16.f32 v51;
	v2 =	vadd.f32 v58, v2  }
0x1f6: {  	v0 =	vadd.f32 v9, v0;
	v59 =	vunpack.i.u.bf16.f32 v53;
	v7 =	vunpack.i.l.bf16.f32 v53  }
0x1f7: {  	v3 =	vadd.f32 v7, v3;
	v6 =	vadd.f32 v59, v6  }
0x1f8: {  	v60 =	vunpack.i.u.bf16.f32 v55;
	v61 =	vunpack.i.l.bf16.f32 v55;
	v62 =	vunpack.i.l.bf16.f32 v57  }
0x1f9: {  	v1 =	vadd.f32 v61, v1;
	v63 =	vunpack.i.u.bf16.f32 v57;
	v5 =	vadd.f32 v62, v5  }
0x1fa: {  	v7 =	vadd.f32 v60, v8;
	v4 =	vadd.f32 v63, v4  }
0x1fb: {  	v2 =	vadd.f32 v3, v2;
	v1 =	vadd.f32 v5, v1  }
0x1fc: {  	v0 =	vadd.f32 v6, v0;
	v11 =	vadd.f32 v4, v7  }
0x1fd: {  	v1 =	vadd.f32 v1, v2  }
0x1fe: {  	v0 =	vadd.f32 v11, v0  }
0x1ff: {  	[tilespmem:s20+$0x80] =	vst v1  }
0x200: {  	[tilespmem:s20+$0x90] =	vst v0  }
0x201: {  	v0 =	vld [tilespmem:s18+$0x14];
	_ =	sdelay $0x4  }
0x202: {  	v0 =	vshll.u32 v0, $0x4  }
0x203: {  	v0 =	vadd.s32 $0x3E80, v0  }
0x204: {  	(v2sf) =	vpush v0, $0x1  }
0x205: {  	(v2sf) =	vpush v0, $0x0  }
0x206: {  	(v2sf) =	vpush v0, $0x3  }
0x207: {  	(v2sf) =	vpush v0, $0x2  }
0x208: {  	(v2sf) =	vpush v0, $0x5  }
0x209: {  	(v2sf) =	vpush v0, $0x4  }
0x20a: {  	v18 =	vld [tilespmem:s19+$0x28];
	(v2sf) =	vpush v0, $0x7  }
0x20b: {  	v14 =	vld [tilespmem:s5+$0x0];
	(v2sf) =	vpush v0, $0x6  }
0x20c: {  	v15 =	vld [tilespmem:s12+$0x0];
	(v2sf) =	vpush v0, $0x9  }
0x20d: {  	v13 =	vld [tilespmem:s18+$0x18];
	(v2sf) =	vpush v0, $0x8  }
0x20e: {  	v16 =	vld [tilespmem:s10+$0x0];
	(v2sf) =	vpush v0, $0xB  }
0x20f: {  	v17 =	vld [tilespmem:s13+$0x0];
	(v2sf) =	vpush v0, $0xA  }
0x210: {  	v22 =	vld [tilespmem:s8+$0x0];
	(v2sf) =	vpush v0, $0xD  }
0x211: {  	v25 =	vld [tilespmem:s6+$0x0];
	(v2sf) =	vpush v0, $0xC  }
0x212: {  	v29 =	vld [tilespmem:s4+$0x0];
	v2 =	vshll.u32 v13, $0x4;
	(v2sf) =	vpush v0, $0xF  }
0x213: {  	v30 =	vld [tilespmem:s7+$0x0];
	v20 =	vadd.s32 $0x3E80, v2;
	s5 =	spop (v2sf);
	(v2sf) =	vpush v0, $0xE  }
0x214: {  	v21 =	vunpack.i.u.bf16.f32 v14;
	v33 =	vld [tilespmem:s1+$0x0];
	s31 =	spop (v2sf);
	(v2sf) =	vpush v20, $0xD  }
0x215: {  	v23 =	vunpack.i.u.bf16.f32 v15;
	v24 =	vunpack.i.u.bf16.f32 v16;
	v35 =	vld [tilespmem:s11+$0x0];
	s12 =	spop (v2sf);
	(v2sf) =	vpush v20, $0xC  }
0x216: {  	v26 =	vunpack.i.l.bf16.f32 v17;
	v27 =	vunpack.i.u.bf16.f32 v17;
	s15 =	spop (v2sf);
	(v2sf) =	vpush v20, $0xF  }
0x217: {  	v28 =	vunpack.i.l.bf16.f32 v22;
	v7 =	vshll.u32 v18, $0x4;
	s6 =	spop (v2sf);
	(v2sf) =	vpush v20, $0xE  }
0x218: {  	v31 =	vunpack.i.l.bf16.f32 v25;
	v34 =	vunpack.i.u.bf16.f32 v29;
	s16 =	spop (v2sf);
	(v2sf) =	vpush v7, $0x0  }
0x219: {  	v37 =	vunpack.i.l.bf16.f32 v30;
	v36 =	vadd.f32 v34, v24;
	s4 =	spop (v2sf);
	(v2sf) =	vpush v7, $0x1  }
0x21a: {  	v39 =	vunpack.i.u.bf16.f32 v33;
	v12 =	vld [tilespmem:s14+$0x0];
	v42 =	vunpack.i.l.bf16.f32 v35;
	s8 =	spop (v2sf);
	(v2sf) =	vpush v7, $0x2  }
0x21b: {  	v43 =	vunpack.i.u.bf16.f32 v35;
	v3 =	vunpack.i.l.bf16.f32 v14;
	s14 =	spop (v2sf);
	(v2sf) =	vpush v7, $0x3  }
0x21c: {  	v10 =	vunpack.i.l.bf16.f32 v33;
	v3 =	vadd.f32 v28, v3;
	s7 =	spop (v2sf);
	(v2sf) =	vpush v7, $0x4  }
0x21d: {  	v38 =	vld [tilespmem:s2+$0x0];
	v8 =	vunpack.i.l.bf16.f32 v29;
	v4 =	vunpack.i.l.bf16.f32 v15;
	s10 =	spop (v2sf);
	(v2sf) =	vpush v7, $0x5  }
0x21e: {  	v5 =	vunpack.i.l.bf16.f32 v16;
	v10 =	vadd.f32 v10, v3;
	s11 =	spop (v2sf);
	(v2sf) =	vpush v7, $0x6  }
0x21f: {  	v4 =	vadd.f32 v31, v4;
	v5 =	vadd.f32 v8, v5;
	v1 =	vunpack.i.l.bf16.f32 v12;
	s1 =	spop (v2sf)  }
0x220: {  	v40 =	vld [tilespmem:s26+$0x0];
	v19 =	vunpack.i.u.bf16.f32 v12;
	v1 =	vadd.f32 v26, v1;
	(v2sf) =	vpush v7, $0x7;
	s13 =	spop (v2sf)  }
0x221: {  	v44 =	vadd.f32 v42, v4;
	v12 =	vunpack.i.u.bf16.f32 v25;
	(v2sf) =	vpush v7, $0x8;
	s29 =	spop (v2sf)  }
0x222: {  	v45 =	vld [tilespmem:s0+$0x0];
	v11 =	vadd.f32 v37, v1;
	v1 =	vunpack.i.l.bf16.f32 v38;
	s2 =	spop (v2sf);
	(v2sf) =	vpush v7, $0x9  }
0x223: {  	v46 =	vld [tilespmem:s3+$0x0];
	v47 =	vunpack.i.u.bf16.f32 v38;
	v32 =	vadd.f32 v12, v23;
	v3 =	vadd.f32 v1, v5;
	s28 =	spop (v2sf)  }
0x224: {  	v9 =	vunpack.i.u.bf16.f32 v22;
	v1 =	vadd.f32 v47, v36;
	s0 =	spop (v2sf);
	(v2sf) =	vpush v7, $0xA  }
0x225: {  	v49 =	vunpack.i.l.bf16.f32 v40;
	v2 =	vadd.f32 v9, v21;
	s26 =	spop (v2sf);
	(v2sf) =	vpush v7, $0xB  }
0x226: {  	v48 =	vld [tilespmem:s19+$0x2C];
	v50 =	vunpack.i.u.bf16.f32 v40;
	v9 =	vadd.f32 v43, v32;
	s30 =	spop (v2sf);
	(v2sf) =	vpush v7, $0xC  }
0x227: {  	v52 =	vunpack.i.l.bf16.f32 v45;
	v41 =	vadd.f32 v39, v2;
	v2 =	vadd.f32 v49, v11;
	s3 =	spop (v2sf)  }
0x228: {  	v15 =	vunpack.i.u.bf16.f32 v46;
	v0 =	vadd.f32 v27, v19;
	v51 =	vld [tilespmem:s3+$0x0];
	s3 =	spop (v2sf);
	(v2sf) =	vpush v7, $0xD  }
0x229: {  	v6 =	vunpack.i.u.bf16.f32 v30;
	v5 =	vadd.f32 v15, v9;
	v53 =	vld [tilespmem:s3+$0x0];
	s3 =	spop (v2sf);
	(v2sf) =	vpush v7, $0xE  }
0x22a: {  	v4 =	vunpack.i.u.bf16.f32 v45;
	v0 =	vadd.f32 v6, v0;
	v54 =	vld [tilespmem:s3+$0x0];
	s3 =	spop (v2sf);
	(v2sf) =	vpush v7, $0xF  }
0x22b: {  	v56 =	vshll.u32 v48, $0x4;
	v4 =	vadd.f32 v4, v41;
	v6 =	vadd.f32 v52, v10;
	v57 =	vld [tilespmem:s3+$0x0];
	s3 =	spop (v2sf)  }
0x22c: {  	v55 =	vunpack.i.l.bf16.f32 v46;
	v0 =	vadd.f32 v50, v0;
	(v2sf) =	vpush v56, $0xC;
	v58 =	vld [tilespmem:s3+$0x0];
	s3 =	spop (v2sf)  }
0x22d: {  	v7 =	vadd.f32 v55, v44;
	(v2sf) =	vpush v56, $0xD;
	v59 =	vld [tilespmem:s3+$0x0];
	s3 =	spop (v2sf)  }
0x22e: {  	v60 =	vunpack.i.u.bf16.f32 v51;
	v8 =	vunpack.i.l.bf16.f32 v51;
	(v2sf) =	vpush v56, $0xE;
	v61 =	vld [tilespmem:s3+$0x0]  }
0x22f: {  	v62 =	vunpack.i.u.bf16.f32 v53;
	v11 =	vunpack.i.l.bf16.f32 v53;
	s3 =	spop (v2sf);
	(v2sf) =	vpush v56, $0xF  }
0x230: {  	v63 =	vunpack.i.u.bf16.f32 v54;
	v10 =	vunpack.i.l.bf16.f32 v54;
	v25 =	vld [tilespmem:s3+$0x0];
	s3 =	spop (v2sf);
	v24 =	vunpack.i.u.bf16.f32 v57  }
0x231: {  	v14 =	vunpack.i.l.bf16.f32 v57;
	v27 =	vld [tilespmem:s3+$0x0];
	v26 =	vunpack.i.u.bf16.f32 v58;
	v13 =	vunpack.i.l.bf16.f32 v58;
	s3 =	spop (v2sf)  }
0x232: {  	v8 =	vadd.f32 v13, v8;
	v28 =	vadd.f32 v26, v60;
	v29 =	vunpack.i.l.bf16.f32 v59;
	v30 =	vld [tilespmem:s3+$0x0]  }
0x233: {  	v9 =	vunpack.i.u.bf16.f32 v59;
	v11 =	vadd.f32 v29, v11;
	v31 =	vunpack.i.l.bf16.f32 v61;
	s3 =	spop (v2sf)  }
0x234: {  	v9 =	vadd.f32 v9, v62;
	v16 =	vunpack.i.u.bf16.f32 v61;
	v10 =	vadd.f32 v31, v10;
	v32 =	vld [tilespmem:s3+$0x0];
	s3 =	spop (v2sf)  }
0x235: {  	v12 =	vadd.f32 v16, v63;
	v33 =	vunpack.i.u.bf16.f32 v25;
	v34 =	vunpack.i.l.bf16.f32 v25;
	v35 =	vld [tilespmem:s3+$0x0];
	s3 =	spop (v2sf)  }
0x236: {  	v14 =	vadd.f32 v34, v14;
	v16 =	vadd.f32 v33, v24;
	v36 =	vunpack.i.l.bf16.f32 v27;
	v37 =	vld [tilespmem:s3+$0x0]  }
0x237: {  	v21 =	vunpack.i.u.bf16.f32 v27;
	v8 =	vadd.f32 v36, v8;
	v38 =	vunpack.i.l.bf16.f32 v30;
	s3 =	spop (v2sf)  }
0x238: {  	v13 =	vadd.f32 v21, v28;
	v20 =	vunpack.i.u.bf16.f32 v30;
	v11 =	vadd.f32 v38, v11;
	v39 =	vld [tilespmem:s3+$0x0];
	s3 =	spop (v2sf)  }
0x239: {  	v9 =	vadd.f32 v20, v9;
	v40 =	vunpack.i.u.bf16.f32 v32;
	v15 =	vunpack.i.l.bf16.f32 v32;
	v41 =	vld [tilespmem:s3+$0x0];
	s3 =	spop (v2sf)  }
0x23a: {  	v10 =	vadd.f32 v15, v10;
	v12 =	vadd.f32 v40, v12;
	v42 =	vunpack.i.l.bf16.f32 v35;
	v43 =	vld [tilespmem:s3+$0x0]  }
0x23b: {  	v19 =	vunpack.i.u.bf16.f32 v35;
	s3 =	spop (v2sf);
	v14 =	vadd.f32 v42, v14;
	v44 =	vunpack.i.l.bf16.f32 v37  }
0x23c: {  	v16 =	vadd.f32 v19, v16;
	v18 =	vunpack.i.u.bf16.f32 v37;
	v45 =	vld [tilespmem:s3+$0x0];
	s3 =	spop (v2sf);
	v8 =	vadd.f32 v44, v8  }
0x23d: {  	v13 =	vadd.f32 v18, v13;
	v47 =	vld [tilespmem:s3+$0x0];
	s3 =	spop (v2sf);
	v46 =	vunpack.i.u.bf16.f32 v39;
	v17 =	vunpack.i.l.bf16.f32 v39  }
0x23e: {  	v49 =	vld [tilespmem:s3+$0x0];
	s3 =	spop (v2sf);
	v11 =	vadd.f32 v17, v11;
	v9 =	vadd.f32 v46, v9;
	v48 =	vunpack.i.l.bf16.f32 v41  }
0x23f: {  	v50 =	vld [tilespmem:s3+$0x0];
	v21 =	vunpack.i.u.bf16.f32 v41;
	v10 =	vadd.f32 v48, v10;
	v51 =	vunpack.i.l.bf16.f32 v43  }
0x240: {  	v12 =	vadd.f32 v21, v12;
	v20 =	vunpack.i.u.bf16.f32 v43;
	v14 =	vadd.f32 v51, v14  }
0x241: {  	v16 =	vadd.f32 v20, v16;
	v52 =	vunpack.i.u.bf16.f32 v45;
	v15 =	vunpack.i.l.bf16.f32 v45  }
0x242: {  	v8 =	vadd.f32 v15, v8;
	v13 =	vadd.f32 v52, v13;
	v53 =	vunpack.i.l.bf16.f32 v47  }
0x243: {  	v19 =	vunpack.i.u.bf16.f32 v47;
	v11 =	vadd.f32 v53, v11;
	v55 =	vunpack.i.l.bf16.f32 v49  }
0x244: {  	v9 =	vadd.f32 v19, v9;
	v18 =	vunpack.i.u.bf16.f32 v49;
	v57 =	vunpack.i.l.bf16.f32 v50  }
0x245: {  	v54 =	vld [tilespmem:s24+$0x0];
	v10 =	vadd.f32 v55, v10;
	v59 =	vunpack.i.u.bf16.f32 v50;
	v14 =	vadd.f32 v57, v14  }
0x246: {  	v58 =	vld [tilespmem:s22+$0x0];
	v12 =	vadd.f32 v18, v12;
	v16 =	vadd.f32 v59, v16  }
0x247: {  	v61 =	vld [tilespmem:s21+$0x0];
	v8 =	vadd.f32 v11, v8;
	v10 =	vadd.f32 v14, v10  }
0x248: {  	v60 =	vld [tilespmem:s23+$0x0];
	v9 =	vadd.f32 v9, v13;
	v12 =	vadd.f32 v16, v12  }
0x249: {  	v56 =	vld [tilespmem:s25+$0x0];
	v8 =	vadd.f32 v10, v8  }
0x24a: {  	v62 =	vunpack.i.l.bf16.f32 v54;
	v9 =	vadd.f32 v12, v9  }
0x24b: {  	v23 =	vld [tilespmem:s31+$0x0];
	v63 =	vunpack.i.u.bf16.f32 v54;
	v3 =	vadd.f32 v62, v3;
	v24 =	vunpack.i.u.bf16.f32 v58;
	[tilespmem:s20+$0x100] =	vst v8  }
0x24c: {  	v1 =	vadd.f32 v63, v1;
	v33 =	vld [tilespmem:s16+$0x0];
	v4 =	vadd.f32 v24, v4;
	v22 =	vunpack.i.l.bf16.f32 v61;
	[tilespmem:s20+$0x110] =	vst v9  }
0x24d: {  	v27 =	vunpack.i.u.bf16.f32 v60;
	v3 =	vadd.f32 v22, v3;
	v21 =	vunpack.i.l.bf16.f32 v60;
	v25 =	vld [tilespmem:s18+$0x28]  }
0x24e: {  	v28 =	vld [tilespmem:s5+$0x0];
	v20 =	vunpack.i.l.bf16.f32 v58;
	v7 =	vadd.f32 v21, v7;
	v16 =	vunpack.i.l.bf16.f32 v56  }
0x24f: {  	v30 =	vld [tilespmem:s15+$0x0];
	v29 =	vunpack.i.u.bf16.f32 v61;
	v6 =	vadd.f32 v20, v6;
	v2 =	vadd.f32 v16, v2  }
0x250: {  	v24 =	vld [tilespmem:s0+$0x0];
	v5 =	vadd.f32 v27, v5;
	v31 =	vadd.f32 v29, v1  }
0x251: {  	v38 =	vld [tilespmem:s6+$0x0];
	v17 =	vunpack.i.u.bf16.f32 v56;
	v3 =	vadd.f32 v3, v7;
	v2 =	vadd.f32 v6, v2  }
0x252: {  	v61 =	vld [tilespmem:s1+$0x0];
	v26 =	vadd.f32 v17, v0;
	v35 =	vshll.u32 v25, $0x4  }
0x253: {  	v32 =	vld [tilespmem:s12+$0x0];
	v0 =	vadd.f32 v3, v2;
	v2 =	vadd.f32 v31, v5;
	v5 =	vadd.s32 $0x3E80, v35  }
0x254: {  	v34 =	vunpack.i.u.bf16.f32 v23;
	v36 =	vunpack.i.l.bf16.f32 v23;
	v22 =	vld [tilespmem:s29+$0x0];
	(v2sf) =	vpush v5, $0x1  }
0x255: {  	v37 =	vunpack.i.u.bf16.f32 v28;
	v42 =	vunpack.i.l.bf16.f32 v33;
	v43 =	vld [tilespmem:s4+$0x0];
	(v2sf) =	vpush v5, $0x0  }
0x256: {  	v29 =	vunpack.i.l.bf16.f32 v24;
	v39 =	vunpack.i.u.bf16.f32 v30;
	v41 =	vld [tilespmem:s8+$0x0];
	(v2sf) =	vpush v5, $0x3  }
0x257: {  	v44 =	vunpack.i.l.bf16.f32 v38;
	v23 =	vunpack.i.u.bf16.f32 v61;
	v45 =	vld [tilespmem:s7+$0x0];
	(v2sf) =	vpush v5, $0x2  }
0x258: {  	v40 =	vunpack.i.u.bf16.f32 v32;
	v51 =	vld [tilespmem:s11+$0x0];
	v1 =	vadd.f32 v4, v26;
	(v2sf) =	vpush v5, $0x5  }
0x259: {  	v27 =	vunpack.i.u.bf16.f32 v22;
	v7 =	vadd.f32 v42, v36;
	(v2sf) =	vpush v5, $0x4  }
0x25a: {  	v11 =	vunpack.i.l.bf16.f32 v32;
	v48 =	vunpack.i.l.bf16.f32 v43;
	(v2sf) =	vpush v5, $0x7  }
0x25b: {  	v15 =	vunpack.i.u.bf16.f32 v43;
	v57 =	vld [tilespmem:s13+$0x0];
	v11 =	vadd.f32 v48, v11;
	(v2sf) =	vpush v5, $0x6  }
0x25c: {  	v46 =	vunpack.i.l.bf16.f32 v41;
	v13 =	vadd.f32 v15, v40;
	(v2sf) =	vpush v5, $0x9  }
0x25d: {  	v50 =	vunpack.i.l.bf16.f32 v45;
	v59 =	vunpack.i.u.bf16.f32 v51;
	v49 =	vld [tilespmem:s18+$0x2C];
	(v2sf) =	vpush v5, $0x8  }
0x25e: {  	v14 =	vunpack.i.u.bf16.f32 v41;
	v7 =	vadd.f32 v50, v7;
	(v2sf) =	vpush v5, $0xB  }
0x25f: {  	v10 =	vunpack.i.u.bf16.f32 v38;
	v12 =	vadd.f32 v14, v39;
	(v2sf) =	vpush v5, $0xA  }
0x260: {  	v47 =	vld [tilespmem:s14+$0x0];
	v6 =	vunpack.i.l.bf16.f32 v30;
	v20 =	vunpack.i.l.bf16.f32 v57;
	(v2sf) =	vpush v5, $0xD  }
0x261: {  	v9 =	vunpack.i.l.bf16.f32 v28;
	v8 =	vadd.f32 v10, v37;
	(v2sf) =	vpush v5, $0xC  }
0x262: {  	v55 =	vld [tilespmem:s19+$0x3C];
	v6 =	vadd.f32 v46, v6;
	v54 =	vshll.u32 v49, $0x4;
	(v2sf) =	vpush v5, $0xF  }
0x263: {  	v53 =	vld [tilespmem:s10+$0x0];
	v7 =	vadd.f32 v20, v7;
	v58 =	vadd.s32 $0x3E80, v54;
	s14 =	spop (v2sf);
	(v2sf) =	vpush v5, $0xE  }
0x264: {  	v3 =	vunpack.i.u.bf16.f32 v33;
	v4 =	vadd.f32 v44, v9;
	s25 =	spop (v2sf);
	(v2sf) =	vpush v58, $0xD  }
0x265: {  	v10 =	vunpack.i.u.bf16.f32 v47;
	v3 =	vadd.f32 v3, v34;
	s11 =	spop (v2sf);
	(v2sf) =	vpush v58, $0xC  }
0x266: {  	v56 =	vunpack.i.l.bf16.f32 v51;
	v8 =	vadd.f32 v10, v8;
	s23 =	spop (v2sf);
	(v2sf) =	vpush v58, $0xF  }
0x267: {  	v26 =	vld [tilespmem:s28+$0x0];
	v63 =	vshll.u32 v55, $0x4;
	v6 =	vadd.f32 v56, v6;
	s13 =	spop (v2sf);
	(v2sf) =	vpush v58, $0xE  }
0x268: {  	v60 =	vunpack.i.u.bf16.f32 v53;
	v10 =	vadd.f32 v59, v12;
	s21 =	spop (v2sf);
	(v2sf) =	vpush v63, $0x0  }
0x269: {  	v15 =	vunpack.i.l.bf16.f32 v61;
	v12 =	vadd.f32 v60, v13;
	s10 =	spop (v2sf);
	(v2sf) =	vpush v63, $0x1  }
0x26a: {  	v52 =	vunpack.i.l.bf16.f32 v47;
	v7 =	vadd.f32 v29, v7;
	s22 =	spop (v2sf);
	(v2sf) =	vpush v63, $0x2  }
0x26b: {  	v62 =	vld [tilespmem:s2+$0x0];
	v9 =	vunpack.i.u.bf16.f32 v45;
	v4 =	vadd.f32 v52, v4;
	s12 =	spop (v2sf);
	(v2sf) =	vpush v63, $0x3  }
0x26c: {  	v32 =	vunpack.i.u.bf16.f32 v26;
	v3 =	vadd.f32 v9, v3;
	s16 =	spop (v2sf);
	(v2sf) =	vpush v63, $0x4  }
0x26d: {  	v9 =	vunpack.i.l.bf16.f32 v53;
	v8 =	vadd.f32 v23, v8;
	v12 =	vadd.f32 v27, v12;
	s7 =	spop (v2sf)  }
0x26e: {  	v21 =	vunpack.i.u.bf16.f32 v57;
	v9 =	vadd.f32 v9, v11;
	(v2sf) =	vpush v63, $0x5;
	s15 =	spop (v2sf)  }
0x26f: {  	v30 =	vunpack.i.u.bf16.f32 v24;
	v28 =	vld [tilespmem:s30+$0x0];
	v4 =	vadd.f32 v15, v4;
	(v2sf) =	vpush v63, $0x6;
	s5 =	spop (v2sf)  }
0x270: {  	v31 =	vld [tilespmem:s26+$0x0];
	v11 =	vunpack.i.u.bf16.f32 v62;
	v3 =	vadd.f32 v21, v3;
	(v2sf) =	vpush v63, $0x7;
	s8 =	spop (v2sf)  }
0x271: {  	v25 =	vunpack.i.l.bf16.f32 v62;
	v10 =	vadd.f32 v11, v10;
	v8 =	vadd.f32 v32, v8;
	s1 =	spop (v2sf)  }
0x272: {  	v13 =	vunpack.i.l.bf16.f32 v22;
	v6 =	vadd.f32 v25, v6;
	s6 =	spop (v2sf);
	(v2sf) =	vpush v63, $0x8  }
0x273: {  	v11 =	vunpack.i.l.bf16.f32 v26;
	v9 =	vadd.f32 v13, v9;
	s2 =	spop (v2sf);
	(v2sf) =	vpush v63, $0x9  }
0x274: {  	v34 =	vunpack.i.u.bf16.f32 v28;
	v4 =	vadd.f32 v11, v4;
	s4 =	spop (v2sf);
	(v2sf) =	vpush v63, $0xA  }
0x275: {  	v13 =	vunpack.i.u.bf16.f32 v31;
	v3 =	vadd.f32 v30, v3;
	v10 =	vadd.f32 v34, v10;
	s0 =	spop (v2sf)  }
0x276: {  	v36 =	vld [tilespmem:s19+$0x40];
	v33 =	vunpack.i.l.bf16.f32 v28;
	v12 =	vadd.f32 v13, v12;
	s3 =	spop (v2sf);
	(v2sf) =	vpush v63, $0xB  }
0x277: {  	v35 =	vunpack.i.l.bf16.f32 v31;
	v6 =	vadd.f32 v33, v6;
	v37 =	vld [tilespmem:s25+$0x0];
	s30 =	spop (v2sf);
	(v2sf) =	vpush v63, $0xC  }
0x278: {  	v9 =	vadd.f32 v35, v9;
	v38 =	vld [tilespmem:s30+$0x0];
	s31 =	spop (v2sf);
	(v2sf) =	vpush v63, $0xD  }
0x279: {  	v4 =	vadd.f32 v4, v7;
	v8 =	vadd.f32 v8, v3;
	v39 =	vld [tilespmem:s31+$0x0];
	s25 =	spop (v2sf)  }
0x27a: {  	v10 =	vadd.f32 v12, v10;
	(v2sf) =	vpush v63, $0xE;
	v40 =	vld [tilespmem:s25+$0x0];
	s26 =	spop (v2sf)  }
0x27b: {  	v41 =	vshll.u32 v36, $0x4;
	v6 =	vadd.f32 v9, v6;
	(v2sf) =	vpush v63, $0xF;
	v42 =	vld [tilespmem:s26+$0x0];
	s28 =	spop (v2sf)  }
0x27c: {  	v2 =	vadd.f32 v2, v1;
	(v2sf) =	vpush v41, $0xC;
	v43 =	vld [tilespmem:s28+$0x0]  }
0x27d: {  	v1 =	vadd.f32 v10, v8;
	v3 =	vadd.f32 v6, v4;
	v4 =	vunpack.i.u.bf16.f32 v37;
	s29 =	spop (v2sf)  }
0x27e: {  	v6 =	vunpack.i.l.bf16.f32 v37;
	(v2sf) =	vpush v41, $0xD;
	v44 =	vunpack.i.u.bf16.f32 v38;
	v45 =	vld [tilespmem:s29+$0x0];
	s30 =	spop (v2sf)  }
0x27f: {  	v46 =	vunpack.i.l.bf16.f32 v38;
	(v2sf) =	vpush v41, $0xE;
	v47 =	vunpack.i.u.bf16.f32 v39;
	v48 =	vld [tilespmem:s30+$0x0];
	s31 =	spop (v2sf)  }
0x280: {  	v7 =	vunpack.i.l.bf16.f32 v39;
	(v2sf) =	vpush v41, $0xF;
	v49 =	vunpack.i.u.bf16.f32 v40;
	v50 =	vld [tilespmem:s31+$0x0]  }
0x281: {  	v9 =	vunpack.i.l.bf16.f32 v40;
	v51 =	vunpack.i.u.bf16.f32 v42;
	v52 =	vunpack.i.l.bf16.f32 v43;
	s25 =	spop (v2sf)  }
0x282: {  	v14 =	vunpack.i.l.bf16.f32 v42;
	v5 =	vunpack.i.u.bf16.f32 v43;
	v11 =	vadd.f32 v52, v46;
	v53 =	vld [tilespmem:s25+$0x0];
	s26 =	spop (v2sf)  }
0x283: {  	v5 =	vadd.f32 v5, v44;
	v54 =	vunpack.i.u.bf16.f32 v45;
	v10 =	vunpack.i.l.bf16.f32 v45;
	v55 =	vld [tilespmem:s26+$0x0];
	s28 =	spop (v2sf)  }
0x284: {  	v7 =	vadd.f32 v10, v7;
	v8 =	vadd.f32 v54, v47;
	v56 =	vunpack.i.l.bf16.f32 v48;
	v57 =	vld [tilespmem:s28+$0x0]  }
0x285: {  	v15 =	vunpack.i.u.bf16.f32 v48;
	v9 =	vadd.f32 v56, v9;
	v58 =	vunpack.i.l.bf16.f32 v50;
	s29 =	spop (v2sf)  }
0x286: {  	v15 =	vadd.f32 v15, v49;
	v59 =	vunpack.i.u.bf16.f32 v50;
	v10 =	vadd.f32 v58, v14;
	v60 =	vld [tilespmem:s29+$0x0];
	s30 =	spop (v2sf)  }
0x287: {  	v12 =	vadd.f32 v59, v51;
	v61 =	vunpack.i.u.bf16.f32 v53;
	v62 =	vunpack.i.l.bf16.f32 v53;
	v63 =	vld [tilespmem:s30+$0x0];
	s31 =	spop (v2sf)  }
0x288: {  	v11 =	vadd.f32 v62, v11;
	v5 =	vadd.f32 v61, v5;
	v21 =	vunpack.i.l.bf16.f32 v55;
	v22 =	vld [tilespmem:s31+$0x0]  }
0x289: {  	v19 =	vunpack.i.u.bf16.f32 v55;
	s25 =	spop (v2sf);
	v7 =	vadd.f32 v21, v7;
	v23 =	vunpack.i.l.bf16.f32 v57  }
0x28a: {  	v8 =	vadd.f32 v19, v8;
	v13 =	vunpack.i.u.bf16.f32 v57;
	v24 =	vld [tilespmem:s25+$0x0];
	s26 =	spop (v2sf);
	v9 =	vadd.f32 v23, v9  }
0x28b: {  	v13 =	vadd.f32 v13, v15;
	v26 =	vld [tilespmem:s26+$0x0];
	s28 =	spop (v2sf);
	v25 =	vunpack.i.u.bf16.f32 v60;
	v14 =	vunpack.i.l.bf16.f32 v60  }
0x28c: {  	v28 =	vld [tilespmem:s28+$0x0];
	v10 =	vadd.f32 v14, v10;
	v12 =	vadd.f32 v25, v12;
	v27 =	vunpack.i.l.bf16.f32 v63  }
0x28d: {  	v37 =	vld [tilespmem:s14+$0x0];
	s29 =	spop (v2sf);
	v18 =	vunpack.i.u.bf16.f32 v63;
	v11 =	vadd.f32 v27, v11;
	v29 =	vunpack.i.l.bf16.f32 v22  }
0x28e: {  	v30 =	vld [tilespmem:s29+$0x0];
	s30 =	spop (v2sf);
	v5 =	vadd.f32 v18, v5;
	v17 =	vunpack.i.u.bf16.f32 v22;
	v7 =	vadd.f32 v29, v7  }
0x28f: {  	v32 =	vld [tilespmem:s30+$0x0];
	s31 =	spop (v2sf);
	v8 =	vadd.f32 v17, v8;
	v31 =	vunpack.i.u.bf16.f32 v24;
	v16 =	vunpack.i.l.bf16.f32 v24  }
0x290: {  	v33 =	vld [tilespmem:s31+$0x0];
	v9 =	vadd.f32 v16, v9;
	v13 =	vadd.f32 v31, v13;
	v34 =	vunpack.i.l.bf16.f32 v26  }
0x291: {  	v38 =	vld [tilespmem:s23+$0x0];
	v35 =	vunpack.i.u.bf16.f32 v26;
	v10 =	vadd.f32 v34, v10;
	v36 =	vunpack.i.l.bf16.f32 v28  }
0x292: {  	v41 =	vld [tilespmem:s11+$0x0];
	v12 =	vadd.f32 v35, v12;
	v15 =	vunpack.i.u.bf16.f32 v28;
	v11 =	vadd.f32 v36, v11  }
0x293: {  	v44 =	vld [tilespmem:s21+$0x0];
	v5 =	vadd.f32 v15, v5;
	v39 =	vunpack.i.u.bf16.f32 v30;
	v14 =	vunpack.i.l.bf16.f32 v30  }
0x294: {  	v46 =	vld [tilespmem:s13+$0x0];
	v7 =	vadd.f32 v14, v7;
	v8 =	vadd.f32 v39, v8  }
0x295: {  	v52 =	vld [tilespmem:s10+$0x0];
	v40 =	vunpack.i.l.bf16.f32 v32;
	v42 =	vunpack.i.u.bf16.f32 v32;
	v43 =	vunpack.i.l.bf16.f32 v33  }
0x296: {  	v48 =	vld [tilespmem:s22+$0x0];
	v9 =	vadd.f32 v40, v9;
	v45 =	vunpack.i.u.bf16.f32 v33;
	v10 =	vadd.f32 v43, v10  }
0x297: {  	v54 =	vld [tilespmem:s16+$0x0];
	v13 =	vadd.f32 v42, v13;
	v12 =	vadd.f32 v45, v12  }
0x298: {  	v56 =	vld [tilespmem:s12+$0x0];
	v7 =	vadd.f32 v7, v11;
	v9 =	vadd.f32 v10, v9  }
0x299: {  	v47 =	vunpack.i.u.bf16.f32 v37;
	v58 =	vld [tilespmem:s15+$0x0];
	v5 =	vadd.f32 v8, v5;
	v51 =	vadd.f32 v12, v13  }
0x29a: {  	v49 =	vunpack.i.u.bf16.f32 v38;
	v19 =	vunpack.i.l.bf16.f32 v37;
	v37 =	vld [tilespmem:s2+$0x0];
	v7 =	vadd.f32 v9, v7  }
0x29b: {  	v50 =	vunpack.i.l.bf16.f32 v38;
	v53 =	vunpack.i.u.bf16.f32 v41;
	v21 =	vld [tilespmem:s7+$0x0];
	v5 =	vadd.f32 v51, v5  }
0x29c: {  	v55 =	vunpack.i.u.bf16.f32 v44;
	v59 =	vunpack.i.l.bf16.f32 v48;
	v61 =	vunpack.i.u.bf16.f32 v48;
	[tilespmem:s20+$0x180] =	vst v7  }
0x29d: {  	v4 =	vadd.f32 v55, v4;
	v57 =	vunpack.i.l.bf16.f32 v46;
	v18 =	vunpack.i.l.bf16.f32 v44;
	v24 =	vld [tilespmem:s8+$0x0];
	[tilespmem:s20+$0x190] =	vst v5  }
0x29e: {  	v23 =	vunpack.i.l.bf16.f32 v56;
	v63 =	vunpack.i.u.bf16.f32 v52;
	v6 =	vadd.f32 v18, v6;
	v62 =	vld [tilespmem:s18+$0x3C]  }
0x29f: {  	v22 =	vunpack.i.l.bf16.f32 v54;
	v44 =	vunpack.i.l.bf16.f32 v37;
	v16 =	vadd.f32 v57, v19  }
0x2a0: {  	v26 =	vunpack.i.l.bf16.f32 v58;
	v31 =	vunpack.i.u.bf16.f32 v21;
	v6 =	vadd.f32 v22, v6;
	v36 =	vld [tilespmem:s4+$0x0]  }
0x2a1: {  	v15 =	vunpack.i.l.bf16.f32 v41;
	v25 =	vadd.f32 v23, v16;
	v14 =	vunpack.i.u.bf16.f32 v46  }
0x2a2: {  	v60 =	vadd.f32 v14, v47;
	v33 =	vunpack.i.l.bf16.f32 v24;
	v11 =	vadd.f32 v61, v49  }
0x2a3: {  	v28 =	vld [tilespmem:s5+$0x0];
	v6 =	vadd.f32 v33, v6;
	v10 =	vadd.f32 v59, v50;
	v27 =	vshll.u32 v62, $0x4  }
0x2a4: {  	v12 =	vunpack.i.l.bf16.f32 v52;
	v13 =	vadd.f32 v63, v53;
	v29 =	vadd.s32 $0x3E80, v27  }
0x2a5: {  	v40 =	vunpack.i.l.bf16.f32 v36;
	v12 =	vadd.f32 v12, v15;
	(v2sf) =	vpush v29, $0x1  }
0x2a6: {  	v30 =	vunpack.i.l.bf16.f32 v21;
	v6 =	vadd.f32 v40, v6;
	(v2sf) =	vpush v29, $0x0  }
0x2a7: {  	v9 =	vunpack.i.u.bf16.f32 v54;
	v13 =	vadd.f32 v31, v13;
	(v2sf) =	vpush v29, $0x3  }
0x2a8: {  	v34 =	vld [tilespmem:s1+$0x0];
	v35 =	vunpack.i.l.bf16.f32 v28;
	v4 =	vadd.f32 v9, v4;
	(v2sf) =	vpush v29, $0x2  }
0x2a9: {  	v32 =	vld [tilespmem:s6+$0x0];
	v8 =	vunpack.i.u.bf16.f32 v56;
	v9 =	vadd.f32 v35, v25;
	(v2sf) =	vpush v29, $0x5  }
0x2aa: {  	v5 =	vadd.f32 v8, v60;
	v7 =	vunpack.i.u.bf16.f32 v58;
	(v2sf) =	vpush v29, $0x4  }
0x2ab: {  	v16 =	vunpack.i.u.bf16.f32 v28;
	v8 =	vadd.f32 v26, v10;
	v7 =	vadd.f32 v7, v11  }
0x2ac: {  	v15 =	vunpack.i.u.bf16.f32 v24;
	v11 =	vadd.f32 v30, v12;
	(v2sf) =	vpush v29, $0x7  }
0x2ad: {  	v39 =	vunpack.i.u.bf16.f32 v34;
	v4 =	vadd.f32 v15, v4;
	(v2sf) =	vpush v29, $0x6  }
0x2ae: {  	v41 =	vld [tilespmem:s3+$0x0];
	v12 =	vunpack.i.l.bf16.f32 v32;
	v9 =	vadd.f32 v44, v9;
	v5 =	vadd.f32 v16, v5  }
0x2af: {  	v43 =	vld [tilespmem:s0+$0x0];
	v14 =	vunpack.i.l.bf16.f32 v34;
	v8 =	vadd.f32 v12, v8;
	(v2sf) =	vpush v29, $0x9  }
0x2b0: {  	v38 =	vunpack.i.u.bf16.f32 v32;
	v12 =	vadd.f32 v39, v13;
	(v2sf) =	vpush v29, $0x8  }
0x2b1: {  	v42 =	vunpack.i.u.bf16.f32 v36;
	v7 =	vadd.f32 v38, v7;
	v11 =	vadd.f32 v14, v11  }
0x2b2: {  	v15 =	vunpack.i.u.bf16.f32 v37;
	v45 =	vld [tilespmem:s18+$0x40];
	v4 =	vadd.f32 v42, v4;
	(v2sf) =	vpush v29, $0xB  }
0x2b3: {  	v16 =	vunpack.i.l.bf16.f32 v41;
	v6 =	vadd.f32 v9, v6;
	(v2sf) =	vpush v29, $0xA  }
0x2b4: {  	v14 =	vunpack.i.u.bf16.f32 v43;
	v5 =	vadd.f32 v15, v5;
	(v2sf) =	vpush v29, $0xD;
	s6 =	spop (v2sf)  }
0x2b5: {  	v46 =	vunpack.i.u.bf16.f32 v41;
	v8 =	vadd.f32 v16, v8;
	v12 =	vadd.f32 v14, v12;
	s7 =	spop (v2sf);
	v49 =	vld [tilespmem:s6+$0x0]  }
0x2b6: {  	v47 =	vunpack.i.l.bf16.f32 v43;
	v7 =	vadd.f32 v46, v7;
	(v2sf) =	vpush v29, $0xC;
	v48 =	vld [tilespmem:s7+$0x0];
	s8 =	spop (v2sf)  }
0x2b7: {  	v11 =	vadd.f32 v47, v11;
	v13 =	vshll.u32 v45, $0x4;
	(v2sf) =	vpush v29, $0xF;
	s10 =	spop (v2sf);
	v52 =	vld [tilespmem:s8+$0x0]  }
0x2b8: {  	v4 =	vadd.f32 v5, v4;
	v51 =	vadd.s32 $0x3E80, v13;
	(v2sf) =	vpush v29, $0xE;
	v50 =	vld [tilespmem:s10+$0x0];
	s11 =	spop (v2sf)  }
0x2b9: {  	v8 =	vadd.f32 v11, v8;
	(v2sf) =	vpush v51, $0xD;
	s12 =	spop (v2sf);
	v54 =	vld [tilespmem:s11+$0x0]  }
0x2ba: {  	v7 =	vadd.f32 v12, v7;
	(v2sf) =	vpush v51, $0xC;
	v53 =	vld [tilespmem:s12+$0x0]  }
0x2bb: {  	v6 =	vadd.f32 v8, v6;
	(v2sf) =	vpush v51, $0xF;
	s13 =	spop (v2sf)  }
0x2bc: {  	v4 =	vadd.f32 v7, v4;
	(v2sf) =	vpush v51, $0xE;
	v58 =	vunpack.i.u.bf16.f32 v49;
	s14 =	spop (v2sf);
	v59 =	vld [tilespmem:s13+$0x0]  }
0x2bd: {  	v14 =	vunpack.i.l.bf16.f32 v49;
	v55 =	vunpack.i.u.bf16.f32 v48;
	v57 =	vunpack.i.l.bf16.f32 v48;
	v56 =	vld [tilespmem:s14+$0x0]  }
0x2be: {  	s15 =	spop (v2sf);
	v61 =	vunpack.i.u.bf16.f32 v52;
	v5 =	vunpack.i.l.bf16.f32 v52;
	v60 =	vunpack.i.u.bf16.f32 v50  }
0x2bf: {  	s16 =	spop (v2sf);
	v25 =	vld [tilespmem:s15+$0x0];
	v24 =	vunpack.i.l.bf16.f32 v54;
	v8 =	vunpack.i.u.bf16.f32 v54;
	v11 =	vunpack.i.l.bf16.f32 v53  }
0x2c0: {  	v63 =	vld [tilespmem:s16+$0x0];
	v62 =	vunpack.i.u.bf16.f32 v53;
	v8 =	vadd.f32 v8, v58;
	v10 =	vadd.f32 v11, v57  }
0x2c1: {  	v9 =	vunpack.i.l.bf16.f32 v50;
	s21 =	spop (v2sf);
	v7 =	vadd.f32 v62, v55;
	v11 =	vadd.f32 v24, v14  }
0x2c2: {  	s22 =	spop (v2sf);
	v28 =	vld [tilespmem:s21+$0x0];
	v29 =	vunpack.i.u.bf16.f32 v59;
	v15 =	vunpack.i.l.bf16.f32 v59;
	v26 =	vunpack.i.l.bf16.f32 v56  }
0x2c3: {  	v27 =	vld [tilespmem:s22+$0x0];
	s23 =	spop (v2sf);
	v12 =	vunpack.i.u.bf16.f32 v56;
	v5 =	vadd.f32 v15, v5;
	v14 =	vadd.f32 v29, v61  }
0x2c4: {  	v34 =	vld [tilespmem:s23+$0x0];
	v9 =	vadd.f32 v26, v9;
	v12 =	vadd.f32 v12, v60;
	v33 =	vunpack.i.l.bf16.f32 v25  }
0x2c5: {  	v35 =	vunpack.i.u.bf16.f32 v25;
	s24 =	spop (v2sf);
	v30 =	vunpack.i.l.bf16.f32 v63;
	v11 =	vadd.f32 v33, v11  }
0x2c6: {  	v32 =	vunpack.i.u.bf16.f32 v63;
	v8 =	vadd.f32 v35, v8;
	v31 =	vld [tilespmem:s24+$0x0];
	s25 =	spop (v2sf);
	v10 =	vadd.f32 v30, v10  }
0x2c7: {  	v7 =	vadd.f32 v32, v7;
	v39 =	vunpack.i.l.bf16.f32 v28;
	v13 =	vunpack.i.u.bf16.f32 v28;
	s26 =	spop (v2sf);
	v40 =	vld [tilespmem:s25+$0x0]  }
0x2c8: {  	v36 =	vunpack.i.u.bf16.f32 v27;
	v37 =	vunpack.i.l.bf16.f32 v27;
	v5 =	vadd.f32 v39, v5;
	v38 =	vld [tilespmem:s26+$0x0]  }
0x2c9: {  	v13 =	vadd.f32 v13, v14;
	s28 =	spop (v2sf);
	v9 =	vadd.f32 v37, v9;
	v45 =	vunpack.i.l.bf16.f32 v34  }
0x2ca: {  	v12 =	vadd.f32 v36, v12;
	v44 =	vunpack.i.u.bf16.f32 v34;
	s29 =	spop (v2sf);
	v46 =	vld [tilespmem:s28+$0x0];
	v11 =	vadd.f32 v45, v11  }
0x2cb: {  	v8 =	vadd.f32 v44, v8;
	v42 =	vld [tilespmem:s29+$0x0];
	v41 =	vunpack.i.l.bf16.f32 v31;
	v43 =	vunpack.i.u.bf16.f32 v31  }
0x2cc: {  	s30 =	spop (v2sf);
	v10 =	vadd.f32 v41, v10;
	v7 =	vadd.f32 v43, v7  }
0x2cd: {  	s31 =	spop (v2sf);
	v50 =	vld [tilespmem:s30+$0x0];
	v49 =	vunpack.i.l.bf16.f32 v40;
	v51 =	vunpack.i.u.bf16.f32 v40;
	v47 =	vunpack.i.l.bf16.f32 v38  }
0x2ce: {  	v48 =	vld [tilespmem:s31+$0x0];
	v18 =	vunpack.i.u.bf16.f32 v38;
	v5 =	vadd.f32 v49, v5;
	v13 =	vadd.f32 v51, v13  }
0x2cf: {  	v9 =	vadd.f32 v47, v9;
	v12 =	vadd.f32 v18, v12  }
0x2d0: {  	v54 =	vunpack.i.l.bf16.f32 v46;
	v16 =	vunpack.i.u.bf16.f32 v46;
	v52 =	vunpack.i.u.bf16.f32 v42  }
0x2d1: {  	v53 =	vunpack.i.l.bf16.f32 v42;
	v11 =	vadd.f32 v54, v11;
	v8 =	vadd.f32 v16, v8  }
0x2d2: {  	v10 =	vadd.f32 v53, v10;
	v7 =	vadd.f32 v52, v7  }
0x2d3: {  	v56 =	vunpack.i.l.bf16.f32 v50;
	v59 =	vunpack.i.u.bf16.f32 v50;
	v55 =	vunpack.i.l.bf16.f32 v48  }
0x2d4: {  	[tilespmem:s20+$0x20] =	vst v0;
	v57 =	vadd.f32 v56, v5;
	v58 =	vunpack.i.u.bf16.f32 v48;
	v9 =	vadd.f32 v55, v9  }
0x2d5: {  	s17 =	sadd.s32 $0x8, s17;
	[tilespmem:s20+$0x30] =	vst v2;
	v61 =	vadd.f32 v59, v13;
	v60 =	vadd.f32 v58, v12  }
0x2d6: {  	p0 =	slt.u32 s17, $0xF8;
	[tilespmem:s20+$0xB0] =	vst v1;
	v62 =	vadd.f32 v11, v10;
	v0 =	vadd.f32 v57, v9  }
.Ltmp0:
0x2d7: {  	[tilespmem:s20+$0xA0] =	vst v3;
	v63 =	vadd.f32 v8, v7;
	v2 =	vadd.f32 v61, v60;
	(pc) =	sbr.rel @p0 .LBB2_2-.Ltmp0, $4  }
0x2d8: {  	[tilespmem:s20+$0x120] =	vst v6;
	v0 =	vadd.f32 v0, v62  }
0x2d9: {  	[tilespmem:s20+$0x130] =	vst v4;
	v1 =	vadd.f32 v2, v63  }
0x2da: {  	[tilespmem:s20+$0x1A0] =	vst v0  }
0x2db: {  	s19 =	sadd.s32 $0xA0, s19;
	s18 =	sadd.s32 $0xA0, s18;
	[tilespmem:s20+$0x1B0] =	vst v1;
	s20 =	sadd.s32 $0x400, s20  }
0x2dc: {  	s5 =	simm.s32 $0x0;
	s0 =	rddreg [dreg:$0x6];
	s1 =	simm.s32 $0xA500  }
0x2dd: {  	[hbm4b:s0+s5] =	stream.linear.scatter [tilespmem:s1], [sflag:$0x1], $0x8000, $0x38;
	[tilespmem:$0x12500] =	vst v63  }
0x2de: {  	_ =	swait.ge [sflag:s9], $0x8000  }
0x2df: {  	s30 =	rddreg [dreg:$0x8]  }
0x2e0: {  	s31 =	rddreg [dreg:$0x7];
	s1 =	sadd.s32 $0x1, s30  }
0x2e1: {  	p0 =	sne.s32 s1, s31  }
.Ltmp1:
0x2e2: {  	_ = 	snop;
	(pc) =	sbr.rel @p0 .LBB2_1-.Ltmp1, $3  }
0x2e3: {  	_ =	sdelay $0x1  }
0x2e4: {  	[sflag:s9] =	ssyncset.done $0x0  }
0x2e5: {  	[sflag:s9] =	ssyncadd.s32 $0xFFFF8000  }
0x2e6: {  	_ =	sfence.sel $0x180000  }
0x2e7: {  	[bflag:$0x0] =	sbarrier.arrive $0xFFFF  }
0x2e8: {  	_ =	strace $0x9000004A  }
0x2e9: {  	s0 =	stileid.u32;
	[bflag:$0x2] =	sbarrier.arrive $0xFFFF  }
0x2ea: {  	p0 =	sne.s32 s0, $0x0;
	s0 =	rddreg [dreg:$0x2]  }
0x2eb: {  	s0 =	sadd.s32 @!p0 $0x100000, s0  }
0x2ec: {  	[sflag:s0] =	ssyncadd.tile.s32 @!p0 $0x1;
	_ =	shalt  }
.Lfunc_end2:
_tile_overlayer_lowered:
.L_overlay_start_2:
0x2ed: {  	(tag) =	ssettag $0x2  }
0x2ee: {  	s0 =	rddreg [dreg:$0x0];
	s2 =	stileid.u32  }
0x2ef: {  	s1 =	rddreg [dreg:$0x1];
	p0 =	sne.s32 s2, $0x0  }
0x2f0: {  	s3 =	rddreg [dreg:$0x2];
	[bflag:$0x3] =	sbarrier.arrive $0xFFFF;
	s2 =	simm.s32 @!p0 $0x1C01  }
0x2f1: {  	[timem:s3], [sflag:s2] =	dma.local @!p0 [hbm:s0], s1  }
0x2f2: {  	s0 =	simm.s32 @!p0 $0x1  }
0x2f3: {  	_ =	swait.ge @!p0 [sflag:s0], s1  }
0x2f4: {  	s1 =	ssub.s32 @!p0 $0x0, s1;
	[sflag:s0] =	ssyncset.done @!p0 $0x0  }
0x2f5: {  	[sflag:s0] =	ssyncadd.s32 @!p0 s1  }
0x2f6: {  	[bflag:$0x3] =	sbarrier.arrive $0xFFFF  }
0x2f7: {  	_ =	shalt  }

// kernel: kernel.9.cloned.1.call-start
scs
__scs_entry_jumppad:
0x0: {  	(pc) =	sbr.rel $0x88, $3  }
0x1: {  	(tag) =	ssettag $0x0;
	lr =	simm.s32 $0x1  }
0x2: {  	[smem:$0x3F99] =	sst lr;
	_ =	strace $0xD0000000  }
0x3: {  	_ = 	snop  }
0x4: {  	_ = 	snop  }
0x5: {  	_ = 	snop  }
0x6: {  	_ = 	snop  }
0x7: {  	_ = 	snop  }
__scs_overlays_trampoline_lowered:
0x8: {  	[smem:$0x3FA8] =	sst s0  }
0x9: {  	[smem:$0x3FA9] =	sst s1  }
0xa: {  	[smem:$0x3FAA] =	sst s2  }
0xb: {  	[smem:$0x3FAB] =	sst s3  }
0xc: {  	[smem:$0x3FAC] =	sst s4  }
0xd: {  	[smem:$0x3FAD] =	sst s5  }
0xe: {  	[smem:$0x3FAE] =	sst s6  }
0xf: {  	[smem:$0x3FAF] =	sst s7  }
0x10: {  	[smem:$0x3FB0] =	sst s8  }
0x11: {  	[smem:$0x3FB1] =	sst s9;
	s0 =	simm.s32 @!p0 $0x0  }
0x12: {  	s1 =	sld [smem:$0x3F97];
	s0 =	simm.s32 @p0 $0x1  }
0x13: {  	[smem:$0x3FB2] =	sst s0;
	s0 =	simm.s32 @!p1 $0x0  }
0x14: {  	s2 =	sld [smem:$0x3F96];
	s0 =	simm.s32 @p1 $0x1  }
0x15: {  	[smem:$0x3FB3] =	sst s0;
	s0 =	simm.s32 @!p2 $0x0  }
0x16: {  	s3 =	sld [smem:$0x3FDB];
	s0 =	simm.s32 @p2 $0x1  }
0x17: {  	s4 =	simm.s32 $0x1BF5;
	[smem:$0x3FB5] =	sst s0  }
0x18: {  	s0 =	sld [smem:$0x3F98];
	_ =	swait.ge [sflag:s4], $0x0  }
0x19: {  	s7 =	sld [smem:$0x3F99]  }
0x1a: {  	s8 =	sadd.s32 $0xFFFFE003, lr  }
0x1b: {  	s9 =	sadd.s32 $0xFFFFFEF7, lr;
	s5 =	simm.s32 $0xFFFFFFFF;
	p2 =	slt.u32 s8, $0xFFFFF086  }
0x1c: {  	p1 =	slt.u32 s9, $0xF7A;
	s5 =	simm.s32 @!p2 $0x0  }
0x1d: {  	s5 =	simm.s32 @p1 $0x1;
	p0 =	seq.s32 s7, s2  }
0x1e: {  	s7 =	smul.u32 @!p0 $0xF7A, s2;
	p2 =	seq.s32 @!p0 s5, $0x0  }
0x1f: {  	s9 =	smul.u32 $0xF7A, s1;
	s8 =	simm.s32 @!p0 $0x1BF5;
	p2 =	por !p2, p0  }
0x20: {  	[sflag:s8] =	ssyncset.s32 @!p0 $0xFFFFF086;
	s6 =	sadd.s32 @!p0 s3, s7;
	s7 =	simm.s32 @!p0 $0x108  }
0x21: {  	s3 =	sadd.s32 s3, s9;
	s6 =	sadd.s32 @!p0 $0x88, s6;
	s7 =	simm.s32 @p2 $0x1082  }
0x22: {  	[simem:s7], [sflag:s8] =	dma.local @!p0 [hbm:s6], $0xF7A  }
0x23: {  	s9 =	sor.u32 $0xD0000000, s2;
	s6 =	simm.s32 $0x108;
	_ =	swait.ge @!p0 [sflag:s8], $0x0  }
0x24: {  	s3 =	sadd.s32 $0x88, s3;
	s6 =	simm.s32 @!p1 $0x1082;
	[sflag:s4] =	ssyncset.s32 $0xFFFFF086  }
0x25: {  	[simem:s6], [sflag:s4] =	dma.local [hbm:s3], $0xF7A  }
0x26: {  	[smem:$0x3F99] =	sst s1;
	(tag) =	ssettag s2;
	_ =	strace s9  }
0x27: {  	s1 =	sld [smem:$0x3FA9]  }
0x28: {  	s2 =	sld [smem:$0x3FAA]  }
0x29: {  	s4 =	sld [smem:$0x3FAC]  }
0x2a: {  	p0 =	seq.s32 s5, $0x0;
	s5 =	sld [smem:$0x3FAD]  }
0x2b: {  	s6 =	sld [smem:$0x3FAE]  }
0x2c: {  	s7 =	sld [smem:$0x3FAF]  }
0x2d: {  	s3 =	simm.s32 $0x108;
	s8 =	sld [smem:$0x3FB0]  }
0x2e: {  	s3 =	simm.s32 @!p0 $0x1082;
	s9 =	sld [smem:$0x3FB1]  }
0x2f: {  	lr =	sadd.s32 s0, s3;
	s0 =	sld [smem:$0x3FA8]  }
0x30: {  	s3 =	sld [smem:$0x3FAB]  }
0x31: {  	[smem:$0x3FB4] =	sst s10  }
0x32: {  	s10 =	sld [smem:$0x3FB2];
	_ =	sdelay $0x3  }
0x33: {  	p0 =	seq.s32 s10, $0x1;
	s10 =	sld [smem:$0x3FB4];
	_ =	sdelay $0x3  }
0x34: {  	[smem:$0x3FB4] =	sst s10  }
0x35: {  	s10 =	sld [smem:$0x3FB3];
	_ =	sdelay $0x3  }
0x36: {  	p1 =	seq.s32 s10, $0x1;
	s10 =	sld [smem:$0x3FB4];
	_ =	sdelay $0x3  }
0x37: {  	[smem:$0x3FB4] =	sst s10  }
0x38: {  	s10 =	sld [smem:$0x3FB5]  }
0x39: {  	_ = 	snop;
	(pc) =	sbr.ind lr, $3  }
0x3a: {  	_ = 	snop  }
0x3b: {  	_ = 	snop  }
0x3c: {  	p2 =	seq.s32 s10, $0x1;
	s10 =	sld [smem:$0x3FB4]  }
0x3d: {  	_ =	shalt  }
0x3e: {  	_ =	shalt  }
0x3f: {  	_ =	shalt  }
0x40: {  	_ =	shalt  }
0x41: {  	_ =	shalt  }
0x42: {  	_ =	shalt  }
0x43: {  	_ =	shalt  }
0x44: {  	_ =	shalt  }
0x45: {  	_ =	shalt  }
0x46: {  	_ =	shalt  }
0x47: {  	_ =	shalt  }
0x48: {  	_ =	shalt  }
0x49: {  	_ =	shalt  }
0x4a: {  	_ =	shalt  }
0x4b: {  	_ =	shalt  }
0x4c: {  	_ =	shalt  }
0x4d: {  	_ =	shalt  }
0x4e: {  	_ =	shalt  }
0x4f: {  	_ =	shalt  }
0x50: {  	_ =	shalt  }
0x51: {  	_ =	shalt  }
0x52: {  	_ =	shalt  }
0x53: {  	_ =	shalt  }
0x54: {  	_ =	shalt  }
0x55: {  	_ =	shalt  }
0x56: {  	_ =	shalt  }
0x57: {  	_ =	shalt  }
0x58: {  	_ =	shalt  }
0x59: {  	_ =	shalt  }
0x5a: {  	_ =	shalt  }
0x5b: {  	_ =	shalt  }
0x5c: {  	_ =	shalt  }
0x5d: {  	_ =	shalt  }
0x5e: {  	_ =	shalt  }
0x5f: {  	_ =	shalt  }
0x60: {  	_ =	shalt  }
0x61: {  	_ =	shalt  }
0x62: {  	_ =	shalt  }
0x63: {  	_ =	shalt  }
0x64: {  	_ =	shalt  }
0x65: {  	_ =	shalt  }
0x66: {  	_ =	shalt  }
0x67: {  	_ =	shalt  }
0x68: {  	_ =	shalt  }
0x69: {  	_ =	shalt  }
0x6a: {  	_ =	shalt  }
0x6b: {  	_ =	shalt  }
0x6c: {  	_ =	shalt  }
0x6d: {  	_ =	shalt  }
0x6e: {  	_ =	shalt  }
0x6f: {  	_ =	shalt  }
0x70: {  	_ =	shalt  }
0x71: {  	_ =	shalt  }
0x72: {  	_ =	shalt  }
0x73: {  	_ =	shalt  }
0x74: {  	_ =	shalt  }
0x75: {  	_ =	shalt  }
0x76: {  	_ =	shalt  }
0x77: {  	_ =	shalt  }
0x78: {  	_ =	shalt  }
0x79: {  	_ =	shalt  }
0x7a: {  	_ =	shalt  }
0x7b: {  	_ =	shalt  }
0x7c: {  	_ =	shalt  }
0x7d: {  	_ =	shalt  }
0x7e: {  	_ =	shalt  }
0x7f: {  	_ =	shalt  }
0x80: {  	_ =	shalt  }
0x81: {  	_ =	shalt  }
0x82: {  	_ =	shalt  }
0x83: {  	_ =	shalt  }
0x84: {  	_ =	shalt  }
0x85: {  	_ =	shalt  }
0x86: {  	_ =	shalt  }
0x87: {  	_ =	shalt  }
.Lfunc_end0:
.L_simem_size_0:
called_computation.1_lowered:
.L_overlay_start_0:
0x88: {  	s2 =	sld [smem:$0x3FD9]  }
0x89: {  	s3 =	sld [smem:$0x3FFE];
	_ =	sdelay $0x1  }
0x8a: {  	s1 =	srdreg.scid  }
0x8b: {  	s0 =	sand.u32 $0x1, s1  }
0x8c: {  	s17 =	sshll.u32 s0, $0xA;
	s2 =	sadd.s32 s3, s2  }
0x8d: {  	s2 =	sadd.s32 s2, s17  }
0x8e: {  	[smem:$0x3FC0] =	sst s2  }
0x8f: {  	_ = 	snop  }
0x90: {  	s2 =	sld [smem:$0x3FD0];
	(tm) =	ssettm $0x1  }
0x91: {  	s18 =	sld [smem:$0x3FFB];
	_ =	sdelay $0x3  }
0x92: {  	_ =	strace s18  }
0x93: {  	s3 =	sld [smem:$0x3FFC];
	_ =	sdelay $0x3  }
0x94: {  	_ =	strace s3  }
0x95: {  	s3 =	sld [smem:$0x3FFD];
	_ =	sdelay $0x3  }
0x96: {  	_ =	strace s3  }
0x97: {  	_ =	strace $0x8FFFFFFF  }
0x98: {  	s19 =	sld [smem:$0x3FDB];
	_ =	sdelay $0x1  }
0x99: {  	s4 =	simm.s32 $_scs_section_size  }
0x9a: {  	s5 =	simm.s32 $_size__tile_overlayer_lowered;
	s6 =	simm.s32 $_tile_overlayer_lowered  }
0x9b: {  	s22 =	simm.s32 $0x1BFF;
	s21 =	sshll.u32 s6, $0x1;
	s3 =	sadd.s32 s4, s19  }
0x9c: {  	s7 =	simm.s32 $0x0;
	s20 =	sshll.u32 s5, $0x1;
	s5 =	sadd.s32 s21, s3  }
0x9d: {  	[timem:s7], [sflag:s22] =	dma.local [hbm:s5], s20  }
0x9e: {  	_ =	swait.ge [sflag:s22], s20  }
0x9f: {  	s4 =	ssub.s32 $0x0, s20;
	[sflag:s22] =	ssyncset.done $0x0  }
0xa0: {  	[sflag:s22] =	ssyncadd.s32 s4;
	_ =	sdelay $0x1  }
0xa1: {  	s23 =	simm.s32 $0x1B8B  }
0xa2: {  	_ =	swait.ge [sflag:s23], $0x1  }
0xa3: {  	[sflag:s23] =	ssyncset.done $0x0  }
0xa4: {  	s25 =	simm.s32 $0x1B8E;
	s24 =	sld [smem:$0x3FFE];
	[sflag:s23] =	ssyncadd.s32 $0xFFFFFFFF  }
0xa5: {  	s26 =	simm.s32 $execute0_lowered;
	[smem:$0x3FD2] =	sst s25  }
0xa6: {  	s5 =	sshll.u32 s26, $0x1;
	_ =	strace $0x80000046;
	[dreg:$0x1] =	wrdreg $0xFFFFFFFF  }
0xa7: {  	s28 =	simm.s32 $_size_execute0_lowered;
	s3 =	sadd.s32 s3, s5;
	[dreg:$0x0] =	wrdreg $0x0  }
0xa8: {  	s5 =	sshll.u32 s28, $0x1;
	[dreg:$0x2] =	wrdreg s3  }
0xa9: {  	[dreg:$0x3] =	wrdreg s5  }
0xaa: {  	[dreg:$0x4] =	wrdreg $0xC0  }
0xab: {  	_ =	task [dreg:s7], $0x5FFFF  }
0xac: {  	[dreg:$0x1] =	wrdreg $0xFFFFFFFF  }
0xad: {  	[dreg:$0x0] =	wrdreg $0x60  }
0xae: {  	[dreg:$0x2] =	wrdreg s2  }
0xaf: {  	[dreg:$0x3] =	wrdreg s24  }
0xb0: {  	[dreg:$0x4] =	wrdreg $0xA  }
0xb1: {  	_ =	task.clear_ibuf [dreg:s7], $0x5FFFF;
	_ =	strace $0x90000046  }
0xb2: {  	s29 =	simm.s32 $0xA;
	_ =	strace $0x80000048  }
0xb3: {  	_ =	swait.ge [sflag:s29], $0x1  }
0xb4: {  	[sflag:s29] =	ssyncadd.s32 $0xFFFFFFFF  }
0xb5: {  	_ =	strace $0x90000048  }
0xb6: {  	_ =	sfence  }
0xb7: {  	s30 =	sld [smem:$0x0];
	_ =	sdelay $0x2  }
0xb8: {  	s31 =	sshll.u32 s1, $0xD;
	s1 =	sshrl.u32 s1, $0x2  }
0xb9: {  	s3 =	sand.u32 $0x4000, s31;
	s1 =	sadd.s32 s1, s30  }
0xba: {  	s0 =	sor.u32 s3, s0;
	s1 =	sshll.u32 s1, $0x11  }
0xbb: {  	s0 =	sor.u32 s1, s0  }
0xbc: {  	s0 =	sadd.s32 $0x8F2B, s0  }
0xbd: {  	[sflag:s0] =	ssyncadd.remote.s32 $0x1  }
0xbe: {  	_ =	sfence.sel $0xFFFF  }
0xbf: {  	[dreg:$0x0] =	wrdreg $0xFFFFFFFF;
	(pc) =	sbr.abs _section_cstart, $3  }
0xc0: {  	[dreg:$0x1] =	wrdreg $0xFFFFFFFF  }
0xc1: {  	_ =	task.clear_ibuf [dreg:s7], $0x2FFFF;
	_ =	strace $0x9FFFFFFF  }
0xc2: {  	(tm) =	ssettm $0x7FFFFFFF  }
0xc3: {  	_ =	shalt  }
tec
execute0_lowered:
.L_overlay_start_1:
0x0: {  	(tag) =	ssettag $0x1  }
0x1: {  	s1 =	srdreg.scid;
	s3 =	stileid.u32  }
0x2: {  	s1 =	sand.u32 $0x1, s1;
	s2 =	sshll.u32 s3, $0x1  }
0x3: {  	s0 =	rddreg [dreg:$0x1];
	s3 =	sshrl.u32 s3, $0x2;
	s2 =	sor.u32 s1, s2  }
0x4: {  	s5 =	simm.s32 $0x0;
	s3 =	smul.u32 $0xA000, s3;
	s4 =	sshll.u32 s2, $0x7  }
0x5: {  	[smem:$0x7FF] =	sst s5;
	s1 =	ssub.s32 $0x2, s1;
	s4 =	sand.u32 $0x380, s4  }
0x6: {  	s6 =	sadd.s32 $0x1800, s0;
	s28 =	sshrl.u32 s1, $0x1;
	s3 =	sor.u32 s3, s4  }
0x7: {  	_ =	strace $0x80000047;
	s1 =	ssub.s32 s1, s28;
	s3 =	sshrl.u32 s3, $0x3  }
0x8: {  	[dreg:$0x3] =	wrdreg s6;
	s31 =	smax.u32 s1, $0x1;
	s3 =	sadd.s32 s3, s0  }
0x9: {  	s2 =	sshll.u32 s2, $0xC;
	[dreg:$0x7] =	wrdreg s31;
	s29 =	sadd.s32 $0x7000, s3  }
0xa: {  	s0 =	sadd.s32 s2, s0;
	s30 =	sadd.s32 $0x2000, s3;
	[dreg:$0x4] =	wrdreg s29  }
0xb: {  	s0 =	sadd.s32 $0xC000, s0;
	[dreg:$0x5] =	wrdreg s30  }
0xc: {  	s9 =	simm.s32 $0x1;
	s1 =	simm.s32 $0x0;
	[dreg:$0x6] =	wrdreg s0  }
.LBB2_1:
0xd: {  	[dreg:$0x8] =	wrdreg s1  }
0xe: {  	s0 =	rddreg [dreg:$0x0]  }
0xf: {  	[tilespmem:s5], [sflag:$0x1] =	stream.linear.gather [hbm4b:s0+s5], $0x3E80, $0x38;
	[tilespmem:$0x12500] =	vst v63  }
0x10: {  	_ =	swait.ge [sflag:s9], $0x3E80  }
0x11: {  	[sflag:s9] =	ssyncset.done $0x0  }
0x12: {  	s26 =	simm.s32 $0x3E80;
	s25 =	rddreg [dreg:$0x3];
	[sflag:s9] =	ssyncadd.s32 $0xFFFFC180  }
0x13: {  	[tilespmem:s26], [sflag:$0x1] =	stream.linear.gather [hbm4b:s25+s5], $0x3E80, $0x38;
	[tilespmem:$0x12500] =	vst v63  }
0x14: {  	_ =	swait.ge [sflag:s9], $0x3E80  }
0x15: {  	s29 =	simm.s32 $0x80;
	s2 =	simm.s32 $0x400;
	[sflag:s9] =	ssyncset.done $0x0  }
0x16: {  	s3 =	simm.s32 $0x7D00;
	s28 =	rddreg [dreg:$0x4];
	[sflag:s9] =	ssyncadd.s32 $0xFFFFC180  }
0x17: {  	[tilespmem:s3], [sflag:$0x1] =	stream.strided.gather [hbm4b:s28+s29], $0x1400, s2, s29, $0x38;
	[tilespmem:$0x12500] =	vst v63  }
0x18: {  	_ =	swait.ge [sflag:s9], $0x1400  }
0x19: {  	[sflag:s9] =	ssyncset.done $0x0  }
0x1a: {  	s31 =	simm.s32 $0x9100;
	s30 =	rddreg [dreg:$0x5];
	[sflag:s9] =	ssyncadd.s32 $0xFFFFEC00  }
0x1b: {  	[tilespmem:s31], [sflag:$0x1] =	stream.strided.gather [hbm4b:s30+s29], $0x1400, s2, s29, $0x38;
	[tilespmem:$0x12500] =	vst v63  }
0x1c: {  	_ =	swait.ge [sflag:s9], $0x1400  }
0x1d: {  	s17 =	simm.s32 $0xFFFFFFF8;
	s18 =	simm.s32 $0x9150;
	[sflag:s9] =	ssyncset.done $0x0  }
0x1e: {  	s19 =	simm.s32 $0x7D50;
	s20 =	simm.s32 $0xA700;
	[sflag:s9] =	ssyncadd.s32 $0xFFFFEC00  }
.LBB2_2:
0x1f: {  	v0 =	vld [tilespmem:s19+$0xFFFFFFB0];
	_ =	sdelay $0x4  }
0x20: {  	v0 =	vshll.u32 v0, $0x4  }
0x21: {  	(v2sf) =	vpush v0, $0x0  }
0x22: {  	(v2sf) =	vpush v0, $0x1  }
0x23: {  	(v2sf) =	vpush v0, $0x2  }
0x24: {  	(v2sf) =	vpush v0, $0x3  }
0x25: {  	(v2sf) =	vpush v0, $0x4  }
0x26: {  	(v2sf) =	vpush v0, $0x5  }
0x27: {  	(v2sf) =	vpush v0, $0x6  }
0x28: {  	(v2sf) =	vpush v0, $0x7;
	_ =	sdelay $0x7  }
0x29: {  	v1 =	vld [tilespmem:s19+$0xFFFFFFB4];
	s0 =	spop (v2sf)  }
0x2a: {  	v2 =	vld [tilespmem:s0+$0x0];
	s7 =	spop (v2sf)  }
0x2b: {  	v3 =	vld [tilespmem:s7+$0x0];
	s8 =	spop (v2sf)  }
0x2c: {  	v4 =	vld [tilespmem:s8+$0x0];
	s10 =	spop (v2sf)  }
0x2d: {  	v5 =	vld [tilespmem:s10+$0x0];
	s11 =	spop (v2sf)  }
0x2e: {  	v6 =	vld [tilespmem:s11+$0x0];
	s12 =	spop (v2sf)  }
0x2f: {  	v7 =	vld [tilespmem:s12+$0x0];
	s13 =	spop (v2sf)  }
0x30: {  	v8 =	vld [tilespmem:s13+$0x0];
	s0 =	spop (v2sf)  }
0x31: {  	(v2sf) =	vpush v0, $0x8  }
0x32: {  	(v2sf) =	vpush v0, $0x9  }
0x33: {  	(v2sf) =	vpush v0, $0xA;
	_ =	sdelay $0x1  }
0x34: {  	(v2sf) =	vpush v0, $0xB  }
0x35: {  	(v2sf) =	vpush v0, $0xC  }
0x36: {  	(v2sf) =	vpush v0, $0xD;
	_ =	sdelay $0x1  }
0x37: {  	(v2sf) =	vpush v0, $0xE  }
0x38: {  	v1 =	vshll.u32 v1, $0x4;
	(v2sf) =	vpush v0, $0xF  }
0x39: {  	(v2sf) =	vpush v1, $0xC;
	_ =	sdelay $0x1  }
0x3a: {  	v36 =	vunpack.i.u.bf16.f32 v2;
	v2 =	vunpack.i.l.bf16.f32 v2;
	(v2sf) =	vpush v1, $0xD  }
0x3b: {  	v9 =	vunpack.i.u.bf16.f32 v3;
	v3 =	vunpack.i.l.bf16.f32 v3;
	v11 =	vld [tilespmem:s0+$0x0];
	(v2sf) =	vpush v1, $0xE  }
0x3c: {  	v10 =	vunpack.i.u.bf16.f32 v4;
	v37 =	vunpack.i.l.bf16.f32 v4;
	(v2sf) =	vpush v1, $0xF  }
0x3d: {  	v38 =	vunpack.i.u.bf16.f32 v5;
	v5 =	vunpack.i.l.bf16.f32 v5;
	v12 =	vunpack.i.l.bf16.f32 v6;
	s14 =	spop (v2sf)  }
0x3e: {  	v2 =	vadd.f32 v12, v2;
	v40 =	vunpack.i.u.bf16.f32 v7;
	v7 =	vunpack.i.l.bf16.f32 v7;
	v39 =	vld [tilespmem:s14+$0x0];
	s15 =	spop (v2sf)  }
0x3f: {  	v3 =	vadd.f32 v7, v3;
	v41 =	vunpack.i.l.bf16.f32 v8;
	v8 =	vunpack.i.u.bf16.f32 v8;
	v13 =	vld [tilespmem:s15+$0x0];
	s16 =	spop (v2sf)  }
0x40: {  	v43 =	vunpack.i.l.bf16.f32 v11;
	v8 =	vadd.f32 v8, v10;
	v44 =	vunpack.i.u.bf16.f32 v11;
	v42 =	vld [tilespmem:s16+$0x0]  }
0x41: {  	v6 =	vunpack.i.u.bf16.f32 v6;
	v5 =	vadd.f32 v43, v5;
	v4 =	vadd.f32 v44, v38;
	s21 =	spop (v2sf)  }
0x42: {  	v0 =	vadd.f32 v6, v36;
	v6 =	vadd.f32 v40, v9;
	v45 =	vld [tilespmem:s21+$0x0];
	s22 =	spop (v2sf)  }
0x43: {  	v1 =	vadd.f32 v41, v37;
	v48 =	vld [tilespmem:s22+$0x0];
	s23 =	spop (v2sf);
	v46 =	vunpack.i.u.bf16.f32 v39;
	v47 =	vunpack.i.l.bf16.f32 v39  }
0x44: {  	v50 =	vld [tilespmem:s23+$0x0];
	v2 =	vadd.f32 v47, v2;
	v0 =	vadd.f32 v46, v0;
	v49 =	vunpack.i.l.bf16.f32 v13  }
0x45: {  	s24 =	spop (v2sf);
	v13 =	vunpack.i.u.bf16.f32 v13;
	v3 =	vadd.f32 v49, v3;
	v51 =	vunpack.i.l.bf16.f32 v42  }
0x46: {  	v52 =	vld [tilespmem:s24+$0x0];
	s25 =	spop (v2sf);
	v6 =	vadd.f32 v13, v6;
	v9 =	vunpack.i.u.bf16.f32 v42;
	v1 =	vadd.f32 v51, v1  }
0x47: {  	v54 =	vld [tilespmem:s25+$0x0];
	s26 =	spop (v2sf);
	v8 =	vadd.f32 v9, v8;
	v53 =	vunpack.i.u.bf16.f32 v45;
	v7 =	vunpack.i.l.bf16.f32 v45  }
0x48: {  	v56 =	vld [tilespmem:s26+$0x0];
	v5 =	vadd.f32 v7, v5;
	v4 =	vadd.f32 v53, v4;
	v55 =	vunpack.i.l.bf16.f32 v48  }
0x49: {  	s28 =	spop (v2sf);
	v12 =	vunpack.i.u.bf16.f32 v48;
	v2 =	vadd.f32 v55, v2;
	v57 =	vunpack.i.l.bf16.f32 v50  }
0x4a: {  	v58 =	vld [tilespmem:s28+$0x0];
	s29 =	spop (v2sf);
	v0 =	vadd.f32 v12, v0;
	v11 =	vunpack.i.u.bf16.f32 v50;
	v3 =	vadd.f32 v57, v3  }
0x4b: {  	v60 =	vld [tilespmem:s29+$0x0];
	s30 =	spop (v2sf);
	v6 =	vadd.f32 v11, v6;
	v59 =	vunpack.i.u.bf16.f32 v52;
	v10 =	vunpack.i.l.bf16.f32 v52  }
0x4c: {  	v62 =	vld [tilespmem:s30+$0x0];
	v1 =	vadd.f32 v10, v1;
	v8 =	vadd.f32 v59, v8;
	v61 =	vunpack.i.l.bf16.f32 v54  }
0x4d: {  	v13 =	vunpack.i.u.bf16.f32 v54;
	v5 =	vadd.f32 v61, v5;
	v63 =	vunpack.i.l.bf16.f32 v56  }
0x4e: {  	v4 =	vadd.f32 v13, v4;
	v9 =	vunpack.i.u.bf16.f32 v56;
	v2 =	vadd.f32 v63, v2  }
0x4f: {  	v0 =	vadd.f32 v9, v0;
	v13 =	vunpack.i.u.bf16.f32 v58;
	v7 =	vunpack.i.l.bf16.f32 v58  }
0x50: {  	v3 =	vadd.f32 v7, v3;
	v6 =	vadd.f32 v13, v6  }
0x51: {  	v14 =	vunpack.i.u.bf16.f32 v60;
	v15 =	vunpack.i.l.bf16.f32 v60;
	v16 =	vunpack.i.l.bf16.f32 v62  }
0x52: {  	v1 =	vadd.f32 v15, v1;
	v17 =	vunpack.i.u.bf16.f32 v62;
	v5 =	vadd.f32 v16, v5  }
0x53: {  	v7 =	vadd.f32 v14, v8;
	v4 =	vadd.f32 v17, v4  }
0x54: {  	v2 =	vadd.f32 v3, v2;
	v1 =	vadd.f32 v5, v1  }
0x55: {  	v0 =	vadd.f32 v6, v0;
	v18 =	vadd.f32 v4, v7  }
0x56: {  	v1 =	vadd.f32 v1, v2  }
0x57: {  	v0 =	vadd.f32 v18, v0  }
0x58: {  	[tilespmem:s20+$0xFFFFFE00] =	vst v1  }
0x59: {  	[tilespmem:s20+$0xFFFFFE10] =	vst v0  }
0x5a: {  	v0 =	vld [tilespmem:s18+$0xFFFFFFB0];
	_ =	sdelay $0x4  }
0x5b: {  	v0 =	vshll.u32 v0, $0x4  }
0x5c: {  	v0 =	vadd.s32 $0x3E80, v0  }
0x5d: {  	(v2sf) =	vpush v0, $0x1  }
0x5e: {  	(v2sf) =	vpush v0, $0x0  }
0x5f: {  	(v2sf) =	vpush v0, $0x3  }
0x60: {  	(v2sf) =	vpush v0, $0x2  }
0x61: {  	(v2sf) =	vpush v0, $0x5  }
0x62: {  	(v2sf) =	vpush v0, $0x4  }
0x63: {  	(v2sf) =	vpush v0, $0x7  }
0x64: {  	(v2sf) =	vpush v0, $0x6  }
0x65: {  	(v2sf) =	vpush v0, $0x9  }
0x66: {  	v1 =	vld [tilespmem:s18+$0xFFFFFFB4];
	(v2sf) =	vpush v0, $0x8  }
0x67: {  	(v2sf) =	vpush v0, $0xB  }
0x68: {  	(v2sf) =	vpush v0, $0xA  }
0x69: {  	(v2sf) =	vpush v0, $0xD  }
0x6a: {  	(v2sf) =	vpush v0, $0xC  }
0x6b: {  	v19 =	vld [tilespmem:s19+$0xFFFFFFC4];
	v1 =	vshll.u32 v1, $0x4;
	(v2sf) =	vpush v0, $0xF  }
0x6c: {  	v20 =	vadd.s32 $0x3E80, v1;
	s3 =	spop (v2sf);
	(v2sf) =	vpush v0, $0xE  }
0x6d: {  	s11 =	spop (v2sf);
	(v2sf) =	vpush v20, $0xD  }
0x6e: {  	s6 =	spop (v2sf);
	(v2sf) =	vpush v20, $0xC  }
0x6f: {  	s4 =	spop (v2sf);
	(v2sf) =	vpush v20, $0xF  }
0x70: {  	v21 =	vshll.u32 v19, $0x4;
	s10 =	spop (v2sf);
	(v2sf) =	vpush v20, $0xE  }
0x71: {  	s8 =	spop (v2sf);
	(v2sf) =	vpush v21, $0x0  }
0x72: {  	s2 =	spop (v2sf);
	(v2sf) =	vpush v21, $0x1  }
0x73: {  	s13 =	spop (v2sf);
	(v2sf) =	vpush v21, $0x2  }
0x74: {  	s0 =	spop (v2sf);
	(v2sf) =	vpush v21, $0x3  }
0x75: {  	s5 =	spop (v2sf);
	(v2sf) =	vpush v21, $0x4  }
0x76: {  	s28 =	spop (v2sf)  }
0x77: {  	s1 =	spop (v2sf);
	(v2sf) =	vpush v21, $0x5  }
0x78: {  	s26 =	spop (v2sf);
	(v2sf) =	vpush v21, $0x6  }
0x79: {  	s29 =	spop (v2sf);
	(v2sf) =	vpush v21, $0x7  }
0x7a: {  	s24 =	spop (v2sf)  }
0x7b: {  	s7 =	spop (v2sf);
	(v2sf) =	vpush v21, $0x8  }
0x7c: {  	s22 =	spop (v2sf);
	(v2sf) =	vpush v21, $0x9  }
0x7d: {  	s25 =	spop (v2sf);
	(v2sf) =	vpush v21, $0xA  }
0x7e: {  	s21 =	spop (v2sf)  }
0x7f: {  	v22 =	vld [tilespmem:s19+$0xFFFFFFC8];
	s23 =	spop (v2sf);
	(v2sf) =	vpush v21, $0xB  }
0x80: {  	s12 =	spop (v2sf);
	(v2sf) =	vpush v21, $0xC  }
0x81: {  	v23 =	vld [tilespmem:s12+$0x0];
	s31 =	spop (v2sf);
	(v2sf) =	vpush v21, $0xD  }
0x82: {  	v24 =	vld [tilespmem:s31+$0x0];
	s14 =	spop (v2sf)  }
0x83: {  	(v2sf) =	vpush v21, $0xE;
	v25 =	vld [tilespmem:s14+$0x0];
	s15 =	spop (v2sf)  }
0x84: {  	v1 =	vshll.u32 v22, $0x4;
	(v2sf) =	vpush v21, $0xF;
	v26 =	vld [tilespmem:s15+$0x0];
	s16 =	spop (v2sf)  }
0x85: {  	(v2sf) =	vpush v1, $0xC;
	v27 =	vld [tilespmem:s16+$0x0]  }
0x86: {  	s30 =	spop (v2sf)  }
0x87: {  	v28 =	vunpack.i.u.bf16.f32 v23;
	(v2sf) =	vpush v1, $0xD;
	v29 =	vld [tilespmem:s30+$0x0];
	s31 =	spop (v2sf)  }
0x88: {  	v2 =	vunpack.i.l.bf16.f32 v23;
	v30 =	vunpack.i.u.bf16.f32 v24;
	v31 =	vld [tilespmem:s31+$0x0];
	s14 =	spop (v2sf);
	(v2sf) =	vpush v1, $0xE  }
0x89: {  	v3 =	vunpack.i.l.bf16.f32 v24;
	v32 =	vunpack.i.u.bf16.f32 v25;
	v33 =	vld [tilespmem:s14+$0x0];
	(v2sf) =	vpush v1, $0xF  }
0x8a: {  	v34 =	vunpack.i.l.bf16.f32 v25;
	v35 =	vunpack.i.u.bf16.f32 v26;
	v36 =	vunpack.i.l.bf16.f32 v27;
	s15 =	spop (v2sf)  }
0x8b: {  	v5 =	vunpack.i.l.bf16.f32 v26;
	v0 =	vunpack.i.u.bf16.f32 v27;
	v2 =	vadd.f32 v36, v2;
	v37 =	vld [tilespmem:s15+$0x0];
	s16 =	spop (v2sf)  }
0x8c: {  	v0 =	vadd.f32 v0, v28;
	v38 =	vunpack.i.u.bf16.f32 v29;
	v7 =	vunpack.i.l.bf16.f32 v29;
	v39 =	vld [tilespmem:s16+$0x0];
	s30 =	spop (v2sf)  }
0x8d: {  	v3 =	vadd.f32 v7, v3;
	v6 =	vadd.f32 v38, v30;
	v40 =	vunpack.i.l.bf16.f32 v31;
	v41 =	vld [tilespmem:s30+$0x0]  }
0x8e: {  	v9 =	vunpack.i.u.bf16.f32 v31;
	v1 =	vadd.f32 v40, v34;
	v42 =	vunpack.i.l.bf16.f32 v33;
	s31 =	spop (v2sf)  }
0x8f: {  	v9 =	vadd.f32 v9, v32;
	v43 =	vunpack.i.u.bf16.f32 v33;
	v5 =	vadd.f32 v42, v5;
	v44 =	vld [tilespmem:s31+$0x0];
	s14 =	spop (v2sf)  }
0x90: {  	v4 =	vadd.f32 v43, v35;
	v45 =	vunpack.i.u.bf16.f32 v37;
	v46 =	vunpack.i.l.bf16.f32 v37;
	v47 =	vld [tilespmem:s14+$0x0];
	s15 =	spop (v2sf)  }
0x91: {  	v2 =	vadd.f32 v46, v2;
	v0 =	vadd.f32 v45, v0;
	v48 =	vunpack.i.l.bf16.f32 v39;
	v49 =	vld [tilespmem:s15+$0x0]  }
0x92: {  	v13 =	vunpack.i.u.bf16.f32 v39;
	s16 =	spop (v2sf);
	v3 =	vadd.f32 v48, v3;
	v50 =	vunpack.i.l.bf16.f32 v41  }
0x93: {  	v6 =	vadd.f32 v13, v6;
	v8 =	vunpack.i.u.bf16.f32 v41;
	v51 =	vld [tilespmem:s16+$0x0];
	s30 =	spop (v2sf);
	v1 =	vadd.f32 v50, v1  }
0x94: {  	v8 =	vadd.f32 v8, v9;
	v53 =	vld [tilespmem:s30+$0x0];
	s31 =	spop (v2sf);
	v52 =	vunpack.i.u.bf16.f32 v44;
	v7 =	vunpack.i.l.bf16.f32 v44  }
0x95: {  	v55 =	vld [tilespmem:s31+$0x0];
	v5 =	vadd.f32 v7, v5;
	v4 =	vadd.f32 v52, v4;
	v54 =	vunpack.i.l.bf16.f32 v47  }
0x96: {  	v12 =	vunpack.i.u.bf16.f32 v47;
	s14 =	spop (v2sf);
	v2 =	vadd.f32 v54, v2;
	v56 =	vunpack.i.l.bf16.f32 v49  }
0x97: {  	v0 =	vadd.f32 v12, v0;
	v11 =	vunpack.i.u.bf16.f32 v49;
	v57 =	vld [tilespmem:s14+$0x0];
	v3 =	vadd.f32 v56, v3;
	s15 =	spop (v2sf)  }
0x98: {  	v6 =	vadd.f32 v11, v6;
	v58 =	vunpack.i.u.bf16.f32 v51;
	v10 =	vunpack.i.l.bf16.f32 v51;
	v59 =	vld [tilespmem:s15+$0x0];
	s16 =	spop (v2sf)  }
0x99: {  	v1 =	vadd.f32 v10, v1;
	v8 =	vadd.f32 v58, v8;
	v60 =	vunpack.i.l.bf16.f32 v53;
	v61 =	vld [tilespmem:s16+$0x0]  }
0x9a: {  	v13 =	vunpack.i.u.bf16.f32 v53;
	v5 =	vadd.f32 v60, v5;
	v62 =	vunpack.i.l.bf16.f32 v55  }
0x9b: {  	v4 =	vadd.f32 v13, v4;
	v9 =	vunpack.i.u.bf16.f32 v55;
	v2 =	vadd.f32 v62, v2  }
0x9c: {  	v0 =	vadd.f32 v9, v0;
	v63 =	vunpack.i.u.bf16.f32 v57;
	v7 =	vunpack.i.l.bf16.f32 v57  }
0x9d: {  	v3 =	vadd.f32 v7, v3;
	v6 =	vadd.f32 v63, v6  }
0x9e: {  	v13 =	vunpack.i.u.bf16.f32 v59;
	v14 =	vunpack.i.l.bf16.f32 v59;
	v15 =	vunpack.i.l.bf16.f32 v61  }
0x9f: {  	v1 =	vadd.f32 v14, v1;
	v16 =	vunpack.i.u.bf16.f32 v61;
	v5 =	vadd.f32 v15, v5  }
0xa0: {  	v7 =	vadd.f32 v13, v8;
	v4 =	vadd.f32 v16, v4  }
0xa1: {  	v2 =	vadd.f32 v3, v2;
	v1 =	vadd.f32 v5, v1  }
0xa2: {  	v0 =	vadd.f32 v6, v0;
	v17 =	vadd.f32 v4, v7  }
0xa3: {  	v1 =	vadd.f32 v1, v2  }
0xa4: {  	v0 =	vadd.f32 v17, v0  }
0xa5: {  	[tilespmem:s20+$0xFFFFFE80] =	vst v1  }
0xa6: {  	[tilespmem:s20+$0xFFFFFE90] =	vst v0  }
0xa7: {  	v0 =	vld [tilespmem:s18+$0xFFFFFFC4];
	_ =	sdelay $0x4  }
0xa8: {  	v0 =	vshll.u32 v0, $0x4  }
0xa9: {  	v0 =	vadd.s32 $0x3E80, v0  }
0xaa: {  	(v2sf) =	vpush v0, $0x1  }
0xab: {  	(v2sf) =	vpush v0, $0x0  }
0xac: {  	(v2sf) =	vpush v0, $0x3  }
0xad: {  	(v2sf) =	vpush v0, $0x2  }
0xae: {  	(v2sf) =	vpush v0, $0x5  }
0xaf: {  	(v2sf) =	vpush v0, $0x4  }
0xb0: {  	(v2sf) =	vpush v0, $0x7  }
0xb1: {  	(v2sf) =	vpush v0, $0x6  }
0xb2: {  	(v2sf) =	vpush v0, $0x9  }
0xb3: {  	v1 =	vld [tilespmem:s18+$0xFFFFFFC8];
	(v2sf) =	vpush v0, $0x8  }
0xb4: {  	v19 =	vld [tilespmem:s3+$0x0];
	(v2sf) =	vpush v0, $0xB  }
0xb5: {  	v18 =	vld [tilespmem:s11+$0x0];
	(v2sf) =	vpush v0, $0xA  }
0xb6: {  	v20 =	vld [tilespmem:s19+$0xFFFFFFD8];
	(v2sf) =	vpush v0, $0xD  }
0xb7: {  	v21 =	vld [tilespmem:s4+$0x0];
	(v2sf) =	vpush v0, $0xC  }
0xb8: {  	v23 =	vld [tilespmem:s8+$0x0];
	v1 =	vshll.u32 v1, $0x4;
	(v2sf) =	vpush v0, $0xF  }
0xb9: {  	v25 =	vld [tilespmem:s6+$0x0];
	v22 =	vadd.s32 $0x3E80, v1;
	s4 =	spop (v2sf);
	(v2sf) =	vpush v0, $0xE  }
0xba: {  	v27 =	vld [tilespmem:s10+$0x0];
	s3 =	spop (v2sf);
	(v2sf) =	vpush v22, $0xD  }
0xbb: {  	v36 =	vld [tilespmem:s5+$0x0];
	s12 =	spop (v2sf);
	(v2sf) =	vpush v22, $0xC  }
0xbc: {  	v31 =	vld [tilespmem:s13+$0x0];
	s8 =	spop (v2sf);
	(v2sf) =	vpush v22, $0xF  }
0xbd: {  	v24 =	vunpack.i.u.bf16.f32 v18;
	v28 =	vshll.u32 v20, $0x4;
	v34 =	vld [tilespmem:s2+$0x0];
	s11 =	spop (v2sf);
	(v2sf) =	vpush v22, $0xE  }
0xbe: {  	v26 =	vunpack.i.u.bf16.f32 v19;
	v29 =	vunpack.i.l.bf16.f32 v19;
	s16 =	spop (v2sf);
	(v2sf) =	vpush v28, $0x0  }
0xbf: {  	v30 =	vunpack.i.u.bf16.f32 v21;
	v32 =	vunpack.i.l.bf16.f32 v23;
	v40 =	vld [tilespmem:s1+$0x0];
	s15 =	spop (v2sf);
	(v2sf) =	vpush v28, $0x1  }
0xc0: {  	v38 =	vld [tilespmem:s0+$0x0];
	v33 =	vunpack.i.u.bf16.f32 v25;
	v35 =	vunpack.i.u.bf16.f32 v27;
	s6 =	spop (v2sf);
	(v2sf) =	vpush v28, $0x2  }
0xc1: {  	v42 =	vunpack.i.l.bf16.f32 v36;
	v37 =	vunpack.i.l.bf16.f32 v31;
	s13 =	spop (v2sf);
	(v2sf) =	vpush v28, $0x3  }
0xc2: {  	v39 =	vunpack.i.u.bf16.f32 v34;
	v5 =	vunpack.i.l.bf16.f32 v21;
	s5 =	spop (v2sf);
	(v2sf) =	vpush v28, $0x4  }
0xc3: {  	v43 =	vunpack.i.u.bf16.f32 v36;
	v41 =	vadd.f32 v39, v33;
	v5 =	vadd.f32 v37, v5;
	s2 =	spop (v2sf)  }
0xc4: {  	v47 =	vunpack.i.l.bf16.f32 v40;
	v8 =	vadd.f32 v35, v26;
	s14 =	spop (v2sf);
	(v2sf) =	vpush v28, $0x5  }
0xc5: {  	v45 =	vunpack.i.u.bf16.f32 v38;
	v50 =	vadd.f32 v47, v5;
	v5 =	vld [tilespmem:s7+$0x0];
	s0 =	spop (v2sf);
	(v2sf) =	vpush v28, $0x6  }
0xc6: {  	v46 =	vld [tilespmem:s29+$0x0];
	v6 =	vunpack.i.l.bf16.f32 v34;
	v4 =	vunpack.i.u.bf16.f32 v31;
	s10 =	spop (v2sf);
	(v2sf) =	vpush v28, $0x7  }
0xc7: {  	v44 =	vld [tilespmem:s28+$0x0];
	v15 =	vadd.f32 v45, v8;
	v7 =	vunpack.i.l.bf16.f32 v25;
	v3 =	vadd.f32 v4, v30;
	s30 =	spop (v2sf)  }
0xc8: {  	v49 =	vunpack.i.u.bf16.f32 v40;
	v6 =	vadd.f32 v6, v7;
	s1 =	spop (v2sf);
	(v2sf) =	vpush v28, $0x8  }
0xc9: {  	v48 =	vld [tilespmem:s26+$0x0];
	v2 =	vunpack.i.l.bf16.f32 v18;
	v1 =	vunpack.i.u.bf16.f32 v23;
	s28 =	spop (v2sf);
	(v2sf) =	vpush v28, $0x9  }
0xca: {  	v60 =	vunpack.i.l.bf16.f32 v5;
	v1 =	vadd.f32 v1, v24;
	s31 =	spop (v2sf);
	(v2sf) =	vpush v28, $0xA  }
0xcb: {  	v52 =	vunpack.i.l.bf16.f32 v46;
	v2 =	vadd.f32 v32, v2;
	v7 =	vadd.f32 v60, v50;
	s26 =	spop (v2sf)  }
0xcc: {  	v51 =	vunpack.i.u.bf16.f32 v44;
	v16 =	vld [tilespmem:s19+$0xFFFFFFDC];
	v11 =	vadd.f32 v43, v1;
	s29 =	spop (v2sf);
	(v2sf) =	vpush v28, $0xB  }
0xcd: {  	v9 =	vunpack.i.l.bf16.f32 v27;
	v1 =	vadd.f32 v49, v3;
	s7 =	spop (v2sf);
	(v2sf) =	vpush v28, $0xC  }
0xce: {  	v57 =	vunpack.i.u.bf16.f32 v48;
	v3 =	vadd.f32 v51, v41;
	v17 =	vld [tilespmem:s7+$0x0];
	s7 =	spop (v2sf);
	(v2sf) =	vpush v28, $0xD  }
0xcf: {  	v0 =	vadd.f32 v9, v29;
	v9 =	vadd.f32 v42, v2;
	v2 =	vunpack.i.l.bf16.f32 v44;
	v18 =	vld [tilespmem:s7+$0x0];
	s7 =	spop (v2sf)  }
0xd0: {  	v4 =	vunpack.i.l.bf16.f32 v38;
	v2 =	vadd.f32 v2, v6;
	(v2sf) =	vpush v28, $0xE;
	v54 =	vld [tilespmem:s7+$0x0];
	s7 =	spop (v2sf)  }
0xd1: {  	v55 =	vshll.u32 v16, $0x4;
	v6 =	vadd.f32 v57, v15;
	(v2sf) =	vpush v28, $0xF;
	v56 =	vld [tilespmem:s7+$0x0];
	s7 =	spop (v2sf)  }
0xd2: {  	v53 =	vunpack.i.u.bf16.f32 v46;
	v14 =	vadd.f32 v4, v0;
	(v2sf) =	vpush v55, $0xC;
	v59 =	vld [tilespmem:s7+$0x0]  }
0xd3: {  	v58 =	vunpack.i.l.bf16.f32 v48;
	v4 =	vadd.f32 v52, v9;
	v0 =	vadd.f32 v53, v11;
	s7 =	spop (v2sf)  }
0xd4: {  	v8 =	vadd.f32 v58, v14;
	v61 =	vunpack.i.u.bf16.f32 v17;
	(v2sf) =	vpush v55, $0xD;
	v62 =	vld [tilespmem:s7+$0x0];
	s7 =	spop (v2sf)  }
0xd5: {  	v63 =	vunpack.i.l.bf16.f32 v17;
	v24 =	vunpack.i.u.bf16.f32 v18;
	v25 =	vld [tilespmem:s7+$0x0];
	s7 =	spop (v2sf);
	(v2sf) =	vpush v55, $0xE  }
0xd6: {  	v18 =	vunpack.i.l.bf16.f32 v18;
	v19 =	vunpack.i.u.bf16.f32 v54;
	v20 =	vld [tilespmem:s7+$0x0];
	(v2sf) =	vpush v55, $0xF  }
0xd7: {  	v9 =	vunpack.i.l.bf16.f32 v54;
	v26 =	vunpack.i.u.bf16.f32 v56;
	v21 =	vunpack.i.l.bf16.f32 v59;
	s7 =	spop (v2sf)  }
0xd8: {  	v13 =	vunpack.i.l.bf16.f32 v56;
	v10 =	vunpack.i.u.bf16.f32 v59;
	v15 =	vadd.f32 v21, v63;
	v27 =	vld [tilespmem:s7+$0x0];
	s7 =	spop (v2sf)  }
0xd9: {  	v10 =	vadd.f32 v10, v61;
	v28 =	vunpack.i.u.bf16.f32 v62;
	v14 =	vunpack.i.l.bf16.f32 v62;
	v22 =	vld [tilespmem:s7+$0x0];
	s7 =	spop (v2sf)  }
0xda: {  	v14 =	vadd.f32 v14, v18;
	v12 =	vadd.f32 v28, v24;
	v29 =	vunpack.i.l.bf16.f32 v25;
	v30 =	vld [tilespmem:s7+$0x0]  }
0xdb: {  	v17 =	vunpack.i.u.bf16.f32 v25;
	v9 =	vadd.f32 v29, v9;
	v31 =	vunpack.i.l.bf16.f32 v20;
	s7 =	spop (v2sf)  }
0xdc: {  	v17 =	vadd.f32 v17, v19;
	v32 =	vunpack.i.u.bf16.f32 v20;
	v13 =	vadd.f32 v31, v13;
	v33 =	vld [tilespmem:s7+$0x0];
	s7 =	spop (v2sf)  }
0xdd: {  	v11 =	vadd.f32 v32, v26;
	v34 =	vunpack.i.u.bf16.f32 v27;
	v35 =	vunpack.i.l.bf16.f32 v27;
	v36 =	vld [tilespmem:s7+$0x0];
	s7 =	spop (v2sf)  }
0xde: {  	v15 =	vadd.f32 v35, v15;
	v10 =	vadd.f32 v34, v10;
	v37 =	vunpack.i.l.bf16.f32 v22;
	v38 =	vld [tilespmem:s7+$0x0]  }
0xdf: {  	v22 =	vunpack.i.u.bf16.f32 v22;
	s7 =	spop (v2sf);
	v14 =	vadd.f32 v37, v14;
	v39 =	vunpack.i.l.bf16.f32 v30  }
0xe0: {  	v12 =	vadd.f32 v22, v12;
	v18 =	vunpack.i.u.bf16.f32 v30;
	v40 =	vld [tilespmem:s7+$0x0];
	s7 =	spop (v2sf);
	v9 =	vadd.f32 v39, v9  }
0xe1: {  	v17 =	vadd.f32 v18, v17;
	v42 =	vld [tilespmem:s7+$0x0];
	s7 =	spop (v2sf);
	v41 =	vunpack.i.u.bf16.f32 v33;
	v16 =	vunpack.i.l.bf16.f32 v33  }
0xe2: {  	v44 =	vld [tilespmem:s7+$0x0];
	v13 =	vadd.f32 v16, v13;
	v11 =	vadd.f32 v41, v11;
	v43 =	vunpack.i.l.bf16.f32 v36  }
0xe3: {  	v21 =	vunpack.i.u.bf16.f32 v36;
	s7 =	spop (v2sf);
	v15 =	vadd.f32 v43, v15;
	v45 =	vunpack.i.l.bf16.f32 v38  }
0xe4: {  	v10 =	vadd.f32 v21, v10;
	v20 =	vunpack.i.u.bf16.f32 v38;
	v46 =	vld [tilespmem:s7+$0x0];
	v14 =	vadd.f32 v45, v14;
	s7 =	spop (v2sf)  }
0xe5: {  	v12 =	vadd.f32 v20, v12;
	v47 =	vunpack.i.u.bf16.f32 v40;
	v19 =	vunpack.i.l.bf16.f32 v40;
	v48 =	vld [tilespmem:s7+$0x0];
	s7 =	spop (v2sf)  }
0xe6: {  	v9 =	vadd.f32 v19, v9;
	v17 =	vadd.f32 v47, v17;
	v49 =	vunpack.i.l.bf16.f32 v42;
	v50 =	vld [tilespmem:s7+$0x0]  }
0xe7: {  	v22 =	vunpack.i.u.bf16.f32 v42;
	v13 =	vadd.f32 v49, v13;
	v51 =	vunpack.i.l.bf16.f32 v44  }
0xe8: {  	v11 =	vadd.f32 v22, v11;
	v18 =	vunpack.i.u.bf16.f32 v44;
	v15 =	vadd.f32 v51, v15  }
0xe9: {  	v10 =	vadd.f32 v18, v10;
	v52 =	vunpack.i.u.bf16.f32 v46;
	v16 =	vunpack.i.l.bf16.f32 v46  }
0xea: {  	v60 =	vld [tilespmem:s23+$0x0];
	v14 =	vadd.f32 v16, v14;
	v12 =	vadd.f32 v52, v12  }
0xeb: {  	v57 =	vld [tilespmem:s25+$0x0];
	v54 =	vunpack.i.u.bf16.f32 v48;
	v55 =	vunpack.i.l.bf16.f32 v48;
	v56 =	vunpack.i.l.bf16.f32 v50  }
0xec: {  	v53 =	vld [tilespmem:s24+$0x0];
	v9 =	vadd.f32 v55, v9;
	v58 =	vunpack.i.u.bf16.f32 v50;
	v13 =	vadd.f32 v56, v13  }
0xed: {  	v59 =	vld [tilespmem:s22+$0x0];
	v17 =	vadd.f32 v54, v17;
	v11 =	vadd.f32 v58, v11  }
0xee: {  	v61 =	vld [tilespmem:s21+$0x0];
	v14 =	vadd.f32 v14, v15;
	v9 =	vadd.f32 v13, v9  }
0xef: {  	v29 =	vld [tilespmem:s4+$0x0];
	v10 =	vadd.f32 v12, v10;
	v11 =	vadd.f32 v11, v17  }
0xf0: {  	v31 =	vld [tilespmem:s8+$0x0];
	v62 =	vadd.f32 v9, v14  }
0xf1: {  	v5 =	vunpack.i.u.bf16.f32 v5;
	v27 =	vld [tilespmem:s3+$0x0];
	v10 =	vadd.f32 v11, v10  }
0xf2: {  	v23 =	vunpack.i.l.bf16.f32 v60;
	v1 =	vadd.f32 v5, v1;
	v63 =	vunpack.i.u.bf16.f32 v53;
	v34 =	vld [tilespmem:s16+$0x0];
	[tilespmem:s20+$0xFFFFFF00] =	vst v62  }
0xf3: {  	v7 =	vadd.f32 v23, v7;
	v3 =	vadd.f32 v63, v3;
	v28 =	vunpack.i.u.bf16.f32 v60;
	v39 =	vld [tilespmem:s11+$0x0];
	[tilespmem:s20+$0xFFFFFF10] =	vst v10  }
0xf4: {  	v26 =	vunpack.i.u.bf16.f32 v59;
	v32 =	vadd.f32 v28, v1;
	v30 =	vunpack.i.u.bf16.f32 v61;
	v25 =	vld [tilespmem:s18+$0xFFFFFFD8]  }
0xf5: {  	v24 =	vunpack.i.l.bf16.f32 v61;
	v6 =	vadd.f32 v26, v6;
	v61 =	vld [tilespmem:s0+$0x0];
	v3 =	vadd.f32 v30, v3  }
0xf6: {  	v33 =	vld [tilespmem:s12+$0x0];
	v36 =	vunpack.i.u.bf16.f32 v27;
	v37 =	vunpack.i.l.bf16.f32 v27;
	v21 =	vunpack.i.u.bf16.f32 v57  }
0xf7: {  	v38 =	vunpack.i.u.bf16.f32 v29;
	v43 =	vunpack.i.l.bf16.f32 v34;
	v5 =	vadd.f32 v21, v0;
	v21 =	vld [tilespmem:s30+$0x0]  }
0xf8: {  	v40 =	vunpack.i.u.bf16.f32 v31;
	v19 =	vunpack.i.l.bf16.f32 v57;
	v42 =	vld [tilespmem:s6+$0x0];
	v45 =	vunpack.i.l.bf16.f32 v39  }
0xf9: {  	v4 =	vadd.f32 v19, v4;
	v22 =	vunpack.i.l.bf16.f32 v59;
	v44 =	vld [tilespmem:s15+$0x0];
	v35 =	vshll.u32 v25, $0x4  }
0xfa: {  	v1 =	vadd.f32 v6, v5;
	v8 =	vadd.f32 v22, v8;
	v5 =	vadd.s32 $0x3E80, v35  }
0xfb: {  	v41 =	vunpack.i.u.bf16.f32 v33;
	v6 =	vadd.f32 v43, v37;
	(v2sf) =	vpush v5, $0x1  }
0xfc: {  	v22 =	vunpack.i.u.bf16.f32 v61;
	v46 =	vld [tilespmem:s5+$0x0];
	v4 =	vadd.f32 v8, v4;
	(v2sf) =	vpush v5, $0x0  }
0xfd: {  	v52 =	vld [tilespmem:s14+$0x0];
	v26 =	vunpack.i.u.bf16.f32 v21;
	v47 =	vunpack.i.l.bf16.f32 v42;
	(v2sf) =	vpush v5, $0x3  }
0xfe: {  	v12 =	vunpack.i.l.bf16.f32 v33;
	v49 =	vunpack.i.l.bf16.f32 v44;
	(v2sf) =	vpush v5, $0x2  }
0xff: {  	v15 =	vunpack.i.u.bf16.f32 v44;
	v12 =	vadd.f32 v49, v12;
	(v2sf) =	vpush v5, $0x5  }
0x100: {  	v54 =	vld [tilespmem:s2+$0x0];
	v17 =	vunpack.i.l.bf16.f32 v53;
	v13 =	vadd.f32 v15, v41;
	(v2sf) =	vpush v5, $0x4  }
0x101: {  	v58 =	vld [tilespmem:s10+$0x0];
	v51 =	vunpack.i.l.bf16.f32 v46;
	v2 =	vadd.f32 v17, v2;
	(v2sf) =	vpush v5, $0x7  }
0x102: {  	v48 =	vld [tilespmem:s13+$0x0];
	v6 =	vadd.f32 v51, v6;
	v15 =	vunpack.i.u.bf16.f32 v52;
	(v2sf) =	vpush v5, $0x6  }
0x103: {  	v9 =	vunpack.i.u.bf16.f32 v39;
	v2 =	vadd.f32 v24, v2;
	(v2sf) =	vpush v5, $0x9  }
0x104: {  	v14 =	vunpack.i.u.bf16.f32 v42;
	v8 =	vadd.f32 v9, v38;
	v50 =	vld [tilespmem:s18+$0xFFFFFFDC];
	(v2sf) =	vpush v5, $0x8  }
0x105: {  	v11 =	vadd.f32 v14, v40;
	v14 =	vunpack.i.u.bf16.f32 v54;
	(v2sf) =	vpush v5, $0xB  }
0x106: {  	v20 =	vunpack.i.l.bf16.f32 v58;
	v13 =	vadd.f32 v14, v13;
	(v2sf) =	vpush v5, $0xA  }
0x107: {  	v53 =	vunpack.i.u.bf16.f32 v48;
	v6 =	vadd.f32 v20, v6;
	(v2sf) =	vpush v5, $0xD  }
0x108: {  	v23 =	vld [tilespmem:s31+$0x0];
	v60 =	vunpack.i.l.bf16.f32 v54;
	v2 =	vadd.f32 v2, v7;
	(v2sf) =	vpush v5, $0xC  }
0x109: {  	v55 =	vld [tilespmem:s19+$0xFFFFFFEC];
	v8 =	vadd.f32 v53, v8;
	v16 =	vshll.u32 v50, $0x4;
	(v2sf) =	vpush v5, $0xF  }
0x10a: {  	v27 =	vld [tilespmem:s29+$0x0];
	v59 =	vadd.f32 v15, v11;
	v56 =	vadd.s32 $0x3E80, v16;
	s14 =	spop (v2sf);
	(v2sf) =	vpush v5, $0xE  }
0x10b: {  	v7 =	vunpack.i.l.bf16.f32 v31;
	v11 =	vadd.f32 v60, v12;
	s24 =	spop (v2sf);
	(v2sf) =	vpush v56, $0xD  }
0x10c: {  	v10 =	vunpack.i.l.bf16.f32 v29;
	v7 =	vadd.f32 v47, v7;
	s15 =	spop (v2sf);
	(v2sf) =	vpush v56, $0xC  }
0x10d: {  	v29 =	vunpack.i.l.bf16.f32 v23;
	v28 =	vadd.f32 v26, v13;
	s22 =	spop (v2sf);
	(v2sf) =	vpush v56, $0xF  }
0x10e: {  	v62 =	vshll.u32 v55, $0x4;
	v6 =	vadd.f32 v29, v6;
	s11 =	spop (v2sf);
	(v2sf) =	vpush v56, $0xE  }
0x10f: {  	v63 =	vld [tilespmem:s1+$0x0];
	v33 =	vunpack.i.l.bf16.f32 v27;
	v0 =	vadd.f32 v2, v4;
	s23 =	spop (v2sf);
	(v2sf) =	vpush v62, $0x0  }
0x110: {  	v57 =	vunpack.i.l.bf16.f32 v52;
	v2 =	vadd.f32 v3, v32;
	s13 =	spop (v2sf);
	(v2sf) =	vpush v62, $0x1  }
0x111: {  	v4 =	vunpack.i.u.bf16.f32 v34;
	v8 =	vadd.f32 v22, v8;
	s21 =	spop (v2sf);
	(v2sf) =	vpush v62, $0x2  }
0x112: {  	v9 =	vunpack.i.l.bf16.f32 v48;
	v3 =	vadd.f32 v4, v36;
	s10 =	spop (v2sf);
	(v2sf) =	vpush v62, $0x3  }
0x113: {  	v4 =	vadd.f32 v45, v10;
	v10 =	vunpack.i.u.bf16.f32 v46;
	s16 =	spop (v2sf);
	(v2sf) =	vpush v62, $0x4  }
0x114: {  	v24 =	vunpack.i.l.bf16.f32 v63;
	v7 =	vadd.f32 v57, v7;
	v3 =	vadd.f32 v10, v3;
	s6 =	spop (v2sf)  }
0x115: {  	v15 =	vunpack.i.l.bf16.f32 v61;
	v31 =	vld [tilespmem:s26+$0x0];
	v4 =	vadd.f32 v9, v4;
	s12 =	spop (v2sf);
	(v2sf) =	vpush v62, $0x5  }
0x116: {  	v12 =	vunpack.i.u.bf16.f32 v63;
	v7 =	vadd.f32 v24, v7;
	s4 =	spop (v2sf);
	(v2sf) =	vpush v62, $0x6  }
0x117: {  	v10 =	vunpack.i.u.bf16.f32 v58;
	v9 =	vadd.f32 v12, v59;
	s8 =	spop (v2sf);
	(v2sf) =	vpush v62, $0x7  }
0x118: {  	v34 =	vunpack.i.u.bf16.f32 v27;
	v25 =	vld [tilespmem:s28+$0x0];
	v3 =	vadd.f32 v10, v3;
	v4 =	vadd.f32 v15, v4;
	s2 =	spop (v2sf)  }
0x119: {  	v10 =	vunpack.i.l.bf16.f32 v21;
	v7 =	vadd.f32 v33, v7;
	v9 =	vadd.f32 v34, v9;
	s7 =	spop (v2sf)  }
0x11a: {  	v13 =	vunpack.i.u.bf16.f32 v31;
	v10 =	vadd.f32 v10, v11;
	(v2sf) =	vpush v62, $0x8;
	s1 =	spop (v2sf)  }
0x11b: {  	v30 =	vunpack.i.u.bf16.f32 v23;
	v11 =	vadd.f32 v13, v28;
	(v2sf) =	vpush v62, $0x9;
	s5 =	spop (v2sf)  }
0x11c: {  	v36 =	vunpack.i.l.bf16.f32 v31;
	v3 =	vadd.f32 v30, v3;
	(v2sf) =	vpush v62, $0xA;
	s0 =	spop (v2sf)  }
0x11d: {  	v35 =	vld [tilespmem:s19+$0xFFFFFFF0];
	v12 =	vunpack.i.l.bf16.f32 v25;
	v10 =	vadd.f32 v36, v10;
	v41 =	vadd.f32 v11, v9;
	s3 =	spop (v2sf)  }
0x11e: {  	v32 =	vunpack.i.u.bf16.f32 v25;
	v4 =	vadd.f32 v12, v4;
	v28 =	vld [tilespmem:s24+$0x0];
	(v2sf) =	vpush v62, $0xB;
	s26 =	spop (v2sf)  }
0x11f: {  	v8 =	vadd.f32 v32, v8;
	(v2sf) =	vpush v62, $0xC;
	v37 =	vld [tilespmem:s26+$0x0];
	s28 =	spop (v2sf)  }
0x120: {  	v7 =	vadd.f32 v10, v7;
	(v2sf) =	vpush v62, $0xD;
	v38 =	vld [tilespmem:s28+$0x0];
	s29 =	spop (v2sf)  }
0x121: {  	v4 =	vadd.f32 v4, v6;
	v8 =	vadd.f32 v8, v3;
	v39 =	vld [tilespmem:s29+$0x0];
	s30 =	spop (v2sf)  }
0x122: {  	v3 =	vadd.f32 v2, v1;
	(v2sf) =	vpush v62, $0xE;
	v40 =	vld [tilespmem:s30+$0x0];
	s31 =	spop (v2sf)  }
0x123: {  	v12 =	vshll.u32 v35, $0x4;
	v2 =	vadd.f32 v7, v4;
	(v2sf) =	vpush v62, $0xF;
	v42 =	vld [tilespmem:s31+$0x0]  }
0x124: {  	v1 =	vadd.f32 v41, v8;
	v36 =	vld [tilespmem:s14+$0x0];
	(v2sf) =	vpush v12, $0xC;
	s26 =	spop (v2sf);
	v43 =	vunpack.i.u.bf16.f32 v37  }
0x125: {  	(v2sf) =	vpush v12, $0xD;
	v45 =	vunpack.i.l.bf16.f32 v37;
	v44 =	vld [tilespmem:s26+$0x0];
	s28 =	spop (v2sf);
	v46 =	vunpack.i.u.bf16.f32 v38  }
0x126: {  	v6 =	vunpack.i.l.bf16.f32 v38;
	v38 =	vunpack.i.u.bf16.f32 v28;
	v47 =	vld [tilespmem:s28+$0x0];
	s29 =	spop (v2sf);
	(v2sf) =	vpush v12, $0xE  }
0x127: {  	v48 =	vunpack.i.u.bf16.f32 v39;
	v10 =	vunpack.i.l.bf16.f32 v39;
	v39 =	vld [tilespmem:s22+$0x0];
	(v2sf) =	vpush v12, $0xF  }
0x128: {  	v49 =	vld [tilespmem:s29+$0x0];
	v50 =	vunpack.i.u.bf16.f32 v40;
	v51 =	vunpack.i.l.bf16.f32 v42;
	v9 =	vunpack.i.u.bf16.f32 v42  }
0x129: {  	v13 =	vunpack.i.l.bf16.f32 v40;
	s30 =	spop (v2sf);
	v7 =	vadd.f32 v51, v45;
	v4 =	vadd.f32 v9, v43  }
0x12a: {  	v52 =	vld [tilespmem:s30+$0x0];
	s31 =	spop (v2sf);
	v45 =	vunpack.i.u.bf16.f32 v36;
	v53 =	vunpack.i.u.bf16.f32 v44;
	v5 =	vunpack.i.l.bf16.f32 v44  }
0x12b: {  	v54 =	vld [tilespmem:s31+$0x0];
	s26 =	spop (v2sf);
	v44 =	vunpack.i.l.bf16.f32 v28;
	v5 =	vadd.f32 v5, v6;
	v55 =	vadd.f32 v53, v46  }
0x12c: {  	v56 =	vunpack.i.l.bf16.f32 v47;
	v57 =	vld [tilespmem:s26+$0x0];
	v11 =	vunpack.i.u.bf16.f32 v47;
	v51 =	vunpack.i.u.bf16.f32 v39  }
0x12d: {  	v8 =	vadd.f32 v56, v10;
	v58 =	vunpack.i.l.bf16.f32 v49;
	s28 =	spop (v2sf);
	v11 =	vadd.f32 v11, v48  }
0x12e: {  	v59 =	vunpack.i.u.bf16.f32 v49;
	v48 =	vunpack.i.l.bf16.f32 v36;
	v10 =	vadd.f32 v58, v13;
	v60 =	vld [tilespmem:s28+$0x0];
	s29 =	spop (v2sf)  }
0x12f: {  	v12 =	vadd.f32 v59, v50;
	v61 =	vunpack.i.u.bf16.f32 v52;
	v62 =	vunpack.i.l.bf16.f32 v52;
	v63 =	vld [tilespmem:s29+$0x0];
	s30 =	spop (v2sf)  }
0x130: {  	v7 =	vadd.f32 v62, v7;
	v4 =	vadd.f32 v61, v4;
	v20 =	vunpack.i.l.bf16.f32 v54;
	v21 =	vld [tilespmem:s30+$0x0]  }
0x131: {  	v17 =	vunpack.i.u.bf16.f32 v54;
	s31 =	spop (v2sf);
	v5 =	vadd.f32 v20, v5;
	v22 =	vunpack.i.l.bf16.f32 v57  }
0x132: {  	v6 =	vadd.f32 v17, v55;
	v9 =	vunpack.i.u.bf16.f32 v57;
	v23 =	vld [tilespmem:s31+$0x0];
	s26 =	spop (v2sf);
	v8 =	vadd.f32 v22, v8  }
0x133: {  	v9 =	vadd.f32 v9, v11;
	v25 =	vld [tilespmem:s26+$0x0];
	s28 =	spop (v2sf);
	v24 =	vunpack.i.u.bf16.f32 v60;
	v13 =	vunpack.i.l.bf16.f32 v60  }
0x134: {  	v27 =	vld [tilespmem:s28+$0x0];
	v10 =	vadd.f32 v13, v10;
	v11 =	vadd.f32 v24, v12;
	v26 =	vunpack.i.l.bf16.f32 v63  }
0x135: {  	v40 =	vld [tilespmem:s15+$0x0];
	v16 =	vunpack.i.u.bf16.f32 v63;
	s29 =	spop (v2sf);
	v7 =	vadd.f32 v26, v7;
	v29 =	vunpack.i.l.bf16.f32 v21  }
0x136: {  	v4 =	vadd.f32 v16, v4;
	v15 =	vunpack.i.u.bf16.f32 v21;
	v30 =	vld [tilespmem:s29+$0x0];
	v5 =	vadd.f32 v29, v5;
	s30 =	spop (v2sf)  }
0x137: {  	v6 =	vadd.f32 v15, v6;
	v31 =	vunpack.i.u.bf16.f32 v23;
	v14 =	vunpack.i.l.bf16.f32 v23;
	v32 =	vld [tilespmem:s30+$0x0];
	s31 =	spop (v2sf)  }
0x138: {  	v8 =	vadd.f32 v14, v8;
	v9 =	vadd.f32 v31, v9;
	v33 =	vunpack.i.l.bf16.f32 v25;
	v34 =	vld [tilespmem:s31+$0x0]  }
0x139: {  	v17 =	vunpack.i.u.bf16.f32 v25;
	v10 =	vadd.f32 v33, v10;
	v35 =	vunpack.i.l.bf16.f32 v27  }
0x13a: {  	v11 =	vadd.f32 v17, v11;
	v13 =	vunpack.i.u.bf16.f32 v27;
	v7 =	vadd.f32 v35, v7  }
0x13b: {  	v43 =	vld [tilespmem:s23+$0x0];
	v4 =	vadd.f32 v13, v4;
	v37 =	vunpack.i.u.bf16.f32 v30;
	v12 =	vunpack.i.l.bf16.f32 v30  }
0x13c: {  	v46 =	vld [tilespmem:s11+$0x0];
	v56 =	vunpack.i.l.bf16.f32 v40;
	v5 =	vadd.f32 v12, v5;
	v6 =	vadd.f32 v37, v6  }
0x13d: {  	v53 =	vld [tilespmem:s13+$0x0];
	v41 =	vunpack.i.u.bf16.f32 v32;
	v16 =	vunpack.i.l.bf16.f32 v32;
	v42 =	vunpack.i.l.bf16.f32 v34  }
0x13e: {  	v49 =	vld [tilespmem:s21+$0x0];
	v8 =	vadd.f32 v16, v8;
	v15 =	vunpack.i.u.bf16.f32 v34;
	v10 =	vadd.f32 v42, v10  }
0x13f: {  	v58 =	vld [tilespmem:s16+$0x0];
	v52 =	vunpack.i.l.bf16.f32 v39;
	v9 =	vadd.f32 v41, v9;
	v11 =	vadd.f32 v15, v11  }
0x140: {  	v54 =	vunpack.i.u.bf16.f32 v40;
	v61 =	vld [tilespmem:s10+$0x0];
	v5 =	vadd.f32 v5, v7;
	v47 =	vadd.f32 v10, v8  }
0x141: {  	v57 =	vunpack.i.u.bf16.f32 v43;
	v26 =	vld [tilespmem:s6+$0x0];
	v4 =	vadd.f32 v6, v4;
	v50 =	vadd.f32 v11, v9  }
0x142: {  	v55 =	vunpack.i.l.bf16.f32 v43;
	v59 =	vadd.f32 v57, v38;
	v5 =	vadd.f32 v47, v5  }
0x143: {  	v19 =	vunpack.i.l.bf16.f32 v49;
	v22 =	vld [tilespmem:s12+$0x0];
	v60 =	vunpack.i.u.bf16.f32 v46;
	v4 =	vadd.f32 v50, v4  }
0x144: {  	v63 =	vadd.f32 v60, v45;
	v24 =	vunpack.i.u.bf16.f32 v58;
	v21 =	vunpack.i.l.bf16.f32 v53;
	v31 =	vld [tilespmem:s8+$0x0];
	[tilespmem:s20+$0xFFFFFF80] =	vst v5  }
0x145: {  	v28 =	vunpack.i.u.bf16.f32 v61;
	v23 =	vunpack.i.u.bf16.f32 v53;
	v25 =	vunpack.i.l.bf16.f32 v58;
	v37 =	vld [tilespmem:s2+$0x0];
	[tilespmem:s20+$0xFFFFFF90] =	vst v4  }
0x146: {  	v27 =	vunpack.i.l.bf16.f32 v61;
	v33 =	vunpack.i.l.bf16.f32 v26;
	v16 =	vadd.f32 v55, v44;
	v20 =	vld [tilespmem:s18+$0xFFFFFFEC]  }
0x147: {  	v6 =	vadd.f32 v21, v56;
	v7 =	vadd.f32 v23, v54;
	v15 =	vunpack.i.l.bf16.f32 v46  }
0x148: {  	v14 =	vunpack.i.u.bf16.f32 v26;
	v62 =	vadd.f32 v15, v48;
	v12 =	vadd.f32 v25, v16  }
0x149: {  	v38 =	vld [tilespmem:s5+$0x0];
	v30 =	vunpack.i.l.bf16.f32 v22;
	v6 =	vadd.f32 v33, v6;
	v7 =	vadd.f32 v14, v7  }
0x14a: {  	v32 =	vld [tilespmem:s4+$0x0];
	v16 =	vunpack.i.l.bf16.f32 v31;
	v10 =	vunpack.i.u.bf16.f32 v49;
	v11 =	vadd.f32 v19, v52  }
0x14b: {  	v8 =	vadd.f32 v28, v63;
	v42 =	vunpack.i.l.bf16.f32 v37;
	v29 =	vshll.u32 v20, $0x4  }
0x14c: {  	v45 =	vld [tilespmem:s0+$0x0];
	v9 =	vadd.f32 v10, v51;
	v12 =	vadd.f32 v16, v12;
	v10 =	vadd.s32 $0x3E80, v29  }
0x14d: {  	v41 =	vunpack.i.u.bf16.f32 v37;
	v6 =	vadd.f32 v42, v6;
	(v2sf) =	vpush v10, $0x1  }
0x14e: {  	v44 =	vunpack.i.l.bf16.f32 v38;
	v7 =	vadd.f32 v41, v7;
	(v2sf) =	vpush v10, $0x0  }
0x14f: {  	v43 =	vld [tilespmem:s3+$0x0];
	v13 =	vunpack.i.u.bf16.f32 v32;
	v11 =	vadd.f32 v30, v11;
	(v2sf) =	vpush v10, $0x3  }
0x150: {  	v34 =	vld [tilespmem:s7+$0x0];
	v15 =	vunpack.i.u.bf16.f32 v22;
	v8 =	vadd.f32 v13, v8;
	(v2sf) =	vpush v10, $0x2  }
0x151: {  	v40 =	vld [tilespmem:s1+$0x0];
	v51 =	vunpack.i.u.bf16.f32 v45;
	v9 =	vadd.f32 v15, v9;
	(v2sf) =	vpush v10, $0x5  }
0x152: {  	v50 =	vunpack.i.l.bf16.f32 v45;
	v12 =	vadd.f32 v44, v12;
	(v2sf) =	vpush v10, $0x4  }
0x153: {  	v35 =	vunpack.i.u.bf16.f32 v31;
	v6 =	vadd.f32 v50, v6;
	v7 =	vadd.f32 v51, v7  }
0x154: {  	v49 =	vunpack.i.u.bf16.f32 v43;
	v5 =	vadd.f32 v24, v59;
	(v2sf) =	vpush v10, $0x7  }
0x155: {  	v39 =	vunpack.i.l.bf16.f32 v34;
	v4 =	vadd.f32 v27, v62;
	(v2sf) =	vpush v10, $0x6  }
0x156: {  	v13 =	vunpack.i.u.bf16.f32 v40;
	v11 =	vadd.f32 v39, v11;
	(v2sf) =	vpush v10, $0x9  }
0x157: {  	v15 =	vunpack.i.u.bf16.f32 v34;
	v8 =	vadd.f32 v13, v8;
	(v2sf) =	vpush v10, $0x8  }
0x158: {  	v36 =	vunpack.i.l.bf16.f32 v32;
	v9 =	vadd.f32 v15, v9;
	(v2sf) =	vpush v10, $0xB  }
0x159: {  	v47 =	vunpack.i.l.bf16.f32 v43;
	v48 =	vld [tilespmem:s18+$0xFFFFFFF0];
	v5 =	vadd.f32 v35, v5;
	v4 =	vadd.f32 v36, v4  }
0x15a: {  	v14 =	vunpack.i.u.bf16.f32 v38;
	v11 =	vadd.f32 v47, v11;
	v9 =	vadd.f32 v49, v9  }
0x15b: {  	v46 =	vunpack.i.l.bf16.f32 v40;
	v5 =	vadd.f32 v14, v5;
	(v2sf) =	vpush v10, $0xA  }
0x15c: {  	v39 =	vld [tilespmem:s19+$0x0];
	v4 =	vadd.f32 v46, v4;
	(v2sf) =	vpush v10, $0xD;
	s7 =	spop (v2sf)  }
0x15d: {  	v6 =	vadd.f32 v6, v11;
	(v2sf) =	vpush v10, $0xC;
	s8 =	spop (v2sf);
	v53 =	vld [tilespmem:s7+$0x0]  }
0x15e: {  	v7 =	vadd.f32 v7, v9;
	v55 =	vshll.u32 v48, $0x4;
	(v2sf) =	vpush v10, $0xF;
	v52 =	vld [tilespmem:s8+$0x0];
	s10 =	spop (v2sf)  }
0x15f: {  	v4 =	vadd.f32 v4, v12;
	v9 =	vadd.s32 $0x3E80, v55;
	(v2sf) =	vpush v10, $0xE;
	s11 =	spop (v2sf);
	v56 =	vld [tilespmem:s10+$0x0]  }
0x160: {  	v5 =	vadd.f32 v8, v5;
	(v2sf) =	vpush v9, $0xD;
	v54 =	vld [tilespmem:s11+$0x0];
	s12 =	spop (v2sf)  }
0x161: {  	v4 =	vadd.f32 v6, v4;
	(v2sf) =	vpush v9, $0xC;
	s13 =	spop (v2sf);
	v58 =	vld [tilespmem:s12+$0x0]  }
0x162: {  	v14 =	vshll.u32 v39, $0x4;
	v5 =	vadd.f32 v7, v5;
	(v2sf) =	vpush v9, $0xF;
	v57 =	vld [tilespmem:s13+$0x0]  }
0x163: {  	s14 =	spop (v2sf);
	v60 =	vunpack.i.u.bf16.f32 v53;
	v12 =	vunpack.i.l.bf16.f32 v53;
	(v2sf) =	vpush v9, $0xE  }
0x164: {  	v59 =	vunpack.i.u.bf16.f32 v52;
	v13 =	vunpack.i.l.bf16.f32 v52;
	s15 =	spop (v2sf);
	v24 =	vld [tilespmem:s14+$0x0];
	(v2sf) =	vpush v14, $0x0  }
0x165: {  	v62 =	vld [tilespmem:s15+$0x0];
	s16 =	spop (v2sf);
	v63 =	vunpack.i.u.bf16.f32 v56;
	v11 =	vunpack.i.l.bf16.f32 v56;
	(v2sf) =	vpush v14, $0x1  }
0x166: {  	v61 =	vunpack.i.u.bf16.f32 v54;
	s21 =	spop (v2sf);
	(v2sf) =	vpush v14, $0x2;
	v28 =	vunpack.i.l.bf16.f32 v58  }
0x167: {  	v30 =	vld [tilespmem:s16+$0x0];
	s22 =	spop (v2sf);
	v7 =	vunpack.i.u.bf16.f32 v58;
	(v2sf) =	vpush v14, $0x3;
	v25 =	vunpack.i.l.bf16.f32 v57  }
0x168: {  	v26 =	vld [tilespmem:s21+$0x0];
	v6 =	vunpack.i.u.bf16.f32 v57;
	v29 =	vadd.f32 v28, v12;
	v7 =	vadd.f32 v7, v60  }
0x169: {  	v8 =	vunpack.i.l.bf16.f32 v54;
	v27 =	vadd.f32 v25, v13;
	v6 =	vadd.f32 v6, v59  }
0x16a: {  	s23 =	spop (v2sf);
	v35 =	vld [tilespmem:s22+$0x0];
	v34 =	vunpack.i.l.bf16.f32 v24;
	v18 =	vunpack.i.u.bf16.f32 v24;
	v31 =	vunpack.i.u.bf16.f32 v62  }
0x16b: {  	v33 =	vld [tilespmem:s23+$0x0];
	v32 =	vunpack.i.l.bf16.f32 v62;
	v11 =	vadd.f32 v34, v11;
	v17 =	vadd.f32 v18, v63  }
0x16c: {  	s24 =	spop (v2sf);
	v8 =	vadd.f32 v32, v8;
	v13 =	vadd.f32 v31, v61  }
0x16d: {  	s25 =	spop (v2sf);
	v43 =	vld [tilespmem:s24+$0x0];
	v40 =	vunpack.i.u.bf16.f32 v30;
	v12 =	vunpack.i.l.bf16.f32 v30;
	v36 =	vunpack.i.l.bf16.f32 v26  }
0x16e: {  	v37 =	vld [tilespmem:s25+$0x0];
	v38 =	vunpack.i.u.bf16.f32 v26;
	v10 =	vadd.f32 v12, v29;
	v7 =	vadd.f32 v40, v7  }
0x16f: {  	v9 =	vadd.f32 v36, v27;
	v6 =	vadd.f32 v38, v6;
	s26 =	spop (v2sf)  }
0x170: {  	v42 =	vunpack.i.l.bf16.f32 v35;
	v15 =	vunpack.i.u.bf16.f32 v35;
	v41 =	vunpack.i.l.bf16.f32 v33;
	s28 =	spop (v2sf);
	v48 =	vld [tilespmem:s26+$0x0]  }
0x171: {  	v16 =	vunpack.i.u.bf16.f32 v33;
	v11 =	vadd.f32 v42, v11;
	v44 =	vadd.f32 v15, v17;
	v46 =	vld [tilespmem:s28+$0x0]  }
0x172: {  	v8 =	vadd.f32 v41, v8;
	v13 =	vadd.f32 v16, v13;
	s29 =	spop (v2sf)  }
0x173: {  	v50 =	vunpack.i.u.bf16.f32 v43;
	v18 =	vunpack.i.l.bf16.f32 v43;
	v45 =	vunpack.i.l.bf16.f32 v37;
	s30 =	spop (v2sf);
	v51 =	vld [tilespmem:s29+$0x0]  }
0x174: {  	v47 =	vunpack.i.u.bf16.f32 v37;
	v10 =	vadd.f32 v18, v10;
	v7 =	vadd.f32 v50, v7;
	v49 =	vld [tilespmem:s30+$0x0]  }
0x175: {  	v9 =	vadd.f32 v45, v9;
	v6 =	vadd.f32 v47, v6;
	s31 =	spop (v2sf)  }
0x176: {  	s2 =	spop (v2sf);
	v55 =	vld [tilespmem:s31+$0x0];
	v54 =	vunpack.i.l.bf16.f32 v48;
	v15 =	vunpack.i.u.bf16.f32 v48;
	v52 =	vunpack.i.u.bf16.f32 v46  }
0x177: {  	v53 =	vld [tilespmem:s2+$0x0];
	v16 =	vunpack.i.l.bf16.f32 v46;
	v11 =	vadd.f32 v54, v11;
	v12 =	vadd.f32 v15, v44  }
0x178: {  	v8 =	vadd.f32 v16, v8;
	v13 =	vadd.f32 v52, v13  }
0x179: {  	v58 =	vunpack.i.u.bf16.f32 v51;
	v59 =	vunpack.i.l.bf16.f32 v51;
	v56 =	vunpack.i.l.bf16.f32 v49  }
0x17a: {  	v57 =	vunpack.i.u.bf16.f32 v49;
	v10 =	vadd.f32 v59, v10;
	v7 =	vadd.f32 v58, v7  }
0x17b: {  	v9 =	vadd.f32 v56, v9;
	v6 =	vadd.f32 v57, v6  }
0x17c: {  	v62 =	vunpack.i.l.bf16.f32 v55;
	v16 =	vunpack.i.u.bf16.f32 v55;
	v61 =	vunpack.i.l.bf16.f32 v53  }
0x17d: {  	[tilespmem:s20+$0xFFFFFE20] =	vst v0;
	v60 =	vunpack.i.u.bf16.f32 v53;
	v11 =	vadd.f32 v62, v11;
	v63 =	vadd.f32 v61, v8  }
0x17e: {  	[tilespmem:s20+$0xFFFFFE30] =	vst v3;
	v17 =	vadd.f32 v60, v13;
	v8 =	vadd.f32 v16, v12  }
0x17f: {  	[tilespmem:s20+$0xFFFFFEA0] =	vst v2;
	v18 =	vadd.f32 v10, v9;
	v0 =	vadd.f32 v11, v63  }
0x180: {  	[tilespmem:s20+$0xFFFFFEB0] =	vst v1;
	v19 =	vadd.f32 v7, v6;
	v3 =	vadd.f32 v8, v17  }
0x181: {  	[tilespmem:s20+$0xFFFFFF20] =	vst v4;
	v0 =	vadd.f32 v0, v18  }
0x182: {  	v20 =	vld [tilespmem:s19+$0x4];
	[tilespmem:s20+$0xFFFFFF30] =	vst v5;
	s3 =	spop (v2sf);
	v1 =	vadd.f32 v3, v19  }
0x183: {  	v21 =	vld [tilespmem:s3+$0x0];
	s4 =	spop (v2sf);
	[tilespmem:s20+$0xFFFFFFA0] =	vst v0  }
0x184: {  	v22 =	vld [tilespmem:s4+$0x0];
	s5 =	spop (v2sf);
	[tilespmem:s20+$0xFFFFFFB0] =	vst v1  }
0x185: {  	v23 =	vld [tilespmem:s5+$0x0];
	s0 =	spop (v2sf)  }
0x186: {  	(v2sf) =	vpush v14, $0x4;
	_ =	sdelay $0x1  }
0x187: {  	(v2sf) =	vpush v14, $0x5  }
0x188: {  	(v2sf) =	vpush v14, $0x6  }
0x189: {  	(v2sf) =	vpush v14, $0x7;
	_ =	sdelay $0x1  }
0x18a: {  	(v2sf) =	vpush v14, $0x8  }
0x18b: {  	(v2sf) =	vpush v14, $0x9  }
0x18c: {  	(v2sf) =	vpush v14, $0xA;
	_ =	sdelay $0x1  }
0x18d: {  	(v2sf) =	vpush v14, $0xB  }
0x18e: {  	(v2sf) =	vpush v14, $0xC  }
0x18f: {  	(v2sf) =	vpush v14, $0xD;
	_ =	sdelay $0x1  }
0x190: {  	(v2sf) =	vpush v14, $0xE  }
0x191: {  	v2 =	vshll.u32 v20, $0x4;
	v24 =	vld [tilespmem:s0+$0x0];
	(v2sf) =	vpush v14, $0xF;
	s6 =	spop (v2sf)  }
0x192: {  	(v2sf) =	vpush v2, $0xC;
	v25 =	vld [tilespmem:s6+$0x0]  }
0x193: {  	s7 =	spop (v2sf)  }
0x194: {  	v26 =	vunpack.i.u.bf16.f32 v21;
	(v2sf) =	vpush v2, $0xD;
	v27 =	vld [tilespmem:s7+$0x0];
	s8 =	spop (v2sf)  }
0x195: {  	v28 =	vunpack.i.u.bf16.f32 v22;
	v30 =	vunpack.i.u.bf16.f32 v23;
	(v2sf) =	vpush v2, $0xE;
	v29 =	vld [tilespmem:s8+$0x0];
	s10 =	spop (v2sf)  }
0x196: {  	v3 =	vunpack.i.l.bf16.f32 v21;
	v0 =	vunpack.i.l.bf16.f32 v22;
	(v2sf) =	vpush v2, $0xF;
	v31 =	vld [tilespmem:s10+$0x0]  }
0x197: {  	v1 =	vunpack.i.l.bf16.f32 v23;
	v32 =	vunpack.i.u.bf16.f32 v24;
	s11 =	spop (v2sf);
	v33 =	vunpack.i.l.bf16.f32 v25  }
0x198: {  	v4 =	vunpack.i.l.bf16.f32 v24;
	v34 =	vld [tilespmem:s11+$0x0];
	s12 =	spop (v2sf);
	v5 =	vunpack.i.u.bf16.f32 v25;
	v3 =	vadd.f32 v33, v3  }
0x199: {  	v36 =	vld [tilespmem:s12+$0x0];
	s13 =	spop (v2sf);
	v5 =	vadd.f32 v5, v26;
	v35 =	vunpack.i.u.bf16.f32 v27;
	v7 =	vunpack.i.l.bf16.f32 v27  }
0x19a: {  	v38 =	vld [tilespmem:s13+$0x0];
	v0 =	vadd.f32 v7, v0;
	v6 =	vadd.f32 v35, v28;
	v37 =	vunpack.i.l.bf16.f32 v29  }
0x19b: {  	s14 =	spop (v2sf);
	v9 =	vunpack.i.u.bf16.f32 v29;
	v1 =	vadd.f32 v37, v1;
	v39 =	vunpack.i.l.bf16.f32 v31  }
0x19c: {  	v41 =	vld [tilespmem:s14+$0x0];
	s15 =	spop (v2sf);
	v9 =	vadd.f32 v9, v30;
	v40 =	vunpack.i.u.bf16.f32 v31;
	v4 =	vadd.f32 v39, v4  }
0x19d: {  	v44 =	vld [tilespmem:s15+$0x0];
	s16 =	spop (v2sf);
	v2 =	vadd.f32 v40, v32;
	v42 =	vunpack.i.u.bf16.f32 v34;
	v43 =	vunpack.i.l.bf16.f32 v34  }
0x19e: {  	v46 =	vld [tilespmem:s16+$0x0];
	v3 =	vadd.f32 v43, v3;
	v5 =	vadd.f32 v42, v5;
	v45 =	vunpack.i.l.bf16.f32 v36  }
0x19f: {  	s21 =	spop (v2sf);
	v13 =	vunpack.i.u.bf16.f32 v36;
	v0 =	vadd.f32 v45, v0;
	v47 =	vunpack.i.l.bf16.f32 v38  }
0x1a0: {  	v48 =	vld [tilespmem:s21+$0x0];
	s22 =	spop (v2sf);
	v6 =	vadd.f32 v13, v6;
	v8 =	vunpack.i.u.bf16.f32 v38;
	v1 =	vadd.f32 v47, v1  }
0x1a1: {  	v50 =	vld [tilespmem:s22+$0x0];
	s23 =	spop (v2sf);
	v8 =	vadd.f32 v8, v9;
	v49 =	vunpack.i.u.bf16.f32 v41;
	v7 =	vunpack.i.l.bf16.f32 v41  }
0x1a2: {  	v52 =	vld [tilespmem:s23+$0x0];
	v4 =	vadd.f32 v7, v4;
	v2 =	vadd.f32 v49, v2;
	v51 =	vunpack.i.l.bf16.f32 v44  }
0x1a3: {  	v12 =	vunpack.i.u.bf16.f32 v44;
	v3 =	vadd.f32 v51, v3;
	v53 =	vunpack.i.l.bf16.f32 v46;
	s24 =	spop (v2sf)  }
0x1a4: {  	v5 =	vadd.f32 v12, v5;
	v11 =	vunpack.i.u.bf16.f32 v46;
	v0 =	vadd.f32 v53, v0;
	v54 =	vld [tilespmem:s24+$0x0];
	s25 =	spop (v2sf)  }
0x1a5: {  	v6 =	vadd.f32 v11, v6;
	v55 =	vunpack.i.u.bf16.f32 v48;
	v10 =	vunpack.i.l.bf16.f32 v48;
	v56 =	vld [tilespmem:s25+$0x0];
	s26 =	spop (v2sf)  }
0x1a6: {  	v1 =	vadd.f32 v10, v1;
	v8 =	vadd.f32 v55, v8;
	v57 =	vunpack.i.l.bf16.f32 v50;
	v58 =	vld [tilespmem:s26+$0x0]  }
0x1a7: {  	v13 =	vunpack.i.u.bf16.f32 v50;
	v4 =	vadd.f32 v57, v4;
	v59 =	vunpack.i.l.bf16.f32 v52  }
0x1a8: {  	v2 =	vadd.f32 v13, v2;
	v9 =	vunpack.i.u.bf16.f32 v52;
	v3 =	vadd.f32 v59, v3  }
0x1a9: {  	v5 =	vadd.f32 v9, v5;
	v60 =	vunpack.i.u.bf16.f32 v54;
	v7 =	vunpack.i.l.bf16.f32 v54  }
0x1aa: {  	v0 =	vadd.f32 v7, v0;
	v6 =	vadd.f32 v60, v6  }
0x1ab: {  	v61 =	vunpack.i.u.bf16.f32 v56;
	v62 =	vunpack.i.l.bf16.f32 v56;
	v63 =	vunpack.i.l.bf16.f32 v58  }
0x1ac: {  	v1 =	vadd.f32 v62, v1;
	v12 =	vunpack.i.u.bf16.f32 v58;
	v4 =	vadd.f32 v63, v4  }
0x1ad: {  	v7 =	vadd.f32 v61, v8;
	v2 =	vadd.f32 v12, v2  }
0x1ae: {  	v0 =	vadd.f32 v0, v3;
	v1 =	vadd.f32 v4, v1  }
0x1af: {  	v13 =	vadd.f32 v6, v5;
	v2 =	vadd.f32 v2, v7  }
0x1b0: {  	v0 =	vadd.f32 v1, v0  }
0x1b1: {  	v14 =	vadd.f32 v2, v13  }
0x1b2: {  	[tilespmem:s20+$0x0] =	vst v0  }
0x1b3: {  	[tilespmem:s20+$0x10] =	vst v14  }
0x1b4: {  	v0 =	vld [tilespmem:s18+$0x0];
	_ =	sdelay $0x4  }
0x1b5: {  	v0 =	vshll.u32 v0, $0x4  }
0x1b6: {  	v0 =	vadd.s32 $0x3E80, v0  }
0x1b7: {  	(v2sf) =	vpush v0, $0x1  }
0x1b8: {  	(v2sf) =	vpush v0, $0x0  }
0x1b9: {  	(v2sf) =	vpush v0, $0x3  }
0x1ba: {  	(v2sf) =	vpush v0, $0x2  }
0x1bb: {  	(v2sf) =	vpush v0, $0x5  }
0x1bc: {  	(v2sf) =	vpush v0, $0x4  }
0x1bd: {  	(v2sf) =	vpush v0, $0x7  }
0x1be: {  	(v2sf) =	vpush v0, $0x6  }
0x1bf: {  	(v2sf) =	vpush v0, $0x9  }
0x1c0: {  	v1 =	vld [tilespmem:s18+$0x4];
	(v2sf) =	vpush v0, $0x8  }
0x1c1: {  	(v2sf) =	vpush v0, $0xB  }
0x1c2: {  	(v2sf) =	vpush v0, $0xA  }
0x1c3: {  	(v2sf) =	vpush v0, $0xD  }
0x1c4: {  	(v2sf) =	vpush v0, $0xC  }
0x1c5: {  	v15 =	vld [tilespmem:s19+$0x14];
	v1 =	vshll.u32 v1, $0x4;
	(v2sf) =	vpush v0, $0xF  }
0x1c6: {  	v16 =	vadd.s32 $0x3E80, v1;
	s5 =	spop (v2sf);
	(v2sf) =	vpush v0, $0xE  }
0x1c7: {  	s14 =	spop (v2sf);
	(v2sf) =	vpush v16, $0xD  }
0x1c8: {  	s10 =	spop (v2sf);
	(v2sf) =	vpush v16, $0xC  }
0x1c9: {  	s12 =	spop (v2sf);
	(v2sf) =	vpush v16, $0xF  }
0x1ca: {  	v17 =	vshll.u32 v15, $0x4;
	s8 =	spop (v2sf);
	(v2sf) =	vpush v16, $0xE  }
0x1cb: {  	s13 =	spop (v2sf);
	(v2sf) =	vpush v17, $0x0  }
0x1cc: {  	s4 =	spop (v2sf);
	(v2sf) =	vpush v17, $0x1  }
0x1cd: {  	s6 =	spop (v2sf);
	(v2sf) =	vpush v17, $0x2  }
0x1ce: {  	s1 =	spop (v2sf);
	(v2sf) =	vpush v17, $0x3  }
0x1cf: {  	s7 =	spop (v2sf);
	(v2sf) =	vpush v17, $0x4  }
0x1d0: {  	s2 =	spop (v2sf)  }
0x1d1: {  	s11 =	spop (v2sf);
	(v2sf) =	vpush v17, $0x5  }
0x1d2: {  	s0 =	spop (v2sf);
	(v2sf) =	vpush v17, $0x6  }
0x1d3: {  	s26 =	spop (v2sf);
	(v2sf) =	vpush v17, $0x7  }
0x1d4: {  	s24 =	spop (v2sf)  }
0x1d5: {  	s3 =	spop (v2sf);
	(v2sf) =	vpush v17, $0x8  }
0x1d6: {  	s22 =	spop (v2sf);
	(v2sf) =	vpush v17, $0x9  }
0x1d7: {  	s25 =	spop (v2sf);
	(v2sf) =	vpush v17, $0xA  }
0x1d8: {  	s21 =	spop (v2sf)  }
0x1d9: {  	v18 =	vld [tilespmem:s19+$0x18];
	s23 =	spop (v2sf);
	(v2sf) =	vpush v17, $0xB  }
0x1da: {  	s28 =	spop (v2sf);
	(v2sf) =	vpush v17, $0xC  }
0x1db: {  	v19 =	vld [tilespmem:s28+$0x0];
	s29 =	spop (v2sf);
	(v2sf) =	vpush v17, $0xD  }
0x1dc: {  	v20 =	vld [tilespmem:s29+$0x0];
	s30 =	spop (v2sf)  }
0x1dd: {  	(v2sf) =	vpush v17, $0xE;
	v21 =	vld [tilespmem:s30+$0x0];
	s31 =	spop (v2sf)  }
0x1de: {  	v1 =	vshll.u32 v18, $0x4;
	(v2sf) =	vpush v17, $0xF;
	v22 =	vld [tilespmem:s31+$0x0];
	s16 =	spop (v2sf)  }
0x1df: {  	(v2sf) =	vpush v1, $0xC;
	v23 =	vld [tilespmem:s16+$0x0]  }
0x1e0: {  	s28 =	spop (v2sf)  }
0x1e1: {  	v24 =	vunpack.i.u.bf16.f32 v19;
	(v2sf) =	vpush v1, $0xD;
	v25 =	vld [tilespmem:s28+$0x0];
	s29 =	spop (v2sf)  }
0x1e2: {  	v2 =	vunpack.i.l.bf16.f32 v19;
	v26 =	vunpack.i.u.bf16.f32 v20;
	v27 =	vld [tilespmem:s29+$0x0];
	s30 =	spop (v2sf);
	(v2sf) =	vpush v1, $0xE  }
0x1e3: {  	v3 =	vunpack.i.l.bf16.f32 v20;
	v28 =	vunpack.i.u.bf16.f32 v21;
	v29 =	vld [tilespmem:s30+$0x0];
	(v2sf) =	vpush v1, $0xF  }
0x1e4: {  	v30 =	vunpack.i.l.bf16.f32 v21;
	v31 =	vunpack.i.u.bf16.f32 v22;
	v32 =	vunpack.i.l.bf16.f32 v23;
	s31 =	spop (v2sf)  }
0x1e5: {  	v5 =	vunpack.i.l.bf16.f32 v22;
	v0 =	vunpack.i.u.bf16.f32 v23;
	v2 =	vadd.f32 v32, v2;
	v33 =	vld [tilespmem:s31+$0x0];
	s16 =	spop (v2sf)  }
0x1e6: {  	v0 =	vadd.f32 v0, v24;
	v34 =	vunpack.i.u.bf16.f32 v25;
	v7 =	vunpack.i.l.bf16.f32 v25;
	v35 =	vld [tilespmem:s16+$0x0];
	s28 =	spop (v2sf)  }
0x1e7: {  	v3 =	vadd.f32 v7, v3;
	v6 =	vadd.f32 v34, v26;
	v36 =	vunpack.i.l.bf16.f32 v27;
	v37 =	vld [tilespmem:s28+$0x0]  }
0x1e8: {  	v9 =	vunpack.i.u.bf16.f32 v27;
	v1 =	vadd.f32 v36, v30;
	v38 =	vunpack.i.l.bf16.f32 v29;
	s29 =	spop (v2sf)  }
0x1e9: {  	v9 =	vadd.f32 v9, v28;
	v39 =	vunpack.i.u.bf16.f32 v29;
	v5 =	vadd.f32 v38, v5;
	v40 =	vld [tilespmem:s29+$0x0];
	s30 =	spop (v2sf)  }
0x1ea: {  	v4 =	vadd.f32 v39, v31;
	v41 =	vunpack.i.u.bf16.f32 v33;
	v42 =	vunpack.i.l.bf16.f32 v33;
	v43 =	vld [tilespmem:s30+$0x0];
	s31 =	spop (v2sf)  }
0x1eb: {  	v2 =	vadd.f32 v42, v2;
	v0 =	vadd.f32 v41, v0;
	v44 =	vunpack.i.l.bf16.f32 v35;
	v45 =	vld [tilespmem:s31+$0x0]  }
0x1ec: {  	v13 =	vunpack.i.u.bf16.f32 v35;
	s16 =	spop (v2sf);
	v3 =	vadd.f32 v44, v3;
	v46 =	vunpack.i.l.bf16.f32 v37  }
0x1ed: {  	v6 =	vadd.f32 v13, v6;
	v8 =	vunpack.i.u.bf16.f32 v37;
	v47 =	vld [tilespmem:s16+$0x0];
	s28 =	spop (v2sf);
	v1 =	vadd.f32 v46, v1  }
0x1ee: {  	v8 =	vadd.f32 v8, v9;
	v49 =	vld [tilespmem:s28+$0x0];
	s29 =	spop (v2sf);
	v48 =	vunpack.i.u.bf16.f32 v40;
	v7 =	vunpack.i.l.bf16.f32 v40  }
0x1ef: {  	v51 =	vld [tilespmem:s29+$0x0];
	v5 =	vadd.f32 v7, v5;
	v4 =	vadd.f32 v48, v4;
	v50 =	vunpack.i.l.bf16.f32 v43  }
0x1f0: {  	v12 =	vunpack.i.u.bf16.f32 v43;
	s30 =	spop (v2sf);
	v2 =	vadd.f32 v50, v2;
	v52 =	vunpack.i.l.bf16.f32 v45  }
0x1f1: {  	v0 =	vadd.f32 v12, v0;
	v11 =	vunpack.i.u.bf16.f32 v45;
	v53 =	vld [tilespmem:s30+$0x0];
	v3 =	vadd.f32 v52, v3;
	s31 =	spop (v2sf)  }
0x1f2: {  	v6 =	vadd.f32 v11, v6;
	v54 =	vunpack.i.u.bf16.f32 v47;
	v10 =	vunpack.i.l.bf16.f32 v47;
	v55 =	vld [tilespmem:s31+$0x0];
	s16 =	spop (v2sf)  }
0x1f3: {  	v1 =	vadd.f32 v10, v1;
	v8 =	vadd.f32 v54, v8;
	v56 =	vunpack.i.l.bf16.f32 v49;
	v57 =	vld [tilespmem:s16+$0x0]  }
0x1f4: {  	v13 =	vunpack.i.u.bf16.f32 v49;
	v5 =	vadd.f32 v56, v5;
	v58 =	vunpack.i.l.bf16.f32 v51  }
0x1f5: {  	v4 =	vadd.f32 v13, v4;
	v9 =	vunpack.i.u.bf16.f32 v51;
	v2 =	vadd.f32 v58, v2  }
0x1f6: {  	v0 =	vadd.f32 v9, v0;
	v59 =	vunpack.i.u.bf16.f32 v53;
	v7 =	vunpack.i.l.bf16.f32 v53  }
0x1f7: {  	v3 =	vadd.f32 v7, v3;
	v6 =	vadd.f32 v59, v6  }
0x1f8: {  	v60 =	vunpack.i.u.bf16.f32 v55;
	v61 =	vunpack.i.l.bf16.f32 v55;
	v62 =	vunpack.i.l.bf16.f32 v57  }
0x1f9: {  	v1 =	vadd.f32 v61, v1;
	v63 =	vunpack.i.u.bf16.f32 v57;
	v5 =	vadd.f32 v62, v5  }
0x1fa: {  	v7 =	vadd.f32 v60, v8;
	v4 =	vadd.f32 v63, v4  }
0x1fb: {  	v2 =	vadd.f32 v3, v2;
	v1 =	vadd.f32 v5, v1  }
0x1fc: {  	v0 =	vadd.f32 v6, v0;
	v11 =	vadd.f32 v4, v7  }
0x1fd: {  	v1 =	vadd.f32 v1, v2  }
0x1fe: {  	v0 =	vadd.f32 v11, v0  }
0x1ff: {  	[tilespmem:s20+$0x80] =	vst v1  }
0x200: {  	[tilespmem:s20+$0x90] =	vst v0  }
0x201: {  	v0 =	vld [tilespmem:s18+$0x14];
	_ =	sdelay $0x4  }
0x202: {  	v0 =	vshll.u32 v0, $0x4  }
0x203: {  	v0 =	vadd.s32 $0x3E80, v0  }
0x204: {  	(v2sf) =	vpush v0, $0x1  }
0x205: {  	(v2sf) =	vpush v0, $0x0  }
0x206: {  	(v2sf) =	vpush v0, $0x3  }
0x207: {  	(v2sf) =	vpush v0, $0x2  }
0x208: {  	(v2sf) =	vpush v0, $0x5  }
0x209: {  	(v2sf) =	vpush v0, $0x4  }
0x20a: {  	v18 =	vld [tilespmem:s19+$0x28];
	(v2sf) =	vpush v0, $0x7  }
0x20b: {  	v14 =	vld [tilespmem:s5+$0x0];
	(v2sf) =	vpush v0, $0x6  }
0x20c: {  	v15 =	vld [tilespmem:s12+$0x0];
	(v2sf) =	vpush v0, $0x9  }
0x20d: {  	v13 =	vld [tilespmem:s18+$0x18];
	(v2sf) =	vpush v0, $0x8  }
0x20e: {  	v16 =	vld [tilespmem:s10+$0x0];
	(v2sf) =	vpush v0, $0xB  }
0x20f: {  	v17 =	vld [tilespmem:s13+$0x0];
	(v2sf) =	vpush v0, $0xA  }
0x210: {  	v22 =	vld [tilespmem:s8+$0x0];
	(v2sf) =	vpush v0, $0xD  }
0x211: {  	v25 =	vld [tilespmem:s6+$0x0];
	(v2sf) =	vpush v0, $0xC  }
0x212: {  	v29 =	vld [tilespmem:s4+$0x0];
	v2 =	vshll.u32 v13, $0x4;
	(v2sf) =	vpush v0, $0xF  }
0x213: {  	v30 =	vld [tilespmem:s7+$0x0];
	v20 =	vadd.s32 $0x3E80, v2;
	s5 =	spop (v2sf);
	(v2sf) =	vpush v0, $0xE  }
0x214: {  	v21 =	vunpack.i.u.bf16.f32 v14;
	v33 =	vld [tilespmem:s1+$0x0];
	s31 =	spop (v2sf);
	(v2sf) =	vpush v20, $0xD  }
0x215: {  	v23 =	vunpack.i.u.bf16.f32 v15;
	v24 =	vunpack.i.u.bf16.f32 v16;
	v35 =	vld [tilespmem:s11+$0x0];
	s12 =	spop (v2sf);
	(v2sf) =	vpush v20, $0xC  }
0x216: {  	v26 =	vunpack.i.l.bf16.f32 v17;
	v27 =	vunpack.i.u.bf16.f32 v17;
	s15 =	spop (v2sf);
	(v2sf) =	vpush v20, $0xF  }
0x217: {  	v28 =	vunpack.i.l.bf16.f32 v22;
	v7 =	vshll.u32 v18, $0x4;
	s6 =	spop (v2sf);
	(v2sf) =	vpush v20, $0xE  }
0x218: {  	v31 =	vunpack.i.l.bf16.f32 v25;
	v34 =	vunpack.i.u.bf16.f32 v29;
	s16 =	spop (v2sf);
	(v2sf) =	vpush v7, $0x0  }
0x219: {  	v37 =	vunpack.i.l.bf16.f32 v30;
	v36 =	vadd.f32 v34, v24;
	s4 =	spop (v2sf);
	(v2sf) =	vpush v7, $0x1  }
0x21a: {  	v39 =	vunpack.i.u.bf16.f32 v33;
	v12 =	vld [tilespmem:s14+$0x0];
	v42 =	vunpack.i.l.bf16.f32 v35;
	s8 =	spop (v2sf);
	(v2sf) =	vpush v7, $0x2  }
0x21b: {  	v43 =	vunpack.i.u.bf16.f32 v35;
	v3 =	vunpack.i.l.bf16.f32 v14;
	s14 =	spop (v2sf);
	(v2sf) =	vpush v7, $0x3  }
0x21c: {  	v10 =	vunpack.i.l.bf16.f32 v33;
	v3 =	vadd.f32 v28, v3;
	s7 =	spop (v2sf);
	(v2sf) =	vpush v7, $0x4  }
0x21d: {  	v38 =	vld [tilespmem:s2+$0x0];
	v8 =	vunpack.i.l.bf16.f32 v29;
	v4 =	vunpack.i.l.bf16.f32 v15;
	s10 =	spop (v2sf);
	(v2sf) =	vpush v7, $0x5  }
0x21e: {  	v5 =	vunpack.i.l.bf16.f32 v16;
	v10 =	vadd.f32 v10, v3;
	s11 =	spop (v2sf);
	(v2sf) =	vpush v7, $0x6  }
0x21f: {  	v4 =	vadd.f32 v31, v4;
	v5 =	vadd.f32 v8, v5;
	v1 =	vunpack.i.l.bf16.f32 v12;
	s1 =	spop (v2sf)  }
0x220: {  	v40 =	vld [tilespmem:s26+$0x0];
	v19 =	vunpack.i.u.bf16.f32 v12;
	v1 =	vadd.f32 v26, v1;
	(v2sf) =	vpush v7, $0x7;
	s13 =	spop (v2sf)  }
0x221: {  	v44 =	vadd.f32 v42, v4;
	v12 =	vunpack.i.u.bf16.f32 v25;
	(v2sf) =	vpush v7, $0x8;
	s29 =	spop (v2sf)  }
0x222: {  	v45 =	vld [tilespmem:s0+$0x0];
	v11 =	vadd.f32 v37, v1;
	v1 =	vunpack.i.l.bf16.f32 v38;
	s2 =	spop (v2sf);
	(v2sf) =	vpush v7, $0x9  }
0x223: {  	v46 =	vld [tilespmem:s3+$0x0];
	v47 =	vunpack.i.u.bf16.f32 v38;
	v32 =	vadd.f32 v12, v23;
	v3 =	vadd.f32 v1, v5;
	s28 =	spop (v2sf)  }
0x224: {  	v9 =	vunpack.i.u.bf16.f32 v22;
	v1 =	vadd.f32 v47, v36;
	s0 =	spop (v2sf);
	(v2sf) =	vpush v7, $0xA  }
0x225: {  	v49 =	vunpack.i.l.bf16.f32 v40;
	v2 =	vadd.f32 v9, v21;
	s26 =	spop (v2sf);
	(v2sf) =	vpush v7, $0xB  }
0x226: {  	v48 =	vld [tilespmem:s19+$0x2C];
	v50 =	vunpack.i.u.bf16.f32 v40;
	v9 =	vadd.f32 v43, v32;
	s30 =	spop (v2sf);
	(v2sf) =	vpush v7, $0xC  }
0x227: {  	v52 =	vunpack.i.l.bf16.f32 v45;
	v41 =	vadd.f32 v39, v2;
	v2 =	vadd.f32 v49, v11;
	s3 =	spop (v2sf)  }
0x228: {  	v15 =	vunpack.i.u.bf16.f32 v46;
	v0 =	vadd.f32 v27, v19;
	v51 =	vld [tilespmem:s3+$0x0];
	s3 =	spop (v2sf);
	(v2sf) =	vpush v7, $0xD  }
0x229: {  	v6 =	vunpack.i.u.bf16.f32 v30;
	v5 =	vadd.f32 v15, v9;
	v53 =	vld [tilespmem:s3+$0x0];
	s3 =	spop (v2sf);
	(v2sf) =	vpush v7, $0xE  }
0x22a: {  	v4 =	vunpack.i.u.bf16.f32 v45;
	v0 =	vadd.f32 v6, v0;
	v54 =	vld [tilespmem:s3+$0x0];
	s3 =	spop (v2sf);
	(v2sf) =	vpush v7, $0xF  }
0x22b: {  	v56 =	vshll.u32 v48, $0x4;
	v4 =	vadd.f32 v4, v41;
	v6 =	vadd.f32 v52, v10;
	v57 =	vld [tilespmem:s3+$0x0];
	s3 =	spop (v2sf)  }
0x22c: {  	v55 =	vunpack.i.l.bf16.f32 v46;
	v0 =	vadd.f32 v50, v0;
	(v2sf) =	vpush v56, $0xC;
	v58 =	vld [tilespmem:s3+$0x0];
	s3 =	spop (v2sf)  }
0x22d: {  	v7 =	vadd.f32 v55, v44;
	(v2sf) =	vpush v56, $0xD;
	v59 =	vld [tilespmem:s3+$0x0];
	s3 =	spop (v2sf)  }
0x22e: {  	v60 =	vunpack.i.u.bf16.f32 v51;
	v8 =	vunpack.i.l.bf16.f32 v51;
	(v2sf) =	vpush v56, $0xE;
	v61 =	vld [tilespmem:s3+$0x0]  }
0x22f: {  	v62 =	vunpack.i.u.bf16.f32 v53;
	v11 =	vunpack.i.l.bf16.f32 v53;
	s3 =	spop (v2sf);
	(v2sf) =	vpush v56, $0xF  }
0x230: {  	v63 =	vunpack.i.u.bf16.f32 v54;
	v10 =	vunpack.i.l.bf16.f32 v54;
	v25 =	vld [tilespmem:s3+$0x0];
	s3 =	spop (v2sf);
	v24 =	vunpack.i.u.bf16.f32 v57  }
0x231: {  	v14 =	vunpack.i.l.bf16.f32 v57;
	v27 =	vld [tilespmem:s3+$0x0];
	v26 =	vunpack.i.u.bf16.f32 v58;
	v13 =	vunpack.i.l.bf16.f32 v58;
	s3 =	spop (v2sf)  }
0x232: {  	v8 =	vadd.f32 v13, v8;
	v28 =	vadd.f32 v26, v60;
	v29 =	vunpack.i.l.bf16.f32 v59;
	v30 =	vld [tilespmem:s3+$0x0]  }
0x233: {  	v9 =	vunpack.i.u.bf16.f32 v59;
	v11 =	vadd.f32 v29, v11;
	v31 =	vunpack.i.l.bf16.f32 v61;
	s3 =	spop (v2sf)  }
0x234: {  	v9 =	vadd.f32 v9, v62;
	v16 =	vunpack.i.u.bf16.f32 v61;
	v10 =	vadd.f32 v31, v10;
	v32 =	vld [tilespmem:s3+$0x0];
	s3 =	spop (v2sf)  }
0x235: {  	v12 =	vadd.f32 v16, v63;
	v33 =	vunpack.i.u.bf16.f32 v25;
	v34 =	vunpack.i.l.bf16.f32 v25;
	v35 =	vld [tilespmem:s3+$0x0];
	s3 =	spop (v2sf)  }
0x236: {  	v14 =	vadd.f32 v34, v14;
	v16 =	vadd.f32 v33, v24;
	v36 =	vunpack.i.l.bf16.f32 v27;
	v37 =	vld [tilespmem:s3+$0x0]  }
0x237: {  	v21 =	vunpack.i.u.bf16.f32 v27;
	v8 =	vadd.f32 v36, v8;
	v38 =	vunpack.i.l.bf16.f32 v30;
	s3 =	spop (v2sf)  }
0x238: {  	v13 =	vadd.f32 v21, v28;
	v20 =	vunpack.i.u.bf16.f32 v30;
	v11 =	vadd.f32 v38, v11;
	v39 =	vld [tilespmem:s3+$0x0];
	s3 =	spop (v2sf)  }
0x239: {  	v9 =	vadd.f32 v20, v9;
	v40 =	vunpack.i.u.bf16.f32 v32;
	v15 =	vunpack.i.l.bf16.f32 v32;
	v41 =	vld [tilespmem:s3+$0x0];
	s3 =	spop (v2sf)  }
0x23a: {  	v10 =	vadd.f32 v15, v10;
	v12 =	vadd.f32 v40, v12;
	v42 =	vunpack.i.l.bf16.f32 v35;
	v43 =	vld [tilespmem:s3+$0x0]  }
0x23b: {  	v19 =	vunpack.i.u.bf16.f32 v35;
	s3 =	spop (v2sf);
	v14 =	vadd.f32 v42, v14;
	v44 =	vunpack.i.l.bf16.f32 v37  }
0x23c: {  	v16 =	vadd.f32 v19, v16;
	v18 =	vunpack.i.u.bf16.f32 v37;
	v45 =	vld [tilespmem:s3+$0x0];
	s3 =	spop (v2sf);
	v8 =	vadd.f32 v44, v8  }
0x23d: {  	v13 =	vadd.f32 v18, v13;
	v47 =	vld [tilespmem:s3+$0x0];
	s3 =	spop (v2sf);
	v46 =	vunpack.i.u.bf16.f32 v39;
	v17 =	vunpack.i.l.bf16.f32 v39  }
0x23e: {  	v49 =	vld [tilespmem:s3+$0x0];
	s3 =	spop (v2sf);
	v11 =	vadd.f32 v17, v11;
	v9 =	vadd.f32 v46, v9;
	v48 =	vunpack.i.l.bf16.f32 v41  }
0x23f: {  	v50 =	vld [tilespmem:s3+$0x0];
	v21 =	vunpack.i.u.bf16.f32 v41;
	v10 =	vadd.f32 v48, v10;
	v51 =	vunpack.i.l.bf16.f32 v43  }
0x240: {  	v12 =	vadd.f32 v21, v12;
	v20 =	vunpack.i.u.bf16.f32 v43;
	v14 =	vadd.f32 v51, v14  }
0x241: {  	v16 =	vadd.f32 v20, v16;
	v52 =	vunpack.i.u.bf16.f32 v45;
	v15 =	vunpack.i.l.bf16.f32 v45  }
0x242: {  	v8 =	vadd.f32 v15, v8;
	v13 =	vadd.f32 v52, v13;
	v53 =	vunpack.i.l.bf16.f32 v47  }
0x243: {  	v19 =	vunpack.i.u.bf16.f32 v47;
	v11 =	vadd.f32 v53, v11;
	v55 =	vunpack.i.l.bf16.f32 v49  }
0x244: {  	v9 =	vadd.f32 v19, v9;
	v18 =	vunpack.i.u.bf16.f32 v49;
	v57 =	vunpack.i.l.bf16.f32 v50  }
0x245: {  	v54 =	vld [tilespmem:s24+$0x0];
	v10 =	vadd.f32 v55, v10;
	v59 =	vunpack.i.u.bf16.f32 v50;
	v14 =	vadd.f32 v57, v14  }
0x246: {  	v58 =	vld [tilespmem:s22+$0x0];
	v12 =	vadd.f32 v18, v12;
	v16 =	vadd.f32 v59, v16  }
0x247: {  	v61 =	vld [tilespmem:s21+$0x0];
	v8 =	vadd.f32 v11, v8;
	v10 =	vadd.f32 v14, v10  }
0x248: {  	v60 =	vld [tilespmem:s23+$0x0];
	v9 =	vadd.f32 v9, v13;
	v12 =	vadd.f32 v16, v12  }
0x249: {  	v56 =	vld [tilespmem:s25+$0x0];
	v8 =	vadd.f32 v10, v8  }
0x24a: {  	v62 =	vunpack.i.l.bf16.f32 v54;
	v9 =	vadd.f32 v12, v9  }
0x24b: {  	v23 =	vld [tilespmem:s31+$0x0];
	v63 =	vunpack.i.u.bf16.f32 v54;
	v3 =	vadd.f32 v62, v3;
	v24 =	vunpack.i.u.bf16.f32 v58;
	[tilespmem:s20+$0x100] =	vst v8  }
0x24c: {  	v1 =	vadd.f32 v63, v1;
	v33 =	vld [tilespmem:s16+$0x0];
	v4 =	vadd.f32 v24, v4;
	v22 =	vunpack.i.l.bf16.f32 v61;
	[tilespmem:s20+$0x110] =	vst v9  }
0x24d: {  	v27 =	vunpack.i.u.bf16.f32 v60;
	v3 =	vadd.f32 v22, v3;
	v21 =	vunpack.i.l.bf16.f32 v60;
	v25 =	vld [tilespmem:s18+$0x28]  }
0x24e: {  	v28 =	vld [tilespmem:s5+$0x0];
	v20 =	vunpack.i.l.bf16.f32 v58;
	v7 =	vadd.f32 v21, v7;
	v16 =	vunpack.i.l.bf16.f32 v56  }
0x24f: {  	v30 =	vld [tilespmem:s15+$0x0];
	v29 =	vunpack.i.u.bf16.f32 v61;
	v6 =	vadd.f32 v20, v6;
	v2 =	vadd.f32 v16, v2  }
0x250: {  	v24 =	vld [tilespmem:s0+$0x0];
	v5 =	vadd.f32 v27, v5;
	v31 =	vadd.f32 v29, v1  }
0x251: {  	v38 =	vld [tilespmem:s6+$0x0];
	v17 =	vunpack.i.u.bf16.f32 v56;
	v3 =	vadd.f32 v3, v7;
	v2 =	vadd.f32 v6, v2  }
0x252: {  	v61 =	vld [tilespmem:s1+$0x0];
	v26 =	vadd.f32 v17, v0;
	v35 =	vshll.u32 v25, $0x4  }
0x253: {  	v32 =	vld [tilespmem:s12+$0x0];
	v0 =	vadd.f32 v3, v2;
	v2 =	vadd.f32 v31, v5;
	v5 =	vadd.s32 $0x3E80, v35  }
0x254: {  	v34 =	vunpack.i.u.bf16.f32 v23;
	v36 =	vunpack.i.l.bf16.f32 v23;
	v22 =	vld [tilespmem:s29+$0x0];
	(v2sf) =	vpush v5, $0x1  }
0x255: {  	v37 =	vunpack.i.u.bf16.f32 v28;
	v42 =	vunpack.i.l.bf16.f32 v33;
	v43 =	vld [tilespmem:s4+$0x0];
	(v2sf) =	vpush v5, $0x0  }
0x256: {  	v29 =	vunpack.i.l.bf16.f32 v24;
	v39 =	vunpack.i.u.bf16.f32 v30;
	v41 =	vld [tilespmem:s8+$0x0];
	(v2sf) =	vpush v5, $0x3  }
0x257: {  	v44 =	vunpack.i.l.bf16.f32 v38;
	v23 =	vunpack.i.u.bf16.f32 v61;
	v45 =	vld [tilespmem:s7+$0x0];
	(v2sf) =	vpush v5, $0x2  }
0x258: {  	v40 =	vunpack.i.u.bf16.f32 v32;
	v51 =	vld [tilespmem:s11+$0x0];
	v1 =	vadd.f32 v4, v26;
	(v2sf) =	vpush v5, $0x5  }
0x259: {  	v27 =	vunpack.i.u.bf16.f32 v22;
	v7 =	vadd.f32 v42, v36;
	(v2sf) =	vpush v5, $0x4  }
0x25a: {  	v11 =	vunpack.i.l.bf16.f32 v32;
	v48 =	vunpack.i.l.bf16.f32 v43;
	(v2sf) =	vpush v5, $0x7  }
0x25b: {  	v15 =	vunpack.i.u.bf16.f32 v43;
	v57 =	vld [tilespmem:s13+$0x0];
	v11 =	vadd.f32 v48, v11;
	(v2sf) =	vpush v5, $0x6  }
0x25c: {  	v46 =	vunpack.i.l.bf16.f32 v41;
	v13 =	vadd.f32 v15, v40;
	(v2sf) =	vpush v5, $0x9  }
0x25d: {  	v50 =	vunpack.i.l.bf16.f32 v45;
	v59 =	vunpack.i.u.bf16.f32 v51;
	v49 =	vld [tilespmem:s18+$0x2C];
	(v2sf) =	vpush v5, $0x8  }
0x25e: {  	v14 =	vunpack.i.u.bf16.f32 v41;
	v7 =	vadd.f32 v50, v7;
	(v2sf) =	vpush v5, $0xB  }
0x25f: {  	v10 =	vunpack.i.u.bf16.f32 v38;
	v12 =	vadd.f32 v14, v39;
	(v2sf) =	vpush v5, $0xA  }
0x260: {  	v47 =	vld [tilespmem:s14+$0x0];
	v6 =	vunpack.i.l.bf16.f32 v30;
	v20 =	vunpack.i.l.bf16.f32 v57;
	(v2sf) =	vpush v5, $0xD  }
0x261: {  	v9 =	vunpack.i.l.bf16.f32 v28;
	v8 =	vadd.f32 v10, v37;
	(v2sf) =	vpush v5, $0xC  }
0x262: {  	v55 =	vld [tilespmem:s19+$0x3C];
	v6 =	vadd.f32 v46, v6;
	v54 =	vshll.u32 v49, $0x4;
	(v2sf) =	vpush v5, $0xF  }
0x263: {  	v53 =	vld [tilespmem:s10+$0x0];
	v7 =	vadd.f32 v20, v7;
	v58 =	vadd.s32 $0x3E80, v54;
	s14 =	spop (v2sf);
	(v2sf) =	vpush v5, $0xE  }
0x264: {  	v3 =	vunpack.i.u.bf16.f32 v33;
	v4 =	vadd.f32 v44, v9;
	s25 =	spop (v2sf);
	(v2sf) =	vpush v58, $0xD  }
0x265: {  	v10 =	vunpack.i.u.bf16.f32 v47;
	v3 =	vadd.f32 v3, v34;
	s11 =	spop (v2sf);
	(v2sf) =	vpush v58, $0xC  }
0x266: {  	v56 =	vunpack.i.l.bf16.f32 v51;
	v8 =	vadd.f32 v10, v8;
	s23 =	spop (v2sf);
	(v2sf) =	vpush v58, $0xF  }
0x267: {  	v26 =	vld [tilespmem:s28+$0x0];
	v63 =	vshll.u32 v55, $0x4;
	v6 =	vadd.f32 v56, v6;
	s13 =	spop (v2sf);
	(v2sf) =	vpush v58, $0xE  }
0x268: {  	v60 =	vunpack.i.u.bf16.f32 v53;
	v10 =	vadd.f32 v59, v12;
	s21 =	spop (v2sf);
	(v2sf) =	vpush v63, $0x0  }
0x269: {  	v15 =	vunpack.i.l.bf16.f32 v61;
	v12 =	vadd.f32 v60, v13;
	s10 =	spop (v2sf);
	(v2sf) =	vpush v63, $0x1  }
0x26a: {  	v52 =	vunpack.i.l.bf16.f32 v47;
	v7 =	vadd.f32 v29, v7;
	s22 =	spop (v2sf);
	(v2sf) =	vpush v63, $0x2  }
0x26b: {  	v62 =	vld [tilespmem:s2+$0x0];
	v9 =	vunpack.i.u.bf16.f32 v45;
	v4 =	vadd.f32 v52, v4;
	s12 =	spop (v2sf);
	(v2sf) =	vpush v63, $0x3  }
0x26c: {  	v32 =	vunpack.i.u.bf16.f32 v26;
	v3 =	vadd.f32 v9, v3;
	s16 =	spop (v2sf);
	(v2sf) =	vpush v63, $0x4  }
0x26d: {  	v9 =	vunpack.i.l.bf16.f32 v53;
	v8 =	vadd.f32 v23, v8;
	v12 =	vadd.f32 v27, v12;
	s7 =	spop (v2sf)  }
0x26e: {  	v21 =	vunpack.i.u.bf16.f32 v57;
	v9 =	vadd.f32 v9, v11;
	(v2sf) =	vpush v63, $0x5;
	s15 =	spop (v2sf)  }
0x26f: {  	v30 =	vunpack.i.u.bf16.f32 v24;
	v28 =	vld [tilespmem:s30+$0x0];
	v4 =	vadd.f32 v15, v4;
	(v2sf) =	vpush v63, $0x6;
	s5 =	spop (v2sf)  }
0x270: {  	v31 =	vld [tilespmem:s26+$0x0];
	v11 =	vunpack.i.u.bf16.f32 v62;
	v3 =	vadd.f32 v21, v3;
	(v2sf) =	vpush v63, $0x7;
	s8 =	spop (v2sf)  }
0x271: {  	v25 =	vunpack.i.l.bf16.f32 v62;
	v10 =	vadd.f32 v11, v10;
	v8 =	vadd.f32 v32, v8;
	s1 =	spop (v2sf)  }
0x272: {  	v13 =	vunpack.i.l.bf16.f32 v22;
	v6 =	vadd.f32 v25, v6;
	s6 =	spop (v2sf);
	(v2sf) =	vpush v63, $0x8  }
0x273: {  	v11 =	vunpack.i.l.bf16.f32 v26;
	v9 =	vadd.f32 v13, v9;
	s2 =	spop (v2sf);
	(v2sf) =	vpush v63, $0x9  }
0x274: {  	v34 =	vunpack.i.u.bf16.f32 v28;
	v4 =	vadd.f32 v11, v4;
	s4 =	spop (v2sf);
	(v2sf) =	vpush v63, $0xA  }
0x275: {  	v13 =	vunpack.i.u.bf16.f32 v31;
	v3 =	vadd.f32 v30, v3;
	v10 =	vadd.f32 v34, v10;
	s0 =	spop (v2sf)  }
0x276: {  	v36 =	vld [tilespmem:s19+$0x40];
	v33 =	vunpack.i.l.bf16.f32 v28;
	v12 =	vadd.f32 v13, v12;
	s3 =	spop (v2sf);
	(v2sf) =	vpush v63, $0xB  }
0x277: {  	v35 =	vunpack.i.l.bf16.f32 v31;
	v6 =	vadd.f32 v33, v6;
	v37 =	vld [tilespmem:s25+$0x0];
	s30 =	spop (v2sf);
	(v2sf) =	vpush v63, $0xC  }
0x278: {  	v9 =	vadd.f32 v35, v9;
	v38 =	vld [tilespmem:s30+$0x0];
	s31 =	spop (v2sf);
	(v2sf) =	vpush v63, $0xD  }
0x279: {  	v4 =	vadd.f32 v4, v7;
	v8 =	vadd.f32 v8, v3;
	v39 =	vld [tilespmem:s31+$0x0];
	s25 =	spop (v2sf)  }
0x27a: {  	v10 =	vadd.f32 v12, v10;
	(v2sf) =	vpush v63, $0xE;
	v40 =	vld [tilespmem:s25+$0x0];
	s26 =	spop (v2sf)  }
0x27b: {  	v41 =	vshll.u32 v36, $0x4;
	v6 =	vadd.f32 v9, v6;
	(v2sf) =	vpush v63, $0xF;
	v42 =	vld [tilespmem:s26+$0x0];
	s28 =	spop (v2sf)  }
0x27c: {  	v2 =	vadd.f32 v2, v1;
	(v2sf) =	vpush v41, $0xC;
	v43 =	vld [tilespmem:s28+$0x0]  }
0x27d: {  	v1 =	vadd.f32 v10, v8;
	v3 =	vadd.f32 v6, v4;
	v4 =	vunpack.i.u.bf16.f32 v37;
	s29 =	spop (v2sf)  }
0x27e: {  	v6 =	vunpack.i.l.bf16.f32 v37;
	(v2sf) =	vpush v41, $0xD;
	v44 =	vunpack.i.u.bf16.f32 v38;
	v45 =	vld [tilespmem:s29+$0x0];
	s30 =	spop (v2sf)  }
0x27f: {  	v46 =	vunpack.i.l.bf16.f32 v38;
	(v2sf) =	vpush v41, $0xE;
	v47 =	vunpack.i.u.bf16.f32 v39;
	v48 =	vld [tilespmem:s30+$0x0];
	s31 =	spop (v2sf)  }
0x280: {  	v7 =	vunpack.i.l.bf16.f32 v39;
	(v2sf) =	vpush v41, $0xF;
	v49 =	vunpack.i.u.bf16.f32 v40;
	v50 =	vld [tilespmem:s31+$0x0]  }
0x281: {  	v9 =	vunpack.i.l.bf16.f32 v40;
	v51 =	vunpack.i.u.bf16.f32 v42;
	v52 =	vunpack.i.l.bf16.f32 v43;
	s25 =	spop (v2sf)  }
0x282: {  	v14 =	vunpack.i.l.bf16.f32 v42;
	v5 =	vunpack.i.u.bf16.f32 v43;
	v11 =	vadd.f32 v52, v46;
	v53 =	vld [tilespmem:s25+$0x0];
	s26 =	spop (v2sf)  }
0x283: {  	v5 =	vadd.f32 v5, v44;
	v54 =	vunpack.i.u.bf16.f32 v45;
	v10 =	vunpack.i.l.bf16.f32 v45;
	v55 =	vld [tilespmem:s26+$0x0];
	s28 =	spop (v2sf)  }
0x284: {  	v7 =	vadd.f32 v10, v7;
	v8 =	vadd.f32 v54, v47;
	v56 =	vunpack.i.l.bf16.f32 v48;
	v57 =	vld [tilespmem:s28+$0x0]  }
0x285: {  	v15 =	vunpack.i.u.bf16.f32 v48;
	v9 =	vadd.f32 v56, v9;
	v58 =	vunpack.i.l.bf16.f32 v50;
	s29 =	spop (v2sf)  }
0x286: {  	v15 =	vadd.f32 v15, v49;
	v59 =	vunpack.i.u.bf16.f32 v50;
	v10 =	vadd.f32 v58, v14;
	v60 =	vld [tilespmem:s29+$0x0];
	s30 =	spop (v2sf)  }
0x287: {  	v12 =	vadd.f32 v59, v51;
	v61 =	vunpack.i.u.bf16.f32 v53;
	v62 =	vunpack.i.l.bf16.f32 v53;
	v63 =	vld [tilespmem:s30+$0x0];
	s31 =	spop (v2sf)  }
0x288: {  	v11 =	vadd.f32 v62, v11;
	v5 =	vadd.f32 v61, v5;
	v21 =	vunpack.i.l.bf16.f32 v55;
	v22 =	vld [tilespmem:s31+$0x0]  }
0x289: {  	v19 =	vunpack.i.u.bf16.f32 v55;
	s25 =	spop (v2sf);
	v7 =	vadd.f32 v21, v7;
	v23 =	vunpack.i.l.bf16.f32 v57  }
0x28a: {  	v8 =	vadd.f32 v19, v8;
	v13 =	vunpack.i.u.bf16.f32 v57;
	v24 =	vld [tilespmem:s25+$0x0];
	s26 =	spop (v2sf);
	v9 =	vadd.f32 v23, v9  }
0x28b: {  	v13 =	vadd.f32 v13, v15;
	v26 =	vld [tilespmem:s26+$0x0];
	s28 =	spop (v2sf);
	v25 =	vunpack.i.u.bf16.f32 v60;
	v14 =	vunpack.i.l.bf16.f32 v60  }
0x28c: {  	v28 =	vld [tilespmem:s28+$0x0];
	v10 =	vadd.f32 v14, v10;
	v12 =	vadd.f32 v25, v12;
	v27 =	vunpack.i.l.bf16.f32 v63  }
0x28d: {  	v37 =	vld [tilespmem:s14+$0x0];
	s29 =	spop (v2sf);
	v18 =	vunpack.i.u.bf16.f32 v63;
	v11 =	vadd.f32 v27, v11;
	v29 =	vunpack.i.l.bf16.f32 v22  }
0x28e: {  	v30 =	vld [tilespmem:s29+$0x0];
	s30 =	spop (v2sf);
	v5 =	vadd.f32 v18, v5;
	v17 =	vunpack.i.u.bf16.f32 v22;
	v7 =	vadd.f32 v29, v7  }
0x28f: {  	v32 =	vld [tilespmem:s30+$0x0];
	s31 =	spop (v2sf);
	v8 =	vadd.f32 v17, v8;
	v31 =	vunpack.i.u.bf16.f32 v24;
	v16 =	vunpack.i.l.bf16.f32 v24  }
0x290: {  	v33 =	vld [tilespmem:s31+$0x0];
	v9 =	vadd.f32 v16, v9;
	v13 =	vadd.f32 v31, v13;
	v34 =	vunpack.i.l.bf16.f32 v26  }
0x291: {  	v38 =	vld [tilespmem:s23+$0x0];
	v35 =	vunpack.i.u.bf16.f32 v26;
	v10 =	vadd.f32 v34, v10;
	v36 =	vunpack.i.l.bf16.f32 v28  }
0x292: {  	v41 =	vld [tilespmem:s11+$0x0];
	v12 =	vadd.f32 v35, v12;
	v15 =	vunpack.i.u.bf16.f32 v28;
	v11 =	vadd.f32 v36, v11  }
0x293: {  	v44 =	vld [tilespmem:s21+$0x0];
	v5 =	vadd.f32 v15, v5;
	v39 =	vunpack.i.u.bf16.f32 v30;
	v14 =	vunpack.i.l.bf16.f32 v30  }
0x294: {  	v46 =	vld [tilespmem:s13+$0x0];
	v7 =	vadd.f32 v14, v7;
	v8 =	vadd.f32 v39, v8  }
0x295: {  	v52 =	vld [tilespmem:s10+$0x0];
	v40 =	vunpack.i.l.bf16.f32 v32;
	v42 =	vunpack.i.u.bf16.f32 v32;
	v43 =	vunpack.i.l.bf16.f32 v33  }
0x296: {  	v48 =	vld [tilespmem:s22+$0x0];
	v9 =	vadd.f32 v40, v9;
	v45 =	vunpack.i.u.bf16.f32 v33;
	v10 =	vadd.f32 v43, v10  }
0x297: {  	v54 =	vld [tilespmem:s16+$0x0];
	v13 =	vadd.f32 v42, v13;
	v12 =	vadd.f32 v45, v12  }
0x298: {  	v56 =	vld [tilespmem:s12+$0x0];
	v7 =	vadd.f32 v7, v11;
	v9 =	vadd.f32 v10, v9  }
0x299: {  	v47 =	vunpack.i.u.bf16.f32 v37;
	v58 =	vld [tilespmem:s15+$0x0];
	v5 =	vadd.f32 v8, v5;
	v51 =	vadd.f32 v12, v13  }
0x29a: {  	v49 =	vunpack.i.u.bf16.f32 v38;
	v19 =	vunpack.i.l.bf16.f32 v37;
	v37 =	vld [tilespmem:s2+$0x0];
	v7 =	vadd.f32 v9, v7  }
0x29b: {  	v50 =	vunpack.i.l.bf16.f32 v38;
	v53 =	vunpack.i.u.bf16.f32 v41;
	v21 =	vld [tilespmem:s7+$0x0];
	v5 =	vadd.f32 v51, v5  }
0x29c: {  	v55 =	vunpack.i.u.bf16.f32 v44;
	v59 =	vunpack.i.l.bf16.f32 v48;
	v61 =	vunpack.i.u.bf16.f32 v48;
	[tilespmem:s20+$0x180] =	vst v7  }
0x29d: {  	v4 =	vadd.f32 v55, v4;
	v57 =	vunpack.i.l.bf16.f32 v46;
	v18 =	vunpack.i.l.bf16.f32 v44;
	v24 =	vld [tilespmem:s8+$0x0];
	[tilespmem:s20+$0x190] =	vst v5  }
0x29e: {  	v23 =	vunpack.i.l.bf16.f32 v56;
	v63 =	vunpack.i.u.bf16.f32 v52;
	v6 =	vadd.f32 v18, v6;
	v62 =	vld [tilespmem:s18+$0x3C]  }
0x29f: {  	v22 =	vunpack.i.l.bf16.f32 v54;
	v44 =	vunpack.i.l.bf16.f32 v37;
	v16 =	vadd.f32 v57, v19  }
0x2a0: {  	v26 =	vunpack.i.l.bf16.f32 v58;
	v31 =	vunpack.i.u.bf16.f32 v21;
	v6 =	vadd.f32 v22, v6;
	v36 =	vld [tilespmem:s4+$0x0]  }
0x2a1: {  	v15 =	vunpack.i.l.bf16.f32 v41;
	v25 =	vadd.f32 v23, v16;
	v14 =	vunpack.i.u.bf16.f32 v46  }
0x2a2: {  	v60 =	vadd.f32 v14, v47;
	v33 =	vunpack.i.l.bf16.f32 v24;
	v11 =	vadd.f32 v61, v49  }
0x2a3: {  	v28 =	vld [tilespmem:s5+$0x0];
	v6 =	vadd.f32 v33, v6;
	v10 =	vadd.f32 v59, v50;
	v27 =	vshll.u32 v62, $0x4  }
0x2a4: {  	v12 =	vunpack.i.l.bf16.f32 v52;
	v13 =	vadd.f32 v63, v53;
	v29 =	vadd.s32 $0x3E80, v27  }
0x2a5: {  	v40 =	vunpack.i.l.bf16.f32 v36;
	v12 =	vadd.f32 v12, v15;
	(v2sf) =	vpush v29, $0x1  }
0x2a6: {  	v30 =	vunpack.i.l.bf16.f32 v21;
	v6 =	vadd.f32 v40, v6;
	(v2sf) =	vpush v29, $0x0  }
0x2a7: {  	v9 =	vunpack.i.u.bf16.f32 v54;
	v13 =	vadd.f32 v31, v13;
	(v2sf) =	vpush v29, $0x3  }
0x2a8: {  	v34 =	vld [tilespmem:s1+$0x0];
	v35 =	vunpack.i.l.bf16.f32 v28;
	v4 =	vadd.f32 v9, v4;
	(v2sf) =	vpush v29, $0x2  }
0x2a9: {  	v32 =	vld [tilespmem:s6+$0x0];
	v8 =	vunpack.i.u.bf16.f32 v56;
	v9 =	vadd.f32 v35, v25;
	(v2sf) =	vpush v29, $0x5  }
0x2aa: {  	v5 =	vadd.f32 v8, v60;
	v7 =	vunpack.i.u.bf16.f32 v58;
	(v2sf) =	vpush v29, $0x4  }
0x2ab: {  	v16 =	vunpack.i.u.bf16.f32 v28;
	v8 =	vadd.f32 v26, v10;
	v7 =	vadd.f32 v7, v11  }
0x2ac: {  	v15 =	vunpack.i.u.bf16.f32 v24;
	v11 =	vadd.f32 v30, v12;
	(v2sf) =	vpush v29, $0x7  }
0x2ad: {  	v39 =	vunpack.i.u.bf16.f32 v34;
	v4 =	vadd.f32 v15, v4;
	(v2sf) =	vpush v29, $0x6  }
0x2ae: {  	v41 =	vld [tilespmem:s3+$0x0];
	v12 =	vunpack.i.l.bf16.f32 v32;
	v9 =	vadd.f32 v44, v9;
	v5 =	vadd.f32 v16, v5  }
0x2af: {  	v43 =	vld [tilespmem:s0+$0x0];
	v14 =	vunpack.i.l.bf16.f32 v34;
	v8 =	vadd.f32 v12, v8;
	(v2sf) =	vpush v29, $0x9  }
0x2b0: {  	v38 =	vunpack.i.u.bf16.f32 v32;
	v12 =	vadd.f32 v39, v13;
	(v2sf) =	vpush v29, $0x8  }
0x2b1: {  	v42 =	vunpack.i.u.bf16.f32 v36;
	v7 =	vadd.f32 v38, v7;
	v11 =	vadd.f32 v14, v11  }
0x2b2: {  	v15 =	vunpack.i.u.bf16.f32 v37;
	v45 =	vld [tilespmem:s18+$0x40];
	v4 =	vadd.f32 v42, v4;
	(v2sf) =	vpush v29, $0xB  }
0x2b3: {  	v16 =	vunpack.i.l.bf16.f32 v41;
	v6 =	vadd.f32 v9, v6;
	(v2sf) =	vpush v29, $0xA  }
0x2b4: {  	v14 =	vunpack.i.u.bf16.f32 v43;
	v5 =	vadd.f32 v15, v5;
	(v2sf) =	vpush v29, $0xD;
	s6 =	spop (v2sf)  }
0x2b5: {  	v46 =	vunpack.i.u.bf16.f32 v41;
	v8 =	vadd.f32 v16, v8;
	v12 =	vadd.f32 v14, v12;
	s7 =	spop (v2sf);
	v49 =	vld [tilespmem:s6+$0x0]  }
0x2b6: {  	v47 =	vunpack.i.l.bf16.f32 v43;
	v7 =	vadd.f32 v46, v7;
	(v2sf) =	vpush v29, $0xC;
	v48 =	vld [tilespmem:s7+$0x0];
	s8 =	spop (v2sf)  }
0x2b7: {  	v11 =	vadd.f32 v47, v11;
	v13 =	vshll.u32 v45, $0x4;
	(v2sf) =	vpush v29, $0xF;
	s10 =	spop (v2sf);
	v52 =	vld [tilespmem:s8+$0x0]  }
0x2b8: {  	v4 =	vadd.f32 v5, v4;
	v51 =	vadd.s32 $0x3E80, v13;
	(v2sf) =	vpush v29, $0xE;
	v50 =	vld [tilespmem:s10+$0x0];
	s11 =	spop (v2sf)  }
0x2b9: {  	v8 =	vadd.f32 v11, v8;
	(v2sf) =	vpush v51, $0xD;
	s12 =	spop (v2sf);
	v54 =	vld [tilespmem:s11+$0x0]  }
0x2ba: {  	v7 =	vadd.f32 v12, v7;
	(v2sf) =	vpush v51, $0xC;
	v53 =	vld [tilespmem:s12+$0x0]  }
0x2bb: {  	v6 =	vadd.f32 v8, v6;
	(v2sf) =	vpush v51, $0xF;
	s13 =	spop (v2sf)  }
0x2bc: {  	v4 =	vadd.f32 v7, v4;
	(v2sf) =	vpush v51, $0xE;
	v58 =	vunpack.i.u.bf16.f32 v49;
	s14 =	spop (v2sf);
	v59 =	vld [tilespmem:s13+$0x0]  }
0x2bd: {  	v14 =	vunpack.i.l.bf16.f32 v49;
	v55 =	vunpack.i.u.bf16.f32 v48;
	v57 =	vunpack.i.l.bf16.f32 v48;
	v56 =	vld [tilespmem:s14+$0x0]  }
0x2be: {  	s15 =	spop (v2sf);
	v61 =	vunpack.i.u.bf16.f32 v52;
	v5 =	vunpack.i.l.bf16.f32 v52;
	v60 =	vunpack.i.u.bf16.f32 v50  }
0x2bf: {  	s16 =	spop (v2sf);
	v25 =	vld [tilespmem:s15+$0x0];
	v24 =	vunpack.i.l.bf16.f32 v54;
	v8 =	vunpack.i.u.bf16.f32 v54;
	v11 =	vunpack.i.l.bf16.f32 v53  }
0x2c0: {  	v63 =	vld [tilespmem:s16+$0x0];
	v62 =	vunpack.i.u.bf16.f32 v53;
	v8 =	vadd.f32 v8, v58;
	v10 =	vadd.f32 v11, v57  }
0x2c1: {  	v9 =	vunpack.i.l.bf16.f32 v50;
	s21 =	spop (v2sf);
	v7 =	vadd.f32 v62, v55;
	v11 =	vadd.f32 v24, v14  }
0x2c2: {  	s22 =	spop (v2sf);
	v28 =	vld [tilespmem:s21+$0x0];
	v29 =	vunpack.i.u.bf16.f32 v59;
	v15 =	vunpack.i.l.bf16.f32 v59;
	v26 =	vunpack.i.l.bf16.f32 v56  }
0x2c3: {  	v27 =	vld [tilespmem:s22+$0x0];
	s23 =	spop (v2sf);
	v12 =	vunpack.i.u.bf16.f32 v56;
	v5 =	vadd.f32 v15, v5;
	v14 =	vadd.f32 v29, v61  }
0x2c4: {  	v34 =	vld [tilespmem:s23+$0x0];
	v9 =	vadd.f32 v26, v9;
	v12 =	vadd.f32 v12, v60;
	v33 =	vunpack.i.l.bf16.f32 v25  }
0x2c5: {  	v35 =	vunpack.i.u.bf16.f32 v25;
	s24 =	spop (v2sf);
	v30 =	vunpack.i.l.bf16.f32 v63;
	v11 =	vadd.f32 v33, v11  }
0x2c6: {  	v32 =	vunpack.i.u.bf16.f32 v63;
	v8 =	vadd.f32 v35, v8;
	v31 =	vld [tilespmem:s24+$0x0];
	s25 =	spop (v2sf);
	v10 =	vadd.f32 v30, v10  }
0x2c7: {  	v7 =	vadd.f32 v32, v7;
	v39 =	vunpack.i.l.bf16.f32 v28;
	v13 =	vunpack.i.u.bf16.f32 v28;
	s26 =	spop (v2sf);
	v40 =	vld [tilespmem:s25+$0x0]  }
0x2c8: {  	v36 =	vunpack.i.u.bf16.f32 v27;
	v37 =	vunpack.i.l.bf16.f32 v27;
	v5 =	vadd.f32 v39, v5;
	v38 =	vld [tilespmem:s26+$0x0]  }
0x2c9: {  	v13 =	vadd.f32 v13, v14;
	s28 =	spop (v2sf);
	v9 =	vadd.f32 v37, v9;
	v45 =	vunpack.i.l.bf16.f32 v34  }
0x2ca: {  	v12 =	vadd.f32 v36, v12;
	v44 =	vunpack.i.u.bf16.f32 v34;
	s29 =	spop (v2sf);
	v46 =	vld [tilespmem:s28+$0x0];
	v11 =	vadd.f32 v45, v11  }
0x2cb: {  	v8 =	vadd.f32 v44, v8;
	v42 =	vld [tilespmem:s29+$0x0];
	v41 =	vunpack.i.l.bf16.f32 v31;
	v43 =	vunpack.i.u.bf16.f32 v31  }
0x2cc: {  	s30 =	spop (v2sf);
	v10 =	vadd.f32 v41, v10;
	v7 =	vadd.f32 v43, v7  }
0x2cd: {  	s31 =	spop (v2sf);
	v50 =	vld [tilespmem:s30+$0x0];
	v49 =	vunpack.i.l.bf16.f32 v40;
	v51 =	vunpack.i.u.bf16.f32 v40;
	v47 =	vunpack.i.l.bf16.f32 v38  }
0x2ce: {  	v48 =	vld [tilespmem:s31+$0x0];
	v18 =	vunpack.i.u.bf16.f32 v38;
	v5 =	vadd.f32 v49, v5;
	v13 =	vadd.f32 v51, v13  }
0x2cf: {  	v9 =	vadd.f32 v47, v9;
	v12 =	vadd.f32 v18, v12  }
0x2d0: {  	v54 =	vunpack.i.l.bf16.f32 v46;
	v16 =	vunpack.i.u.bf16.f32 v46;
	v52 =	vunpack.i.u.bf16.f32 v42  }
0x2d1: {  	v53 =	vunpack.i.l.bf16.f32 v42;
	v11 =	vadd.f32 v54, v11;
	v8 =	vadd.f32 v16, v8  }
0x2d2: {  	v10 =	vadd.f32 v53, v10;
	v7 =	vadd.f32 v52, v7  }
0x2d3: {  	v56 =	vunpack.i.l.bf16.f32 v50;
	v59 =	vunpack.i.u.bf16.f32 v50;
	v55 =	vunpack.i.l.bf16.f32 v48  }
0x2d4: {  	[tilespmem:s20+$0x20] =	vst v0;
	v57 =	vadd.f32 v56, v5;
	v58 =	vunpack.i.u.bf16.f32 v48;
	v9 =	vadd.f32 v55, v9  }
0x2d5: {  	s17 =	sadd.s32 $0x8, s17;
	[tilespmem:s20+$0x30] =	vst v2;
	v61 =	vadd.f32 v59, v13;
	v60 =	vadd.f32 v58, v12  }
0x2d6: {  	p0 =	slt.u32 s17, $0xF8;
	[tilespmem:s20+$0xB0] =	vst v1;
	v62 =	vadd.f32 v11, v10;
	v0 =	vadd.f32 v57, v9  }
.Ltmp0:
0x2d7: {  	[tilespmem:s20+$0xA0] =	vst v3;
	v63 =	vadd.f32 v8, v7;
	v2 =	vadd.f32 v61, v60;
	(pc) =	sbr.rel @p0 .LBB2_2-.Ltmp0, $4  }
0x2d8: {  	[tilespmem:s20+$0x120] =	vst v6;
	v0 =	vadd.f32 v0, v62  }
0x2d9: {  	[tilespmem:s20+$0x130] =	vst v4;
	v1 =	vadd.f32 v2, v63  }
0x2da: {  	[tilespmem:s20+$0x1A0] =	vst v0  }
0x2db: {  	s19 =	sadd.s32 $0xA0, s19;
	s18 =	sadd.s32 $0xA0, s18;
	[tilespmem:s20+$0x1B0] =	vst v1;
	s20 =	sadd.s32 $0x400, s20  }
0x2dc: {  	s5 =	simm.s32 $0x0;
	s0 =	rddreg [dreg:$0x6];
	s1 =	simm.s32 $0xA500  }
0x2dd: {  	[hbm4b:s0+s5] =	stream.linear.scatter [tilespmem:s1], [sflag:$0x1], $0x8000, $0x38;
	[tilespmem:$0x12500] =	vst v63  }
0x2de: {  	_ =	swait.ge [sflag:s9], $0x8000  }
0x2df: {  	s30 =	rddreg [dreg:$0x8]  }
0x2e0: {  	s31 =	rddreg [dreg:$0x7];
	s1 =	sadd.s32 $0x1, s30  }
0x2e1: {  	p0 =	sne.s32 s1, s31  }
.Ltmp1:
0x2e2: {  	_ = 	snop;
	(pc) =	sbr.rel @p0 .LBB2_1-.Ltmp1, $3  }
0x2e3: {  	_ =	sdelay $0x1  }
0x2e4: {  	[sflag:s9] =	ssyncset.done $0x0  }
0x2e5: {  	[sflag:s9] =	ssyncadd.s32 $0xFFFF8000  }
0x2e6: {  	_ =	sfence.sel $0x180000  }
0x2e7: {  	[bflag:$0x0] =	sbarrier.arrive $0xFFFF  }
0x2e8: {  	_ =	strace $0x90000047  }
0x2e9: {  	s0 =	stileid.u32;
	[bflag:$0x2] =	sbarrier.arrive $0xFFFF  }
0x2ea: {  	p0 =	sne.s32 s0, $0x0;
	s0 =	rddreg [dreg:$0x2]  }
0x2eb: {  	s0 =	sadd.s32 @!p0 $0x100000, s0  }
0x2ec: {  	[sflag:s0] =	ssyncadd.tile.s32 @!p0 $0x1;
	_ =	shalt  }
.Lfunc_end2:
_tile_overlayer_lowered:
.L_overlay_start_2:
0x2ed: {  	(tag) =	ssettag $0x2  }
0x2ee: {  	s0 =	rddreg [dreg:$0x0];
	s2 =	stileid.u32  }
0x2ef: {  	s1 =	rddreg [dreg:$0x1];
	p0 =	sne.s32 s2, $0x0  }
0x2f0: {  	s3 =	rddreg [dreg:$0x2];
	[bflag:$0x3] =	sbarrier.arrive $0xFFFF;
	s2 =	simm.s32 @!p0 $0x1C01  }
0x2f1: {  	[timem:s3], [sflag:s2] =	dma.local @!p0 [hbm:s0], s1  }
0x2f2: {  	s0 =	simm.s32 @!p0 $0x1  }
0x2f3: {  	_ =	swait.ge @!p0 [sflag:s0], s1  }
0x2f4: {  	s1 =	ssub.s32 @!p0 $0x0, s1;
	[sflag:s0] =	ssyncset.done @!p0 $0x0  }
0x2f5: {  	[sflag:s0] =	ssyncadd.s32 @!p0 s1  }
0x2f6: {  	[bflag:$0x3] =	sbarrier.arrive $0xFFFF  }
0x2f7: {  	_ =	shalt  }

</sc_bundles>
